<compile_context>
chip_gen: v7x
topology: tpu7x:2x2x1
jax: 0.10.2.dev20260603
libtpu: 0.0.44.dev20260713+nightly
codegen_flags: <defaults>
</compile_context>

<pallas_src>
import functools

import jax
import jax.numpy as jnp
from jax import lax
from jax.experimental import pallas as pl
from jax.experimental.pallas import tpu as pltpu
from jax.experimental.pallas import tpu_sc as plsc

B = 16384
F = 26
H = 32
NC, NS, L = 2, 16, 16
NW = NC * NS
BPW = B // NW
G = 128
GPF = BPW // G
NG = F * GPF
WAVE = 26

FOLD_BLK = 65536
PSH = 1000064


def _fold_t_body(w_ref, xa_ref, xb_ref, w2_ref, f_ref, o_ref, q_ref):
    o_ref[pl.ds(0, FOLD_BLK)] = jnp.dot(
        w_ref[...], xa_ref[...],
        preferred_element_type=jnp.float32).reshape(FOLD_BLK)
    o_ref[pl.ds(FOLD_BLK, FOLD_BLK)] = jnp.dot(
        w_ref[...], xb_ref[...],
        preferred_element_type=jnp.float32).reshape(FOLD_BLK)

    @pl.when(pl.program_id(0) == 0)
    def _():
        q_ref[...] = jnp.dot(w2_ref[...], f_ref[...],
                             preferred_element_type=jnp.float32)


def _fold_t(table_t, wrow, ftable_t, w2row):
    n = table_t.shape[1]
    grid = (n + 2 * FOLD_BLK - 1) // (2 * FOLD_BLK)
    out, q = pl.pallas_call(
        _fold_t_body,
        grid=(grid,),
        in_specs=[pl.BlockSpec((1, H), lambda i: (0, 0)),
                  pl.BlockSpec((H, FOLD_BLK), lambda i: (0, 2 * i)),
                  pl.BlockSpec((H, FOLD_BLK), lambda i: (0, 2 * i + 1)),
                  pl.BlockSpec((1, H), lambda i: (0, 0)),
                  pl.BlockSpec((H, 128), lambda i: (0, 0))],
        out_specs=[pl.BlockSpec((2 * FOLD_BLK,), lambda i: (i,)),
                   pl.BlockSpec((1, 128), lambda i: (0, 0))],
        out_shape=[jax.ShapeDtypeStruct((2 * grid * FOLD_BLK,), jnp.float32),
                   jax.ShapeDtypeStruct((1, 128), jnp.float32)],
    )(wrow, table_t, table_t, w2row, ftable_t)
    return out, q.reshape(-1)


def _sc_body(p_hbm, idx_hbm, fld_hbm, val_hbm, q_hbm, b_hbm, out_hbm,
             idx_v, fld_v, val_v, pv_v, q_v, b_v, out_v, p_sh, sem):
    sid = lax.axis_index("s")
    wid = lax.axis_index("c") * NS + sid
    base = wid * BPW

    @pl.when(sid == 0)
    def _():
        pltpu.sync_copy(p_hbm.at[pl.ds(0, PSH)], p_sh)

    pltpu.sync_copy(idx_hbm.at[:, pl.ds(base, BPW)], idx_v)
    pltpu.sync_copy(fld_hbm.at[:, pl.ds(base, BPW)], fld_v)
    pltpu.sync_copy(val_hbm.at[:, pl.ds(base, BPW)], val_v)
    pltpu.sync_copy(q_hbm, q_v)
    pltpu.sync_copy(b_hbm, b_v)
    plsc.subcore_barrier()

    def wave_body(wv, carry):
        for i in range(WAVE):
            g = wv * WAVE + i
            f, c = g // GPF, (g % GPF) * G
            pltpu.async_copy(p_sh.at[idx_v.at[f, pl.ds(c, G)]],
                             pv_v.at[f, pl.ds(c, G)], sem)
        for i in range(WAVE):
            g = wv * WAVE + i
            f, c = g // GPF, (g % GPF) * G
            pltpu.make_async_copy(p_sh.at[idx_v.at[f, pl.ds(c, G)]],
                                  pv_v.at[f, pl.ds(c, G)], sem).wait()
        return carry

    lax.fori_loop(0, NG // WAVE, wave_body, 0)

    bias = b_v[...]

    def chunk_body(j, carry):
        b0 = j * L
        acc = jnp.zeros((L,), jnp.float32) + bias
        for f in range(F):
            pv = pv_v[f, pl.ds(b0, L)]
            vv = val_v[f, pl.ds(b0, L)]
            fd = fld_v[f, pl.ds(b0, L)]
            qv = plsc.load_gather(q_v, [fd])
            acc = acc + vv * (pv + qv)
        out_v[pl.ds(b0, L)] = acc
        return carry

    lax.fori_loop(0, BPW // L, chunk_body, 0)
    pltpu.sync_copy(out_v, out_hbm.at[pl.ds(wid * BPW, BPW)])


_sc_kernel = functools.partial(
    pl.kernel,
    out_type=jax.ShapeDtypeStruct((B,), jnp.float32),
    mesh=plsc.VectorSubcoreMesh(core_axis_name="c", subcore_axis_name="s"),
    compiler_params=pltpu.CompilerParams(needs_layout_passes=False),
    scratch_types=[
        pltpu.VMEM((F, BPW), jnp.int32),
        pltpu.VMEM((F, BPW), jnp.int32),
        pltpu.VMEM((F, BPW), jnp.float32),
        pltpu.VMEM((F, BPW), jnp.float32),
        pltpu.VMEM((128,), jnp.float32),
        pltpu.VMEM((L,), jnp.float32),
        pltpu.VMEM((BPW,), jnp.float32),
        pltpu.VMEM_SHARED((PSH,), jnp.float32),
        pltpu.SemaphoreType.DMA,
    ],
)(_sc_body)


def kernel(index, value, field, emb_table, field_table, dense_W, dense_b):
    w1row = dense_W[:H].reshape(1, H)
    w2row = dense_W[H:].reshape(1, H)
    p, q128 = _fold_t(jnp.swapaxes(emb_table, 0, 1), w1row,
                      jnp.swapaxes(field_table, 0, 1), w2row)
    bias16 = jnp.broadcast_to(dense_b, (L,))
    return _sc_kernel(p, jnp.swapaxes(index, 0, 1), jnp.swapaxes(field, 0, 1),
                      jnp.swapaxes(value, 0, 1), q128, bias16)

# --- scband reference (transcript-rebuilt; emitter-appended) ---
"""Pipeline reference for scband-deep-82918638617057 (READ-ONLY COPY).

The authoritative reference and input builder live on the scoring server;
editing this copy changes nothing except your own understanding.
"""

import jax, jax.numpy as jnp
import numpy as np

FEATURE_DICT_SIZE = 1000000
FIELD_DICT_SIZE = 100
HIDDEN = 32
BATCH = 16384
NFIELDS = 26

def setup_inputs(seed: int = 0) -> dict:
    key = jax.random.key(seed)
    k1, k2, k3, k4, k5, k6, k7 = jax.random.split(key, 7)
    index = jax.random.randint(k1, (BATCH, NFIELDS), 0, FEATURE_DICT_SIZE + 1, dtype=jnp.int64) if jax.config.read('jax_enable_x64') else jax.random.randint(k1, (BATCH, NFIELDS), 0, FEATURE_DICT_SIZE + 1, dtype=jnp.int32)
    value = jax.random.uniform(k2, (BATCH, NFIELDS), dtype=jnp.float32)
    field = jax.random.randint(k3, (BATCH, NFIELDS), 0, FIELD_DICT_SIZE + 1, dtype=jnp.int32)
    emb_table = jax.random.normal(k4, (FEATURE_DICT_SIZE + 1, HIDDEN), dtype=jnp.float32) * 0.02
    field_table = jax.random.normal(k5, (FIELD_DICT_SIZE + 1, HIDDEN), dtype=jnp.float32) * 0.02
    dense_W = jax.random.normal(k6, (2 * HIDDEN, 1), dtype=jnp.float32) * 0.1
    dense_b = jnp.zeros((1,), dtype=jnp.float32)
    return {"index": index, "value": value, "field": field, "emb_table": emb_table, "field_table": field_table, "dense_W": dense_W, "dense_b": dense_b}

def reference(index, value, field, emb_table, field_table, dense_W, dense_b):
    # x = self.emb(ids)
    x = jnp.take(emb_table, index, axis=0)            # [B, F, H]
    # FLAGS.field_emb: concat field embedding
    fx = jnp.take(field_table, field, axis=0)         # [B, F, H]
    x = jnp.concatenate([x, fx], axis=-1)             # [B, F, 2H]
    # FLAGS.deep_addval: multiply by values
    v = jnp.expand_dims(value, -1)                    # [B, F, 1]
    x = x * v
    # pooling == 'allsum'
    x = jnp.sum(x, axis=1)                            # [B, 2H]
    # dense(1), no activation
    x = jnp.dot(x, dense_W) + dense_b                 # [B, 1]
    x = jnp.squeeze(x, -1)                            # [B]
    return x

if __name__ == "__main__":
    import jax
    _d = setup_inputs()
    print(jax.jit(kernel)(*tuple(_d.values())))

</pallas_src>

<mosaic_0001>
#map = affine_map<(d0, d1) -> (0)>
#map1 = affine_map<(d0, d1) -> (0, 0)>
module attributes {stable_mosaic.version = 14 : i64} {
  func.func @_sc_body(%arg0: i32, %arg1: i32, %arg2: memref<1048576xf32, #tpu.memory_space<hbm>>, %arg3: memref<26x16384xi32, #tpu.memory_space<hbm>>, %arg4: memref<26x16384xi32, #tpu.memory_space<hbm>>, %arg5: memref<26x16384xf32, #tpu.memory_space<hbm>>, %arg6: memref<128xf32, #tpu.memory_space<hbm>>, %arg7: memref<16xf32, #tpu.memory_space<hbm>>, %arg8: memref<16384xf32, #tpu.memory_space<hbm>>, %arg9: memref<26x512xi32, #tpu.memory_space<vmem>>, %arg10: memref<26x512xi32, #tpu.memory_space<vmem>>, %arg11: memref<26x512xf32, #tpu.memory_space<vmem>>, %arg12: memref<26x512xf32, #tpu.memory_space<vmem>>, %arg13: memref<128xf32, #tpu.memory_space<vmem>>, %arg14: memref<16xf32, #tpu.memory_space<vmem>>, %arg15: memref<512xf32, #tpu.memory_space<vmem>>, %arg16: memref<1000064xf32, #tpu.memory_space<vmem_shared>>, %arg17: memref<!tpu.dma_semaphore, #tpu.memory_space<semaphore_mem>>) attributes {dimension_semantics = [#tpu.dimension_semantics<core_parallel>, #tpu.dimension_semantics<subcore_parallel>], iteration_bounds = array<i64: 2, 16>, scalar_prefetch = 0 : i64, scratch_operands = 9 : i64, tpu.core_type = #tpu.core_type<sc_vector_subcore>, window_params = [{transform_indices = #map}, {transform_indices = #map1}, {transform_indices = #map1}, {transform_indices = #map1}, {transform_indices = #map}, {transform_indices = #map}, {transform_indices = #map}]} {
    %mul3A = arith.constant 16 : i32
    %mul3A_0 = arith.muli %arg0, %mul3A : i32
    %add3A = arith.addi %mul3A_0, %arg1 : i32
    %mul3A_1 = arith.constant 512 : i32
    %mul3A_2 = arith.muli %add3A, %mul3A_1 : i32
    %eq3A = arith.constant 0 : i32
    %eq3A_3 = arith.cmpi eq, %arg1, %eq3A : i32
    %convert_element_type3A = arith.extui %eq3A_3 : i1 to i32
    %cond3A = arith.constant 0 : i32
    %cond3A_4 = arith.cmpi ne, %convert_element_type3A, %cond3A : i32
    scf.if %cond3A_4 {
      "tpu.region"() ({
        %run_scoped3A = tpu.sem_alloc : memref<!tpu.dma_semaphore, #tpu.memory_space<semaphore_mem>>
        %dma_start3A = arith.constant 0 : i32
        %dma_start3A_19 = tpu.memref_slice %arg2[%dma_start3A] : memref<1048576xf32, #tpu.memory_space<hbm>> -> memref<1000064xf32, #tpu.memory_space<hbm>>
        tpu.enqueue_dma source(%dma_start3A_19 : memref<1000064xf32, #tpu.memory_space<hbm>>) target(%arg16 : memref<1000064xf32, #tpu.memory_space<vmem_shared>>) target_semaphore(%run_scoped3A : memref<!tpu.dma_semaphore, #tpu.memory_space<semaphore_mem>>)
        %dma_wait3A = arith.constant 0 : i32
        %dma_wait3A_20 = tpu.memref_slice %arg2[%dma_wait3A] : memref<1048576xf32, #tpu.memory_space<hbm>> -> memref<1000064xf32, #tpu.memory_space<hbm>>
        tpu.wait_dma2 semaphore(%run_scoped3A : memref<!tpu.dma_semaphore, #tpu.memory_space<semaphore_mem>>) src(%dma_wait3A_20 : memref<1000064xf32, #tpu.memory_space<hbm>>) dst(%arg16 : memref<1000064xf32, #tpu.memory_space<vmem_shared>>)
        tpu.yield
      }) : () -> ()
    } else {
    }
    "tpu.region"() ({
      %run_scoped3A = tpu.sem_alloc : memref<!tpu.dma_semaphore, #tpu.memory_space<semaphore_mem>>
      %dma_start3A = arith.constant 0 : i32
      %dma_start3A_19 = tpu.memref_slice %arg3[%dma_start3A, %mul3A_2] : memref<26x16384xi32, #tpu.memory_space<hbm>> -> memref<26x512xi32, #tpu.memory_space<hbm>>
      %dma_start3A_20 = arith.constant 0 : i32
      %dma_start3A_21 = tpu.memref_slice %arg3[%dma_start3A_20, %mul3A_2] : memref<26x16384xi32, #tpu.memory_space<hbm>> -> memref<26x512xi32, #tpu.memory_space<hbm>>
      tpu.enqueue_dma source(%dma_start3A_21 : memref<26x512xi32, #tpu.memory_space<hbm>>) target(%arg9 : memref<26x512xi32, #tpu.memory_space<vmem>>) target_semaphore(%run_scoped3A : memref<!tpu.dma_semaphore, #tpu.memory_space<semaphore_mem>>)
      %dma_wait3A = arith.constant 0 : i32
      %dma_wait3A_22 = tpu.memref_slice %arg3[%dma_wait3A, %mul3A_2] : memref<26x16384xi32, #tpu.memory_space<hbm>> -> memref<26x512xi32, #tpu.memory_space<hbm>>
      %dma_wait3A_23 = arith.constant 0 : i32
      %dma_wait3A_24 = tpu.memref_slice %arg3[%dma_wait3A_23, %mul3A_2] : memref<26x16384xi32, #tpu.memory_space<hbm>> -> memref<26x512xi32, #tpu.memory_space<hbm>>
      tpu.wait_dma2 semaphore(%run_scoped3A : memref<!tpu.dma_semaphore, #tpu.memory_space<semaphore_mem>>) src(%dma_wait3A_24 : memref<26x512xi32, #tpu.memory_space<hbm>>) dst(%arg9 : memref<26x512xi32, #tpu.memory_space<vmem>>)
      tpu.yield
    }) : () -> ()
    "tpu.region"() ({
      %run_scoped3A = tpu.sem_alloc : memref<!tpu.dma_semaphore, #tpu.memory_space<semaphore_mem>>
      %dma_start3A = arith.constant 0 : i32
      %dma_start3A_19 = tpu.memref_slice %arg4[%dma_start3A, %mul3A_2] : memref<26x16384xi32, #tpu.memory_space<hbm>> -> memref<26x512xi32, #tpu.memory_space<hbm>>
      %dma_start3A_20 = arith.constant 0 : i32
      %dma_start3A_21 = tpu.memref_slice %arg4[%dma_start3A_20, %mul3A_2] : memref<26x16384xi32, #tpu.memory_space<hbm>> -> memref<26x512xi32, #tpu.memory_space<hbm>>
      tpu.enqueue_dma source(%dma_start3A_21 : memref<26x512xi32, #tpu.memory_space<hbm>>) target(%arg10 : memref<26x512xi32, #tpu.memory_space<vmem>>) target_semaphore(%run_scoped3A : memref<!tpu.dma_semaphore, #tpu.memory_space<semaphore_mem>>)
      %dma_wait3A = arith.constant 0 : i32
      %dma_wait3A_22 = tpu.memref_slice %arg4[%dma_wait3A, %mul3A_2] : memref<26x16384xi32, #tpu.memory_space<hbm>> -> memref<26x512xi32, #tpu.memory_space<hbm>>
      %dma_wait3A_23 = arith.constant 0 : i32
      %dma_wait3A_24 = tpu.memref_slice %arg4[%dma_wait3A_23, %mul3A_2] : memref<26x16384xi32, #tpu.memory_space<hbm>> -> memref<26x512xi32, #tpu.memory_space<hbm>>
      tpu.wait_dma2 semaphore(%run_scoped3A : memref<!tpu.dma_semaphore, #tpu.memory_space<semaphore_mem>>) src(%dma_wait3A_24 : memref<26x512xi32, #tpu.memory_space<hbm>>) dst(%arg10 : memref<26x512xi32, #tpu.memory_space<vmem>>)
      tpu.yield
    }) : () -> ()
    "tpu.region"() ({
      %run_scoped3A = tpu.sem_alloc : memref<!tpu.dma_semaphore, #tpu.memory_space<semaphore_mem>>
      %dma_start3A = arith.constant 0 : i32
      %dma_start3A_19 = tpu.memref_slice %arg5[%dma_start3A, %mul3A_2] : memref<26x16384xf32, #tpu.memory_space<hbm>> -> memref<26x512xf32, #tpu.memory_space<hbm>>
      %dma_start3A_20 = arith.constant 0 : i32
      %dma_start3A_21 = tpu.memref_slice %arg5[%dma_start3A_20, %mul3A_2] : memref<26x16384xf32, #tpu.memory_space<hbm>> -> memref<26x512xf32, #tpu.memory_space<hbm>>
      tpu.enqueue_dma source(%dma_start3A_21 : memref<26x512xf32, #tpu.memory_space<hbm>>) target(%arg11 : memref<26x512xf32, #tpu.memory_space<vmem>>) target_semaphore(%run_scoped3A : memref<!tpu.dma_semaphore, #tpu.memory_space<semaphore_mem>>)
      %dma_wait3A = arith.constant 0 : i32
      %dma_wait3A_22 = tpu.memref_slice %arg5[%dma_wait3A, %mul3A_2] : memref<26x16384xf32, #tpu.memory_space<hbm>> -> memref<26x512xf32, #tpu.memory_space<hbm>>
      %dma_wait3A_23 = arith.constant 0 : i32
      %dma_wait3A_24 = tpu.memref_slice %arg5[%dma_wait3A_23, %mul3A_2] : memref<26x16384xf32, #tpu.memory_space<hbm>> -> memref<26x512xf32, #tpu.memory_space<hbm>>
      tpu.wait_dma2 semaphore(%run_scoped3A : memref<!tpu.dma_semaphore, #tpu.memory_space<semaphore_mem>>) src(%dma_wait3A_24 : memref<26x512xf32, #tpu.memory_space<hbm>>) dst(%arg11 : memref<26x512xf32, #tpu.memory_space<vmem>>)
      tpu.yield
    }) : () -> ()
    "tpu.region"() ({
      %run_scoped3A = tpu.sem_alloc : memref<!tpu.dma_semaphore, #tpu.memory_space<semaphore_mem>>
      tpu.enqueue_dma source(%arg6 : memref<128xf32, #tpu.memory_space<hbm>>) target(%arg13 : memref<128xf32, #tpu.memory_space<vmem>>) target_semaphore(%run_scoped3A : memref<!tpu.dma_semaphore, #tpu.memory_space<semaphore_mem>>)
      tpu.wait_dma2 semaphore(%run_scoped3A : memref<!tpu.dma_semaphore, #tpu.memory_space<semaphore_mem>>) src(%arg6 : memref<128xf32, #tpu.memory_space<hbm>>) dst(%arg13 : memref<128xf32, #tpu.memory_space<vmem>>)
      tpu.yield
    }) : () -> ()
    "tpu.region"() ({
      %run_scoped3A = tpu.sem_alloc : memref<!tpu.dma_semaphore, #tpu.memory_space<semaphore_mem>>
      tpu.enqueue_dma source(%arg7 : memref<16xf32, #tpu.memory_space<hbm>>) target(%arg14 : memref<16xf32, #tpu.memory_space<vmem>>) target_semaphore(%run_scoped3A : memref<!tpu.dma_semaphore, #tpu.memory_space<semaphore_mem>>)
      tpu.wait_dma2 semaphore(%run_scoped3A : memref<!tpu.dma_semaphore, #tpu.memory_space<semaphore_mem>>) src(%arg7 : memref<16xf32, #tpu.memory_space<hbm>>) dst(%arg14 : memref<16xf32, #tpu.memory_space<vmem>>)
      tpu.yield
    }) : () -> ()
    %barrier3A = arith.constant 0 : index
    tpu.barrier barrier_id(%barrier3A)
    %scan3A = arith.constant 0 : i32
    %scan3A_5 = arith.constant 0 : i32
    %scan3A_6 = arith.constant 4 : i32
    %scan3A_7 = arith.addi %scan3A_5, %scan3A_6 : i32
    %scan3A_8 = arith.constant 1 : i32
    scf.for %scan3A_19 = %scan3A_5 to %scan3A_7 step %scan3A_8  : i32 {
      %mul3A_20 = arith.constant 26 : i32
      %mul3A_21 = arith.muli %scan3A_19, %mul3A_20 : i32
      %add3A_22 = arith.constant 0 : i32
      %add3A_23 = arith.addi %mul3A_21, %add3A_22 : i32
      %jit3A = arith.constant 4 : i32
      %div3A = arith.divsi %add3A_23, %jit3A : i32
      %sign3A = arith.constant 0 : i32
      %sign3A_24 = arith.cmpi sgt, %add3A_23, %sign3A : i32
      %sign3A_25 = arith.extui %sign3A_24 : i1 to i32
      %sign3A_26 = arith.constant 0 : i32
      %sign3A_27 = arith.cmpi slt, %add3A_23, %sign3A_26 : i32
      %sign3A_28 = arith.extui %sign3A_27 : i1 to i32
      %sign3A_29 = arith.subi %sign3A_25, %sign3A_28 : i32
      %sign3A_30 = arith.constant 0 : i32
      %sign3A_31 = arith.cmpi sgt, %jit3A, %sign3A_30 : i32
      %sign3A_32 = arith.extui %sign3A_31 : i1 to i32
      %sign3A_33 = arith.constant 0 : i32
      %sign3A_34 = arith.cmpi slt, %jit3A, %sign3A_33 : i32
      %sign3A_35 = arith.extui %sign3A_34 : i1 to i32
      %sign3A_36 = arith.subi %sign3A_32, %sign3A_35 : i32
      %ne3A = arith.cmpi ne, %sign3A_29, %sign3A_36 : i32
      %rem3A = arith.remsi %add3A_23, %jit3A : i32
      %ne3A_37 = arith.constant 0 : i32
      %ne3A_38 = arith.cmpi ne, %rem3A, %ne3A_37 : i32
      %and3A = arith.andi %ne3A, %ne3A_38 : i1
      %sub3A = arith.constant 1 : i32
      %sub3A_39 = arith.subi %div3A, %sub3A : i32
      %select_n3A = arith.select %and3A, %sub3A_39, %div3A : i32
      %jit3A_40 = arith.constant 4 : i32
      %eq3A_41 = arith.constant 0 : i32
      %eq3A_42 = arith.cmpi eq, %jit3A_40, %eq3A_41 : i32
      %jit3A_43 = arith.constant 1 : i32
      %select_n3A_44 = arith.select %eq3A_42, %jit3A_43, %jit3A_40 : i32
      %rem3A_45 = arith.remsi %add3A_23, %select_n3A_44 : i32
      %ne3A_46 = arith.constant 0 : i32
      %ne3A_47 = arith.cmpi ne, %rem3A_45, %ne3A_46 : i32
      %lt3A = arith.constant 0 : i32
      %lt3A_48 = arith.cmpi slt, %rem3A_45, %lt3A : i32
      %lt3A_49 = arith.constant 0 : i32
      %lt3A_50 = arith.cmpi slt, %select_n3A_44, %lt3A_49 : i32
      %ne3A_51 = arith.xori %lt3A_48, %lt3A_50 : i1
      %and3A_52 = arith.andi %ne3A_51, %ne3A_47 : i1
      %add3A_53 = arith.addi %rem3A_45, %select_n3A_44 : i32
      %select_n3A_54 = arith.select %and3A_52, %add3A_53, %rem3A_45 : i32
      %mul3A_55 = arith.constant 128 : i32
      %mul3A_56 = arith.muli %select_n3A_54, %mul3A_55 : i32
      %dma_start3A = tpu.memref_slice %arg12[%select_n3A, %mul3A_56] : memref<26x512xf32, #tpu.memory_space<vmem>> -> memref<1x128xf32, #tpu.memory_space<vmem>>
      %dma_start3A_57 = tpu.memref_squeeze %dma_start3A : memref<1x128xf32, #tpu.memory_space<vmem>> -> memref<128xf32, #tpu.memory_space<vmem>>
      %dma_start3A_58 = tpu.memref_slice %arg9[%select_n3A, %mul3A_56] : memref<26x512xi32, #tpu.memory_space<vmem>> -> memref<1x128xi32, #tpu.memory_space<vmem>>
      %dma_start3A_59 = tpu.memref_squeeze %dma_start3A_58 : memref<1x128xi32, #tpu.memory_space<vmem>> -> memref<128xi32, #tpu.memory_space<vmem>>
      %dma_start3A_60 = arith.constant 0 : i32
      %dma_start3A_61 = tpu.memref_slice %arg16[%dma_start3A_60] : memref<1000064xf32, #tpu.memory_space<vmem_shared>> -> memref<1000064xf32, #tpu.memory_space<vmem_shared>>
      tpu.enqueue_indirect_dma source(%dma_start3A_61 : memref<1000064xf32, #tpu.memory_space<vmem_shared>>) target(%dma_start3A_57 : memref<128xf32, #tpu.memory_space<vmem>>) offsets(%dma_start3A_59 : memref<128xi32, #tpu.memory_space<vmem>>) semaphore(%arg17 : memref<!tpu.dma_semaphore, #tpu.memory_space<semaphore_mem>>)
      %mul3A_62 = arith.constant 26 : i32
      %mul3A_63 = arith.muli %scan3A_19, %mul3A_62 : i32
      %add3A_64 = arith.constant 1 : i32
      %add3A_65 = arith.addi %mul3A_63, %add3A_64 : i32
      %jit3A_66 = arith.constant 4 : i32
      %div3A_67 = arith.divsi %add3A_65, %jit3A_66 : i32
      %sign3A_68 = arith.constant 0 : i32
      %sign3A_69 = arith.cmpi sgt, %add3A_65, %sign3A_68 : i32
      %sign3A_70 = arith.extui %sign3A_69 : i1 to i32
      %sign3A_71 = arith.constant 0 : i32
      %sign3A_72 = arith.cmpi slt, %add3A_65, %sign3A_71 : i32
      %sign3A_73 = arith.extui %sign3A_72 : i1 to i32
      %sign3A_74 = arith.subi %sign3A_70, %sign3A_73 : i32
      %sign3A_75 = arith.constant 0 : i32
      %sign3A_76 = arith.cmpi sgt, %jit3A_66, %sign3A_75 : i32
      %sign3A_77 = arith.extui %sign3A_76 : i1 to i32
      %sign3A_78 = arith.constant 0 : i32
      %sign3A_79 = arith.cmpi slt, %jit3A_66, %sign3A_78 : i32
      %sign3A_80 = arith.extui %sign3A_79 : i1 to i32
      %sign3A_81 = arith.subi %sign3A_77, %sign3A_80 : i32
      %ne3A_82 = arith.cmpi ne, %sign3A_74, %sign3A_81 : i32
      %rem3A_83 = arith.remsi %add3A_65, %jit3A_66 : i32
      %ne3A_84 = arith.constant 0 : i32
      %ne3A_85 = arith.cmpi ne, %rem3A_83, %ne3A_84 : i32
      %and3A_86 = arith.andi %ne3A_82, %ne3A_85 : i1
      %sub3A_87 = arith.constant 1 : i32
      %sub3A_88 = arith.subi %div3A_67, %sub3A_87 : i32
      %select_n3A_89 = arith.select %and3A_86, %sub3A_88, %div3A_67 : i32
      %jit3A_90 = arith.constant 4 : i32
      %eq3A_91 = arith.constant 0 : i32
      %eq3A_92 = arith.cmpi eq, %jit3A_90, %eq3A_91 : i32
      %jit3A_93 = arith.constant 1 : i32
      %select_n3A_94 = arith.select %eq3A_92, %jit3A_93, %jit3A_90 : i32
      %rem3A_95 = arith.remsi %add3A_65, %select_n3A_94 : i32
      %ne3A_96 = arith.constant 0 : i32
      %ne3A_97 = arith.cmpi ne, %rem3A_95, %ne3A_96 : i32
      %lt3A_98 = arith.constant 0 : i32
      %lt3A_99 = arith.cmpi slt, %rem3A_95, %lt3A_98 : i32
      %lt3A_100 = arith.constant 0 : i32
      %lt3A_101 = arith.cmpi slt, %select_n3A_94, %lt3A_100 : i32
      %ne3A_102 = arith.xori %lt3A_99, %lt3A_101 : i1
      %and3A_103 = arith.andi %ne3A_102, %ne3A_97 : i1
      %add3A_104 = arith.addi %rem3A_95, %select_n3A_94 : i32
      %select_n3A_105 = arith.select %and3A_103, %add3A_104, %rem3A_95 : i32
      %mul3A_106 = arith.constant 128 : i32
      %mul3A_107 = arith.muli %select_n3A_105, %mul3A_106 : i32
      %dma_start3A_108 = tpu.memref_slice %arg12[%select_n3A_89, %mul3A_107] : memref<26x512xf32, #tpu.memory_space<vmem>> -> memref<1x128xf32, #tpu.memory_space<vmem>>
      %dma_start3A_109 = tpu.memref_squeeze %dma_start3A_108 : memref<1x128xf32, #tpu.memory_space<vmem>> -> memref<128xf32, #tpu.memory_space<vmem>>
      %dma_start3A_110 = tpu.memref_slice %arg9[%select_n3A_89, %mul3A_107] : memref<26x512xi32, #tpu.memory_space<vmem>> -> memref<1x128xi32, #tpu.memory_space<vmem>>
      %dma_start3A_111 = tpu.memref_squeeze %dma_start3A_110 : memref<1x128xi32, #tpu.memory_space<vmem>> -> memref<128xi32, #tpu.memory_space<vmem>>
      %dma_start3A_112 = arith.constant 0 : i32
      %dma_start3A_113 = tpu.memref_slice %arg16[%dma_start3A_112] : memref<1000064xf32, #tpu.memory_space<vmem_shared>> -> memref<1000064xf32, #tpu.memory_space<vmem_shared>>
      tpu.enqueue_indirect_dma source(%dma_start3A_113 : memref<1000064xf32, #tpu.memory_space<vmem_shared>>) target(%dma_start3A_109 : memref<128xf32, #tpu.memory_space<vmem>>) offsets(%dma_start3A_111 : memref<128xi32, #tpu.memory_space<vmem>>) semaphore(%arg17 : memref<!tpu.dma_semaphore, #tpu.memory_space<semaphore_mem>>)
      %mul3A_114 = arith.constant 26 : i32
      %mul3A_115 = arith.muli %scan3A_19, %mul3A_114 : i32
      %add3A_116 = arith.constant 2 : i32
      %add3A_117 = arith.addi %mul3A_115, %add3A_116 : i32
      %jit3A_118 = arith.constant 4 : i32
      %div3A_119 = arith.divsi %add3A_117, %jit3A_118 : i32
      %sign3A_120 = arith.constant 0 : i32
      %sign3A_121 = arith.cmpi sgt, %add3A_117, %sign3A_120 : i32
      %sign3A_122 = arith.extui %sign3A_121 : i1 to i32
      %sign3A_123 = arith.constant 0 : i32
      %sign3A_124 = arith.cmpi slt, %add3A_117, %sign3A_123 : i32
      %sign3A_125 = arith.extui %sign3A_124 : i1 to i32
      %sign3A_126 = arith.subi %sign3A_122, %sign3A_125 : i32
      %sign3A_127 = arith.constant 0 : i32
      %sign3A_128 = arith.cmpi sgt, %jit3A_118, %sign3A_127 : i32
      %sign3A_129 = arith.extui %sign3A_128 : i1 to i32
      %sign3A_130 = arith.constant 0 : i32
      %sign3A_131 = arith.cmpi slt, %jit3A_118, %sign3A_130 : i32
      %sign3A_132 = arith.extui %sign3A_131 : i1 to i32
      %sign3A_133 = arith.subi %sign3A_129, %sign3A_132 : i32
      %ne3A_134 = arith.cmpi ne, %sign3A_126, %sign3A_133 : i32
      %rem3A_135 = arith.remsi %add3A_117, %jit3A_118 : i32
      %ne3A_136 = arith.constant 0 : i32
      %ne3A_137 = arith.cmpi ne, %rem3A_135, %ne3A_136 : i32
      %and3A_138 = arith.andi %ne3A_134, %ne3A_137 : i1
      %sub3A_139 = arith.constant 1 : i32
      %sub3A_140 = arith.subi %div3A_119, %sub3A_139 : i32
      %select_n3A_141 = arith.select %and3A_138, %sub3A_140, %div3A_119 : i32
      %jit3A_142 = arith.constant 4 : i32
      %eq3A_143 = arith.constant 0 : i32
      %eq3A_144 = arith.cmpi eq, %jit3A_142, %eq3A_143 : i32
      %jit3A_145 = arith.constant 1 : i32
      %select_n3A_146 = arith.select %eq3A_144, %jit3A_145, %jit3A_142 : i32
      %rem3A_147 = arith.remsi %add3A_117, %select_n3A_146 : i32
      %ne3A_148 = arith.constant 0 : i32
      %ne3A_149 = arith.cmpi ne, %rem3A_147, %ne3A_148 : i32
      %lt3A_150 = arith.constant 0 : i32
      %lt3A_151 = arith.cmpi slt, %rem3A_147, %lt3A_150 : i32
      %lt3A_152 = arith.constant 0 : i32
      %lt3A_153 = arith.cmpi slt, %select_n3A_146, %lt3A_152 : i32
      %ne3A_154 = arith.xori %lt3A_151, %lt3A_153 : i1
      %and3A_155 = arith.andi %ne3A_154, %ne3A_149 : i1
      %add3A_156 = arith.addi %rem3A_147, %select_n3A_146 : i32
      %select_n3A_157 = arith.select %and3A_155, %add3A_156, %rem3A_147 : i32
      %mul3A_158 = arith.constant 128 : i32
      %mul3A_159 = arith.muli %select_n3A_157, %mul3A_158 : i32
      %dma_start3A_160 = tpu.memref_slice %arg12[%select_n3A_141, %mul3A_159] : memref<26x512xf32, #tpu.memory_space<vmem>> -> memref<1x128xf32, #tpu.memory_space<vmem>>
      %dma_start3A_161 = tpu.memref_squeeze %dma_start3A_160 : memref<1x128xf32, #tpu.memory_space<vmem>> -> memref<128xf32, #tpu.memory_space<vmem>>
      %dma_start3A_162 = tpu.memref_slice %arg9[%select_n3A_141, %mul3A_159] : memref<26x512xi32, #tpu.memory_space<vmem>> -> memref<1x128xi32, #tpu.memory_space<vmem>>
      %dma_start3A_163 = tpu.memref_squeeze %dma_start3A_162 : memref<1x128xi32, #tpu.memory_space<vmem>> -> memref<128xi32, #tpu.memory_space<vmem>>
      %dma_start3A_164 = arith.constant 0 : i32
      %dma_start3A_165 = tpu.memref_slice %arg16[%dma_start3A_164] : memref<1000064xf32, #tpu.memory_space<vmem_shared>> -> memref<1000064xf32, #tpu.memory_space<vmem_shared>>
      tpu.enqueue_indirect_dma source(%dma_start3A_165 : memref<1000064xf32, #tpu.memory_space<vmem_shared>>) target(%dma_start3A_161 : memref<128xf32, #tpu.memory_space<vmem>>) offsets(%dma_start3A_163 : memref<128xi32, #tpu.memory_space<vmem>>) semaphore(%arg17 : memref<!tpu.dma_semaphore, #tpu.memory_space<semaphore_mem>>)
      %mul3A_166 = arith.constant 26 : i32
      %mul3A_167 = arith.muli %scan3A_19, %mul3A_166 : i32
      %add3A_168 = arith.constant 3 : i32
      %add3A_169 = arith.addi %mul3A_167, %add3A_168 : i32
      %jit3A_170 = arith.constant 4 : i32
      %div3A_171 = arith.divsi %add3A_169, %jit3A_170 : i32
      %sign3A_172 = arith.constant 0 : i32
      %sign3A_173 = arith.cmpi sgt, %add3A_169, %sign3A_172 : i32
      %sign3A_174 = arith.extui %sign3A_173 : i1 to i32
      %sign3A_175 = arith.constant 0 : i32
      %sign3A_176 = arith.cmpi slt, %add3A_169, %sign3A_175 : i32
      %sign3A_177 = arith.extui %sign3A_176 : i1 to i32
      %sign3A_178 = arith.subi %sign3A_174, %sign3A_177 : i32
      %sign3A_179 = arith.constant 0 : i32
      %sign3A_180 = arith.cmpi sgt, %jit3A_170, %sign3A_179 : i32
      %sign3A_181 = arith.extui %sign3A_180 : i1 to i32
      %sign3A_182 = arith.constant 0 : i32
      %sign3A_183 = arith.cmpi slt, %jit3A_170, %sign3A_182 : i32
      %sign3A_184 = arith.extui %sign3A_183 : i1 to i32
      %sign3A_185 = arith.subi %sign3A_181, %sign3A_184 : i32
      %ne3A_186 = arith.cmpi ne, %sign3A_178, %sign3A_185 : i32
      %rem3A_187 = arith.remsi %add3A_169, %jit3A_170 : i32
      %ne3A_188 = arith.constant 0 : i32
      %ne3A_189 = arith.cmpi ne, %rem3A_187, %ne3A_188 : i32
      %and3A_190 = arith.andi %ne3A_186, %ne3A_189 : i1
      %sub3A_191 = arith.constant 1 : i32
      %sub3A_192 = arith.subi %div3A_171, %sub3A_191 : i32
      %select_n3A_193 = arith.select %and3A_190, %sub3A_192, %div3A_171 : i32
      %jit3A_194 = arith.constant 4 : i32
      %eq3A_195 = arith.constant 0 : i32
      %eq3A_196 = arith.cmpi eq, %jit3A_194, %eq3A_195 : i32
      %jit3A_197 = arith.constant 1 : i32
      %select_n3A_198 = arith.select %eq3A_196, %jit3A_197, %jit3A_194 : i32
      %rem3A_199 = arith.remsi %add3A_169, %select_n3A_198 : i32
      %ne3A_200 = arith.constant 0 : i32
      %ne3A_201 = arith.cmpi ne, %rem3A_199, %ne3A_200 : i32
      %lt3A_202 = arith.constant 0 : i32
      %lt3A_203 = arith.cmpi slt, %rem3A_199, %lt3A_202 : i32
      %lt3A_204 = arith.constant 0 : i32
      %lt3A_205 = arith.cmpi slt, %select_n3A_198, %lt3A_204 : i32
      %ne3A_206 = arith.xori %lt3A_203, %lt3A_205 : i1
      %and3A_207 = arith.andi %ne3A_206, %ne3A_201 : i1
      %add3A_208 = arith.addi %rem3A_199, %select_n3A_198 : i32
      %select_n3A_209 = arith.select %and3A_207, %add3A_208, %rem3A_199 : i32
      %mul3A_210 = arith.constant 128 : i32
      %mul3A_211 = arith.muli %select_n3A_209, %mul3A_210 : i32
      %dma_start3A_212 = tpu.memref_slice %arg12[%select_n3A_193, %mul3A_211] : memref<26x512xf32, #tpu.memory_space<vmem>> -> memref<1x128xf32, #tpu.memory_space<vmem>>
      %dma_start3A_213 = tpu.memref_squeeze %dma_start3A_212 : memref<1x128xf32, #tpu.memory_space<vmem>> -> memref<128xf32, #tpu.memory_space<vmem>>
      %dma_start3A_214 = tpu.memref_slice %arg9[%select_n3A_193, %mul3A_211] : memref<26x512xi32, #tpu.memory_space<vmem>> -> memref<1x128xi32, #tpu.memory_space<vmem>>
      %dma_start3A_215 = tpu.memref_squeeze %dma_start3A_214 : memref<1x128xi32, #tpu.memory_space<vmem>> -> memref<128xi32, #tpu.memory_space<vmem>>
      %dma_start3A_216 = arith.constant 0 : i32
      %dma_start3A_217 = tpu.memref_slice %arg16[%dma_start3A_216] : memref<1000064xf32, #tpu.memory_space<vmem_shared>> -> memref<1000064xf32, #tpu.memory_space<vmem_shared>>
      tpu.enqueue_indirect_dma source(%dma_start3A_217 : memref<1000064xf32, #tpu.memory_space<vmem_shared>>) target(%dma_start3A_213 : memref<128xf32, #tpu.memory_space<vmem>>) offsets(%dma_start3A_215 : memref<128xi32, #tpu.memory_space<vmem>>) semaphore(%arg17 : memref<!tpu.dma_semaphore, #tpu.memory_space<semaphore_mem>>)
      %mul3A_218 = arith.constant 26 : i32
      %mul3A_219 = arith.muli %scan3A_19, %mul3A_218 : i32
      %add3A_220 = arith.constant 4 : i32
      %add3A_221 = arith.addi %mul3A_219, %add3A_220 : i32
      %jit3A_222 = arith.constant 4 : i32
      %div3A_223 = arith.divsi %add3A_221, %jit3A_222 : i32
      %sign3A_224 = arith.constant 0 : i32
      %sign3A_225 = arith.cmpi sgt, %add3A_221, %sign3A_224 : i32
      %sign3A_226 = arith.extui %sign3A_225 : i1 to i32
      %sign3A_227 = arith.constant 0 : i32
      %sign3A_228 = arith.cmpi slt, %add3A_221, %sign3A_227 : i32
      %sign3A_229 = arith.extui %sign3A_228 : i1 to i32
      %sign3A_230 = arith.subi %sign3A_226, %sign3A_229 : i32
      %sign3A_231 = arith.constant 0 : i32
      %sign3A_232 = arith.cmpi sgt, %jit3A_222, %sign3A_231 : i32
      %sign3A_233 = arith.extui %sign3A_232 : i1 to i32
      %sign3A_234 = arith.constant 0 : i32
      %sign3A_235 = arith.cmpi slt, %jit3A_222, %sign3A_234 : i32
      %sign3A_236 = arith.extui %sign3A_235 : i1 to i32
      %sign3A_237 = arith.subi %sign3A_233, %sign3A_236 : i32
      %ne3A_238 = arith.cmpi ne, %sign3A_230, %sign3A_237 : i32
      %rem3A_239 = arith.remsi %add3A_221, %jit3A_222 : i32
      %ne3A_240 = arith.constant 0 : i32
      %ne3A_241 = arith.cmpi ne, %rem3A_239, %ne3A_240 : i32
      %and3A_242 = arith.andi %ne3A_238, %ne3A_241 : i1
      %sub3A_243 = arith.constant 1 : i32
      %sub3A_244 = arith.subi %div3A_223, %sub3A_243 : i32
      %select_n3A_245 = arith.select %and3A_242, %sub3A_244, %div3A_223 : i32
      %jit3A_246 = arith.constant 4 : i32
      %eq3A_247 = arith.constant 0 : i32
      %eq3A_248 = arith.cmpi eq, %jit3A_246, %eq3A_247 : i32
      %jit3A_249 = arith.constant 1 : i32
      %select_n3A_250 = arith.select %eq3A_248, %jit3A_249, %jit3A_246 : i32
      %rem3A_251 = arith.remsi %add3A_221, %select_n3A_250 : i32
      %ne3A_252 = arith.constant 0 : i32
      %ne3A_253 = arith.cmpi ne, %rem3A_251, %ne3A_252 : i32
      %lt3A_254 = arith.constant 0 : i32
      %lt3A_255 = arith.cmpi slt, %rem3A_251, %lt3A_254 : i32
      %lt3A_256 = arith.constant 0 : i32
      %lt3A_257 = arith.cmpi slt, %select_n3A_250, %lt3A_256 : i32
      %ne3A_258 = arith.xori %lt3A_255, %lt3A_257 : i1
      %and3A_259 = arith.andi %ne3A_258, %ne3A_253 : i1
      %add3A_260 = arith.addi %rem3A_251, %select_n3A_250 : i32
      %select_n3A_261 = arith.select %and3A_259, %add3A_260, %rem3A_251 : i32
      %mul3A_262 = arith.constant 128 : i32
      %mul3A_263 = arith.muli %select_n3A_261, %mul3A_262 : i32
      %dma_start3A_264 = tpu.memref_slice %arg12[%select_n3A_245, %mul3A_263] : memref<26x512xf32, #tpu.memory_space<vmem>> -> memref<1x128xf32, #tpu.memory_space<vmem>>
      %dma_start3A_265 = tpu.memref_squeeze %dma_start3A_264 : memref<1x128xf32, #tpu.memory_space<vmem>> -> memref<128xf32, #tpu.memory_space<vmem>>
      %dma_start3A_266 = tpu.memref_slice %arg9[%select_n3A_245, %mul3A_263] : memref<26x512xi32, #tpu.memory_space<vmem>> -> memref<1x128xi32, #tpu.memory_space<vmem>>
      %dma_start3A_267 = tpu.memref_squeeze %dma_start3A_266 : memref<1x128xi32, #tpu.memory_space<vmem>> -> memref<128xi32, #tpu.memory_space<vmem>>
      %dma_start3A_268 = arith.constant 0 : i32
      %dma_start3A_269 = tpu.memref_slice %arg16[%dma_start3A_268] : memref<1000064xf32, #tpu.memory_space<vmem_shared>> -> memref<1000064xf32, #tpu.memory_space<vmem_shared>>
      tpu.enqueue_indirect_dma source(%dma_start3A_269 : memref<1000064xf32, #tpu.memory_space<vmem_shared>>) target(%dma_start3A_265 : memref<128xf32, #tpu.memory_space<vmem>>) offsets(%dma_start3A_267 : memref<128xi32, #tpu.memory_space<vmem>>) semaphore(%arg17 : memref<!tpu.dma_semaphore, #tpu.memory_space<semaphore_mem>>)
      %mul3A_270 = arith.constant 26 : i32
      %mul3A_271 = arith.muli %scan3A_19, %mul3A_270 : i32
      %add3A_272 = arith.constant 5 : i32
      %add3A_273 = arith.addi %mul3A_271, %add3A_272 : i32
      %jit3A_274 = arith.constant 4 : i32
      %div3A_275 = arith.divsi %add3A_273, %jit3A_274 : i32
      %sign3A_276 = arith.constant 0 : i32
      %sign3A_277 = arith.cmpi sgt, %add3A_273, %sign3A_276 : i32
      %sign3A_278 = arith.extui %sign3A_277 : i1 to i32
      %sign3A_279 = arith.constant 0 : i32
      %sign3A_280 = arith.cmpi slt, %add3A_273, %sign3A_279 : i32
      %sign3A_281 = arith.extui %sign3A_280 : i1 to i32
      %sign3A_282 = arith.subi %sign3A_278, %sign3A_281 : i32
      %sign3A_283 = arith.constant 0 : i32
      %sign3A_284 = arith.cmpi sgt, %jit3A_274, %sign3A_283 : i32
      %sign3A_285 = arith.extui %sign3A_284 : i1 to i32
      %sign3A_286 = arith.constant 0 : i32
      %sign3A_287 = arith.cmpi slt, %jit3A_274, %sign3A_286 : i32
      %sign3A_288 = arith.extui %sign3A_287 : i1 to i32
      %sign3A_289 = arith.subi %sign3A_285, %sign3A_288 : i32
      %ne3A_290 = arith.cmpi ne, %sign3A_282, %sign3A_289 : i32
      %rem3A_291 = arith.remsi %add3A_273, %jit3A_274 : i32
      %ne3A_292 = arith.constant 0 : i32
      %ne3A_293 = arith.cmpi ne, %rem3A_291, %ne3A_292 : i32
      %and3A_294 = arith.andi %ne3A_290, %ne3A_293 : i1
      %sub3A_295 = arith.constant 1 : i32
      %sub3A_296 = arith.subi %div3A_275, %sub3A_295 : i32
      %select_n3A_297 = arith.select %and3A_294, %sub3A_296, %div3A_275 : i32
      %jit3A_298 = arith.constant 4 : i32
      %eq3A_299 = arith.constant 0 : i32
      %eq3A_300 = arith.cmpi eq, %jit3A_298, %eq3A_299 : i32
      %jit3A_301 = arith.constant 1 : i32
      %select_n3A_302 = arith.select %eq3A_300, %jit3A_301, %jit3A_298 : i32
      %rem3A_303 = arith.remsi %add3A_273, %select_n3A_302 : i32
      %ne3A_304 = arith.constant 0 : i32
      %ne3A_305 = arith.cmpi ne, %rem3A_303, %ne3A_304 : i32
      %lt3A_306 = arith.constant 0 : i32
      %lt3A_307 = arith.cmpi slt, %rem3A_303, %lt3A_306 : i32
      %lt3A_308 = arith.constant 0 : i32
      %lt3A_309 = arith.cmpi slt, %select_n3A_302, %lt3A_308 : i32
      %ne3A_310 = arith.xori %lt3A_307, %lt3A_309 : i1
      %and3A_311 = arith.andi %ne3A_310, %ne3A_305 : i1
      %add3A_312 = arith.addi %rem3A_303, %select_n3A_302 : i32
      %select_n3A_313 = arith.select %and3A_311, %add3A_312, %rem3A_303 : i32
      %mul3A_314 = arith.constant 128 : i32
      %mul3A_315 = arith.muli %select_n3A_313, %mul3A_314 : i32
      %dma_start3A_316 = tpu.memref_slice %arg12[%select_n3A_297, %mul3A_315] : memref<26x512xf32, #tpu.memory_space<vmem>> -> memref<1x128xf32, #tpu.memory_space<vmem>>
      %dma_start3A_317 = tpu.memref_squeeze %dma_start3A_316 : memref<1x128xf32, #tpu.memory_space<vmem>> -> memref<128xf32, #tpu.memory_space<vmem>>
      %dma_start3A_318 = tpu.memref_slice %arg9[%select_n3A_297, %mul3A_315] : memref<26x512xi32, #tpu.memory_space<vmem>> -> memref<1x128xi32, #tpu.memory_space<vmem>>
      %dma_start3A_319 = tpu.memref_squeeze %dma_start3A_318 : memref<1x128xi32, #tpu.memory_space<vmem>> -> memref<128xi32, #tpu.memory_space<vmem>>
      %dma_start3A_320 = arith.constant 0 : i32
      %dma_start3A_321 = tpu.memref_slice %arg16[%dma_start3A_320] : memref<1000064xf32, #tpu.memory_space<vmem_shared>> -> memref<1000064xf32, #tpu.memory_space<vmem_shared>>
      tpu.enqueue_indirect_dma source(%dma_start3A_321 : memref<1000064xf32, #tpu.memory_space<vmem_shared>>) target(%dma_start3A_317 : memref<128xf32, #tpu.memory_space<vmem>>) offsets(%dma_start3A_319 : memref<128xi32, #tpu.memory_space<vmem>>) semaphore(%arg17 : memref<!tpu.dma_semaphore, #tpu.memory_space<semaphore_mem>>)
      %mul3A_322 = arith.constant 26 : i32
      %mul3A_323 = arith.muli %scan3A_19, %mul3A_322 : i32
      %add3A_324 = arith.constant 6 : i32
      %add3A_325 = arith.addi %mul3A_323, %add3A_324 : i32
      %jit3A_326 = arith.constant 4 : i32
      %div3A_327 = arith.divsi %add3A_325, %jit3A_326 : i32
      %sign3A_328 = arith.constant 0 : i32
      %sign3A_329 = arith.cmpi sgt, %add3A_325, %sign3A_328 : i32
      %sign3A_330 = arith.extui %sign3A_329 : i1 to i32
      %sign3A_331 = arith.constant 0 : i32
      %sign3A_332 = arith.cmpi slt, %add3A_325, %sign3A_331 : i32
      %sign3A_333 = arith.extui %sign3A_332 : i1 to i32
      %sign3A_334 = arith.subi %sign3A_330, %sign3A_333 : i32
      %sign3A_335 = arith.constant 0 : i32
      %sign3A_336 = arith.cmpi sgt, %jit3A_326, %sign3A_335 : i32
      %sign3A_337 = arith.extui %sign3A_336 : i1 to i32
      %sign3A_338 = arith.constant 0 : i32
      %sign3A_339 = arith.cmpi slt, %jit3A_326, %sign3A_338 : i32
      %sign3A_340 = arith.extui %sign3A_339 : i1 to i32
      %sign3A_341 = arith.subi %sign3A_337, %sign3A_340 : i32
      %ne3A_342 = arith.cmpi ne, %sign3A_334, %sign3A_341 : i32
      %rem3A_343 = arith.remsi %add3A_325, %jit3A_326 : i32
      %ne3A_344 = arith.constant 0 : i32
      %ne3A_345 = arith.cmpi ne, %rem3A_343, %ne3A_344 : i32
      %and3A_346 = arith.andi %ne3A_342, %ne3A_345 : i1
      %sub3A_347 = arith.constant 1 : i32
      %sub3A_348 = arith.subi %div3A_327, %sub3A_347 : i32
      %select_n3A_349 = arith.select %and3A_346, %sub3A_348, %div3A_327 : i32
      %jit3A_350 = arith.constant 4 : i32
      %eq3A_351 = arith.constant 0 : i32
      %eq3A_352 = arith.cmpi eq, %jit3A_350, %eq3A_351 : i32
      %jit3A_353 = arith.constant 1 : i32
      %select_n3A_354 = arith.select %eq3A_352, %jit3A_353, %jit3A_350 : i32
      %rem3A_355 = arith.remsi %add3A_325, %select_n3A_354 : i32
      %ne3A_356 = arith.constant 0 : i32
      %ne3A_357 = arith.cmpi ne, %rem3A_355, %ne3A_356 : i32
      %lt3A_358 = arith.constant 0 : i32
      %lt3A_359 = arith.cmpi slt, %rem3A_355, %lt3A_358 : i32
      %lt3A_360 = arith.constant 0 : i32
      %lt3A_361 = arith.cmpi slt, %select_n3A_354, %lt3A_360 : i32
      %ne3A_362 = arith.xori %lt3A_359, %lt3A_361 : i1
      %and3A_363 = arith.andi %ne3A_362, %ne3A_357 : i1
      %add3A_364 = arith.addi %rem3A_355, %select_n3A_354 : i32
      %select_n3A_365 = arith.select %and3A_363, %add3A_364, %rem3A_355 : i32
      %mul3A_366 = arith.constant 128 : i32
      %mul3A_367 = arith.muli %select_n3A_365, %mul3A_366 : i32
      %dma_start3A_368 = tpu.memref_slice %arg12[%select_n3A_349, %mul3A_367] : memref<26x512xf32, #tpu.memory_space<vmem>> -> memref<1x128xf32, #tpu.memory_space<vmem>>
      %dma_start3A_369 = tpu.memref_squeeze %dma_start3A_368 : memref<1x128xf32, #tpu.memory_space<vmem>> -> memref<128xf32, #tpu.memory_space<vmem>>
      %dma_start3A_370 = tpu.memref_slice %arg9[%select_n3A_349, %mul3A_367] : memref<26x512xi32, #tpu.memory_space<vmem>> -> memref<1x128xi32, #tpu.memory_space<vmem>>
      %dma_start3A_371 = tpu.memref_squeeze %dma_start3A_370 : memref<1x128xi32, #tpu.memory_space<vmem>> -> memref<128xi32, #tpu.memory_space<vmem>>
      %dma_start3A_372 = arith.constant 0 : i32
      %dma_start3A_373 = tpu.memref_slice %arg16[%dma_start3A_372] : memref<1000064xf32, #tpu.memory_space<vmem_shared>> -> memref<1000064xf32, #tpu.memory_space<vmem_shared>>
      tpu.enqueue_indirect_dma source(%dma_start3A_373 : memref<1000064xf32, #tpu.memory_space<vmem_shared>>) target(%dma_start3A_369 : memref<128xf32, #tpu.memory_space<vmem>>) offsets(%dma_start3A_371 : memref<128xi32, #tpu.memory_space<vmem>>) semaphore(%arg17 : memref<!tpu.dma_semaphore, #tpu.memory_space<semaphore_mem>>)
      %mul3A_374 = arith.constant 26 : i32
      %mul3A_375 = arith.muli %scan3A_19, %mul3A_374 : i32
      %add3A_376 = arith.constant 7 : i32
      %add3A_377 = arith.addi %mul3A_375, %add3A_376 : i32
      %jit3A_378 = arith.constant 4 : i32
      %div3A_379 = arith.divsi %add3A_377, %jit3A_378 : i32
      %sign3A_380 = arith.constant 0 : i32
      %sign3A_381 = arith.cmpi sgt, %add3A_377, %sign3A_380 : i32
      %sign3A_382 = arith.extui %sign3A_381 : i1 to i32
      %sign3A_383 = arith.constant 0 : i32
      %sign3A_384 = arith.cmpi slt, %add3A_377, %sign3A_383 : i32
      %sign3A_385 = arith.extui %sign3A_384 : i1 to i32
      %sign3A_386 = arith.subi %sign3A_382, %sign3A_385 : i32
      %sign3A_387 = arith.constant 0 : i32
      %sign3A_388 = arith.cmpi sgt, %jit3A_378, %sign3A_387 : i32
      %sign3A_389 = arith.extui %sign3A_388 : i1 to i32
      %sign3A_390 = arith.constant 0 : i32
      %sign3A_391 = arith.cmpi slt, %jit3A_378, %sign3A_390 : i32
      %sign3A_392 = arith.extui %sign3A_391 : i1 to i32
      %sign3A_393 = arith.subi %sign3A_389, %sign3A_392 : i32
      %ne3A_394 = arith.cmpi ne, %sign3A_386, %sign3A_393 : i32
      %rem3A_395 = arith.remsi %add3A_377, %jit3A_378 : i32
      %ne3A_396 = arith.constant 0 : i32
      %ne3A_397 = arith.cmpi ne, %rem3A_395, %ne3A_396 : i32
      %and3A_398 = arith.andi %ne3A_394, %ne3A_397 : i1
      %sub3A_399 = arith.constant 1 : i32
      %sub3A_400 = arith.subi %div3A_379, %sub3A_399 : i32
      %select_n3A_401 = arith.select %and3A_398, %sub3A_400, %div3A_379 : i32
      %jit3A_402 = arith.constant 4 : i32
      %eq3A_403 = arith.constant 0 : i32
      %eq3A_404 = arith.cmpi eq, %jit3A_402, %eq3A_403 : i32
      %jit3A_405 = arith.constant 1 : i32
      %select_n3A_406 = arith.select %eq3A_404, %jit3A_405, %jit3A_402 : i32
      %rem3A_407 = arith.remsi %add3A_377, %select_n3A_406 : i32
      %ne3A_408 = arith.constant 0 : i32
      %ne3A_409 = arith.cmpi ne, %rem3A_407, %ne3A_408 : i32
      %lt3A_410 = arith.constant 0 : i32
      %lt3A_411 = arith.cmpi slt, %rem3A_407, %lt3A_410 : i32
      %lt3A_412 = arith.constant 0 : i32
      %lt3A_413 = arith.cmpi slt, %select_n3A_406, %lt3A_412 : i32
      %ne3A_414 = arith.xori %lt3A_411, %lt3A_413 : i1
      %and3A_415 = arith.andi %ne3A_414, %ne3A_409 : i1
      %add3A_416 = arith.addi %rem3A_407, %select_n3A_406 : i32
      %select_n3A_417 = arith.select %and3A_415, %add3A_416, %rem3A_407 : i32
      %mul3A_418 = arith.constant 128 : i32
      %mul3A_419 = arith.muli %select_n3A_417, %mul3A_418 : i32
      %dma_start3A_420 = tpu.memref_slice %arg12[%select_n3A_401, %mul3A_419] : memref<26x512xf32, #tpu.memory_space<vmem>> -> memref<1x128xf32, #tpu.memory_space<vmem>>
      %dma_start3A_421 = tpu.memref_squeeze %dma_start3A_420 : memref<1x128xf32, #tpu.memory_space<vmem>> -> memref<128xf32, #tpu.memory_space<vmem>>
      %dma_start3A_422 = tpu.memref_slice %arg9[%select_n3A_401, %mul3A_419] : memref<26x512xi32, #tpu.memory_space<vmem>> -> memref<1x128xi32, #tpu.memory_space<vmem>>
      %dma_start3A_423 = tpu.memref_squeeze %dma_start3A_422 : memref<1x128xi32, #tpu.memory_space<vmem>> -> memref<128xi32, #tpu.memory_space<vmem>>
      %dma_start3A_424 = arith.constant 0 : i32
      %dma_start3A_425 = tpu.memref_slice %arg16[%dma_start3A_424] : memref<1000064xf32, #tpu.memory_space<vmem_shared>> -> memref<1000064xf32, #tpu.memory_space<vmem_shared>>
      tpu.enqueue_indirect_dma source(%dma_start3A_425 : memref<1000064xf32, #tpu.memory_space<vmem_shared>>) target(%dma_start3A_421 : memref<128xf32, #tpu.memory_space<vmem>>) offsets(%dma_start3A_423 : memref<128xi32, #tpu.memory_space<vmem>>) semaphore(%arg17 : memref<!tpu.dma_semaphore, #tpu.memory_space<semaphore_mem>>)
      %mul3A_426 = arith.constant 26 : i32
      %mul3A_427 = arith.muli %scan3A_19, %mul3A_426 : i32
      %add3A_428 = arith.constant 8 : i32
      %add3A_429 = arith.addi %mul3A_427, %add3A_428 : i32
      %jit3A_430 = arith.constant 4 : i32
      %div3A_431 = arith.divsi %add3A_429, %jit3A_430 : i32
      %sign3A_432 = arith.constant 0 : i32
      %sign3A_433 = arith.cmpi sgt, %add3A_429, %sign3A_432 : i32
      %sign3A_434 = arith.extui %sign3A_433 : i1 to i32
      %sign3A_435 = arith.constant 0 : i32
      %sign3A_436 = arith.cmpi slt, %add3A_429, %sign3A_435 : i32
      %sign3A_437 = arith.extui %sign3A_436 : i1 to i32
      %sign3A_438 = arith.subi %sign3A_434, %sign3A_437 : i32
      %sign3A_439 = arith.constant 0 : i32
      %sign3A_440 = arith.cmpi sgt, %jit3A_430, %sign3A_439 : i32
      %sign3A_441 = arith.extui %sign3A_440 : i1 to i32
      %sign3A_442 = arith.constant 0 : i32
      %sign3A_443 = arith.cmpi slt, %jit3A_430, %sign3A_442 : i32
      %sign3A_444 = arith.extui %sign3A_443 : i1 to i32
      %sign3A_445 = arith.subi %sign3A_441, %sign3A_444 : i32
      %ne3A_446 = arith.cmpi ne, %sign3A_438, %sign3A_445 : i32
      %rem3A_447 = arith.remsi %add3A_429, %jit3A_430 : i32
      %ne3A_448 = arith.constant 0 : i32
      %ne3A_449 = arith.cmpi ne, %rem3A_447, %ne3A_448 : i32
      %and3A_450 = arith.andi %ne3A_446, %ne3A_449 : i1
      %sub3A_451 = arith.constant 1 : i32
      %sub3A_452 = arith.subi %div3A_431, %sub3A_451 : i32
      %select_n3A_453 = arith.select %and3A_450, %sub3A_452, %div3A_431 : i32
      %jit3A_454 = arith.constant 4 : i32
      %eq3A_455 = arith.constant 0 : i32
      %eq3A_456 = arith.cmpi eq, %jit3A_454, %eq3A_455 : i32
      %jit3A_457 = arith.constant 1 : i32
      %select_n3A_458 = arith.select %eq3A_456, %jit3A_457, %jit3A_454 : i32
      %rem3A_459 = arith.remsi %add3A_429, %select_n3A_458 : i32
      %ne3A_460 = arith.constant 0 : i32
      %ne3A_461 = arith.cmpi ne, %rem3A_459, %ne3A_460 : i32
      %lt3A_462 = arith.constant 0 : i32
      %lt3A_463 = arith.cmpi slt, %rem3A_459, %lt3A_462 : i32
      %lt3A_464 = arith.constant 0 : i32
      %lt3A_465 = arith.cmpi slt, %select_n3A_458, %lt3A_464 : i32
      %ne3A_466 = arith.xori %lt3A_463, %lt3A_465 : i1
      %and3A_467 = arith.andi %ne3A_466, %ne3A_461 : i1
      %add3A_468 = arith.addi %rem3A_459, %select_n3A_458 : i32
      %select_n3A_469 = arith.select %and3A_467, %add3A_468, %rem3A_459 : i32
      %mul3A_470 = arith.constant 128 : i32
      %mul3A_471 = arith.muli %select_n3A_469, %mul3A_470 : i32
      %dma_start3A_472 = tpu.memref_slice %arg12[%select_n3A_453, %mul3A_471] : memref<26x512xf32, #tpu.memory_space<vmem>> -> memref<1x128xf32, #tpu.memory_space<vmem>>
      %dma_start3A_473 = tpu.memref_squeeze %dma_start3A_472 : memref<1x128xf32, #tpu.memory_space<vmem>> -> memref<128xf32, #tpu.memory_space<vmem>>
      %dma_start3A_474 = tpu.memref_slice %arg9[%select_n3A_453, %mul3A_471] : memref<26x512xi32, #tpu.memory_space<vmem>> -> memref<1x128xi32, #tpu.memory_space<vmem>>
      %dma_start3A_475 = tpu.memref_squeeze %dma_start3A_474 : memref<1x128xi32, #tpu.memory_space<vmem>> -> memref<128xi32, #tpu.memory_space<vmem>>
      %dma_start3A_476 = arith.constant 0 : i32
      %dma_start3A_477 = tpu.memref_slice %arg16[%dma_start3A_476] : memref<1000064xf32, #tpu.memory_space<vmem_shared>> -> memref<1000064xf32, #tpu.memory_space<vmem_shared>>
      tpu.enqueue_indirect_dma source(%dma_start3A_477 : memref<1000064xf32, #tpu.memory_space<vmem_shared>>) target(%dma_start3A_473 : memref<128xf32, #tpu.memory_space<vmem>>) offsets(%dma_start3A_475 : memref<128xi32, #tpu.memory_space<vmem>>) semaphore(%arg17 : memref<!tpu.dma_semaphore, #tpu.memory_space<semaphore_mem>>)
      %mul3A_478 = arith.constant 26 : i32
      %mul3A_479 = arith.muli %scan3A_19, %mul3A_478 : i32
      %add3A_480 = arith.constant 9 : i32
      %add3A_481 = arith.addi %mul3A_479, %add3A_480 : i32
      %jit3A_482 = arith.constant 4 : i32
      %div3A_483 = arith.divsi %add3A_481, %jit3A_482 : i32
      %sign3A_484 = arith.constant 0 : i32
      %sign3A_485 = arith.cmpi sgt, %add3A_481, %sign3A_484 : i32
      %sign3A_486 = arith.extui %sign3A_485 : i1 to i32
      %sign3A_487 = arith.constant 0 : i32
      %sign3A_488 = arith.cmpi slt, %add3A_481, %sign3A_487 : i32
      %sign3A_489 = arith.extui %sign3A_488 : i1 to i32
      %sign3A_490 = arith.subi %sign3A_486, %sign3A_489 : i32
      %sign3A_491 = arith.constant 0 : i32
      %sign3A_492 = arith.cmpi sgt, %jit3A_482, %sign3A_491 : i32
      %sign3A_493 = arith.extui %sign3A_492 : i1 to i32
      %sign3A_494 = arith.constant 0 : i32
      %sign3A_495 = arith.cmpi slt, %jit3A_482, %sign3A_494 : i32
      %sign3A_496 = arith.extui %sign3A_495 : i1 to i32
      %sign3A_497 = arith.subi %sign3A_493, %sign3A_496 : i32
      %ne3A_498 = arith.cmpi ne, %sign3A_490, %sign3A_497 : i32
      %rem3A_499 = arith.remsi %add3A_481, %jit3A_482 : i32
      %ne3A_500 = arith.constant 0 : i32
      %ne3A_501 = arith.cmpi ne, %rem3A_499, %ne3A_500 : i32
      %and3A_502 = arith.andi %ne3A_498, %ne3A_501 : i1
      %sub3A_503 = arith.constant 1 : i32
      %sub3A_504 = arith.subi %div3A_483, %sub3A_503 : i32
      %select_n3A_505 = arith.select %and3A_502, %sub3A_504, %div3A_483 : i32
      %jit3A_506 = arith.constant 4 : i32
      %eq3A_507 = arith.constant 0 : i32
      %eq3A_508 = arith.cmpi eq, %jit3A_506, %eq3A_507 : i32
      %jit3A_509 = arith.constant 1 : i32
      %select_n3A_510 = arith.select %eq3A_508, %jit3A_509, %jit3A_506 : i32
      %rem3A_511 = arith.remsi %add3A_481, %select_n3A_510 : i32
      %ne3A_512 = arith.constant 0 : i32
      %ne3A_513 = arith.cmpi ne, %rem3A_511, %ne3A_512 : i32
      %lt3A_514 = arith.constant 0 : i32
      %lt3A_515 = arith.cmpi slt, %rem3A_511, %lt3A_514 : i32
      %lt3A_516 = arith.constant 0 : i32
      %lt3A_517 = arith.cmpi slt, %select_n3A_510, %lt3A_516 : i32
      %ne3A_518 = arith.xori %lt3A_515, %lt3A_517 : i1
      %and3A_519 = arith.andi %ne3A_518, %ne3A_513 : i1
      %add3A_520 = arith.addi %rem3A_511, %select_n3A_510 : i32
      %select_n3A_521 = arith.select %and3A_519, %add3A_520, %rem3A_511 : i32
      %mul3A_522 = arith.constant 128 : i32
      %mul3A_523 = arith.muli %select_n3A_521, %mul3A_522 : i32
      %dma_start3A_524 = tpu.memref_slice %arg12[%select_n3A_505, %mul3A_523] : memref<26x512xf32, #tpu.memory_space<vmem>> -> memref<1x128xf32, #tpu.memory_space<vmem>>
      %dma_start3A_525 = tpu.memref_squeeze %dma_start3A_524 : memref<1x128xf32, #tpu.memory_space<vmem>> -> memref<128xf32, #tpu.memory_space<vmem>>
      %dma_start3A_526 = tpu.memref_slice %arg9[%select_n3A_505, %mul3A_523] : memref<26x512xi32, #tpu.memory_space<vmem>> -> memref<1x128xi32, #tpu.memory_space<vmem>>
      %dma_start3A_527 = tpu.memref_squeeze %dma_start3A_526 : memref<1x128xi32, #tpu.memory_space<vmem>> -> memref<128xi32, #tpu.memory_space<vmem>>
      %dma_start3A_528 = arith.constant 0 : i32
      %dma_start3A_529 = tpu.memref_slice %arg16[%dma_start3A_528] : memref<1000064xf32, #tpu.memory_space<vmem_shared>> -> memref<1000064xf32, #tpu.memory_space<vmem_shared>>
      tpu.enqueue_indirect_dma source(%dma_start3A_529 : memref<1000064xf32, #tpu.memory_space<vmem_shared>>) target(%dma_start3A_525 : memref<128xf32, #tpu.memory_space<vmem>>) offsets(%dma_start3A_527 : memref<128xi32, #tpu.memory_space<vmem>>) semaphore(%arg17 : memref<!tpu.dma_semaphore, #tpu.memory_space<semaphore_mem>>)
      %mul3A_530 = arith.constant 26 : i32
      %mul3A_531 = arith.muli %scan3A_19, %mul3A_530 : i32
      %add3A_532 = arith.constant 10 : i32
      %add3A_533 = arith.addi %mul3A_531, %add3A_532 : i32
      %jit3A_534 = arith.constant 4 : i32
      %div3A_535 = arith.divsi %add3A_533, %jit3A_534 : i32
      %sign3A_536 = arith.constant 0 : i32
      %sign3A_537 = arith.cmpi sgt, %add3A_533, %sign3A_536 : i32
      %sign3A_538 = arith.extui %sign3A_537 : i1 to i32
      %sign3A_539 = arith.constant 0 : i32
      %sign3A_540 = arith.cmpi slt, %add3A_533, %sign3A_539 : i32
      %sign3A_541 = arith.extui %sign3A_540 : i1 to i32
      %sign3A_542 = arith.subi %sign3A_538, %sign3A_541 : i32
      %sign3A_543 = arith.constant 0 : i32
      %sign3A_544 = arith.cmpi sgt, %jit3A_534, %sign3A_543 : i32
      %sign3A_545 = arith.extui %sign3A_544 : i1 to i32
      %sign3A_546 = arith.constant 0 : i32
      %sign3A_547 = arith.cmpi slt, %jit3A_534, %sign3A_546 : i32
      %sign3A_548 = arith.extui %sign3A_547 : i1 to i32
      %sign3A_549 = arith.subi %sign3A_545, %sign3A_548 : i32
      %ne3A_550 = arith.cmpi ne, %sign3A_542, %sign3A_549 : i32
      %rem3A_551 = arith.remsi %add3A_533, %jit3A_534 : i32
      %ne3A_552 = arith.constant 0 : i32
      %ne3A_553 = arith.cmpi ne, %rem3A_551, %ne3A_552 : i32
      %and3A_554 = arith.andi %ne3A_550, %ne3A_553 : i1
      %sub3A_555 = arith.constant 1 : i32
      %sub3A_556 = arith.subi %div3A_535, %sub3A_555 : i32
      %select_n3A_557 = arith.select %and3A_554, %sub3A_556, %div3A_535 : i32
      %jit3A_558 = arith.constant 4 : i32
      %eq3A_559 = arith.constant 0 : i32
      %eq3A_560 = arith.cmpi eq, %jit3A_558, %eq3A_559 : i32
      %jit3A_561 = arith.constant 1 : i32
      %select_n3A_562 = arith.select %eq3A_560, %jit3A_561, %jit3A_558 : i32
      %rem3A_563 = arith.remsi %add3A_533, %select_n3A_562 : i32
      %ne3A_564 = arith.constant 0 : i32
      %ne3A_565 = arith.cmpi ne, %rem3A_563, %ne3A_564 : i32
      %lt3A_566 = arith.constant 0 : i32
      %lt3A_567 = arith.cmpi slt, %rem3A_563, %lt3A_566 : i32
      %lt3A_568 = arith.constant 0 : i32
      %lt3A_569 = arith.cmpi slt, %select_n3A_562, %lt3A_568 : i32
      %ne3A_570 = arith.xori %lt3A_567, %lt3A_569 : i1
      %and3A_571 = arith.andi %ne3A_570, %ne3A_565 : i1
      %add3A_572 = arith.addi %rem3A_563, %select_n3A_562 : i32
      %select_n3A_573 = arith.select %and3A_571, %add3A_572, %rem3A_563 : i32
      %mul3A_574 = arith.constant 128 : i32
      %mul3A_575 = arith.muli %select_n3A_573, %mul3A_574 : i32
      %dma_start3A_576 = tpu.memref_slice %arg12[%select_n3A_557, %mul3A_575] : memref<26x512xf32, #tpu.memory_space<vmem>> -> memref<1x128xf32, #tpu.memory_space<vmem>>
      %dma_start3A_577 = tpu.memref_squeeze %dma_start3A_576 : memref<1x128xf32, #tpu.memory_space<vmem>> -> memref<128xf32, #tpu.memory_space<vmem>>
      %dma_start3A_578 = tpu.memref_slice %arg9[%select_n3A_557, %mul3A_575] : memref<26x512xi32, #tpu.memory_space<vmem>> -> memref<1x128xi32, #tpu.memory_space<vmem>>
      %dma_start3A_579 = tpu.memref_squeeze %dma_start3A_578 : memref<1x128xi32, #tpu.memory_space<vmem>> -> memref<128xi32, #tpu.memory_space<vmem>>
      %dma_start3A_580 = arith.constant 0 : i32
      %dma_start3A_581 = tpu.memref_slice %arg16[%dma_start3A_580] : memref<1000064xf32, #tpu.memory_space<vmem_shared>> -> memref<1000064xf32, #tpu.memory_space<vmem_shared>>
      tpu.enqueue_indirect_dma source(%dma_start3A_581 : memref<1000064xf32, #tpu.memory_space<vmem_shared>>) target(%dma_start3A_577 : memref<128xf32, #tpu.memory_space<vmem>>) offsets(%dma_start3A_579 : memref<128xi32, #tpu.memory_space<vmem>>) semaphore(%arg17 : memref<!tpu.dma_semaphore, #tpu.memory_space<semaphore_mem>>)
      %mul3A_582 = arith.constant 26 : i32
      %mul3A_583 = arith.muli %scan3A_19, %mul3A_582 : i32
      %add3A_584 = arith.constant 11 : i32
      %add3A_585 = arith.addi %mul3A_583, %add3A_584 : i32
      %jit3A_586 = arith.constant 4 : i32
      %div3A_587 = arith.divsi %add3A_585, %jit3A_586 : i32
      %sign3A_588 = arith.constant 0 : i32
      %sign3A_589 = arith.cmpi sgt, %add3A_585, %sign3A_588 : i32
      %sign3A_590 = arith.extui %sign3A_589 : i1 to i32
      %sign3A_591 = arith.constant 0 : i32
      %sign3A_592 = arith.cmpi slt, %add3A_585, %sign3A_591 : i32
      %sign3A_593 = arith.extui %sign3A_592 : i1 to i32
      %sign3A_594 = arith.subi %sign3A_590, %sign3A_593 : i32
      %sign3A_595 = arith.constant 0 : i32
      %sign3A_596 = arith.cmpi sgt, %jit3A_586, %sign3A_595 : i32
      %sign3A_597 = arith.extui %sign3A_596 : i1 to i32
      %sign3A_598 = arith.constant 0 : i32
      %sign3A_599 = arith.cmpi slt, %jit3A_586, %sign3A_598 : i32
      %sign3A_600 = arith.extui %sign3A_599 : i1 to i32
      %sign3A_601 = arith.subi %sign3A_597, %sign3A_600 : i32
      %ne3A_602 = arith.cmpi ne, %sign3A_594, %sign3A_601 : i32
      %rem3A_603 = arith.remsi %add3A_585, %jit3A_586 : i32
      %ne3A_604 = arith.constant 0 : i32
      %ne3A_605 = arith.cmpi ne, %rem3A_603, %ne3A_604 : i32
      %and3A_606 = arith.andi %ne3A_602, %ne3A_605 : i1
      %sub3A_607 = arith.constant 1 : i32
      %sub3A_608 = arith.subi %div3A_587, %sub3A_607 : i32
      %select_n3A_609 = arith.select %and3A_606, %sub3A_608, %div3A_587 : i32
      %jit3A_610 = arith.constant 4 : i32
      %eq3A_611 = arith.constant 0 : i32
      %eq3A_612 = arith.cmpi eq, %jit3A_610, %eq3A_611 : i32
      %jit3A_613 = arith.constant 1 : i32
      %select_n3A_614 = arith.select %eq3A_612, %jit3A_613, %jit3A_610 : i32
      %rem3A_615 = arith.remsi %add3A_585, %select_n3A_614 : i32
      %ne3A_616 = arith.constant 0 : i32
      %ne3A_617 = arith.cmpi ne, %rem3A_615, %ne3A_616 : i32
      %lt3A_618 = arith.constant 0 : i32
      %lt3A_619 = arith.cmpi slt, %rem3A_615, %lt3A_618 : i32
      %lt3A_620 = arith.constant 0 : i32
      %lt3A_621 = arith.cmpi slt, %select_n3A_614, %lt3A_620 : i32
      %ne3A_622 = arith.xori %lt3A_619, %lt3A_621 : i1
      %and3A_623 = arith.andi %ne3A_622, %ne3A_617 : i1
      %add3A_624 = arith.addi %rem3A_615, %select_n3A_614 : i32
      %select_n3A_625 = arith.select %and3A_623, %add3A_624, %rem3A_615 : i32
      %mul3A_626 = arith.constant 128 : i32
      %mul3A_627 = arith.muli %select_n3A_625, %mul3A_626 : i32
      %dma_start3A_628 = tpu.memref_slice %arg12[%select_n3A_609, %mul3A_627] : memref<26x512xf32, #tpu.memory_space<vmem>> -> memref<1x128xf32, #tpu.memory_space<vmem>>
      %dma_start3A_629 = tpu.memref_squeeze %dma_start3A_628 : memref<1x128xf32, #tpu.memory_space<vmem>> -> memref<128xf32, #tpu.memory_space<vmem>>
      %dma_start3A_630 = tpu.memref_slice %arg9[%select_n3A_609, %mul3A_627] : memref<26x512xi32, #tpu.memory_space<vmem>> -> memref<1x128xi32, #tpu.memory_space<vmem>>
      %dma_start3A_631 = tpu.memref_squeeze %dma_start3A_630 : memref<1x128xi32, #tpu.memory_space<vmem>> -> memref<128xi32, #tpu.memory_space<vmem>>
      %dma_start3A_632 = arith.constant 0 : i32
      %dma_start3A_633 = tpu.memref_slice %arg16[%dma_start3A_632] : memref<1000064xf32, #tpu.memory_space<vmem_shared>> -> memref<1000064xf32, #tpu.memory_space<vmem_shared>>
      tpu.enqueue_indirect_dma source(%dma_start3A_633 : memref<1000064xf32, #tpu.memory_space<vmem_shared>>) target(%dma_start3A_629 : memref<128xf32, #tpu.memory_space<vmem>>) offsets(%dma_start3A_631 : memref<128xi32, #tpu.memory_space<vmem>>) semaphore(%arg17 : memref<!tpu.dma_semaphore, #tpu.memory_space<semaphore_mem>>)
      %mul3A_634 = arith.constant 26 : i32
      %mul3A_635 = arith.muli %scan3A_19, %mul3A_634 : i32
      %add3A_636 = arith.constant 12 : i32
      %add3A_637 = arith.addi %mul3A_635, %add3A_636 : i32
      %jit3A_638 = arith.constant 4 : i32
      %div3A_639 = arith.divsi %add3A_637, %jit3A_638 : i32
      %sign3A_640 = arith.constant 0 : i32
      %sign3A_641 = arith.cmpi sgt, %add3A_637, %sign3A_640 : i32
      %sign3A_642 = arith.extui %sign3A_641 : i1 to i32
      %sign3A_643 = arith.constant 0 : i32
      %sign3A_644 = arith.cmpi slt, %add3A_637, %sign3A_643 : i32
      %sign3A_645 = arith.extui %sign3A_644 : i1 to i32
      %sign3A_646 = arith.subi %sign3A_642, %sign3A_645 : i32
      %sign3A_647 = arith.constant 0 : i32
      %sign3A_648 = arith.cmpi sgt, %jit3A_638, %sign3A_647 : i32
      %sign3A_649 = arith.extui %sign3A_648 : i1 to i32
      %sign3A_650 = arith.constant 0 : i32
      %sign3A_651 = arith.cmpi slt, %jit3A_638, %sign3A_650 : i32
      %sign3A_652 = arith.extui %sign3A_651 : i1 to i32
      %sign3A_653 = arith.subi %sign3A_649, %sign3A_652 : i32
      %ne3A_654 = arith.cmpi ne, %sign3A_646, %sign3A_653 : i32
      %rem3A_655 = arith.remsi %add3A_637, %jit3A_638 : i32
      %ne3A_656 = arith.constant 0 : i32
      %ne3A_657 = arith.cmpi ne, %rem3A_655, %ne3A_656 : i32
      %and3A_658 = arith.andi %ne3A_654, %ne3A_657 : i1
      %sub3A_659 = arith.constant 1 : i32
      %sub3A_660 = arith.subi %div3A_639, %sub3A_659 : i32
      %select_n3A_661 = arith.select %and3A_658, %sub3A_660, %div3A_639 : i32
      %jit3A_662 = arith.constant 4 : i32
      %eq3A_663 = arith.constant 0 : i32
      %eq3A_664 = arith.cmpi eq, %jit3A_662, %eq3A_663 : i32
      %jit3A_665 = arith.constant 1 : i32
      %select_n3A_666 = arith.select %eq3A_664, %jit3A_665, %jit3A_662 : i32
      %rem3A_667 = arith.remsi %add3A_637, %select_n3A_666 : i32
      %ne3A_668 = arith.constant 0 : i32
      %ne3A_669 = arith.cmpi ne, %rem3A_667, %ne3A_668 : i32
      %lt3A_670 = arith.constant 0 : i32
      %lt3A_671 = arith.cmpi slt, %rem3A_667, %lt3A_670 : i32
      %lt3A_672 = arith.constant 0 : i32
      %lt3A_673 = arith.cmpi slt, %select_n3A_666, %lt3A_672 : i32
      %ne3A_674 = arith.xori %lt3A_671, %lt3A_673 : i1
      %and3A_675 = arith.andi %ne3A_674, %ne3A_669 : i1
      %add3A_676 = arith.addi %rem3A_667, %select_n3A_666 : i32
      %select_n3A_677 = arith.select %and3A_675, %add3A_676, %rem3A_667 : i32
      %mul3A_678 = arith.constant 128 : i32
      %mul3A_679 = arith.muli %select_n3A_677, %mul3A_678 : i32
      %dma_start3A_680 = tpu.memref_slice %arg12[%select_n3A_661, %mul3A_679] : memref<26x512xf32, #tpu.memory_space<vmem>> -> memref<1x128xf32, #tpu.memory_space<vmem>>
      %dma_start3A_681 = tpu.memref_squeeze %dma_start3A_680 : memref<1x128xf32, #tpu.memory_space<vmem>> -> memref<128xf32, #tpu.memory_space<vmem>>
      %dma_start3A_682 = tpu.memref_slice %arg9[%select_n3A_661, %mul3A_679] : memref<26x512xi32, #tpu.memory_space<vmem>> -> memref<1x128xi32, #tpu.memory_space<vmem>>
      %dma_start3A_683 = tpu.memref_squeeze %dma_start3A_682 : memref<1x128xi32, #tpu.memory_space<vmem>> -> memref<128xi32, #tpu.memory_space<vmem>>
      %dma_start3A_684 = arith.constant 0 : i32
      %dma_start3A_685 = tpu.memref_slice %arg16[%dma_start3A_684] : memref<1000064xf32, #tpu.memory_space<vmem_shared>> -> memref<1000064xf32, #tpu.memory_space<vmem_shared>>
      tpu.enqueue_indirect_dma source(%dma_start3A_685 : memref<1000064xf32, #tpu.memory_space<vmem_shared>>) target(%dma_start3A_681 : memref<128xf32, #tpu.memory_space<vmem>>) offsets(%dma_start3A_683 : memref<128xi32, #tpu.memory_space<vmem>>) semaphore(%arg17 : memref<!tpu.dma_semaphore, #tpu.memory_space<semaphore_mem>>)
      %mul3A_686 = arith.constant 26 : i32
      %mul3A_687 = arith.muli %scan3A_19, %mul3A_686 : i32
      %add3A_688 = arith.constant 13 : i32
      %add3A_689 = arith.addi %mul3A_687, %add3A_688 : i32
      %jit3A_690 = arith.constant 4 : i32
      %div3A_691 = arith.divsi %add3A_689, %jit3A_690 : i32
      %sign3A_692 = arith.constant 0 : i32
      %sign3A_693 = arith.cmpi sgt, %add3A_689, %sign3A_692 : i32
      %sign3A_694 = arith.extui %sign3A_693 : i1 to i32
      %sign3A_695 = arith.constant 0 : i32
      %sign3A_696 = arith.cmpi slt, %add3A_689, %sign3A_695 : i32
      %sign3A_697 = arith.extui %sign3A_696 : i1 to i32
      %sign3A_698 = arith.subi %sign3A_694, %sign3A_697 : i32
      %sign3A_699 = arith.constant 0 : i32
      %sign3A_700 = arith.cmpi sgt, %jit3A_690, %sign3A_699 : i32
      %sign3A_701 = arith.extui %sign3A_700 : i1 to i32
      %sign3A_702 = arith.constant 0 : i32
      %sign3A_703 = arith.cmpi slt, %jit3A_690, %sign3A_702 : i32
      %sign3A_704 = arith.extui %sign3A_703 : i1 to i32
      %sign3A_705 = arith.subi %sign3A_701, %sign3A_704 : i32
      %ne3A_706 = arith.cmpi ne, %sign3A_698, %sign3A_705 : i32
      %rem3A_707 = arith.remsi %add3A_689, %jit3A_690 : i32
      %ne3A_708 = arith.constant 0 : i32
      %ne3A_709 = arith.cmpi ne, %rem3A_707, %ne3A_708 : i32
      %and3A_710 = arith.andi %ne3A_706, %ne3A_709 : i1
      %sub3A_711 = arith.constant 1 : i32
      %sub3A_712 = arith.subi %div3A_691, %sub3A_711 : i32
      %select_n3A_713 = arith.select %and3A_710, %sub3A_712, %div3A_691 : i32
      %jit3A_714 = arith.constant 4 : i32
      %eq3A_715 = arith.constant 0 : i32
      %eq3A_716 = arith.cmpi eq, %jit3A_714, %eq3A_715 : i32
      %jit3A_717 = arith.constant 1 : i32
      %select_n3A_718 = arith.select %eq3A_716, %jit3A_717, %jit3A_714 : i32
      %rem3A_719 = arith.remsi %add3A_689, %select_n3A_718 : i32
      %ne3A_720 = arith.constant 0 : i32
      %ne3A_721 = arith.cmpi ne, %rem3A_719, %ne3A_720 : i32
      %lt3A_722 = arith.constant 0 : i32
      %lt3A_723 = arith.cmpi slt, %rem3A_719, %lt3A_722 : i32
      %lt3A_724 = arith.constant 0 : i32
      %lt3A_725 = arith.cmpi slt, %select_n3A_718, %lt3A_724 : i32
      %ne3A_726 = arith.xori %lt3A_723, %lt3A_725 : i1
      %and3A_727 = arith.andi %ne3A_726, %ne3A_721 : i1
      %add3A_728 = arith.addi %rem3A_719, %select_n3A_718 : i32
      %select_n3A_729 = arith.select %and3A_727, %add3A_728, %rem3A_719 : i32
      %mul3A_730 = arith.constant 128 : i32
      %mul3A_731 = arith.muli %select_n3A_729, %mul3A_730 : i32
      %dma_start3A_732 = tpu.memref_slice %arg12[%select_n3A_713, %mul3A_731] : memref<26x512xf32, #tpu.memory_space<vmem>> -> memref<1x128xf32, #tpu.memory_space<vmem>>
      %dma_start3A_733 = tpu.memref_squeeze %dma_start3A_732 : memref<1x128xf32, #tpu.memory_space<vmem>> -> memref<128xf32, #tpu.memory_space<vmem>>
      %dma_start3A_734 = tpu.memref_slice %arg9[%select_n3A_713, %mul3A_731] : memref<26x512xi32, #tpu.memory_space<vmem>> -> memref<1x128xi32, #tpu.memory_space<vmem>>
      %dma_start3A_735 = tpu.memref_squeeze %dma_start3A_734 : memref<1x128xi32, #tpu.memory_space<vmem>> -> memref<128xi32, #tpu.memory_space<vmem>>
      %dma_start3A_736 = arith.constant 0 : i32
      %dma_start3A_737 = tpu.memref_slice %arg16[%dma_start3A_736] : memref<1000064xf32, #tpu.memory_space<vmem_shared>> -> memref<1000064xf32, #tpu.memory_space<vmem_shared>>
      tpu.enqueue_indirect_dma source(%dma_start3A_737 : memref<1000064xf32, #tpu.memory_space<vmem_shared>>) target(%dma_start3A_733 : memref<128xf32, #tpu.memory_space<vmem>>) offsets(%dma_start3A_735 : memref<128xi32, #tpu.memory_space<vmem>>) semaphore(%arg17 : memref<!tpu.dma_semaphore, #tpu.memory_space<semaphore_mem>>)
      %mul3A_738 = arith.constant 26 : i32
      %mul3A_739 = arith.muli %scan3A_19, %mul3A_738 : i32
      %add3A_740 = arith.constant 14 : i32
      %add3A_741 = arith.addi %mul3A_739, %add3A_740 : i32
      %jit3A_742 = arith.constant 4 : i32
      %div3A_743 = arith.divsi %add3A_741, %jit3A_742 : i32
      %sign3A_744 = arith.constant 0 : i32
      %sign3A_745 = arith.cmpi sgt, %add3A_741, %sign3A_744 : i32
      %sign3A_746 = arith.extui %sign3A_745 : i1 to i32
      %sign3A_747 = arith.constant 0 : i32
      %sign3A_748 = arith.cmpi slt, %add3A_741, %sign3A_747 : i32
      %sign3A_749 = arith.extui %sign3A_748 : i1 to i32
      %sign3A_750 = arith.subi %sign3A_746, %sign3A_749 : i32
      %sign3A_751 = arith.constant 0 : i32
      %sign3A_752 = arith.cmpi sgt, %jit3A_742, %sign3A_751 : i32
      %sign3A_753 = arith.extui %sign3A_752 : i1 to i32
      %sign3A_754 = arith.constant 0 : i32
      %sign3A_755 = arith.cmpi slt, %jit3A_742, %sign3A_754 : i32
      %sign3A_756 = arith.extui %sign3A_755 : i1 to i32
      %sign3A_757 = arith.subi %sign3A_753, %sign3A_756 : i32
      %ne3A_758 = arith.cmpi ne, %sign3A_750, %sign3A_757 : i32
      %rem3A_759 = arith.remsi %add3A_741, %jit3A_742 : i32
      %ne3A_760 = arith.constant 0 : i32
      %ne3A_761 = arith.cmpi ne, %rem3A_759, %ne3A_760 : i32
      %and3A_762 = arith.andi %ne3A_758, %ne3A_761 : i1
      %sub3A_763 = arith.constant 1 : i32
      %sub3A_764 = arith.subi %div3A_743, %sub3A_763 : i32
      %select_n3A_765 = arith.select %and3A_762, %sub3A_764, %div3A_743 : i32
      %jit3A_766 = arith.constant 4 : i32
      %eq3A_767 = arith.constant 0 : i32
      %eq3A_768 = arith.cmpi eq, %jit3A_766, %eq3A_767 : i32
      %jit3A_769 = arith.constant 1 : i32
      %select_n3A_770 = arith.select %eq3A_768, %jit3A_769, %jit3A_766 : i32
      %rem3A_771 = arith.remsi %add3A_741, %select_n3A_770 : i32
      %ne3A_772 = arith.constant 0 : i32
      %ne3A_773 = arith.cmpi ne, %rem3A_771, %ne3A_772 : i32
      %lt3A_774 = arith.constant 0 : i32
      %lt3A_775 = arith.cmpi slt, %rem3A_771, %lt3A_774 : i32
      %lt3A_776 = arith.constant 0 : i32
      %lt3A_777 = arith.cmpi slt, %select_n3A_770, %lt3A_776 : i32
      %ne3A_778 = arith.xori %lt3A_775, %lt3A_777 : i1
      %and3A_779 = arith.andi %ne3A_778, %ne3A_773 : i1
      %add3A_780 = arith.addi %rem3A_771, %select_n3A_770 : i32
      %select_n3A_781 = arith.select %and3A_779, %add3A_780, %rem3A_771 : i32
      %mul3A_782 = arith.constant 128 : i32
      %mul3A_783 = arith.muli %select_n3A_781, %mul3A_782 : i32
      %dma_start3A_784 = tpu.memref_slice %arg12[%select_n3A_765, %mul3A_783] : memref<26x512xf32, #tpu.memory_space<vmem>> -> memref<1x128xf32, #tpu.memory_space<vmem>>
      %dma_start3A_785 = tpu.memref_squeeze %dma_start3A_784 : memref<1x128xf32, #tpu.memory_space<vmem>> -> memref<128xf32, #tpu.memory_space<vmem>>
      %dma_start3A_786 = tpu.memref_slice %arg9[%select_n3A_765, %mul3A_783] : memref<26x512xi32, #tpu.memory_space<vmem>> -> memref<1x128xi32, #tpu.memory_space<vmem>>
      %dma_start3A_787 = tpu.memref_squeeze %dma_start3A_786 : memref<1x128xi32, #tpu.memory_space<vmem>> -> memref<128xi32, #tpu.memory_space<vmem>>
      %dma_start3A_788 = arith.constant 0 : i32
      %dma_start3A_789 = tpu.memref_slice %arg16[%dma_start3A_788] : memref<1000064xf32, #tpu.memory_space<vmem_shared>> -> memref<1000064xf32, #tpu.memory_space<vmem_shared>>
      tpu.enqueue_indirect_dma source(%dma_start3A_789 : memref<1000064xf32, #tpu.memory_space<vmem_shared>>) target(%dma_start3A_785 : memref<128xf32, #tpu.memory_space<vmem>>) offsets(%dma_start3A_787 : memref<128xi32, #tpu.memory_space<vmem>>) semaphore(%arg17 : memref<!tpu.dma_semaphore, #tpu.memory_space<semaphore_mem>>)
      %mul3A_790 = arith.constant 26 : i32
      %mul3A_791 = arith.muli %scan3A_19, %mul3A_790 : i32
      %add3A_792 = arith.constant 15 : i32
      %add3A_793 = arith.addi %mul3A_791, %add3A_792 : i32
      %jit3A_794 = arith.constant 4 : i32
      %div3A_795 = arith.divsi %add3A_793, %jit3A_794 : i32
      %sign3A_796 = arith.constant 0 : i32
      %sign3A_797 = arith.cmpi sgt, %add3A_793, %sign3A_796 : i32
      %sign3A_798 = arith.extui %sign3A_797 : i1 to i32
      %sign3A_799 = arith.constant 0 : i32
      %sign3A_800 = arith.cmpi slt, %add3A_793, %sign3A_799 : i32
      %sign3A_801 = arith.extui %sign3A_800 : i1 to i32
      %sign3A_802 = arith.subi %sign3A_798, %sign3A_801 : i32
      %sign3A_803 = arith.constant 0 : i32
      %sign3A_804 = arith.cmpi sgt, %jit3A_794, %sign3A_803 : i32
      %sign3A_805 = arith.extui %sign3A_804 : i1 to i32
      %sign3A_806 = arith.constant 0 : i32
      %sign3A_807 = arith.cmpi slt, %jit3A_794, %sign3A_806 : i32
      %sign3A_808 = arith.extui %sign3A_807 : i1 to i32
      %sign3A_809 = arith.subi %sign3A_805, %sign3A_808 : i32
      %ne3A_810 = arith.cmpi ne, %sign3A_802, %sign3A_809 : i32
      %rem3A_811 = arith.remsi %add3A_793, %jit3A_794 : i32
      %ne3A_812 = arith.constant 0 : i32
      %ne3A_813 = arith.cmpi ne, %rem3A_811, %ne3A_812 : i32
      %and3A_814 = arith.andi %ne3A_810, %ne3A_813 : i1
      %sub3A_815 = arith.constant 1 : i32
      %sub3A_816 = arith.subi %div3A_795, %sub3A_815 : i32
      %select_n3A_817 = arith.select %and3A_814, %sub3A_816, %div3A_795 : i32
      %jit3A_818 = arith.constant 4 : i32
      %eq3A_819 = arith.constant 0 : i32
      %eq3A_820 = arith.cmpi eq, %jit3A_818, %eq3A_819 : i32
      %jit3A_821 = arith.constant 1 : i32
      %select_n3A_822 = arith.select %eq3A_820, %jit3A_821, %jit3A_818 : i32
      %rem3A_823 = arith.remsi %add3A_793, %select_n3A_822 : i32
      %ne3A_824 = arith.constant 0 : i32
      %ne3A_825 = arith.cmpi ne, %rem3A_823, %ne3A_824 : i32
      %lt3A_826 = arith.constant 0 : i32
      %lt3A_827 = arith.cmpi slt, %rem3A_823, %lt3A_826 : i32
      %lt3A_828 = arith.constant 0 : i32
      %lt3A_829 = arith.cmpi slt, %select_n3A_822, %lt3A_828 : i32
      %ne3A_830 = arith.xori %lt3A_827, %lt3A_829 : i1
      %and3A_831 = arith.andi %ne3A_830, %ne3A_825 : i1
      %add3A_832 = arith.addi %rem3A_823, %select_n3A_822 : i32
      %select_n3A_833 = arith.select %and3A_831, %add3A_832, %rem3A_823 : i32
      %mul3A_834 = arith.constant 128 : i32
      %mul3A_835 = arith.muli %select_n3A_833, %mul3A_834 : i32
      %dma_start3A_836 = tpu.memref_slice %arg12[%select_n3A_817, %mul3A_835] : memref<26x512xf32, #tpu.memory_space<vmem>> -> memref<1x128xf32, #tpu.memory_space<vmem>>
      %dma_start3A_837 = tpu.memref_squeeze %dma_start3A_836 : memref<1x128xf32, #tpu.memory_space<vmem>> -> memref<128xf32, #tpu.memory_space<vmem>>
      %dma_start3A_838 = tpu.memref_slice %arg9[%select_n3A_817, %mul3A_835] : memref<26x512xi32, #tpu.memory_space<vmem>> -> memref<1x128xi32, #tpu.memory_space<vmem>>
      %dma_start3A_839 = tpu.memref_squeeze %dma_start3A_838 : memref<1x128xi32, #tpu.memory_space<vmem>> -> memref<128xi32, #tpu.memory_space<vmem>>
      %dma_start3A_840 = arith.constant 0 : i32
      %dma_start3A_841 = tpu.memref_slice %arg16[%dma_start3A_840] : memref<1000064xf32, #tpu.memory_space<vmem_shared>> -> memref<1000064xf32, #tpu.memory_space<vmem_shared>>
      tpu.enqueue_indirect_dma source(%dma_start3A_841 : memref<1000064xf32, #tpu.memory_space<vmem_shared>>) target(%dma_start3A_837 : memref<128xf32, #tpu.memory_space<vmem>>) offsets(%dma_start3A_839 : memref<128xi32, #tpu.memory_space<vmem>>) semaphore(%arg17 : memref<!tpu.dma_semaphore, #tpu.memory_space<semaphore_mem>>)
      %mul3A_842 = arith.constant 26 : i32
      %mul3A_843 = arith.muli %scan3A_19, %mul3A_842 : i32
      %add3A_844 = arith.constant 16 : i32
      %add3A_845 = arith.addi %mul3A_843, %add3A_844 : i32
      %jit3A_846 = arith.constant 4 : i32
      %div3A_847 = arith.divsi %add3A_845, %jit3A_846 : i32
      %sign3A_848 = arith.constant 0 : i32
      %sign3A_849 = arith.cmpi sgt, %add3A_845, %sign3A_848 : i32
      %sign3A_850 = arith.extui %sign3A_849 : i1 to i32
      %sign3A_851 = arith.constant 0 : i32
      %sign3A_852 = arith.cmpi slt, %add3A_845, %sign3A_851 : i32
      %sign3A_853 = arith.extui %sign3A_852 : i1 to i32
      %sign3A_854 = arith.subi %sign3A_850, %sign3A_853 : i32
      %sign3A_855 = arith.constant 0 : i32
      %sign3A_856 = arith.cmpi sgt, %jit3A_846, %sign3A_855 : i32
      %sign3A_857 = arith.extui %sign3A_856 : i1 to i32
      %sign3A_858 = arith.constant 0 : i32
      %sign3A_859 = arith.cmpi slt, %jit3A_846, %sign3A_858 : i32
      %sign3A_860 = arith.extui %sign3A_859 : i1 to i32
      %sign3A_861 = arith.subi %sign3A_857, %sign3A_860 : i32
      %ne3A_862 = arith.cmpi ne, %sign3A_854, %sign3A_861 : i32
      %rem3A_863 = arith.remsi %add3A_845, %jit3A_846 : i32
      %ne3A_864 = arith.constant 0 : i32
      %ne3A_865 = arith.cmpi ne, %rem3A_863, %ne3A_864 : i32
      %and3A_866 = arith.andi %ne3A_862, %ne3A_865 : i1
      %sub3A_867 = arith.constant 1 : i32
      %sub3A_868 = arith.subi %div3A_847, %sub3A_867 : i32
      %select_n3A_869 = arith.select %and3A_866, %sub3A_868, %div3A_847 : i32
      %jit3A_870 = arith.constant 4 : i32
      %eq3A_871 = arith.constant 0 : i32
      %eq3A_872 = arith.cmpi eq, %jit3A_870, %eq3A_871 : i32
      %jit3A_873 = arith.constant 1 : i32
      %select_n3A_874 = arith.select %eq3A_872, %jit3A_873, %jit3A_870 : i32
      %rem3A_875 = arith.remsi %add3A_845, %select_n3A_874 : i32
      %ne3A_876 = arith.constant 0 : i32
      %ne3A_877 = arith.cmpi ne, %rem3A_875, %ne3A_876 : i32
      %lt3A_878 = arith.constant 0 : i32
      %lt3A_879 = arith.cmpi slt, %rem3A_875, %lt3A_878 : i32
      %lt3A_880 = arith.constant 0 : i32
      %lt3A_881 = arith.cmpi slt, %select_n3A_874, %lt3A_880 : i32
      %ne3A_882 = arith.xori %lt3A_879, %lt3A_881 : i1
      %and3A_883 = arith.andi %ne3A_882, %ne3A_877 : i1
      %add3A_884 = arith.addi %rem3A_875, %select_n3A_874 : i32
      %select_n3A_885 = arith.select %and3A_883, %add3A_884, %rem3A_875 : i32
      %mul3A_886 = arith.constant 128 : i32
      %mul3A_887 = arith.muli %select_n3A_885, %mul3A_886 : i32
      %dma_start3A_888 = tpu.memref_slice %arg12[%select_n3A_869, %mul3A_887] : memref<26x512xf32, #tpu.memory_space<vmem>> -> memref<1x128xf32, #tpu.memory_space<vmem>>
      %dma_start3A_889 = tpu.memref_squeeze %dma_start3A_888 : memref<1x128xf32, #tpu.memory_space<vmem>> -> memref<128xf32, #tpu.memory_space<vmem>>
      %dma_start3A_890 = tpu.memref_slice %arg9[%select_n3A_869, %mul3A_887] : memref<26x512xi32, #tpu.memory_space<vmem>> -> memref<1x128xi32, #tpu.memory_space<vmem>>
      %dma_start3A_891 = tpu.memref_squeeze %dma_start3A_890 : memref<1x128xi32, #tpu.memory_space<vmem>> -> memref<128xi32, #tpu.memory_space<vmem>>
      %dma_start3A_892 = arith.constant 0 : i32
      %dma_start3A_893 = tpu.memref_slice %arg16[%dma_start3A_892] : memref<1000064xf32, #tpu.memory_space<vmem_shared>> -> memref<1000064xf32, #tpu.memory_space<vmem_shared>>
      tpu.enqueue_indirect_dma source(%dma_start3A_893 : memref<1000064xf32, #tpu.memory_space<vmem_shared>>) target(%dma_start3A_889 : memref<128xf32, #tpu.memory_space<vmem>>) offsets(%dma_start3A_891 : memref<128xi32, #tpu.memory_space<vmem>>) semaphore(%arg17 : memref<!tpu.dma_semaphore, #tpu.memory_space<semaphore_mem>>)
      %mul3A_894 = arith.constant 26 : i32
      %mul3A_895 = arith.muli %scan3A_19, %mul3A_894 : i32
      %add3A_896 = arith.constant 17 : i32
      %add3A_897 = arith.addi %mul3A_895, %add3A_896 : i32
      %jit3A_898 = arith.constant 4 : i32
      %div3A_899 = arith.divsi %add3A_897, %jit3A_898 : i32
      %sign3A_900 = arith.constant 0 : i32
      %sign3A_901 = arith.cmpi sgt, %add3A_897, %sign3A_900 : i32
      %sign3A_902 = arith.extui %sign3A_901 : i1 to i32
      %sign3A_903 = arith.constant 0 : i32
      %sign3A_904 = arith.cmpi slt, %add3A_897, %sign3A_903 : i32
      %sign3A_905 = arith.extui %sign3A_904 : i1 to i32
      %sign3A_906 = arith.subi %sign3A_902, %sign3A_905 : i32
      %sign3A_907 = arith.constant 0 : i32
      %sign3A_908 = arith.cmpi sgt, %jit3A_898, %sign3A_907 : i32
      %sign3A_909 = arith.extui %sign3A_908 : i1 to i32
      %sign3A_910 = arith.constant 0 : i32
      %sign3A_911 = arith.cmpi slt, %jit3A_898, %sign3A_910 : i32
      %sign3A_912 = arith.extui %sign3A_911 : i1 to i32
      %sign3A_913 = arith.subi %sign3A_909, %sign3A_912 : i32
      %ne3A_914 = arith.cmpi ne, %sign3A_906, %sign3A_913 : i32
      %rem3A_915 = arith.remsi %add3A_897, %jit3A_898 : i32
      %ne3A_916 = arith.constant 0 : i32
      %ne3A_917 = arith.cmpi ne, %rem3A_915, %ne3A_916 : i32
      %and3A_918 = arith.andi %ne3A_914, %ne3A_917 : i1
      %sub3A_919 = arith.constant 1 : i32
      %sub3A_920 = arith.subi %div3A_899, %sub3A_919 : i32
      %select_n3A_921 = arith.select %and3A_918, %sub3A_920, %div3A_899 : i32
      %jit3A_922 = arith.constant 4 : i32
      %eq3A_923 = arith.constant 0 : i32
      %eq3A_924 = arith.cmpi eq, %jit3A_922, %eq3A_923 : i32
      %jit3A_925 = arith.constant 1 : i32
      %select_n3A_926 = arith.select %eq3A_924, %jit3A_925, %jit3A_922 : i32
      %rem3A_927 = arith.remsi %add3A_897, %select_n3A_926 : i32
      %ne3A_928 = arith.constant 0 : i32
      %ne3A_929 = arith.cmpi ne, %rem3A_927, %ne3A_928 : i32
      %lt3A_930 = arith.constant 0 : i32
      %lt3A_931 = arith.cmpi slt, %rem3A_927, %lt3A_930 : i32
      %lt3A_932 = arith.constant 0 : i32
      %lt3A_933 = arith.cmpi slt, %select_n3A_926, %lt3A_932 : i32
      %ne3A_934 = arith.xori %lt3A_931, %lt3A_933 : i1
      %and3A_935 = arith.andi %ne3A_934, %ne3A_929 : i1
      %add3A_936 = arith.addi %rem3A_927, %select_n3A_926 : i32
      %select_n3A_937 = arith.select %and3A_935, %add3A_936, %rem3A_927 : i32
      %mul3A_938 = arith.constant 128 : i32
      %mul3A_939 = arith.muli %select_n3A_937, %mul3A_938 : i32
      %dma_start3A_940 = tpu.memref_slice %arg12[%select_n3A_921, %mul3A_939] : memref<26x512xf32, #tpu.memory_space<vmem>> -> memref<1x128xf32, #tpu.memory_space<vmem>>
      %dma_start3A_941 = tpu.memref_squeeze %dma_start3A_940 : memref<1x128xf32, #tpu.memory_space<vmem>> -> memref<128xf32, #tpu.memory_space<vmem>>
      %dma_start3A_942 = tpu.memref_slice %arg9[%select_n3A_921, %mul3A_939] : memref<26x512xi32, #tpu.memory_space<vmem>> -> memref<1x128xi32, #tpu.memory_space<vmem>>
      %dma_start3A_943 = tpu.memref_squeeze %dma_start3A_942 : memref<1x128xi32, #tpu.memory_space<vmem>> -> memref<128xi32, #tpu.memory_space<vmem>>
      %dma_start3A_944 = arith.constant 0 : i32
      %dma_start3A_945 = tpu.memref_slice %arg16[%dma_start3A_944] : memref<1000064xf32, #tpu.memory_space<vmem_shared>> -> memref<1000064xf32, #tpu.memory_space<vmem_shared>>
      tpu.enqueue_indirect_dma source(%dma_start3A_945 : memref<1000064xf32, #tpu.memory_space<vmem_shared>>) target(%dma_start3A_941 : memref<128xf32, #tpu.memory_space<vmem>>) offsets(%dma_start3A_943 : memref<128xi32, #tpu.memory_space<vmem>>) semaphore(%arg17 : memref<!tpu.dma_semaphore, #tpu.memory_space<semaphore_mem>>)
      %mul3A_946 = arith.constant 26 : i32
      %mul3A_947 = arith.muli %scan3A_19, %mul3A_946 : i32
      %add3A_948 = arith.constant 18 : i32
      %add3A_949 = arith.addi %mul3A_947, %add3A_948 : i32
      %jit3A_950 = arith.constant 4 : i32
      %div3A_951 = arith.divsi %add3A_949, %jit3A_950 : i32
      %sign3A_952 = arith.constant 0 : i32
      %sign3A_953 = arith.cmpi sgt, %add3A_949, %sign3A_952 : i32
      %sign3A_954 = arith.extui %sign3A_953 : i1 to i32
      %sign3A_955 = arith.constant 0 : i32
      %sign3A_956 = arith.cmpi slt, %add3A_949, %sign3A_955 : i32
      %sign3A_957 = arith.extui %sign3A_956 : i1 to i32
      %sign3A_958 = arith.subi %sign3A_954, %sign3A_957 : i32
      %sign3A_959 = arith.constant 0 : i32
      %sign3A_960 = arith.cmpi sgt, %jit3A_950, %sign3A_959 : i32
      %sign3A_961 = arith.extui %sign3A_960 : i1 to i32
      %sign3A_962 = arith.constant 0 : i32
      %sign3A_963 = arith.cmpi slt, %jit3A_950, %sign3A_962 : i32
      %sign3A_964 = arith.extui %sign3A_963 : i1 to i32
      %sign3A_965 = arith.subi %sign3A_961, %sign3A_964 : i32
      %ne3A_966 = arith.cmpi ne, %sign3A_958, %sign3A_965 : i32
      %rem3A_967 = arith.remsi %add3A_949, %jit3A_950 : i32
      %ne3A_968 = arith.constant 0 : i32
      %ne3A_969 = arith.cmpi ne, %rem3A_967, %ne3A_968 : i32
      %and3A_970 = arith.andi %ne3A_966, %ne3A_969 : i1
      %sub3A_971 = arith.constant 1 : i32
      %sub3A_972 = arith.subi %div3A_951, %sub3A_971 : i32
      %select_n3A_973 = arith.select %and3A_970, %sub3A_972, %div3A_951 : i32
      %jit3A_974 = arith.constant 4 : i32
      %eq3A_975 = arith.constant 0 : i32
      %eq3A_976 = arith.cmpi eq, %jit3A_974, %eq3A_975 : i32
      %jit3A_977 = arith.constant 1 : i32
      %select_n3A_978 = arith.select %eq3A_976, %jit3A_977, %jit3A_974 : i32
      %rem3A_979 = arith.remsi %add3A_949, %select_n3A_978 : i32
      %ne3A_980 = arith.constant 0 : i32
      %ne3A_981 = arith.cmpi ne, %rem3A_979, %ne3A_980 : i32
      %lt3A_982 = arith.constant 0 : i32
      %lt3A_983 = arith.cmpi slt, %rem3A_979, %lt3A_982 : i32
      %lt3A_984 = arith.constant 0 : i32
      %lt3A_985 = arith.cmpi slt, %select_n3A_978, %lt3A_984 : i32
      %ne3A_986 = arith.xori %lt3A_983, %lt3A_985 : i1
      %and3A_987 = arith.andi %ne3A_986, %ne3A_981 : i1
      %add3A_988 = arith.addi %rem3A_979, %select_n3A_978 : i32
      %select_n3A_989 = arith.select %and3A_987, %add3A_988, %rem3A_979 : i32
      %mul3A_990 = arith.constant 128 : i32
      %mul3A_991 = arith.muli %select_n3A_989, %mul3A_990 : i32
      %dma_start3A_992 = tpu.memref_slice %arg12[%select_n3A_973, %mul3A_991] : memref<26x512xf32, #tpu.memory_space<vmem>> -> memref<1x128xf32, #tpu.memory_space<vmem>>
      %dma_start3A_993 = tpu.memref_squeeze %dma_start3A_992 : memref<1x128xf32, #tpu.memory_space<vmem>> -> memref<128xf32, #tpu.memory_space<vmem>>
      %dma_start3A_994 = tpu.memref_slice %arg9[%select_n3A_973, %mul3A_991] : memref<26x512xi32, #tpu.memory_space<vmem>> -> memref<1x128xi32, #tpu.memory_space<vmem>>
      %dma_start3A_995 = tpu.memref_squeeze %dma_start3A_994 : memref<1x128xi32, #tpu.memory_space<vmem>> -> memref<128xi32, #tpu.memory_space<vmem>>
      %dma_start3A_996 = arith.constant 0 : i32
      %dma_start3A_997 = tpu.memref_slice %arg16[%dma_start3A_996] : memref<1000064xf32, #tpu.memory_space<vmem_shared>> -> memref<1000064xf32, #tpu.memory_space<vmem_shared>>
      tpu.enqueue_indirect_dma source(%dma_start3A_997 : memref<1000064xf32, #tpu.memory_space<vmem_shared>>) target(%dma_start3A_993 : memref<128xf32, #tpu.memory_space<vmem>>) offsets(%dma_start3A_995 : memref<128xi32, #tpu.memory_space<vmem>>) semaphore(%arg17 : memref<!tpu.dma_semaphore, #tpu.memory_space<semaphore_mem>>)
      %mul3A_998 = arith.constant 26 : i32
      %mul3A_999 = arith.muli %scan3A_19, %mul3A_998 : i32
      %add3A_1000 = arith.constant 19 : i32
      %add3A_1001 = arith.addi %mul3A_999, %add3A_1000 : i32
      %jit3A_1002 = arith.constant 4 : i32
      %div3A_1003 = arith.divsi %add3A_1001, %jit3A_1002 : i32
      %sign3A_1004 = arith.constant 0 : i32
      %sign3A_1005 = arith.cmpi sgt, %add3A_1001, %sign3A_1004 : i32
      %sign3A_1006 = arith.extui %sign3A_1005 : i1 to i32
      %sign3A_1007 = arith.constant 0 : i32
      %sign3A_1008 = arith.cmpi slt, %add3A_1001, %sign3A_1007 : i32
      %sign3A_1009 = arith.extui %sign3A_1008 : i1 to i32
      %sign3A_1010 = arith.subi %sign3A_1006, %sign3A_1009 : i32
      %sign3A_1011 = arith.constant 0 : i32
      %sign3A_1012 = arith.cmpi sgt, %jit3A_1002, %sign3A_1011 : i32
      %sign3A_1013 = arith.extui %sign3A_1012 : i1 to i32
      %sign3A_1014 = arith.constant 0 : i32
      %sign3A_1015 = arith.cmpi slt, %jit3A_1002, %sign3A_1014 : i32
      %sign3A_1016 = arith.extui %sign3A_1015 : i1 to i32
      %sign3A_1017 = arith.subi %sign3A_1013, %sign3A_1016 : i32
      %ne3A_1018 = arith.cmpi ne, %sign3A_1010, %sign3A_1017 : i32
      %rem3A_1019 = arith.remsi %add3A_1001, %jit3A_1002 : i32
      %ne3A_1020 = arith.constant 0 : i32
      %ne3A_1021 = arith.cmpi ne, %rem3A_1019, %ne3A_1020 : i32
      %and3A_1022 = arith.andi %ne3A_1018, %ne3A_1021 : i1
      %sub3A_1023 = arith.constant 1 : i32
      %sub3A_1024 = arith.subi %div3A_1003, %sub3A_1023 : i32
      %select_n3A_1025 = arith.select %and3A_1022, %sub3A_1024, %div3A_1003 : i32
      %jit3A_1026 = arith.constant 4 : i32
      %eq3A_1027 = arith.constant 0 : i32
      %eq3A_1028 = arith.cmpi eq, %jit3A_1026, %eq3A_1027 : i32
      %jit3A_1029 = arith.constant 1 : i32
      %select_n3A_1030 = arith.select %eq3A_1028, %jit3A_1029, %jit3A_1026 : i32
      %rem3A_1031 = arith.remsi %add3A_1001, %select_n3A_1030 : i32
      %ne3A_1032 = arith.constant 0 : i32
      %ne3A_1033 = arith.cmpi ne, %rem3A_1031, %ne3A_1032 : i32
      %lt3A_1034 = arith.constant 0 : i32
      %lt3A_1035 = arith.cmpi slt, %rem3A_1031, %lt3A_1034 : i32
      %lt3A_1036 = arith.constant 0 : i32
      %lt3A_1037 = arith.cmpi slt, %select_n3A_1030, %lt3A_1036 : i32
      %ne3A_1038 = arith.xori %lt3A_1035, %lt3A_1037 : i1
      %and3A_1039 = arith.andi %ne3A_1038, %ne3A_1033 : i1
      %add3A_1040 = arith.addi %rem3A_1031, %select_n3A_1030 : i32
      %select_n3A_1041 = arith.select %and3A_1039, %add3A_1040, %rem3A_1031 : i32
      %mul3A_1042 = arith.constant 128 : i32
      %mul3A_1043 = arith.muli %select_n3A_1041, %mul3A_1042 : i32
      %dma_start3A_1044 = tpu.memref_slice %arg12[%select_n3A_1025, %mul3A_1043] : memref<26x512xf32, #tpu.memory_space<vmem>> -> memref<1x128xf32, #tpu.memory_space<vmem>>
      %dma_start3A_1045 = tpu.memref_squeeze %dma_start3A_1044 : memref<1x128xf32, #tpu.memory_space<vmem>> -> memref<128xf32, #tpu.memory_space<vmem>>
      %dma_start3A_1046 = tpu.memref_slice %arg9[%select_n3A_1025, %mul3A_1043] : memref<26x512xi32, #tpu.memory_space<vmem>> -> memref<1x128xi32, #tpu.memory_space<vmem>>
      %dma_start3A_1047 = tpu.memref_squeeze %dma_start3A_1046 : memref<1x128xi32, #tpu.memory_space<vmem>> -> memref<128xi32, #tpu.memory_space<vmem>>
      %dma_start3A_1048 = arith.constant 0 : i32
      %dma_start3A_1049 = tpu.memref_slice %arg16[%dma_start3A_1048] : memref<1000064xf32, #tpu.memory_space<vmem_shared>> -> memref<1000064xf32, #tpu.memory_space<vmem_shared>>
      tpu.enqueue_indirect_dma source(%dma_start3A_1049 : memref<1000064xf32, #tpu.memory_space<vmem_shared>>) target(%dma_start3A_1045 : memref<128xf32, #tpu.memory_space<vmem>>) offsets(%dma_start3A_1047 : memref<128xi32, #tpu.memory_space<vmem>>) semaphore(%arg17 : memref<!tpu.dma_semaphore, #tpu.memory_space<semaphore_mem>>)
      %mul3A_1050 = arith.constant 26 : i32
      %mul3A_1051 = arith.muli %scan3A_19, %mul3A_1050 : i32
      %add3A_1052 = arith.constant 20 : i32
      %add3A_1053 = arith.addi %mul3A_1051, %add3A_1052 : i32
      %jit3A_1054 = arith.constant 4 : i32
      %div3A_1055 = arith.divsi %add3A_1053, %jit3A_1054 : i32
      %sign3A_1056 = arith.constant 0 : i32
      %sign3A_1057 = arith.cmpi sgt, %add3A_1053, %sign3A_1056 : i32
      %sign3A_1058 = arith.extui %sign3A_1057 : i1 to i32
      %sign3A_1059 = arith.constant 0 : i32
      %sign3A_1060 = arith.cmpi slt, %add3A_1053, %sign3A_1059 : i32
      %sign3A_1061 = arith.extui %sign3A_1060 : i1 to i32
      %sign3A_1062 = arith.subi %sign3A_1058, %sign3A_1061 : i32
      %sign3A_1063 = arith.constant 0 : i32
      %sign3A_1064 = arith.cmpi sgt, %jit3A_1054, %sign3A_1063 : i32
      %sign3A_1065 = arith.extui %sign3A_1064 : i1 to i32
      %sign3A_1066 = arith.constant 0 : i32
      %sign3A_1067 = arith.cmpi slt, %jit3A_1054, %sign3A_1066 : i32
      %sign3A_1068 = arith.extui %sign3A_1067 : i1 to i32
      %sign3A_1069 = arith.subi %sign3A_1065, %sign3A_1068 : i32
      %ne3A_1070 = arith.cmpi ne, %sign3A_1062, %sign3A_1069 : i32
      %rem3A_1071 = arith.remsi %add3A_1053, %jit3A_1054 : i32
      %ne3A_1072 = arith.constant 0 : i32
      %ne3A_1073 = arith.cmpi ne, %rem3A_1071, %ne3A_1072 : i32
      %and3A_1074 = arith.andi %ne3A_1070, %ne3A_1073 : i1
      %sub3A_1075 = arith.constant 1 : i32
      %sub3A_1076 = arith.subi %div3A_1055, %sub3A_1075 : i32
      %select_n3A_1077 = arith.select %and3A_1074, %sub3A_1076, %div3A_1055 : i32
      %jit3A_1078 = arith.constant 4 : i32
      %eq3A_1079 = arith.constant 0 : i32
      %eq3A_1080 = arith.cmpi eq, %jit3A_1078, %eq3A_1079 : i32
      %jit3A_1081 = arith.constant 1 : i32
      %select_n3A_1082 = arith.select %eq3A_1080, %jit3A_1081, %jit3A_1078 : i32
      %rem3A_1083 = arith.remsi %add3A_1053, %select_n3A_1082 : i32
      %ne3A_1084 = arith.constant 0 : i32
      %ne3A_1085 = arith.cmpi ne, %rem3A_1083, %ne3A_1084 : i32
      %lt3A_1086 = arith.constant 0 : i32
      %lt3A_1087 = arith.cmpi slt, %rem3A_1083, %lt3A_1086 : i32
      %lt3A_1088 = arith.constant 0 : i32
      %lt3A_1089 = arith.cmpi slt, %select_n3A_1082, %lt3A_1088 : i32
      %ne3A_1090 = arith.xori %lt3A_1087, %lt3A_1089 : i1
      %and3A_1091 = arith.andi %ne3A_1090, %ne3A_1085 : i1
      %add3A_1092 = arith.addi %rem3A_1083, %select_n3A_1082 : i32
      %select_n3A_1093 = arith.select %and3A_1091, %add3A_1092, %rem3A_1083 : i32
      %mul3A_1094 = arith.constant 128 : i32
      %mul3A_1095 = arith.muli %select_n3A_1093, %mul3A_1094 : i32
      %dma_start3A_1096 = tpu.memref_slice %arg12[%select_n3A_1077, %mul3A_1095] : memref<26x512xf32, #tpu.memory_space<vmem>> -> memref<1x128xf32, #tpu.memory_space<vmem>>
      %dma_start3A_1097 = tpu.memref_squeeze %dma_start3A_1096 : memref<1x128xf32, #tpu.memory_space<vmem>> -> memref<128xf32, #tpu.memory_space<vmem>>
      %dma_start3A_1098 = tpu.memref_slice %arg9[%select_n3A_1077, %mul3A_1095] : memref<26x512xi32, #tpu.memory_space<vmem>> -> memref<1x128xi32, #tpu.memory_space<vmem>>
      %dma_start3A_1099 = tpu.memref_squeeze %dma_start3A_1098 : memref<1x128xi32, #tpu.memory_space<vmem>> -> memref<128xi32, #tpu.memory_space<vmem>>
      %dma_start3A_1100 = arith.constant 0 : i32
      %dma_start3A_1101 = tpu.memref_slice %arg16[%dma_start3A_1100] : memref<1000064xf32, #tpu.memory_space<vmem_shared>> -> memref<1000064xf32, #tpu.memory_space<vmem_shared>>
      tpu.enqueue_indirect_dma source(%dma_start3A_1101 : memref<1000064xf32, #tpu.memory_space<vmem_shared>>) target(%dma_start3A_1097 : memref<128xf32, #tpu.memory_space<vmem>>) offsets(%dma_start3A_1099 : memref<128xi32, #tpu.memory_space<vmem>>) semaphore(%arg17 : memref<!tpu.dma_semaphore, #tpu.memory_space<semaphore_mem>>)
      %mul3A_1102 = arith.constant 26 : i32
      %mul3A_1103 = arith.muli %scan3A_19, %mul3A_1102 : i32
      %add3A_1104 = arith.constant 21 : i32
      %add3A_1105 = arith.addi %mul3A_1103, %add3A_1104 : i32
      %jit3A_1106 = arith.constant 4 : i32
      %div3A_1107 = arith.divsi %add3A_1105, %jit3A_1106 : i32
      %sign3A_1108 = arith.constant 0 : i32
      %sign3A_1109 = arith.cmpi sgt, %add3A_1105, %sign3A_1108 : i32
      %sign3A_1110 = arith.extui %sign3A_1109 : i1 to i32
      %sign3A_1111 = arith.constant 0 : i32
      %sign3A_1112 = arith.cmpi slt, %add3A_1105, %sign3A_1111 : i32
      %sign3A_1113 = arith.extui %sign3A_1112 : i1 to i32
      %sign3A_1114 = arith.subi %sign3A_1110, %sign3A_1113 : i32
      %sign3A_1115 = arith.constant 0 : i32
      %sign3A_1116 = arith.cmpi sgt, %jit3A_1106, %sign3A_1115 : i32
      %sign3A_1117 = arith.extui %sign3A_1116 : i1 to i32
      %sign3A_1118 = arith.constant 0 : i32
      %sign3A_1119 = arith.cmpi slt, %jit3A_1106, %sign3A_1118 : i32
      %sign3A_1120 = arith.extui %sign3A_1119 : i1 to i32
      %sign3A_1121 = arith.subi %sign3A_1117, %sign3A_1120 : i32
      %ne3A_1122 = arith.cmpi ne, %sign3A_1114, %sign3A_1121 : i32
      %rem3A_1123 = arith.remsi %add3A_1105, %jit3A_1106 : i32
      %ne3A_1124 = arith.constant 0 : i32
      %ne3A_1125 = arith.cmpi ne, %rem3A_1123, %ne3A_1124 : i32
      %and3A_1126 = arith.andi %ne3A_1122, %ne3A_1125 : i1
      %sub3A_1127 = arith.constant 1 : i32
      %sub3A_1128 = arith.subi %div3A_1107, %sub3A_1127 : i32
      %select_n3A_1129 = arith.select %and3A_1126, %sub3A_1128, %div3A_1107 : i32
      %jit3A_1130 = arith.constant 4 : i32
      %eq3A_1131 = arith.constant 0 : i32
      %eq3A_1132 = arith.cmpi eq, %jit3A_1130, %eq3A_1131 : i32
      %jit3A_1133 = arith.constant 1 : i32
      %select_n3A_1134 = arith.select %eq3A_1132, %jit3A_1133, %jit3A_1130 : i32
      %rem3A_1135 = arith.remsi %add3A_1105, %select_n3A_1134 : i32
      %ne3A_1136 = arith.constant 0 : i32
      %ne3A_1137 = arith.cmpi ne, %rem3A_1135, %ne3A_1136 : i32
      %lt3A_1138 = arith.constant 0 : i32
      %lt3A_1139 = arith.cmpi slt, %rem3A_1135, %lt3A_1138 : i32
      %lt3A_1140 = arith.constant 0 : i32
      %lt3A_1141 = arith.cmpi slt, %select_n3A_1134, %lt3A_1140 : i32
      %ne3A_1142 = arith.xori %lt3A_1139, %lt3A_1141 : i1
      %and3A_1143 = arith.andi %ne3A_1142, %ne3A_1137 : i1
      %add3A_1144 = arith.addi %rem3A_1135, %select_n3A_1134 : i32
      %select_n3A_1145 = arith.select %and3A_1143, %add3A_1144, %rem3A_1135 : i32
      %mul3A_1146 = arith.constant 128 : i32
      %mul3A_1147 = arith.muli %select_n3A_1145, %mul3A_1146 : i32
      %dma_start3A_1148 = tpu.memref_slice %arg12[%select_n3A_1129, %mul3A_1147] : memref<26x512xf32, #tpu.memory_space<vmem>> -> memref<1x128xf32, #tpu.memory_space<vmem>>
      %dma_start3A_1149 = tpu.memref_squeeze %dma_start3A_1148 : memref<1x128xf32, #tpu.memory_space<vmem>> -> memref<128xf32, #tpu.memory_space<vmem>>
      %dma_start3A_1150 = tpu.memref_slice %arg9[%select_n3A_1129, %mul3A_1147] : memref<26x512xi32, #tpu.memory_space<vmem>> -> memref<1x128xi32, #tpu.memory_space<vmem>>
      %dma_start3A_1151 = tpu.memref_squeeze %dma_start3A_1150 : memref<1x128xi32, #tpu.memory_space<vmem>> -> memref<128xi32, #tpu.memory_space<vmem>>
      %dma_start3A_1152 = arith.constant 0 : i32
      %dma_start3A_1153 = tpu.memref_slice %arg16[%dma_start3A_1152] : memref<1000064xf32, #tpu.memory_space<vmem_shared>> -> memref<1000064xf32, #tpu.memory_space<vmem_shared>>
      tpu.enqueue_indirect_dma source(%dma_start3A_1153 : memref<1000064xf32, #tpu.memory_space<vmem_shared>>) target(%dma_start3A_1149 : memref<128xf32, #tpu.memory_space<vmem>>) offsets(%dma_start3A_1151 : memref<128xi32, #tpu.memory_space<vmem>>) semaphore(%arg17 : memref<!tpu.dma_semaphore, #tpu.memory_space<semaphore_mem>>)
      %mul3A_1154 = arith.constant 26 : i32
      %mul3A_1155 = arith.muli %scan3A_19, %mul3A_1154 : i32
      %add3A_1156 = arith.constant 22 : i32
      %add3A_1157 = arith.addi %mul3A_1155, %add3A_1156 : i32
      %jit3A_1158 = arith.constant 4 : i32
      %div3A_1159 = arith.divsi %add3A_1157, %jit3A_1158 : i32
      %sign3A_1160 = arith.constant 0 : i32
      %sign3A_1161 = arith.cmpi sgt, %add3A_1157, %sign3A_1160 : i32
      %sign3A_1162 = arith.extui %sign3A_1161 : i1 to i32
      %sign3A_1163 = arith.constant 0 : i32
      %sign3A_1164 = arith.cmpi slt, %add3A_1157, %sign3A_1163 : i32
      %sign3A_1165 = arith.extui %sign3A_1164 : i1 to i32
      %sign3A_1166 = arith.subi %sign3A_1162, %sign3A_1165 : i32
      %sign3A_1167 = arith.constant 0 : i32
      %sign3A_1168 = arith.cmpi sgt, %jit3A_1158, %sign3A_1167 : i32
      %sign3A_1169 = arith.extui %sign3A_1168 : i1 to i32
      %sign3A_1170 = arith.constant 0 : i32
      %sign3A_1171 = arith.cmpi slt, %jit3A_1158, %sign3A_1170 : i32
      %sign3A_1172 = arith.extui %sign3A_1171 : i1 to i32
      %sign3A_1173 = arith.subi %sign3A_1169, %sign3A_1172 : i32
      %ne3A_1174 = arith.cmpi ne, %sign3A_1166, %sign3A_1173 : i32
      %rem3A_1175 = arith.remsi %add3A_1157, %jit3A_1158 : i32
      %ne3A_1176 = arith.constant 0 : i32
      %ne3A_1177 = arith.cmpi ne, %rem3A_1175, %ne3A_1176 : i32
      %and3A_1178 = arith.andi %ne3A_1174, %ne3A_1177 : i1
      %sub3A_1179 = arith.constant 1 : i32
      %sub3A_1180 = arith.subi %div3A_1159, %sub3A_1179 : i32
      %select_n3A_1181 = arith.select %and3A_1178, %sub3A_1180, %div3A_1159 : i32
      %jit3A_1182 = arith.constant 4 : i32
      %eq3A_1183 = arith.constant 0 : i32
      %eq3A_1184 = arith.cmpi eq, %jit3A_1182, %eq3A_1183 : i32
      %jit3A_1185 = arith.constant 1 : i32
      %select_n3A_1186 = arith.select %eq3A_1184, %jit3A_1185, %jit3A_1182 : i32
      %rem3A_1187 = arith.remsi %add3A_1157, %select_n3A_1186 : i32
      %ne3A_1188 = arith.constant 0 : i32
      %ne3A_1189 = arith.cmpi ne, %rem3A_1187, %ne3A_1188 : i32
      %lt3A_1190 = arith.constant 0 : i32
      %lt3A_1191 = arith.cmpi slt, %rem3A_1187, %lt3A_1190 : i32
      %lt3A_1192 = arith.constant 0 : i32
      %lt3A_1193 = arith.cmpi slt, %select_n3A_1186, %lt3A_1192 : i32
      %ne3A_1194 = arith.xori %lt3A_1191, %lt3A_1193 : i1
      %and3A_1195 = arith.andi %ne3A_1194, %ne3A_1189 : i1
      %add3A_1196 = arith.addi %rem3A_1187, %select_n3A_1186 : i32
      %select_n3A_1197 = arith.select %and3A_1195, %add3A_1196, %rem3A_1187 : i32
      %mul3A_1198 = arith.constant 128 : i32
      %mul3A_1199 = arith.muli %select_n3A_1197, %mul3A_1198 : i32
      %dma_start3A_1200 = tpu.memref_slice %arg12[%select_n3A_1181, %mul3A_1199] : memref<26x512xf32, #tpu.memory_space<vmem>> -> memref<1x128xf32, #tpu.memory_space<vmem>>
      %dma_start3A_1201 = tpu.memref_squeeze %dma_start3A_1200 : memref<1x128xf32, #tpu.memory_space<vmem>> -> memref<128xf32, #tpu.memory_space<vmem>>
      %dma_start3A_1202 = tpu.memref_slice %arg9[%select_n3A_1181, %mul3A_1199] : memref<26x512xi32, #tpu.memory_space<vmem>> -> memref<1x128xi32, #tpu.memory_space<vmem>>
      %dma_start3A_1203 = tpu.memref_squeeze %dma_start3A_1202 : memref<1x128xi32, #tpu.memory_space<vmem>> -> memref<128xi32, #tpu.memory_space<vmem>>
      %dma_start3A_1204 = arith.constant 0 : i32
      %dma_start3A_1205 = tpu.memref_slice %arg16[%dma_start3A_1204] : memref<1000064xf32, #tpu.memory_space<vmem_shared>> -> memref<1000064xf32, #tpu.memory_space<vmem_shared>>
      tpu.enqueue_indirect_dma source(%dma_start3A_1205 : memref<1000064xf32, #tpu.memory_space<vmem_shared>>) target(%dma_start3A_1201 : memref<128xf32, #tpu.memory_space<vmem>>) offsets(%dma_start3A_1203 : memref<128xi32, #tpu.memory_space<vmem>>) semaphore(%arg17 : memref<!tpu.dma_semaphore, #tpu.memory_space<semaphore_mem>>)
      %mul3A_1206 = arith.constant 26 : i32
      %mul3A_1207 = arith.muli %scan3A_19, %mul3A_1206 : i32
      %add3A_1208 = arith.constant 23 : i32
      %add3A_1209 = arith.addi %mul3A_1207, %add3A_1208 : i32
      %jit3A_1210 = arith.constant 4 : i32
      %div3A_1211 = arith.divsi %add3A_1209, %jit3A_1210 : i32
      %sign3A_1212 = arith.constant 0 : i32
      %sign3A_1213 = arith.cmpi sgt, %add3A_1209, %sign3A_1212 : i32
      %sign3A_1214 = arith.extui %sign3A_1213 : i1 to i32
      %sign3A_1215 = arith.constant 0 : i32
      %sign3A_1216 = arith.cmpi slt, %add3A_1209, %sign3A_1215 : i32
      %sign3A_1217 = arith.extui %sign3A_1216 : i1 to i32
      %sign3A_1218 = arith.subi %sign3A_1214, %sign3A_1217 : i32
      %sign3A_1219 = arith.constant 0 : i32
      %sign3A_1220 = arith.cmpi sgt, %jit3A_1210, %sign3A_1219 : i32
      %sign3A_1221 = arith.extui %sign3A_1220 : i1 to i32
      %sign3A_1222 = arith.constant 0 : i32
      %sign3A_1223 = arith.cmpi slt, %jit3A_1210, %sign3A_1222 : i32
      %sign3A_1224 = arith.extui %sign3A_1223 : i1 to i32
      %sign3A_1225 = arith.subi %sign3A_1221, %sign3A_1224 : i32
      %ne3A_1226 = arith.cmpi ne, %sign3A_1218, %sign3A_1225 : i32
      %rem3A_1227 = arith.remsi %add3A_1209, %jit3A_1210 : i32
      %ne3A_1228 = arith.constant 0 : i32
      %ne3A_1229 = arith.cmpi ne, %rem3A_1227, %ne3A_1228 : i32
      %and3A_1230 = arith.andi %ne3A_1226, %ne3A_1229 : i1
      %sub3A_1231 = arith.constant 1 : i32
      %sub3A_1232 = arith.subi %div3A_1211, %sub3A_1231 : i32
      %select_n3A_1233 = arith.select %and3A_1230, %sub3A_1232, %div3A_1211 : i32
      %jit3A_1234 = arith.constant 4 : i32
      %eq3A_1235 = arith.constant 0 : i32
      %eq3A_1236 = arith.cmpi eq, %jit3A_1234, %eq3A_1235 : i32
      %jit3A_1237 = arith.constant 1 : i32
      %select_n3A_1238 = arith.select %eq3A_1236, %jit3A_1237, %jit3A_1234 : i32
      %rem3A_1239 = arith.remsi %add3A_1209, %select_n3A_1238 : i32
      %ne3A_1240 = arith.constant 0 : i32
      %ne3A_1241 = arith.cmpi ne, %rem3A_1239, %ne3A_1240 : i32
      %lt3A_1242 = arith.constant 0 : i32
      %lt3A_1243 = arith.cmpi slt, %rem3A_1239, %lt3A_1242 : i32
      %lt3A_1244 = arith.constant 0 : i32
      %lt3A_1245 = arith.cmpi slt, %select_n3A_1238, %lt3A_1244 : i32
      %ne3A_1246 = arith.xori %lt3A_1243, %lt3A_1245 : i1
      %and3A_1247 = arith.andi %ne3A_1246, %ne3A_1241 : i1
      %add3A_1248 = arith.addi %rem3A_1239, %select_n3A_1238 : i32
      %select_n3A_1249 = arith.select %and3A_1247, %add3A_1248, %rem3A_1239 : i32
      %mul3A_1250 = arith.constant 128 : i32
      %mul3A_1251 = arith.muli %select_n3A_1249, %mul3A_1250 : i32
      %dma_start3A_1252 = tpu.memref_slice %arg12[%select_n3A_1233, %mul3A_1251] : memref<26x512xf32, #tpu.memory_space<vmem>> -> memref<1x128xf32, #tpu.memory_space<vmem>>
      %dma_start3A_1253 = tpu.memref_squeeze %dma_start3A_1252 : memref<1x128xf32, #tpu.memory_space<vmem>> -> memref<128xf32, #tpu.memory_space<vmem>>
      %dma_start3A_1254 = tpu.memref_slice %arg9[%select_n3A_1233, %mul3A_1251] : memref<26x512xi32, #tpu.memory_space<vmem>> -> memref<1x128xi32, #tpu.memory_space<vmem>>
      %dma_start3A_1255 = tpu.memref_squeeze %dma_start3A_1254 : memref<1x128xi32, #tpu.memory_space<vmem>> -> memref<128xi32, #tpu.memory_space<vmem>>
      %dma_start3A_1256 = arith.constant 0 : i32
      %dma_start3A_1257 = tpu.memref_slice %arg16[%dma_start3A_1256] : memref<1000064xf32, #tpu.memory_space<vmem_shared>> -> memref<1000064xf32, #tpu.memory_space<vmem_shared>>
      tpu.enqueue_indirect_dma source(%dma_start3A_1257 : memref<1000064xf32, #tpu.memory_space<vmem_shared>>) target(%dma_start3A_1253 : memref<128xf32, #tpu.memory_space<vmem>>) offsets(%dma_start3A_1255 : memref<128xi32, #tpu.memory_space<vmem>>) semaphore(%arg17 : memref<!tpu.dma_semaphore, #tpu.memory_space<semaphore_mem>>)
      %mul3A_1258 = arith.constant 26 : i32
      %mul3A_1259 = arith.muli %scan3A_19, %mul3A_1258 : i32
      %add3A_1260 = arith.constant 24 : i32
      %add3A_1261 = arith.addi %mul3A_1259, %add3A_1260 : i32
      %jit3A_1262 = arith.constant 4 : i32
      %div3A_1263 = arith.divsi %add3A_1261, %jit3A_1262 : i32
      %sign3A_1264 = arith.constant 0 : i32
      %sign3A_1265 = arith.cmpi sgt, %add3A_1261, %sign3A_1264 : i32
      %sign3A_1266 = arith.extui %sign3A_1265 : i1 to i32
      %sign3A_1267 = arith.constant 0 : i32
      %sign3A_1268 = arith.cmpi slt, %add3A_1261, %sign3A_1267 : i32
      %sign3A_1269 = arith.extui %sign3A_1268 : i1 to i32
      %sign3A_1270 = arith.subi %sign3A_1266, %sign3A_1269 : i32
      %sign3A_1271 = arith.constant 0 : i32
      %sign3A_1272 = arith.cmpi sgt, %jit3A_1262, %sign3A_1271 : i32
      %sign3A_1273 = arith.extui %sign3A_1272 : i1 to i32
      %sign3A_1274 = arith.constant 0 : i32
      %sign3A_1275 = arith.cmpi slt, %jit3A_1262, %sign3A_1274 : i32
      %sign3A_1276 = arith.extui %sign3A_1275 : i1 to i32
      %sign3A_1277 = arith.subi %sign3A_1273, %sign3A_1276 : i32
      %ne3A_1278 = arith.cmpi ne, %sign3A_1270, %sign3A_1277 : i32
      %rem3A_1279 = arith.remsi %add3A_1261, %jit3A_1262 : i32
      %ne3A_1280 = arith.constant 0 : i32
      %ne3A_1281 = arith.cmpi ne, %rem3A_1279, %ne3A_1280 : i32
      %and3A_1282 = arith.andi %ne3A_1278, %ne3A_1281 : i1
      %sub3A_1283 = arith.constant 1 : i32
      %sub3A_1284 = arith.subi %div3A_1263, %sub3A_1283 : i32
      %select_n3A_1285 = arith.select %and3A_1282, %sub3A_1284, %div3A_1263 : i32
      %jit3A_1286 = arith.constant 4 : i32
      %eq3A_1287 = arith.constant 0 : i32
      %eq3A_1288 = arith.cmpi eq, %jit3A_1286, %eq3A_1287 : i32
      %jit3A_1289 = arith.constant 1 : i32
      %select_n3A_1290 = arith.select %eq3A_1288, %jit3A_1289, %jit3A_1286 : i32
      %rem3A_1291 = arith.remsi %add3A_1261, %select_n3A_1290 : i32
      %ne3A_1292 = arith.constant 0 : i32
      %ne3A_1293 = arith.cmpi ne, %rem3A_1291, %ne3A_1292 : i32
      %lt3A_1294 = arith.constant 0 : i32
      %lt3A_1295 = arith.cmpi slt, %rem3A_1291, %lt3A_1294 : i32
      %lt3A_1296 = arith.constant 0 : i32
      %lt3A_1297 = arith.cmpi slt, %select_n3A_1290, %lt3A_1296 : i32
      %ne3A_1298 = arith.xori %lt3A_1295, %lt3A_1297 : i1
      %and3A_1299 = arith.andi %ne3A_1298, %ne3A_1293 : i1
      %add3A_1300 = arith.addi %rem3A_1291, %select_n3A_1290 : i32
      %select_n3A_1301 = arith.select %and3A_1299, %add3A_1300, %rem3A_1291 : i32
      %mul3A_1302 = arith.constant 128 : i32
      %mul3A_1303 = arith.muli %select_n3A_1301, %mul3A_1302 : i32
      %dma_start3A_1304 = tpu.memref_slice %arg12[%select_n3A_1285, %mul3A_1303] : memref<26x512xf32, #tpu.memory_space<vmem>> -> memref<1x128xf32, #tpu.memory_space<vmem>>
      %dma_start3A_1305 = tpu.memref_squeeze %dma_start3A_1304 : memref<1x128xf32, #tpu.memory_space<vmem>> -> memref<128xf32, #tpu.memory_space<vmem>>
      %dma_start3A_1306 = tpu.memref_slice %arg9[%select_n3A_1285, %mul3A_1303] : memref<26x512xi32, #tpu.memory_space<vmem>> -> memref<1x128xi32, #tpu.memory_space<vmem>>
      %dma_start3A_1307 = tpu.memref_squeeze %dma_start3A_1306 : memref<1x128xi32, #tpu.memory_space<vmem>> -> memref<128xi32, #tpu.memory_space<vmem>>
      %dma_start3A_1308 = arith.constant 0 : i32
      %dma_start3A_1309 = tpu.memref_slice %arg16[%dma_start3A_1308] : memref<1000064xf32, #tpu.memory_space<vmem_shared>> -> memref<1000064xf32, #tpu.memory_space<vmem_shared>>
      tpu.enqueue_indirect_dma source(%dma_start3A_1309 : memref<1000064xf32, #tpu.memory_space<vmem_shared>>) target(%dma_start3A_1305 : memref<128xf32, #tpu.memory_space<vmem>>) offsets(%dma_start3A_1307 : memref<128xi32, #tpu.memory_space<vmem>>) semaphore(%arg17 : memref<!tpu.dma_semaphore, #tpu.memory_space<semaphore_mem>>)
      %mul3A_1310 = arith.constant 26 : i32
      %mul3A_1311 = arith.muli %scan3A_19, %mul3A_1310 : i32
      %add3A_1312 = arith.constant 25 : i32
      %add3A_1313 = arith.addi %mul3A_1311, %add3A_1312 : i32
      %jit3A_1314 = arith.constant 4 : i32
      %div3A_1315 = arith.divsi %add3A_1313, %jit3A_1314 : i32
      %sign3A_1316 = arith.constant 0 : i32
      %sign3A_1317 = arith.cmpi sgt, %add3A_1313, %sign3A_1316 : i32
      %sign3A_1318 = arith.extui %sign3A_1317 : i1 to i32
      %sign3A_1319 = arith.constant 0 : i32
      %sign3A_1320 = arith.cmpi slt, %add3A_1313, %sign3A_1319 : i32
      %sign3A_1321 = arith.extui %sign3A_1320 : i1 to i32
      %sign3A_1322 = arith.subi %sign3A_1318, %sign3A_1321 : i32
      %sign3A_1323 = arith.constant 0 : i32
      %sign3A_1324 = arith.cmpi sgt, %jit3A_1314, %sign3A_1323 : i32
      %sign3A_1325 = arith.extui %sign3A_1324 : i1 to i32
      %sign3A_1326 = arith.constant 0 : i32
      %sign3A_1327 = arith.cmpi slt, %jit3A_1314, %sign3A_1326 : i32
      %sign3A_1328 = arith.extui %sign3A_1327 : i1 to i32
      %sign3A_1329 = arith.subi %sign3A_1325, %sign3A_1328 : i32
      %ne3A_1330 = arith.cmpi ne, %sign3A_1322, %sign3A_1329 : i32
      %rem3A_1331 = arith.remsi %add3A_1313, %jit3A_1314 : i32
      %ne3A_1332 = arith.constant 0 : i32
      %ne3A_1333 = arith.cmpi ne, %rem3A_1331, %ne3A_1332 : i32
      %and3A_1334 = arith.andi %ne3A_1330, %ne3A_1333 : i1
      %sub3A_1335 = arith.constant 1 : i32
      %sub3A_1336 = arith.subi %div3A_1315, %sub3A_1335 : i32
      %select_n3A_1337 = arith.select %and3A_1334, %sub3A_1336, %div3A_1315 : i32
      %jit3A_1338 = arith.constant 4 : i32
      %eq3A_1339 = arith.constant 0 : i32
      %eq3A_1340 = arith.cmpi eq, %jit3A_1338, %eq3A_1339 : i32
      %jit3A_1341 = arith.constant 1 : i32
      %select_n3A_1342 = arith.select %eq3A_1340, %jit3A_1341, %jit3A_1338 : i32
      %rem3A_1343 = arith.remsi %add3A_1313, %select_n3A_1342 : i32
      %ne3A_1344 = arith.constant 0 : i32
      %ne3A_1345 = arith.cmpi ne, %rem3A_1343, %ne3A_1344 : i32
      %lt3A_1346 = arith.constant 0 : i32
      %lt3A_1347 = arith.cmpi slt, %rem3A_1343, %lt3A_1346 : i32
      %lt3A_1348 = arith.constant 0 : i32
      %lt3A_1349 = arith.cmpi slt, %select_n3A_1342, %lt3A_1348 : i32
      %ne3A_1350 = arith.xori %lt3A_1347, %lt3A_1349 : i1
      %and3A_1351 = arith.andi %ne3A_1350, %ne3A_1345 : i1
      %add3A_1352 = arith.addi %rem3A_1343, %select_n3A_1342 : i32
      %select_n3A_1353 = arith.select %and3A_1351, %add3A_1352, %rem3A_1343 : i32
      %mul3A_1354 = arith.constant 128 : i32
      %mul3A_1355 = arith.muli %select_n3A_1353, %mul3A_1354 : i32
      %dma_start3A_1356 = tpu.memref_slice %arg12[%select_n3A_1337, %mul3A_1355] : memref<26x512xf32, #tpu.memory_space<vmem>> -> memref<1x128xf32, #tpu.memory_space<vmem>>
      %dma_start3A_1357 = tpu.memref_squeeze %dma_start3A_1356 : memref<1x128xf32, #tpu.memory_space<vmem>> -> memref<128xf32, #tpu.memory_space<vmem>>
      %dma_start3A_1358 = tpu.memref_slice %arg9[%select_n3A_1337, %mul3A_1355] : memref<26x512xi32, #tpu.memory_space<vmem>> -> memref<1x128xi32, #tpu.memory_space<vmem>>
      %dma_start3A_1359 = tpu.memref_squeeze %dma_start3A_1358 : memref<1x128xi32, #tpu.memory_space<vmem>> -> memref<128xi32, #tpu.memory_space<vmem>>
      %dma_start3A_1360 = arith.constant 0 : i32
      %dma_start3A_1361 = tpu.memref_slice %arg16[%dma_start3A_1360] : memref<1000064xf32, #tpu.memory_space<vmem_shared>> -> memref<1000064xf32, #tpu.memory_space<vmem_shared>>
      tpu.enqueue_indirect_dma source(%dma_start3A_1361 : memref<1000064xf32, #tpu.memory_space<vmem_shared>>) target(%dma_start3A_1357 : memref<128xf32, #tpu.memory_space<vmem>>) offsets(%dma_start3A_1359 : memref<128xi32, #tpu.memory_space<vmem>>) semaphore(%arg17 : memref<!tpu.dma_semaphore, #tpu.memory_space<semaphore_mem>>)
      %mul3A_1362 = arith.constant 26 : i32
      %mul3A_1363 = arith.muli %scan3A_19, %mul3A_1362 : i32
      %add3A_1364 = arith.constant 0 : i32
      %add3A_1365 = arith.addi %mul3A_1363, %add3A_1364 : i32
      %jit3A_1366 = arith.constant 4 : i32
      %div3A_1367 = arith.divsi %add3A_1365, %jit3A_1366 : i32
      %sign3A_1368 = arith.constant 0 : i32
      %sign3A_1369 = arith.cmpi sgt, %add3A_1365, %sign3A_1368 : i32
      %sign3A_1370 = arith.extui %sign3A_1369 : i1 to i32
      %sign3A_1371 = arith.constant 0 : i32
      %sign3A_1372 = arith.cmpi slt, %add3A_1365, %sign3A_1371 : i32
      %sign3A_1373 = arith.extui %sign3A_1372 : i1 to i32
      %sign3A_1374 = arith.subi %sign3A_1370, %sign3A_1373 : i32
      %sign3A_1375 = arith.constant 0 : i32
      %sign3A_1376 = arith.cmpi sgt, %jit3A_1366, %sign3A_1375 : i32
      %sign3A_1377 = arith.extui %sign3A_1376 : i1 to i32
      %sign3A_1378 = arith.constant 0 : i32
      %sign3A_1379 = arith.cmpi slt, %jit3A_1366, %sign3A_1378 : i32
      %sign3A_1380 = arith.extui %sign3A_1379 : i1 to i32
      %sign3A_1381 = arith.subi %sign3A_1377, %sign3A_1380 : i32
      %ne3A_1382 = arith.cmpi ne, %sign3A_1374, %sign3A_1381 : i32
      %rem3A_1383 = arith.remsi %add3A_1365, %jit3A_1366 : i32
      %ne3A_1384 = arith.constant 0 : i32
      %ne3A_1385 = arith.cmpi ne, %rem3A_1383, %ne3A_1384 : i32
      %and3A_1386 = arith.andi %ne3A_1382, %ne3A_1385 : i1
      %sub3A_1387 = arith.constant 1 : i32
      %sub3A_1388 = arith.subi %div3A_1367, %sub3A_1387 : i32
      %select_n3A_1389 = arith.select %and3A_1386, %sub3A_1388, %div3A_1367 : i32
      %jit3A_1390 = arith.constant 4 : i32
      %eq3A_1391 = arith.constant 0 : i32
      %eq3A_1392 = arith.cmpi eq, %jit3A_1390, %eq3A_1391 : i32
      %jit3A_1393 = arith.constant 1 : i32
      %select_n3A_1394 = arith.select %eq3A_1392, %jit3A_1393, %jit3A_1390 : i32
      %rem3A_1395 = arith.remsi %add3A_1365, %select_n3A_1394 : i32
      %ne3A_1396 = arith.constant 0 : i32
      %ne3A_1397 = arith.cmpi ne, %rem3A_1395, %ne3A_1396 : i32
      %lt3A_1398 = arith.constant 0 : i32
      %lt3A_1399 = arith.cmpi slt, %rem3A_1395, %lt3A_1398 : i32
      %lt3A_1400 = arith.constant 0 : i32
      %lt3A_1401 = arith.cmpi slt, %select_n3A_1394, %lt3A_1400 : i32
      %ne3A_1402 = arith.xori %lt3A_1399, %lt3A_1401 : i1
      %and3A_1403 = arith.andi %ne3A_1402, %ne3A_1397 : i1
      %add3A_1404 = arith.addi %rem3A_1395, %select_n3A_1394 : i32
      %select_n3A_1405 = arith.select %and3A_1403, %add3A_1404, %rem3A_1395 : i32
      %mul3A_1406 = arith.constant 128 : i32
      %mul3A_1407 = arith.muli %select_n3A_1405, %mul3A_1406 : i32
      %dma_wait3A = tpu.memref_slice %arg12[%select_n3A_1389, %mul3A_1407] : memref<26x512xf32, #tpu.memory_space<vmem>> -> memref<1x128xf32, #tpu.memory_space<vmem>>
      %dma_wait3A_1408 = tpu.memref_squeeze %dma_wait3A : memref<1x128xf32, #tpu.memory_space<vmem>> -> memref<128xf32, #tpu.memory_space<vmem>>
      %dma_wait3A_1409 = tpu.memref_slice %arg9[%select_n3A_1389, %mul3A_1407] : memref<26x512xi32, #tpu.memory_space<vmem>> -> memref<1x128xi32, #tpu.memory_space<vmem>>
      %dma_wait3A_1410 = tpu.memref_squeeze %dma_wait3A_1409 : memref<1x128xi32, #tpu.memory_space<vmem>> -> memref<128xi32, #tpu.memory_space<vmem>>
      %dma_wait3A_1411 = arith.constant 0 : i32
      %dma_wait3A_1412 = tpu.memref_slice %arg16[%dma_wait3A_1411] : memref<1000064xf32, #tpu.memory_space<vmem_shared>> -> memref<1000064xf32, #tpu.memory_space<vmem_shared>>
      tpu.wait_indirect_dma semaphore(%arg17 : memref<!tpu.dma_semaphore, #tpu.memory_space<semaphore_mem>>) src(%dma_wait3A_1412 : memref<1000064xf32, #tpu.memory_space<vmem_shared>>) dst(%dma_wait3A_1408 : memref<128xf32, #tpu.memory_space<vmem>>)
      %mul3A_1413 = arith.constant 26 : i32
      %mul3A_1414 = arith.muli %scan3A_19, %mul3A_1413 : i32
      %add3A_1415 = arith.constant 1 : i32
      %add3A_1416 = arith.addi %mul3A_1414, %add3A_1415 : i32
      %jit3A_1417 = arith.constant 4 : i32
      %div3A_1418 = arith.divsi %add3A_1416, %jit3A_1417 : i32
      %sign3A_1419 = arith.constant 0 : i32
      %sign3A_1420 = arith.cmpi sgt, %add3A_1416, %sign3A_1419 : i32
      %sign3A_1421 = arith.extui %sign3A_1420 : i1 to i32
      %sign3A_1422 = arith.constant 0 : i32
      %sign3A_1423 = arith.cmpi slt, %add3A_1416, %sign3A_1422 : i32
      %sign3A_1424 = arith.extui %sign3A_1423 : i1 to i32
      %sign3A_1425 = arith.subi %sign3A_1421, %sign3A_1424 : i32
      %sign3A_1426 = arith.constant 0 : i32
      %sign3A_1427 = arith.cmpi sgt, %jit3A_1417, %sign3A_1426 : i32
      %sign3A_1428 = arith.extui %sign3A_1427 : i1 to i32
      %sign3A_1429 = arith.constant 0 : i32
      %sign3A_1430 = arith.cmpi slt, %jit3A_1417, %sign3A_1429 : i32
      %sign3A_1431 = arith.extui %sign3A_1430 : i1 to i32
      %sign3A_1432 = arith.subi %sign3A_1428, %sign3A_1431 : i32
      %ne3A_1433 = arith.cmpi ne, %sign3A_1425, %sign3A_1432 : i32
      %rem3A_1434 = arith.remsi %add3A_1416, %jit3A_1417 : i32
      %ne3A_1435 = arith.constant 0 : i32
      %ne3A_1436 = arith.cmpi ne, %rem3A_1434, %ne3A_1435 : i32
      %and3A_1437 = arith.andi %ne3A_1433, %ne3A_1436 : i1
      %sub3A_1438 = arith.constant 1 : i32
      %sub3A_1439 = arith.subi %div3A_1418, %sub3A_1438 : i32
      %select_n3A_1440 = arith.select %and3A_1437, %sub3A_1439, %div3A_1418 : i32
      %jit3A_1441 = arith.constant 4 : i32
      %eq3A_1442 = arith.constant 0 : i32
      %eq3A_1443 = arith.cmpi eq, %jit3A_1441, %eq3A_1442 : i32
      %jit3A_1444 = arith.constant 1 : i32
      %select_n3A_1445 = arith.select %eq3A_1443, %jit3A_1444, %jit3A_1441 : i32
      %rem3A_1446 = arith.remsi %add3A_1416, %select_n3A_1445 : i32
      %ne3A_1447 = arith.constant 0 : i32
      %ne3A_1448 = arith.cmpi ne, %rem3A_1446, %ne3A_1447 : i32
      %lt3A_1449 = arith.constant 0 : i32
      %lt3A_1450 = arith.cmpi slt, %rem3A_1446, %lt3A_1449 : i32
      %lt3A_1451 = arith.constant 0 : i32
      %lt3A_1452 = arith.cmpi slt, %select_n3A_1445, %lt3A_1451 : i32
      %ne3A_1453 = arith.xori %lt3A_1450, %lt3A_1452 : i1
      %and3A_1454 = arith.andi %ne3A_1453, %ne3A_1448 : i1
      %add3A_1455 = arith.addi %rem3A_1446, %select_n3A_1445 : i32
      %select_n3A_1456 = arith.select %and3A_1454, %add3A_1455, %rem3A_1446 : i32
      %mul3A_1457 = arith.constant 128 : i32
      %mul3A_1458 = arith.muli %select_n3A_1456, %mul3A_1457 : i32
      %dma_wait3A_1459 = tpu.memref_slice %arg12[%select_n3A_1440, %mul3A_1458] : memref<26x512xf32, #tpu.memory_space<vmem>> -> memref<1x128xf32, #tpu.memory_space<vmem>>
      %dma_wait3A_1460 = tpu.memref_squeeze %dma_wait3A_1459 : memref<1x128xf32, #tpu.memory_space<vmem>> -> memref<128xf32, #tpu.memory_space<vmem>>
      %dma_wait3A_1461 = tpu.memref_slice %arg9[%select_n3A_1440, %mul3A_1458] : memref<26x512xi32, #tpu.memory_space<vmem>> -> memref<1x128xi32, #tpu.memory_space<vmem>>
      %dma_wait3A_1462 = tpu.memref_squeeze %dma_wait3A_1461 : memref<1x128xi32, #tpu.memory_space<vmem>> -> memref<128xi32, #tpu.memory_space<vmem>>
      %dma_wait3A_1463 = arith.constant 0 : i32
      %dma_wait3A_1464 = tpu.memref_slice %arg16[%dma_wait3A_1463] : memref<1000064xf32, #tpu.memory_space<vmem_shared>> -> memref<1000064xf32, #tpu.memory_space<vmem_shared>>
      tpu.wait_indirect_dma semaphore(%arg17 : memref<!tpu.dma_semaphore, #tpu.memory_space<semaphore_mem>>) src(%dma_wait3A_1464 : memref<1000064xf32, #tpu.memory_space<vmem_shared>>) dst(%dma_wait3A_1460 : memref<128xf32, #tpu.memory_space<vmem>>)
      %mul3A_1465 = arith.constant 26 : i32
      %mul3A_1466 = arith.muli %scan3A_19, %mul3A_1465 : i32
      %add3A_1467 = arith.constant 2 : i32
      %add3A_1468 = arith.addi %mul3A_1466, %add3A_1467 : i32
      %jit3A_1469 = arith.constant 4 : i32
      %div3A_1470 = arith.divsi %add3A_1468, %jit3A_1469 : i32
      %sign3A_1471 = arith.constant 0 : i32
      %sign3A_1472 = arith.cmpi sgt, %add3A_1468, %sign3A_1471 : i32
      %sign3A_1473 = arith.extui %sign3A_1472 : i1 to i32
      %sign3A_1474 = arith.constant 0 : i32
      %sign3A_1475 = arith.cmpi slt, %add3A_1468, %sign3A_1474 : i32
      %sign3A_1476 = arith.extui %sign3A_1475 : i1 to i32
      %sign3A_1477 = arith.subi %sign3A_1473, %sign3A_1476 : i32
      %sign3A_1478 = arith.constant 0 : i32
      %sign3A_1479 = arith.cmpi sgt, %jit3A_1469, %sign3A_1478 : i32
      %sign3A_1480 = arith.extui %sign3A_1479 : i1 to i32
      %sign3A_1481 = arith.constant 0 : i32
      %sign3A_1482 = arith.cmpi slt, %jit3A_1469, %sign3A_1481 : i32
      %sign3A_1483 = arith.extui %sign3A_1482 : i1 to i32
      %sign3A_1484 = arith.subi %sign3A_1480, %sign3A_1483 : i32
      %ne3A_1485 = arith.cmpi ne, %sign3A_1477, %sign3A_1484 : i32
      %rem3A_1486 = arith.remsi %add3A_1468, %jit3A_1469 : i32
      %ne3A_1487 = arith.constant 0 : i32
      %ne3A_1488 = arith.cmpi ne, %rem3A_1486, %ne3A_1487 : i32
      %and3A_1489 = arith.andi %ne3A_1485, %ne3A_1488 : i1
      %sub3A_1490 = arith.constant 1 : i32
      %sub3A_1491 = arith.subi %div3A_1470, %sub3A_1490 : i32
      %select_n3A_1492 = arith.select %and3A_1489, %sub3A_1491, %div3A_1470 : i32
      %jit3A_1493 = arith.constant 4 : i32
      %eq3A_1494 = arith.constant 0 : i32
      %eq3A_1495 = arith.cmpi eq, %jit3A_1493, %eq3A_1494 : i32
      %jit3A_1496 = arith.constant 1 : i32
      %select_n3A_1497 = arith.select %eq3A_1495, %jit3A_1496, %jit3A_1493 : i32
      %rem3A_1498 = arith.remsi %add3A_1468, %select_n3A_1497 : i32
      %ne3A_1499 = arith.constant 0 : i32
      %ne3A_1500 = arith.cmpi ne, %rem3A_1498, %ne3A_1499 : i32
      %lt3A_1501 = arith.constant 0 : i32
      %lt3A_1502 = arith.cmpi slt, %rem3A_1498, %lt3A_1501 : i32
      %lt3A_1503 = arith.constant 0 : i32
      %lt3A_1504 = arith.cmpi slt, %select_n3A_1497, %lt3A_1503 : i32
      %ne3A_1505 = arith.xori %lt3A_1502, %lt3A_1504 : i1
      %and3A_1506 = arith.andi %ne3A_1505, %ne3A_1500 : i1
      %add3A_1507 = arith.addi %rem3A_1498, %select_n3A_1497 : i32
      %select_n3A_1508 = arith.select %and3A_1506, %add3A_1507, %rem3A_1498 : i32
      %mul3A_1509 = arith.constant 128 : i32
      %mul3A_1510 = arith.muli %select_n3A_1508, %mul3A_1509 : i32
      %dma_wait3A_1511 = tpu.memref_slice %arg12[%select_n3A_1492, %mul3A_1510] : memref<26x512xf32, #tpu.memory_space<vmem>> -> memref<1x128xf32, #tpu.memory_space<vmem>>
      %dma_wait3A_1512 = tpu.memref_squeeze %dma_wait3A_1511 : memref<1x128xf32, #tpu.memory_space<vmem>> -> memref<128xf32, #tpu.memory_space<vmem>>
      %dma_wait3A_1513 = tpu.memref_slice %arg9[%select_n3A_1492, %mul3A_1510] : memref<26x512xi32, #tpu.memory_space<vmem>> -> memref<1x128xi32, #tpu.memory_space<vmem>>
      %dma_wait3A_1514 = tpu.memref_squeeze %dma_wait3A_1513 : memref<1x128xi32, #tpu.memory_space<vmem>> -> memref<128xi32, #tpu.memory_space<vmem>>
      %dma_wait3A_1515 = arith.constant 0 : i32
      %dma_wait3A_1516 = tpu.memref_slice %arg16[%dma_wait3A_1515] : memref<1000064xf32, #tpu.memory_space<vmem_shared>> -> memref<1000064xf32, #tpu.memory_space<vmem_shared>>
      tpu.wait_indirect_dma semaphore(%arg17 : memref<!tpu.dma_semaphore, #tpu.memory_space<semaphore_mem>>) src(%dma_wait3A_1516 : memref<1000064xf32, #tpu.memory_space<vmem_shared>>) dst(%dma_wait3A_1512 : memref<128xf32, #tpu.memory_space<vmem>>)
      %mul3A_1517 = arith.constant 26 : i32
      %mul3A_1518 = arith.muli %scan3A_19, %mul3A_1517 : i32
      %add3A_1519 = arith.constant 3 : i32
      %add3A_1520 = arith.addi %mul3A_1518, %add3A_1519 : i32
      %jit3A_1521 = arith.constant 4 : i32
      %div3A_1522 = arith.divsi %add3A_1520, %jit3A_1521 : i32
      %sign3A_1523 = arith.constant 0 : i32
      %sign3A_1524 = arith.cmpi sgt, %add3A_1520, %sign3A_1523 : i32
      %sign3A_1525 = arith.extui %sign3A_1524 : i1 to i32
      %sign3A_1526 = arith.constant 0 : i32
      %sign3A_1527 = arith.cmpi slt, %add3A_1520, %sign3A_1526 : i32
      %sign3A_1528 = arith.extui %sign3A_1527 : i1 to i32
      %sign3A_1529 = arith.subi %sign3A_1525, %sign3A_1528 : i32
      %sign3A_1530 = arith.constant 0 : i32
      %sign3A_1531 = arith.cmpi sgt, %jit3A_1521, %sign3A_1530 : i32
      %sign3A_1532 = arith.extui %sign3A_1531 : i1 to i32
      %sign3A_1533 = arith.constant 0 : i32
      %sign3A_1534 = arith.cmpi slt, %jit3A_1521, %sign3A_1533 : i32
      %sign3A_1535 = arith.extui %sign3A_1534 : i1 to i32
      %sign3A_1536 = arith.subi %sign3A_1532, %sign3A_1535 : i32
      %ne3A_1537 = arith.cmpi ne, %sign3A_1529, %sign3A_1536 : i32
      %rem3A_1538 = arith.remsi %add3A_1520, %jit3A_1521 : i32
      %ne3A_1539 = arith.constant 0 : i32
      %ne3A_1540 = arith.cmpi ne, %rem3A_1538, %ne3A_1539 : i32
      %and3A_1541 = arith.andi %ne3A_1537, %ne3A_1540 : i1
      %sub3A_1542 = arith.constant 1 : i32
      %sub3A_1543 = arith.subi %div3A_1522, %sub3A_1542 : i32
      %select_n3A_1544 = arith.select %and3A_1541, %sub3A_1543, %div3A_1522 : i32
      %jit3A_1545 = arith.constant 4 : i32
      %eq3A_1546 = arith.constant 0 : i32
      %eq3A_1547 = arith.cmpi eq, %jit3A_1545, %eq3A_1546 : i32
      %jit3A_1548 = arith.constant 1 : i32
      %select_n3A_1549 = arith.select %eq3A_1547, %jit3A_1548, %jit3A_1545 : i32
      %rem3A_1550 = arith.remsi %add3A_1520, %select_n3A_1549 : i32
      %ne3A_1551 = arith.constant 0 : i32
      %ne3A_1552 = arith.cmpi ne, %rem3A_1550, %ne3A_1551 : i32
      %lt3A_1553 = arith.constant 0 : i32
      %lt3A_1554 = arith.cmpi slt, %rem3A_1550, %lt3A_1553 : i32
      %lt3A_1555 = arith.constant 0 : i32
      %lt3A_1556 = arith.cmpi slt, %select_n3A_1549, %lt3A_1555 : i32
      %ne3A_1557 = arith.xori %lt3A_1554, %lt3A_1556 : i1
      %and3A_1558 = arith.andi %ne3A_1557, %ne3A_1552 : i1
      %add3A_1559 = arith.addi %rem3A_1550, %select_n3A_1549 : i32
      %select_n3A_1560 = arith.select %and3A_1558, %add3A_1559, %rem3A_1550 : i32
      %mul3A_1561 = arith.constant 128 : i32
      %mul3A_1562 = arith.muli %select_n3A_1560, %mul3A_1561 : i32
      %dma_wait3A_1563 = tpu.memref_slice %arg12[%select_n3A_1544, %mul3A_1562] : memref<26x512xf32, #tpu.memory_space<vmem>> -> memref<1x128xf32, #tpu.memory_space<vmem>>
      %dma_wait3A_1564 = tpu.memref_squeeze %dma_wait3A_1563 : memref<1x128xf32, #tpu.memory_space<vmem>> -> memref<128xf32, #tpu.memory_space<vmem>>
      %dma_wait3A_1565 = tpu.memref_slice %arg9[%select_n3A_1544, %mul3A_1562] : memref<26x512xi32, #tpu.memory_space<vmem>> -> memref<1x128xi32, #tpu.memory_space<vmem>>
      %dma_wait3A_1566 = tpu.memref_squeeze %dma_wait3A_1565 : memref<1x128xi32, #tpu.memory_space<vmem>> -> memref<128xi32, #tpu.memory_space<vmem>>
      %dma_wait3A_1567 = arith.constant 0 : i32
      %dma_wait3A_1568 = tpu.memref_slice %arg16[%dma_wait3A_1567] : memref<1000064xf32, #tpu.memory_space<vmem_shared>> -> memref<1000064xf32, #tpu.memory_space<vmem_shared>>
      tpu.wait_indirect_dma semaphore(%arg17 : memref<!tpu.dma_semaphore, #tpu.memory_space<semaphore_mem>>) src(%dma_wait3A_1568 : memref<1000064xf32, #tpu.memory_space<vmem_shared>>) dst(%dma_wait3A_1564 : memref<128xf32, #tpu.memory_space<vmem>>)
      %mul3A_1569 = arith.constant 26 : i32
      %mul3A_1570 = arith.muli %scan3A_19, %mul3A_1569 : i32
      %add3A_1571 = arith.constant 4 : i32
      %add3A_1572 = arith.addi %mul3A_1570, %add3A_1571 : i32
      %jit3A_1573 = arith.constant 4 : i32
      %div3A_1574 = arith.divsi %add3A_1572, %jit3A_1573 : i32
      %sign3A_1575 = arith.constant 0 : i32
      %sign3A_1576 = arith.cmpi sgt, %add3A_1572, %sign3A_1575 : i32
      %sign3A_1577 = arith.extui %sign3A_1576 : i1 to i32
      %sign3A_1578 = arith.constant 0 : i32
      %sign3A_1579 = arith.cmpi slt, %add3A_1572, %sign3A_1578 : i32
      %sign3A_1580 = arith.extui %sign3A_1579 : i1 to i32
      %sign3A_1581 = arith.subi %sign3A_1577, %sign3A_1580 : i32
      %sign3A_1582 = arith.constant 0 : i32
      %sign3A_1583 = arith.cmpi sgt, %jit3A_1573, %sign3A_1582 : i32
      %sign3A_1584 = arith.extui %sign3A_1583 : i1 to i32
      %sign3A_1585 = arith.constant 0 : i32
      %sign3A_1586 = arith.cmpi slt, %jit3A_1573, %sign3A_1585 : i32
      %sign3A_1587 = arith.extui %sign3A_1586 : i1 to i32
      %sign3A_1588 = arith.subi %sign3A_1584, %sign3A_1587 : i32
      %ne3A_1589 = arith.cmpi ne, %sign3A_1581, %sign3A_1588 : i32
      %rem3A_1590 = arith.remsi %add3A_1572, %jit3A_1573 : i32
      %ne3A_1591 = arith.constant 0 : i32
      %ne3A_1592 = arith.cmpi ne, %rem3A_1590, %ne3A_1591 : i32
      %and3A_1593 = arith.andi %ne3A_1589, %ne3A_1592 : i1
      %sub3A_1594 = arith.constant 1 : i32
      %sub3A_1595 = arith.subi %div3A_1574, %sub3A_1594 : i32
      %select_n3A_1596 = arith.select %and3A_1593, %sub3A_1595, %div3A_1574 : i32
      %jit3A_1597 = arith.constant 4 : i32
      %eq3A_1598 = arith.constant 0 : i32
      %eq3A_1599 = arith.cmpi eq, %jit3A_1597, %eq3A_1598 : i32
      %jit3A_1600 = arith.constant 1 : i32
      %select_n3A_1601 = arith.select %eq3A_1599, %jit3A_1600, %jit3A_1597 : i32
      %rem3A_1602 = arith.remsi %add3A_1572, %select_n3A_1601 : i32
      %ne3A_1603 = arith.constant 0 : i32
      %ne3A_1604 = arith.cmpi ne, %rem3A_1602, %ne3A_1603 : i32
      %lt3A_1605 = arith.constant 0 : i32
      %lt3A_1606 = arith.cmpi slt, %rem3A_1602, %lt3A_1605 : i32
      %lt3A_1607 = arith.constant 0 : i32
      %lt3A_1608 = arith.cmpi slt, %select_n3A_1601, %lt3A_1607 : i32
      %ne3A_1609 = arith.xori %lt3A_1606, %lt3A_1608 : i1
      %and3A_1610 = arith.andi %ne3A_1609, %ne3A_1604 : i1
      %add3A_1611 = arith.addi %rem3A_1602, %select_n3A_1601 : i32
      %select_n3A_1612 = arith.select %and3A_1610, %add3A_1611, %rem3A_1602 : i32
      %mul3A_1613 = arith.constant 128 : i32
      %mul3A_1614 = arith.muli %select_n3A_1612, %mul3A_1613 : i32
      %dma_wait3A_1615 = tpu.memref_slice %arg12[%select_n3A_1596, %mul3A_1614] : memref<26x512xf32, #tpu.memory_space<vmem>> -> memref<1x128xf32, #tpu.memory_space<vmem>>
      %dma_wait3A_1616 = tpu.memref_squeeze %dma_wait3A_1615 : memref<1x128xf32, #tpu.memory_space<vmem>> -> memref<128xf32, #tpu.memory_space<vmem>>
      %dma_wait3A_1617 = tpu.memref_slice %arg9[%select_n3A_1596, %mul3A_1614] : memref<26x512xi32, #tpu.memory_space<vmem>> -> memref<1x128xi32, #tpu.memory_space<vmem>>
      %dma_wait3A_1618 = tpu.memref_squeeze %dma_wait3A_1617 : memref<1x128xi32, #tpu.memory_space<vmem>> -> memref<128xi32, #tpu.memory_space<vmem>>
      %dma_wait3A_1619 = arith.constant 0 : i32
      %dma_wait3A_1620 = tpu.memref_slice %arg16[%dma_wait3A_1619] : memref<1000064xf32, #tpu.memory_space<vmem_shared>> -> memref<1000064xf32, #tpu.memory_space<vmem_shared>>
      tpu.wait_indirect_dma semaphore(%arg17 : memref<!tpu.dma_semaphore, #tpu.memory_space<semaphore_mem>>) src(%dma_wait3A_1620 : memref<1000064xf32, #tpu.memory_space<vmem_shared>>) dst(%dma_wait3A_1616 : memref<128xf32, #tpu.memory_space<vmem>>)
      %mul3A_1621 = arith.constant 26 : i32
      %mul3A_1622 = arith.muli %scan3A_19, %mul3A_1621 : i32
      %add3A_1623 = arith.constant 5 : i32
      %add3A_1624 = arith.addi %mul3A_1622, %add3A_1623 : i32
      %jit3A_1625 = arith.constant 4 : i32
      %div3A_1626 = arith.divsi %add3A_1624, %jit3A_1625 : i32
      %sign3A_1627 = arith.constant 0 : i32
      %sign3A_1628 = arith.cmpi sgt, %add3A_1624, %sign3A_1627 : i32
      %sign3A_1629 = arith.extui %sign3A_1628 : i1 to i32
      %sign3A_1630 = arith.constant 0 : i32
      %sign3A_1631 = arith.cmpi slt, %add3A_1624, %sign3A_1630 : i32
      %sign3A_1632 = arith.extui %sign3A_1631 : i1 to i32
      %sign3A_1633 = arith.subi %sign3A_1629, %sign3A_1632 : i32
      %sign3A_1634 = arith.constant 0 : i32
      %sign3A_1635 = arith.cmpi sgt, %jit3A_1625, %sign3A_1634 : i32
      %sign3A_1636 = arith.extui %sign3A_1635 : i1 to i32
      %sign3A_1637 = arith.constant 0 : i32
      %sign3A_1638 = arith.cmpi slt, %jit3A_1625, %sign3A_1637 : i32
      %sign3A_1639 = arith.extui %sign3A_1638 : i1 to i32
      %sign3A_1640 = arith.subi %sign3A_1636, %sign3A_1639 : i32
      %ne3A_1641 = arith.cmpi ne, %sign3A_1633, %sign3A_1640 : i32
      %rem3A_1642 = arith.remsi %add3A_1624, %jit3A_1625 : i32
      %ne3A_1643 = arith.constant 0 : i32
      %ne3A_1644 = arith.cmpi ne, %rem3A_1642, %ne3A_1643 : i32
      %and3A_1645 = arith.andi %ne3A_1641, %ne3A_1644 : i1
      %sub3A_1646 = arith.constant 1 : i32
      %sub3A_1647 = arith.subi %div3A_1626, %sub3A_1646 : i32
      %select_n3A_1648 = arith.select %and3A_1645, %sub3A_1647, %div3A_1626 : i32
      %jit3A_1649 = arith.constant 4 : i32
      %eq3A_1650 = arith.constant 0 : i32
      %eq3A_1651 = arith.cmpi eq, %jit3A_1649, %eq3A_1650 : i32
      %jit3A_1652 = arith.constant 1 : i32
      %select_n3A_1653 = arith.select %eq3A_1651, %jit3A_1652, %jit3A_1649 : i32
      %rem3A_1654 = arith.remsi %add3A_1624, %select_n3A_1653 : i32
      %ne3A_1655 = arith.constant 0 : i32
      %ne3A_1656 = arith.cmpi ne, %rem3A_1654, %ne3A_1655 : i32
      %lt3A_1657 = arith.constant 0 : i32
      %lt3A_1658 = arith.cmpi slt, %rem3A_1654, %lt3A_1657 : i32
      %lt3A_1659 = arith.constant 0 : i32
      %lt3A_1660 = arith.cmpi slt, %select_n3A_1653, %lt3A_1659 : i32
      %ne3A_1661 = arith.xori %lt3A_1658, %lt3A_1660 : i1
      %and3A_1662 = arith.andi %ne3A_1661, %ne3A_1656 : i1
      %add3A_1663 = arith.addi %rem3A_1654, %select_n3A_1653 : i32
      %select_n3A_1664 = arith.select %and3A_1662, %add3A_1663, %rem3A_1654 : i32
      %mul3A_1665 = arith.constant 128 : i32
      %mul3A_1666 = arith.muli %select_n3A_1664, %mul3A_1665 : i32
      %dma_wait3A_1667 = tpu.memref_slice %arg12[%select_n3A_1648, %mul3A_1666] : memref<26x512xf32, #tpu.memory_space<vmem>> -> memref<1x128xf32, #tpu.memory_space<vmem>>
      %dma_wait3A_1668 = tpu.memref_squeeze %dma_wait3A_1667 : memref<1x128xf32, #tpu.memory_space<vmem>> -> memref<128xf32, #tpu.memory_space<vmem>>
      %dma_wait3A_1669 = tpu.memref_slice %arg9[%select_n3A_1648, %mul3A_1666] : memref<26x512xi32, #tpu.memory_space<vmem>> -> memref<1x128xi32, #tpu.memory_space<vmem>>
      %dma_wait3A_1670 = tpu.memref_squeeze %dma_wait3A_1669 : memref<1x128xi32, #tpu.memory_space<vmem>> -> memref<128xi32, #tpu.memory_space<vmem>>
      %dma_wait3A_1671 = arith.constant 0 : i32
      %dma_wait3A_1672 = tpu.memref_slice %arg16[%dma_wait3A_1671] : memref<1000064xf32, #tpu.memory_space<vmem_shared>> -> memref<1000064xf32, #tpu.memory_space<vmem_shared>>
      tpu.wait_indirect_dma semaphore(%arg17 : memref<!tpu.dma_semaphore, #tpu.memory_space<semaphore_mem>>) src(%dma_wait3A_1672 : memref<1000064xf32, #tpu.memory_space<vmem_shared>>) dst(%dma_wait3A_1668 : memref<128xf32, #tpu.memory_space<vmem>>)
      %mul3A_1673 = arith.constant 26 : i32
      %mul3A_1674 = arith.muli %scan3A_19, %mul3A_1673 : i32
      %add3A_1675 = arith.constant 6 : i32
      %add3A_1676 = arith.addi %mul3A_1674, %add3A_1675 : i32
      %jit3A_1677 = arith.constant 4 : i32
      %div3A_1678 = arith.divsi %add3A_1676, %jit3A_1677 : i32
      %sign3A_1679 = arith.constant 0 : i32
      %sign3A_1680 = arith.cmpi sgt, %add3A_1676, %sign3A_1679 : i32
      %sign3A_1681 = arith.extui %sign3A_1680 : i1 to i32
      %sign3A_1682 = arith.constant 0 : i32
      %sign3A_1683 = arith.cmpi slt, %add3A_1676, %sign3A_1682 : i32
      %sign3A_1684 = arith.extui %sign3A_1683 : i1 to i32
      %sign3A_1685 = arith.subi %sign3A_1681, %sign3A_1684 : i32
      %sign3A_1686 = arith.constant 0 : i32
      %sign3A_1687 = arith.cmpi sgt, %jit3A_1677, %sign3A_1686 : i32
      %sign3A_1688 = arith.extui %sign3A_1687 : i1 to i32
      %sign3A_1689 = arith.constant 0 : i32
      %sign3A_1690 = arith.cmpi slt, %jit3A_1677, %sign3A_1689 : i32
      %sign3A_1691 = arith.extui %sign3A_1690 : i1 to i32
      %sign3A_1692 = arith.subi %sign3A_1688, %sign3A_1691 : i32
      %ne3A_1693 = arith.cmpi ne, %sign3A_1685, %sign3A_1692 : i32
      %rem3A_1694 = arith.remsi %add3A_1676, %jit3A_1677 : i32
      %ne3A_1695 = arith.constant 0 : i32
      %ne3A_1696 = arith.cmpi ne, %rem3A_1694, %ne3A_1695 : i32
      %and3A_1697 = arith.andi %ne3A_1693, %ne3A_1696 : i1
      %sub3A_1698 = arith.constant 1 : i32
      %sub3A_1699 = arith.subi %div3A_1678, %sub3A_1698 : i32
      %select_n3A_1700 = arith.select %and3A_1697, %sub3A_1699, %div3A_1678 : i32
      %jit3A_1701 = arith.constant 4 : i32
      %eq3A_1702 = arith.constant 0 : i32
      %eq3A_1703 = arith.cmpi eq, %jit3A_1701, %eq3A_1702 : i32
      %jit3A_1704 = arith.constant 1 : i32
      %select_n3A_1705 = arith.select %eq3A_1703, %jit3A_1704, %jit3A_1701 : i32
      %rem3A_1706 = arith.remsi %add3A_1676, %select_n3A_1705 : i32
      %ne3A_1707 = arith.constant 0 : i32
      %ne3A_1708 = arith.cmpi ne, %rem3A_1706, %ne3A_1707 : i32
      %lt3A_1709 = arith.constant 0 : i32
      %lt3A_1710 = arith.cmpi slt, %rem3A_1706, %lt3A_1709 : i32
      %lt3A_1711 = arith.constant 0 : i32
      %lt3A_1712 = arith.cmpi slt, %select_n3A_1705, %lt3A_1711 : i32
      %ne3A_1713 = arith.xori %lt3A_1710, %lt3A_1712 : i1
      %and3A_1714 = arith.andi %ne3A_1713, %ne3A_1708 : i1
      %add3A_1715 = arith.addi %rem3A_1706, %select_n3A_1705 : i32
      %select_n3A_1716 = arith.select %and3A_1714, %add3A_1715, %rem3A_1706 : i32
      %mul3A_1717 = arith.constant 128 : i32
      %mul3A_1718 = arith.muli %select_n3A_1716, %mul3A_1717 : i32
      %dma_wait3A_1719 = tpu.memref_slice %arg12[%select_n3A_1700, %mul3A_1718] : memref<26x512xf32, #tpu.memory_space<vmem>> -> memref<1x128xf32, #tpu.memory_space<vmem>>
      %dma_wait3A_1720 = tpu.memref_squeeze %dma_wait3A_1719 : memref<1x128xf32, #tpu.memory_space<vmem>> -> memref<128xf32, #tpu.memory_space<vmem>>
      %dma_wait3A_1721 = tpu.memref_slice %arg9[%select_n3A_1700, %mul3A_1718] : memref<26x512xi32, #tpu.memory_space<vmem>> -> memref<1x128xi32, #tpu.memory_space<vmem>>
      %dma_wait3A_1722 = tpu.memref_squeeze %dma_wait3A_1721 : memref<1x128xi32, #tpu.memory_space<vmem>> -> memref<128xi32, #tpu.memory_space<vmem>>
      %dma_wait3A_1723 = arith.constant 0 : i32
      %dma_wait3A_1724 = tpu.memref_slice %arg16[%dma_wait3A_1723] : memref<1000064xf32, #tpu.memory_space<vmem_shared>> -> memref<1000064xf32, #tpu.memory_space<vmem_shared>>
      tpu.wait_indirect_dma semaphore(%arg17 : memref<!tpu.dma_semaphore, #tpu.memory_space<semaphore_mem>>) src(%dma_wait3A_1724 : memref<1000064xf32, #tpu.memory_space<vmem_shared>>) dst(%dma_wait3A_1720 : memref<128xf32, #tpu.memory_space<vmem>>)
      %mul3A_1725 = arith.constant 26 : i32
      %mul3A_1726 = arith.muli %scan3A_19, %mul3A_1725 : i32
      %add3A_1727 = arith.constant 7 : i32
      %add3A_1728 = arith.addi %mul3A_1726, %add3A_1727 : i32
      %jit3A_1729 = arith.constant 4 : i32
      %div3A_1730 = arith.divsi %add3A_1728, %jit3A_1729 : i32
      %sign3A_1731 = arith.constant 0 : i32
      %sign3A_1732 = arith.cmpi sgt, %add3A_1728, %sign3A_1731 : i32
      %sign3A_1733 = arith.extui %sign3A_1732 : i1 to i32
      %sign3A_1734 = arith.constant 0 : i32
      %sign3A_1735 = arith.cmpi slt, %add3A_1728, %sign3A_1734 : i32
      %sign3A_1736 = arith.extui %sign3A_1735 : i1 to i32
      %sign3A_1737 = arith.subi %sign3A_1733, %sign3A_1736 : i32
      %sign3A_1738 = arith.constant 0 : i32
      %sign3A_1739 = arith.cmpi sgt, %jit3A_1729, %sign3A_1738 : i32
      %sign3A_1740 = arith.extui %sign3A_1739 : i1 to i32
      %sign3A_1741 = arith.constant 0 : i32
      %sign3A_1742 = arith.cmpi slt, %jit3A_1729, %sign3A_1741 : i32
      %sign3A_1743 = arith.extui %sign3A_1742 : i1 to i32
      %sign3A_1744 = arith.subi %sign3A_1740, %sign3A_1743 : i32
      %ne3A_1745 = arith.cmpi ne, %sign3A_1737, %sign3A_1744 : i32
      %rem3A_1746 = arith.remsi %add3A_1728, %jit3A_1729 : i32
      %ne3A_1747 = arith.constant 0 : i32
      %ne3A_1748 = arith.cmpi ne, %rem3A_1746, %ne3A_1747 : i32
      %and3A_1749 = arith.andi %ne3A_1745, %ne3A_1748 : i1
      %sub3A_1750 = arith.constant 1 : i32
      %sub3A_1751 = arith.subi %div3A_1730, %sub3A_1750 : i32
      %select_n3A_1752 = arith.select %and3A_1749, %sub3A_1751, %div3A_1730 : i32
      %jit3A_1753 = arith.constant 4 : i32
      %eq3A_1754 = arith.constant 0 : i32
      %eq3A_1755 = arith.cmpi eq, %jit3A_1753, %eq3A_1754 : i32
      %jit3A_1756 = arith.constant 1 : i32
      %select_n3A_1757 = arith.select %eq3A_1755, %jit3A_1756, %jit3A_1753 : i32
      %rem3A_1758 = arith.remsi %add3A_1728, %select_n3A_1757 : i32
      %ne3A_1759 = arith.constant 0 : i32
      %ne3A_1760 = arith.cmpi ne, %rem3A_1758, %ne3A_1759 : i32
      %lt3A_1761 = arith.constant 0 : i32
      %lt3A_1762 = arith.cmpi slt, %rem3A_1758, %lt3A_1761 : i32
      %lt3A_1763 = arith.constant 0 : i32
      %lt3A_1764 = arith.cmpi slt, %select_n3A_1757, %lt3A_1763 : i32
      %ne3A_1765 = arith.xori %lt3A_1762, %lt3A_1764 : i1
      %and3A_1766 = arith.andi %ne3A_1765, %ne3A_1760 : i1
      %add3A_1767 = arith.addi %rem3A_1758, %select_n3A_1757 : i32
      %select_n3A_1768 = arith.select %and3A_1766, %add3A_1767, %rem3A_1758 : i32
      %mul3A_1769 = arith.constant 128 : i32
      %mul3A_1770 = arith.muli %select_n3A_1768, %mul3A_1769 : i32
      %dma_wait3A_1771 = tpu.memref_slice %arg12[%select_n3A_1752, %mul3A_1770] : memref<26x512xf32, #tpu.memory_space<vmem>> -> memref<1x128xf32, #tpu.memory_space<vmem>>
      %dma_wait3A_1772 = tpu.memref_squeeze %dma_wait3A_1771 : memref<1x128xf32, #tpu.memory_space<vmem>> -> memref<128xf32, #tpu.memory_space<vmem>>
      %dma_wait3A_1773 = tpu.memref_slice %arg9[%select_n3A_1752, %mul3A_1770] : memref<26x512xi32, #tpu.memory_space<vmem>> -> memref<1x128xi32, #tpu.memory_space<vmem>>
      %dma_wait3A_1774 = tpu.memref_squeeze %dma_wait3A_1773 : memref<1x128xi32, #tpu.memory_space<vmem>> -> memref<128xi32, #tpu.memory_space<vmem>>
      %dma_wait3A_1775 = arith.constant 0 : i32
      %dma_wait3A_1776 = tpu.memref_slice %arg16[%dma_wait3A_1775] : memref<1000064xf32, #tpu.memory_space<vmem_shared>> -> memref<1000064xf32, #tpu.memory_space<vmem_shared>>
      tpu.wait_indirect_dma semaphore(%arg17 : memref<!tpu.dma_semaphore, #tpu.memory_space<semaphore_mem>>) src(%dma_wait3A_1776 : memref<1000064xf32, #tpu.memory_space<vmem_shared>>) dst(%dma_wait3A_1772 : memref<128xf32, #tpu.memory_space<vmem>>)
      %mul3A_1777 = arith.constant 26 : i32
      %mul3A_1778 = arith.muli %scan3A_19, %mul3A_1777 : i32
      %add3A_1779 = arith.constant 8 : i32
      %add3A_1780 = arith.addi %mul3A_1778, %add3A_1779 : i32
      %jit3A_1781 = arith.constant 4 : i32
      %div3A_1782 = arith.divsi %add3A_1780, %jit3A_1781 : i32
      %sign3A_1783 = arith.constant 0 : i32
      %sign3A_1784 = arith.cmpi sgt, %add3A_1780, %sign3A_1783 : i32
      %sign3A_1785 = arith.extui %sign3A_1784 : i1 to i32
      %sign3A_1786 = arith.constant 0 : i32
      %sign3A_1787 = arith.cmpi slt, %add3A_1780, %sign3A_1786 : i32
      %sign3A_1788 = arith.extui %sign3A_1787 : i1 to i32
      %sign3A_1789 = arith.subi %sign3A_1785, %sign3A_1788 : i32
      %sign3A_1790 = arith.constant 0 : i32
      %sign3A_1791 = arith.cmpi sgt, %jit3A_1781, %sign3A_1790 : i32
      %sign3A_1792 = arith.extui %sign3A_1791 : i1 to i32
      %sign3A_1793 = arith.constant 0 : i32
      %sign3A_1794 = arith.cmpi slt, %jit3A_1781, %sign3A_1793 : i32
      %sign3A_1795 = arith.extui %sign3A_1794 : i1 to i32
      %sign3A_1796 = arith.subi %sign3A_1792, %sign3A_1795 : i32
      %ne3A_1797 = arith.cmpi ne, %sign3A_1789, %sign3A_1796 : i32
      %rem3A_1798 = arith.remsi %add3A_1780, %jit3A_1781 : i32
      %ne3A_1799 = arith.constant 0 : i32
      %ne3A_1800 = arith.cmpi ne, %rem3A_1798, %ne3A_1799 : i32
      %and3A_1801 = arith.andi %ne3A_1797, %ne3A_1800 : i1
      %sub3A_1802 = arith.constant 1 : i32
      %sub3A_1803 = arith.subi %div3A_1782, %sub3A_1802 : i32
      %select_n3A_1804 = arith.select %and3A_1801, %sub3A_1803, %div3A_1782 : i32
      %jit3A_1805 = arith.constant 4 : i32
      %eq3A_1806 = arith.constant 0 : i32
      %eq3A_1807 = arith.cmpi eq, %jit3A_1805, %eq3A_1806 : i32
      %jit3A_1808 = arith.constant 1 : i32
      %select_n3A_1809 = arith.select %eq3A_1807, %jit3A_1808, %jit3A_1805 : i32
      %rem3A_1810 = arith.remsi %add3A_1780, %select_n3A_1809 : i32
      %ne3A_1811 = arith.constant 0 : i32
      %ne3A_1812 = arith.cmpi ne, %rem3A_1810, %ne3A_1811 : i32
      %lt3A_1813 = arith.constant 0 : i32
      %lt3A_1814 = arith.cmpi slt, %rem3A_1810, %lt3A_1813 : i32
      %lt3A_1815 = arith.constant 0 : i32
      %lt3A_1816 = arith.cmpi slt, %select_n3A_1809, %lt3A_1815 : i32
      %ne3A_1817 = arith.xori %lt3A_1814, %lt3A_1816 : i1
      %and3A_1818 = arith.andi %ne3A_1817, %ne3A_1812 : i1
      %add3A_1819 = arith.addi %rem3A_1810, %select_n3A_1809 : i32
      %select_n3A_1820 = arith.select %and3A_1818, %add3A_1819, %rem3A_1810 : i32
      %mul3A_1821 = arith.constant 128 : i32
      %mul3A_1822 = arith.muli %select_n3A_1820, %mul3A_1821 : i32
      %dma_wait3A_1823 = tpu.memref_slice %arg12[%select_n3A_1804, %mul3A_1822] : memref<26x512xf32, #tpu.memory_space<vmem>> -> memref<1x128xf32, #tpu.memory_space<vmem>>
      %dma_wait3A_1824 = tpu.memref_squeeze %dma_wait3A_1823 : memref<1x128xf32, #tpu.memory_space<vmem>> -> memref<128xf32, #tpu.memory_space<vmem>>
      %dma_wait3A_1825 = tpu.memref_slice %arg9[%select_n3A_1804, %mul3A_1822] : memref<26x512xi32, #tpu.memory_space<vmem>> -> memref<1x128xi32, #tpu.memory_space<vmem>>
      %dma_wait3A_1826 = tpu.memref_squeeze %dma_wait3A_1825 : memref<1x128xi32, #tpu.memory_space<vmem>> -> memref<128xi32, #tpu.memory_space<vmem>>
      %dma_wait3A_1827 = arith.constant 0 : i32
      %dma_wait3A_1828 = tpu.memref_slice %arg16[%dma_wait3A_1827] : memref<1000064xf32, #tpu.memory_space<vmem_shared>> -> memref<1000064xf32, #tpu.memory_space<vmem_shared>>
      tpu.wait_indirect_dma semaphore(%arg17 : memref<!tpu.dma_semaphore, #tpu.memory_space<semaphore_mem>>) src(%dma_wait3A_1828 : memref<1000064xf32, #tpu.memory_space<vmem_shared>>) dst(%dma_wait3A_1824 : memref<128xf32, #tpu.memory_space<vmem>>)
      %mul3A_1829 = arith.constant 26 : i32
      %mul3A_1830 = arith.muli %scan3A_19, %mul3A_1829 : i32
      %add3A_1831 = arith.constant 9 : i32
      %add3A_1832 = arith.addi %mul3A_1830, %add3A_1831 : i32
      %jit3A_1833 = arith.constant 4 : i32
      %div3A_1834 = arith.divsi %add3A_1832, %jit3A_1833 : i32
      %sign3A_1835 = arith.constant 0 : i32
      %sign3A_1836 = arith.cmpi sgt, %add3A_1832, %sign3A_1835 : i32
      %sign3A_1837 = arith.extui %sign3A_1836 : i1 to i32
      %sign3A_1838 = arith.constant 0 : i32
      %sign3A_1839 = arith.cmpi slt, %add3A_1832, %sign3A_1838 : i32
      %sign3A_1840 = arith.extui %sign3A_1839 : i1 to i32
      %sign3A_1841 = arith.subi %sign3A_1837, %sign3A_1840 : i32
      %sign3A_1842 = arith.constant 0 : i32
      %sign3A_1843 = arith.cmpi sgt, %jit3A_1833, %sign3A_1842 : i32
      %sign3A_1844 = arith.extui %sign3A_1843 : i1 to i32
      %sign3A_1845 = arith.constant 0 : i32
      %sign3A_1846 = arith.cmpi slt, %jit3A_1833, %sign3A_1845 : i32
      %sign3A_1847 = arith.extui %sign3A_1846 : i1 to i32
      %sign3A_1848 = arith.subi %sign3A_1844, %sign3A_1847 : i32
      %ne3A_1849 = arith.cmpi ne, %sign3A_1841, %sign3A_1848 : i32
      %rem3A_1850 = arith.remsi %add3A_1832, %jit3A_1833 : i32
      %ne3A_1851 = arith.constant 0 : i32
      %ne3A_1852 = arith.cmpi ne, %rem3A_1850, %ne3A_1851 : i32
      %and3A_1853 = arith.andi %ne3A_1849, %ne3A_1852 : i1
      %sub3A_1854 = arith.constant 1 : i32
      %sub3A_1855 = arith.subi %div3A_1834, %sub3A_1854 : i32
      %select_n3A_1856 = arith.select %and3A_1853, %sub3A_1855, %div3A_1834 : i32
      %jit3A_1857 = arith.constant 4 : i32
      %eq3A_1858 = arith.constant 0 : i32
      %eq3A_1859 = arith.cmpi eq, %jit3A_1857, %eq3A_1858 : i32
      %jit3A_1860 = arith.constant 1 : i32
      %select_n3A_1861 = arith.select %eq3A_1859, %jit3A_1860, %jit3A_1857 : i32
      %rem3A_1862 = arith.remsi %add3A_1832, %select_n3A_1861 : i32
      %ne3A_1863 = arith.constant 0 : i32
      %ne3A_1864 = arith.cmpi ne, %rem3A_1862, %ne3A_1863 : i32
      %lt3A_1865 = arith.constant 0 : i32
      %lt3A_1866 = arith.cmpi slt, %rem3A_1862, %lt3A_1865 : i32
      %lt3A_1867 = arith.constant 0 : i32
      %lt3A_1868 = arith.cmpi slt, %select_n3A_1861, %lt3A_1867 : i32
      %ne3A_1869 = arith.xori %lt3A_1866, %lt3A_1868 : i1
      %and3A_1870 = arith.andi %ne3A_1869, %ne3A_1864 : i1
      %add3A_1871 = arith.addi %rem3A_1862, %select_n3A_1861 : i32
      %select_n3A_1872 = arith.select %and3A_1870, %add3A_1871, %rem3A_1862 : i32
      %mul3A_1873 = arith.constant 128 : i32
      %mul3A_1874 = arith.muli %select_n3A_1872, %mul3A_1873 : i32
      %dma_wait3A_1875 = tpu.memref_slice %arg12[%select_n3A_1856, %mul3A_1874] : memref<26x512xf32, #tpu.memory_space<vmem>> -> memref<1x128xf32, #tpu.memory_space<vmem>>
      %dma_wait3A_1876 = tpu.memref_squeeze %dma_wait3A_1875 : memref<1x128xf32, #tpu.memory_space<vmem>> -> memref<128xf32, #tpu.memory_space<vmem>>
      %dma_wait3A_1877 = tpu.memref_slice %arg9[%select_n3A_1856, %mul3A_1874] : memref<26x512xi32, #tpu.memory_space<vmem>> -> memref<1x128xi32, #tpu.memory_space<vmem>>
      %dma_wait3A_1878 = tpu.memref_squeeze %dma_wait3A_1877 : memref<1x128xi32, #tpu.memory_space<vmem>> -> memref<128xi32, #tpu.memory_space<vmem>>
      %dma_wait3A_1879 = arith.constant 0 : i32
      %dma_wait3A_1880 = tpu.memref_slice %arg16[%dma_wait3A_1879] : memref<1000064xf32, #tpu.memory_space<vmem_shared>> -> memref<1000064xf32, #tpu.memory_space<vmem_shared>>
      tpu.wait_indirect_dma semaphore(%arg17 : memref<!tpu.dma_semaphore, #tpu.memory_space<semaphore_mem>>) src(%dma_wait3A_1880 : memref<1000064xf32, #tpu.memory_space<vmem_shared>>) dst(%dma_wait3A_1876 : memref<128xf32, #tpu.memory_space<vmem>>)
      %mul3A_1881 = arith.constant 26 : i32
      %mul3A_1882 = arith.muli %scan3A_19, %mul3A_1881 : i32
      %add3A_1883 = arith.constant 10 : i32
      %add3A_1884 = arith.addi %mul3A_1882, %add3A_1883 : i32
      %jit3A_1885 = arith.constant 4 : i32
      %div3A_1886 = arith.divsi %add3A_1884, %jit3A_1885 : i32
      %sign3A_1887 = arith.constant 0 : i32
      %sign3A_1888 = arith.cmpi sgt, %add3A_1884, %sign3A_1887 : i32
      %sign3A_1889 = arith.extui %sign3A_1888 : i1 to i32
      %sign3A_1890 = arith.constant 0 : i32
      %sign3A_1891 = arith.cmpi slt, %add3A_1884, %sign3A_1890 : i32
      %sign3A_1892 = arith.extui %sign3A_1891 : i1 to i32
      %sign3A_1893 = arith.subi %sign3A_1889, %sign3A_1892 : i32
      %sign3A_1894 = arith.constant 0 : i32
      %sign3A_1895 = arith.cmpi sgt, %jit3A_1885, %sign3A_1894 : i32
      %sign3A_1896 = arith.extui %sign3A_1895 : i1 to i32
      %sign3A_1897 = arith.constant 0 : i32
      %sign3A_1898 = arith.cmpi slt, %jit3A_1885, %sign3A_1897 : i32
      %sign3A_1899 = arith.extui %sign3A_1898 : i1 to i32
      %sign3A_1900 = arith.subi %sign3A_1896, %sign3A_1899 : i32
      %ne3A_1901 = arith.cmpi ne, %sign3A_1893, %sign3A_1900 : i32
      %rem3A_1902 = arith.remsi %add3A_1884, %jit3A_1885 : i32
      %ne3A_1903 = arith.constant 0 : i32
      %ne3A_1904 = arith.cmpi ne, %rem3A_1902, %ne3A_1903 : i32
      %and3A_1905 = arith.andi %ne3A_1901, %ne3A_1904 : i1
      %sub3A_1906 = arith.constant 1 : i32
      %sub3A_1907 = arith.subi %div3A_1886, %sub3A_1906 : i32
      %select_n3A_1908 = arith.select %and3A_1905, %sub3A_1907, %div3A_1886 : i32
      %jit3A_1909 = arith.constant 4 : i32
      %eq3A_1910 = arith.constant 0 : i32
      %eq3A_1911 = arith.cmpi eq, %jit3A_1909, %eq3A_1910 : i32
      %jit3A_1912 = arith.constant 1 : i32
      %select_n3A_1913 = arith.select %eq3A_1911, %jit3A_1912, %jit3A_1909 : i32
      %rem3A_1914 = arith.remsi %add3A_1884, %select_n3A_1913 : i32
      %ne3A_1915 = arith.constant 0 : i32
      %ne3A_1916 = arith.cmpi ne, %rem3A_1914, %ne3A_1915 : i32
      %lt3A_1917 = arith.constant 0 : i32
      %lt3A_1918 = arith.cmpi slt, %rem3A_1914, %lt3A_1917 : i32
      %lt3A_1919 = arith.constant 0 : i32
      %lt3A_1920 = arith.cmpi slt, %select_n3A_1913, %lt3A_1919 : i32
      %ne3A_1921 = arith.xori %lt3A_1918, %lt3A_1920 : i1
      %and3A_1922 = arith.andi %ne3A_1921, %ne3A_1916 : i1
      %add3A_1923 = arith.addi %rem3A_1914, %select_n3A_1913 : i32
      %select_n3A_1924 = arith.select %and3A_1922, %add3A_1923, %rem3A_1914 : i32
      %mul3A_1925 = arith.constant 128 : i32
      %mul3A_1926 = arith.muli %select_n3A_1924, %mul3A_1925 : i32
      %dma_wait3A_1927 = tpu.memref_slice %arg12[%select_n3A_1908, %mul3A_1926] : memref<26x512xf32, #tpu.memory_space<vmem>> -> memref<1x128xf32, #tpu.memory_space<vmem>>
      %dma_wait3A_1928 = tpu.memref_squeeze %dma_wait3A_1927 : memref<1x128xf32, #tpu.memory_space<vmem>> -> memref<128xf32, #tpu.memory_space<vmem>>
      %dma_wait3A_1929 = tpu.memref_slice %arg9[%select_n3A_1908, %mul3A_1926] : memref<26x512xi32, #tpu.memory_space<vmem>> -> memref<1x128xi32, #tpu.memory_space<vmem>>
      %dma_wait3A_1930 = tpu.memref_squeeze %dma_wait3A_1929 : memref<1x128xi32, #tpu.memory_space<vmem>> -> memref<128xi32, #tpu.memory_space<vmem>>
      %dma_wait3A_1931 = arith.constant 0 : i32
      %dma_wait3A_1932 = tpu.memref_slice %arg16[%dma_wait3A_1931] : memref<1000064xf32, #tpu.memory_space<vmem_shared>> -> memref<1000064xf32, #tpu.memory_space<vmem_shared>>
      tpu.wait_indirect_dma semaphore(%arg17 : memref<!tpu.dma_semaphore, #tpu.memory_space<semaphore_mem>>) src(%dma_wait3A_1932 : memref<1000064xf32, #tpu.memory_space<vmem_shared>>) dst(%dma_wait3A_1928 : memref<128xf32, #tpu.memory_space<vmem>>)
      %mul3A_1933 = arith.constant 26 : i32
      %mul3A_1934 = arith.muli %scan3A_19, %mul3A_1933 : i32
      %add3A_1935 = arith.constant 11 : i32
      %add3A_1936 = arith.addi %mul3A_1934, %add3A_1935 : i32
      %jit3A_1937 = arith.constant 4 : i32
      %div3A_1938 = arith.divsi %add3A_1936, %jit3A_1937 : i32
      %sign3A_1939 = arith.constant 0 : i32
      %sign3A_1940 = arith.cmpi sgt, %add3A_1936, %sign3A_1939 : i32
      %sign3A_1941 = arith.extui %sign3A_1940 : i1 to i32
      %sign3A_1942 = arith.constant 0 : i32
      %sign3A_1943 = arith.cmpi slt, %add3A_1936, %sign3A_1942 : i32
      %sign3A_1944 = arith.extui %sign3A_1943 : i1 to i32
      %sign3A_1945 = arith.subi %sign3A_1941, %sign3A_1944 : i32
      %sign3A_1946 = arith.constant 0 : i32
      %sign3A_1947 = arith.cmpi sgt, %jit3A_1937, %sign3A_1946 : i32
      %sign3A_1948 = arith.extui %sign3A_1947 : i1 to i32
      %sign3A_1949 = arith.constant 0 : i32
      %sign3A_1950 = arith.cmpi slt, %jit3A_1937, %sign3A_1949 : i32
      %sign3A_1951 = arith.extui %sign3A_1950 : i1 to i32
      %sign3A_1952 = arith.subi %sign3A_1948, %sign3A_1951 : i32
      %ne3A_1953 = arith.cmpi ne, %sign3A_1945, %sign3A_1952 : i32
      %rem3A_1954 = arith.remsi %add3A_1936, %jit3A_1937 : i32
      %ne3A_1955 = arith.constant 0 : i32
      %ne3A_1956 = arith.cmpi ne, %rem3A_1954, %ne3A_1955 : i32
      %and3A_1957 = arith.andi %ne3A_1953, %ne3A_1956 : i1
      %sub3A_1958 = arith.constant 1 : i32
      %sub3A_1959 = arith.subi %div3A_1938, %sub3A_1958 : i32
      %select_n3A_1960 = arith.select %and3A_1957, %sub3A_1959, %div3A_1938 : i32
      %jit3A_1961 = arith.constant 4 : i32
      %eq3A_1962 = arith.constant 0 : i32
      %eq3A_1963 = arith.cmpi eq, %jit3A_1961, %eq3A_1962 : i32
      %jit3A_1964 = arith.constant 1 : i32
      %select_n3A_1965 = arith.select %eq3A_1963, %jit3A_1964, %jit3A_1961 : i32
      %rem3A_1966 = arith.remsi %add3A_1936, %select_n3A_1965 : i32
      %ne3A_1967 = arith.constant 0 : i32
      %ne3A_1968 = arith.cmpi ne, %rem3A_1966, %ne3A_1967 : i32
      %lt3A_1969 = arith.constant 0 : i32
      %lt3A_1970 = arith.cmpi slt, %rem3A_1966, %lt3A_1969 : i32
      %lt3A_1971 = arith.constant 0 : i32
      %lt3A_1972 = arith.cmpi slt, %select_n3A_1965, %lt3A_1971 : i32
      %ne3A_1973 = arith.xori %lt3A_1970, %lt3A_1972 : i1
      %and3A_1974 = arith.andi %ne3A_1973, %ne3A_1968 : i1
      %add3A_1975 = arith.addi %rem3A_1966, %select_n3A_1965 : i32
      %select_n3A_1976 = arith.select %and3A_1974, %add3A_1975, %rem3A_1966 : i32
      %mul3A_1977 = arith.constant 128 : i32
      %mul3A_1978 = arith.muli %select_n3A_1976, %mul3A_1977 : i32
      %dma_wait3A_1979 = tpu.memref_slice %arg12[%select_n3A_1960, %mul3A_1978] : memref<26x512xf32, #tpu.memory_space<vmem>> -> memref<1x128xf32, #tpu.memory_space<vmem>>
      %dma_wait3A_1980 = tpu.memref_squeeze %dma_wait3A_1979 : memref<1x128xf32, #tpu.memory_space<vmem>> -> memref<128xf32, #tpu.memory_space<vmem>>
      %dma_wait3A_1981 = tpu.memref_slice %arg9[%select_n3A_1960, %mul3A_1978] : memref<26x512xi32, #tpu.memory_space<vmem>> -> memref<1x128xi32, #tpu.memory_space<vmem>>
      %dma_wait3A_1982 = tpu.memref_squeeze %dma_wait3A_1981 : memref<1x128xi32, #tpu.memory_space<vmem>> -> memref<128xi32, #tpu.memory_space<vmem>>
      %dma_wait3A_1983 = arith.constant 0 : i32
      %dma_wait3A_1984 = tpu.memref_slice %arg16[%dma_wait3A_1983] : memref<1000064xf32, #tpu.memory_space<vmem_shared>> -> memref<1000064xf32, #tpu.memory_space<vmem_shared>>
      tpu.wait_indirect_dma semaphore(%arg17 : memref<!tpu.dma_semaphore, #tpu.memory_space<semaphore_mem>>) src(%dma_wait3A_1984 : memref<1000064xf32, #tpu.memory_space<vmem_shared>>) dst(%dma_wait3A_1980 : memref<128xf32, #tpu.memory_space<vmem>>)
      %mul3A_1985 = arith.constant 26 : i32
      %mul3A_1986 = arith.muli %scan3A_19, %mul3A_1985 : i32
      %add3A_1987 = arith.constant 12 : i32
      %add3A_1988 = arith.addi %mul3A_1986, %add3A_1987 : i32
      %jit3A_1989 = arith.constant 4 : i32
      %div3A_1990 = arith.divsi %add3A_1988, %jit3A_1989 : i32
      %sign3A_1991 = arith.constant 0 : i32
      %sign3A_1992 = arith.cmpi sgt, %add3A_1988, %sign3A_1991 : i32
      %sign3A_1993 = arith.extui %sign3A_1992 : i1 to i32
      %sign3A_1994 = arith.constant 0 : i32
      %sign3A_1995 = arith.cmpi slt, %add3A_1988, %sign3A_1994 : i32
      %sign3A_1996 = arith.extui %sign3A_1995 : i1 to i32
      %sign3A_1997 = arith.subi %sign3A_1993, %sign3A_1996 : i32
      %sign3A_1998 = arith.constant 0 : i32
      %sign3A_1999 = arith.cmpi sgt, %jit3A_1989, %sign3A_1998 : i32
      %sign3A_2000 = arith.extui %sign3A_1999 : i1 to i32
      %sign3A_2001 = arith.constant 0 : i32
      %sign3A_2002 = arith.cmpi slt, %jit3A_1989, %sign3A_2001 : i32
      %sign3A_2003 = arith.extui %sign3A_2002 : i1 to i32
      %sign3A_2004 = arith.subi %sign3A_2000, %sign3A_2003 : i32
      %ne3A_2005 = arith.cmpi ne, %sign3A_1997, %sign3A_2004 : i32
      %rem3A_2006 = arith.remsi %add3A_1988, %jit3A_1989 : i32
      %ne3A_2007 = arith.constant 0 : i32
      %ne3A_2008 = arith.cmpi ne, %rem3A_2006, %ne3A_2007 : i32
      %and3A_2009 = arith.andi %ne3A_2005, %ne3A_2008 : i1
      %sub3A_2010 = arith.constant 1 : i32
      %sub3A_2011 = arith.subi %div3A_1990, %sub3A_2010 : i32
      %select_n3A_2012 = arith.select %and3A_2009, %sub3A_2011, %div3A_1990 : i32
      %jit3A_2013 = arith.constant 4 : i32
      %eq3A_2014 = arith.constant 0 : i32
      %eq3A_2015 = arith.cmpi eq, %jit3A_2013, %eq3A_2014 : i32
      %jit3A_2016 = arith.constant 1 : i32
      %select_n3A_2017 = arith.select %eq3A_2015, %jit3A_2016, %jit3A_2013 : i32
      %rem3A_2018 = arith.remsi %add3A_1988, %select_n3A_2017 : i32
      %ne3A_2019 = arith.constant 0 : i32
      %ne3A_2020 = arith.cmpi ne, %rem3A_2018, %ne3A_2019 : i32
      %lt3A_2021 = arith.constant 0 : i32
      %lt3A_2022 = arith.cmpi slt, %rem3A_2018, %lt3A_2021 : i32
      %lt3A_2023 = arith.constant 0 : i32
      %lt3A_2024 = arith.cmpi slt, %select_n3A_2017, %lt3A_2023 : i32
      %ne3A_2025 = arith.xori %lt3A_2022, %lt3A_2024 : i1
      %and3A_2026 = arith.andi %ne3A_2025, %ne3A_2020 : i1
      %add3A_2027 = arith.addi %rem3A_2018, %select_n3A_2017 : i32
      %select_n3A_2028 = arith.select %and3A_2026, %add3A_2027, %rem3A_2018 : i32
      %mul3A_2029 = arith.constant 128 : i32
      %mul3A_2030 = arith.muli %select_n3A_2028, %mul3A_2029 : i32
      %dma_wait3A_2031 = tpu.memref_slice %arg12[%select_n3A_2012, %mul3A_2030] : memref<26x512xf32, #tpu.memory_space<vmem>> -> memref<1x128xf32, #tpu.memory_space<vmem>>
      %dma_wait3A_2032 = tpu.memref_squeeze %dma_wait3A_2031 : memref<1x128xf32, #tpu.memory_space<vmem>> -> memref<128xf32, #tpu.memory_space<vmem>>
      %dma_wait3A_2033 = tpu.memref_slice %arg9[%select_n3A_2012, %mul3A_2030] : memref<26x512xi32, #tpu.memory_space<vmem>> -> memref<1x128xi32, #tpu.memory_space<vmem>>
      %dma_wait3A_2034 = tpu.memref_squeeze %dma_wait3A_2033 : memref<1x128xi32, #tpu.memory_space<vmem>> -> memref<128xi32, #tpu.memory_space<vmem>>
      %dma_wait3A_2035 = arith.constant 0 : i32
      %dma_wait3A_2036 = tpu.memref_slice %arg16[%dma_wait3A_2035] : memref<1000064xf32, #tpu.memory_space<vmem_shared>> -> memref<1000064xf32, #tpu.memory_space<vmem_shared>>
      tpu.wait_indirect_dma semaphore(%arg17 : memref<!tpu.dma_semaphore, #tpu.memory_space<semaphore_mem>>) src(%dma_wait3A_2036 : memref<1000064xf32, #tpu.memory_space<vmem_shared>>) dst(%dma_wait3A_2032 : memref<128xf32, #tpu.memory_space<vmem>>)
      %mul3A_2037 = arith.constant 26 : i32
      %mul3A_2038 = arith.muli %scan3A_19, %mul3A_2037 : i32
      %add3A_2039 = arith.constant 13 : i32
      %add3A_2040 = arith.addi %mul3A_2038, %add3A_2039 : i32
      %jit3A_2041 = arith.constant 4 : i32
      %div3A_2042 = arith.divsi %add3A_2040, %jit3A_2041 : i32
      %sign3A_2043 = arith.constant 0 : i32
      %sign3A_2044 = arith.cmpi sgt, %add3A_2040, %sign3A_2043 : i32
      %sign3A_2045 = arith.extui %sign3A_2044 : i1 to i32
      %sign3A_2046 = arith.constant 0 : i32
      %sign3A_2047 = arith.cmpi slt, %add3A_2040, %sign3A_2046 : i32
      %sign3A_2048 = arith.extui %sign3A_2047 : i1 to i32
      %sign3A_2049 = arith.subi %sign3A_2045, %sign3A_2048 : i32
      %sign3A_2050 = arith.constant 0 : i32
      %sign3A_2051 = arith.cmpi sgt, %jit3A_2041, %sign3A_2050 : i32
      %sign3A_2052 = arith.extui %sign3A_2051 : i1 to i32
      %sign3A_2053 = arith.constant 0 : i32
      %sign3A_2054 = arith.cmpi slt, %jit3A_2041, %sign3A_2053 : i32
      %sign3A_2055 = arith.extui %sign3A_2054 : i1 to i32
      %sign3A_2056 = arith.subi %sign3A_2052, %sign3A_2055 : i32
      %ne3A_2057 = arith.cmpi ne, %sign3A_2049, %sign3A_2056 : i32
      %rem3A_2058 = arith.remsi %add3A_2040, %jit3A_2041 : i32
      %ne3A_2059 = arith.constant 0 : i32
      %ne3A_2060 = arith.cmpi ne, %rem3A_2058, %ne3A_2059 : i32
      %and3A_2061 = arith.andi %ne3A_2057, %ne3A_2060 : i1
      %sub3A_2062 = arith.constant 1 : i32
      %sub3A_2063 = arith.subi %div3A_2042, %sub3A_2062 : i32
      %select_n3A_2064 = arith.select %and3A_2061, %sub3A_2063, %div3A_2042 : i32
      %jit3A_2065 = arith.constant 4 : i32
      %eq3A_2066 = arith.constant 0 : i32
      %eq3A_2067 = arith.cmpi eq, %jit3A_2065, %eq3A_2066 : i32
      %jit3A_2068 = arith.constant 1 : i32
      %select_n3A_2069 = arith.select %eq3A_2067, %jit3A_2068, %jit3A_2065 : i32
      %rem3A_2070 = arith.remsi %add3A_2040, %select_n3A_2069 : i32
      %ne3A_2071 = arith.constant 0 : i32
      %ne3A_2072 = arith.cmpi ne, %rem3A_2070, %ne3A_2071 : i32
      %lt3A_2073 = arith.constant 0 : i32
      %lt3A_2074 = arith.cmpi slt, %rem3A_2070, %lt3A_2073 : i32
      %lt3A_2075 = arith.constant 0 : i32
      %lt3A_2076 = arith.cmpi slt, %select_n3A_2069, %lt3A_2075 : i32
      %ne3A_2077 = arith.xori %lt3A_2074, %lt3A_2076 : i1
      %and3A_2078 = arith.andi %ne3A_2077, %ne3A_2072 : i1
      %add3A_2079 = arith.addi %rem3A_2070, %select_n3A_2069 : i32
      %select_n3A_2080 = arith.select %and3A_2078, %add3A_2079, %rem3A_2070 : i32
      %mul3A_2081 = arith.constant 128 : i32
      %mul3A_2082 = arith.muli %select_n3A_2080, %mul3A_2081 : i32
      %dma_wait3A_2083 = tpu.memref_slice %arg12[%select_n3A_2064, %mul3A_2082] : memref<26x512xf32, #tpu.memory_space<vmem>> -> memref<1x128xf32, #tpu.memory_space<vmem>>
      %dma_wait3A_2084 = tpu.memref_squeeze %dma_wait3A_2083 : memref<1x128xf32, #tpu.memory_space<vmem>> -> memref<128xf32, #tpu.memory_space<vmem>>
      %dma_wait3A_2085 = tpu.memref_slice %arg9[%select_n3A_2064, %mul3A_2082] : memref<26x512xi32, #tpu.memory_space<vmem>> -> memref<1x128xi32, #tpu.memory_space<vmem>>
      %dma_wait3A_2086 = tpu.memref_squeeze %dma_wait3A_2085 : memref<1x128xi32, #tpu.memory_space<vmem>> -> memref<128xi32, #tpu.memory_space<vmem>>
      %dma_wait3A_2087 = arith.constant 0 : i32
      %dma_wait3A_2088 = tpu.memref_slice %arg16[%dma_wait3A_2087] : memref<1000064xf32, #tpu.memory_space<vmem_shared>> -> memref<1000064xf32, #tpu.memory_space<vmem_shared>>
      tpu.wait_indirect_dma semaphore(%arg17 : memref<!tpu.dma_semaphore, #tpu.memory_space<semaphore_mem>>) src(%dma_wait3A_2088 : memref<1000064xf32, #tpu.memory_space<vmem_shared>>) dst(%dma_wait3A_2084 : memref<128xf32, #tpu.memory_space<vmem>>)
      %mul3A_2089 = arith.constant 26 : i32
      %mul3A_2090 = arith.muli %scan3A_19, %mul3A_2089 : i32
      %add3A_2091 = arith.constant 14 : i32
      %add3A_2092 = arith.addi %mul3A_2090, %add3A_2091 : i32
      %jit3A_2093 = arith.constant 4 : i32
      %div3A_2094 = arith.divsi %add3A_2092, %jit3A_2093 : i32
      %sign3A_2095 = arith.constant 0 : i32
      %sign3A_2096 = arith.cmpi sgt, %add3A_2092, %sign3A_2095 : i32
      %sign3A_2097 = arith.extui %sign3A_2096 : i1 to i32
      %sign3A_2098 = arith.constant 0 : i32
      %sign3A_2099 = arith.cmpi slt, %add3A_2092, %sign3A_2098 : i32
      %sign3A_2100 = arith.extui %sign3A_2099 : i1 to i32
      %sign3A_2101 = arith.subi %sign3A_2097, %sign3A_2100 : i32
      %sign3A_2102 = arith.constant 0 : i32
      %sign3A_2103 = arith.cmpi sgt, %jit3A_2093, %sign3A_2102 : i32
      %sign3A_2104 = arith.extui %sign3A_2103 : i1 to i32
      %sign3A_2105 = arith.constant 0 : i32
      %sign3A_2106 = arith.cmpi slt, %jit3A_2093, %sign3A_2105 : i32
      %sign3A_2107 = arith.extui %sign3A_2106 : i1 to i32
      %sign3A_2108 = arith.subi %sign3A_2104, %sign3A_2107 : i32
      %ne3A_2109 = arith.cmpi ne, %sign3A_2101, %sign3A_2108 : i32
      %rem3A_2110 = arith.remsi %add3A_2092, %jit3A_2093 : i32
      %ne3A_2111 = arith.constant 0 : i32
      %ne3A_2112 = arith.cmpi ne, %rem3A_2110, %ne3A_2111 : i32
      %and3A_2113 = arith.andi %ne3A_2109, %ne3A_2112 : i1
      %sub3A_2114 = arith.constant 1 : i32
      %sub3A_2115 = arith.subi %div3A_2094, %sub3A_2114 : i32
      %select_n3A_2116 = arith.select %and3A_2113, %sub3A_2115, %div3A_2094 : i32
      %jit3A_2117 = arith.constant 4 : i32
      %eq3A_2118 = arith.constant 0 : i32
      %eq3A_2119 = arith.cmpi eq, %jit3A_2117, %eq3A_2118 : i32
      %jit3A_2120 = arith.constant 1 : i32
      %select_n3A_2121 = arith.select %eq3A_2119, %jit3A_2120, %jit3A_2117 : i32
      %rem3A_2122 = arith.remsi %add3A_2092, %select_n3A_2121 : i32
      %ne3A_2123 = arith.constant 0 : i32
      %ne3A_2124 = arith.cmpi ne, %rem3A_2122, %ne3A_2123 : i32
      %lt3A_2125 = arith.constant 0 : i32
      %lt3A_2126 = arith.cmpi slt, %rem3A_2122, %lt3A_2125 : i32
      %lt3A_2127 = arith.constant 0 : i32
      %lt3A_2128 = arith.cmpi slt, %select_n3A_2121, %lt3A_2127 : i32
      %ne3A_2129 = arith.xori %lt3A_2126, %lt3A_2128 : i1
      %and3A_2130 = arith.andi %ne3A_2129, %ne3A_2124 : i1
      %add3A_2131 = arith.addi %rem3A_2122, %select_n3A_2121 : i32
      %select_n3A_2132 = arith.select %and3A_2130, %add3A_2131, %rem3A_2122 : i32
      %mul3A_2133 = arith.constant 128 : i32
      %mul3A_2134 = arith.muli %select_n3A_2132, %mul3A_2133 : i32
      %dma_wait3A_2135 = tpu.memref_slice %arg12[%select_n3A_2116, %mul3A_2134] : memref<26x512xf32, #tpu.memory_space<vmem>> -> memref<1x128xf32, #tpu.memory_space<vmem>>
      %dma_wait3A_2136 = tpu.memref_squeeze %dma_wait3A_2135 : memref<1x128xf32, #tpu.memory_space<vmem>> -> memref<128xf32, #tpu.memory_space<vmem>>
      %dma_wait3A_2137 = tpu.memref_slice %arg9[%select_n3A_2116, %mul3A_2134] : memref<26x512xi32, #tpu.memory_space<vmem>> -> memref<1x128xi32, #tpu.memory_space<vmem>>
      %dma_wait3A_2138 = tpu.memref_squeeze %dma_wait3A_2137 : memref<1x128xi32, #tpu.memory_space<vmem>> -> memref<128xi32, #tpu.memory_space<vmem>>
      %dma_wait3A_2139 = arith.constant 0 : i32
      %dma_wait3A_2140 = tpu.memref_slice %arg16[%dma_wait3A_2139] : memref<1000064xf32, #tpu.memory_space<vmem_shared>> -> memref<1000064xf32, #tpu.memory_space<vmem_shared>>
      tpu.wait_indirect_dma semaphore(%arg17 : memref<!tpu.dma_semaphore, #tpu.memory_space<semaphore_mem>>) src(%dma_wait3A_2140 : memref<1000064xf32, #tpu.memory_space<vmem_shared>>) dst(%dma_wait3A_2136 : memref<128xf32, #tpu.memory_space<vmem>>)
      %mul3A_2141 = arith.constant 26 : i32
      %mul3A_2142 = arith.muli %scan3A_19, %mul3A_2141 : i32
      %add3A_2143 = arith.constant 15 : i32
      %add3A_2144 = arith.addi %mul3A_2142, %add3A_2143 : i32
      %jit3A_2145 = arith.constant 4 : i32
      %div3A_2146 = arith.divsi %add3A_2144, %jit3A_2145 : i32
      %sign3A_2147 = arith.constant 0 : i32
      %sign3A_2148 = arith.cmpi sgt, %add3A_2144, %sign3A_2147 : i32
      %sign3A_2149 = arith.extui %sign3A_2148 : i1 to i32
      %sign3A_2150 = arith.constant 0 : i32
      %sign3A_2151 = arith.cmpi slt, %add3A_2144, %sign3A_2150 : i32
      %sign3A_2152 = arith.extui %sign3A_2151 : i1 to i32
      %sign3A_2153 = arith.subi %sign3A_2149, %sign3A_2152 : i32
      %sign3A_2154 = arith.constant 0 : i32
      %sign3A_2155 = arith.cmpi sgt, %jit3A_2145, %sign3A_2154 : i32
      %sign3A_2156 = arith.extui %sign3A_2155 : i1 to i32
      %sign3A_2157 = arith.constant 0 : i32
      %sign3A_2158 = arith.cmpi slt, %jit3A_2145, %sign3A_2157 : i32
      %sign3A_2159 = arith.extui %sign3A_2158 : i1 to i32
      %sign3A_2160 = arith.subi %sign3A_2156, %sign3A_2159 : i32
      %ne3A_2161 = arith.cmpi ne, %sign3A_2153, %sign3A_2160 : i32
      %rem3A_2162 = arith.remsi %add3A_2144, %jit3A_2145 : i32
      %ne3A_2163 = arith.constant 0 : i32
      %ne3A_2164 = arith.cmpi ne, %rem3A_2162, %ne3A_2163 : i32
      %and3A_2165 = arith.andi %ne3A_2161, %ne3A_2164 : i1
      %sub3A_2166 = arith.constant 1 : i32
      %sub3A_2167 = arith.subi %div3A_2146, %sub3A_2166 : i32
      %select_n3A_2168 = arith.select %and3A_2165, %sub3A_2167, %div3A_2146 : i32
      %jit3A_2169 = arith.constant 4 : i32
      %eq3A_2170 = arith.constant 0 : i32
      %eq3A_2171 = arith.cmpi eq, %jit3A_2169, %eq3A_2170 : i32
      %jit3A_2172 = arith.constant 1 : i32
      %select_n3A_2173 = arith.select %eq3A_2171, %jit3A_2172, %jit3A_2169 : i32
      %rem3A_2174 = arith.remsi %add3A_2144, %select_n3A_2173 : i32
      %ne3A_2175 = arith.constant 0 : i32
      %ne3A_2176 = arith.cmpi ne, %rem3A_2174, %ne3A_2175 : i32
      %lt3A_2177 = arith.constant 0 : i32
      %lt3A_2178 = arith.cmpi slt, %rem3A_2174, %lt3A_2177 : i32
      %lt3A_2179 = arith.constant 0 : i32
      %lt3A_2180 = arith.cmpi slt, %select_n3A_2173, %lt3A_2179 : i32
      %ne3A_2181 = arith.xori %lt3A_2178, %lt3A_2180 : i1
      %and3A_2182 = arith.andi %ne3A_2181, %ne3A_2176 : i1
      %add3A_2183 = arith.addi %rem3A_2174, %select_n3A_2173 : i32
      %select_n3A_2184 = arith.select %and3A_2182, %add3A_2183, %rem3A_2174 : i32
      %mul3A_2185 = arith.constant 128 : i32
      %mul3A_2186 = arith.muli %select_n3A_2184, %mul3A_2185 : i32
      %dma_wait3A_2187 = tpu.memref_slice %arg12[%select_n3A_2168, %mul3A_2186] : memref<26x512xf32, #tpu.memory_space<vmem>> -> memref<1x128xf32, #tpu.memory_space<vmem>>
      %dma_wait3A_2188 = tpu.memref_squeeze %dma_wait3A_2187 : memref<1x128xf32, #tpu.memory_space<vmem>> -> memref<128xf32, #tpu.memory_space<vmem>>
      %dma_wait3A_2189 = tpu.memref_slice %arg9[%select_n3A_2168, %mul3A_2186] : memref<26x512xi32, #tpu.memory_space<vmem>> -> memref<1x128xi32, #tpu.memory_space<vmem>>
      %dma_wait3A_2190 = tpu.memref_squeeze %dma_wait3A_2189 : memref<1x128xi32, #tpu.memory_space<vmem>> -> memref<128xi32, #tpu.memory_space<vmem>>
      %dma_wait3A_2191 = arith.constant 0 : i32
      %dma_wait3A_2192 = tpu.memref_slice %arg16[%dma_wait3A_2191] : memref<1000064xf32, #tpu.memory_space<vmem_shared>> -> memref<1000064xf32, #tpu.memory_space<vmem_shared>>
      tpu.wait_indirect_dma semaphore(%arg17 : memref<!tpu.dma_semaphore, #tpu.memory_space<semaphore_mem>>) src(%dma_wait3A_2192 : memref<1000064xf32, #tpu.memory_space<vmem_shared>>) dst(%dma_wait3A_2188 : memref<128xf32, #tpu.memory_space<vmem>>)
      %mul3A_2193 = arith.constant 26 : i32
      %mul3A_2194 = arith.muli %scan3A_19, %mul3A_2193 : i32
      %add3A_2195 = arith.constant 16 : i32
      %add3A_2196 = arith.addi %mul3A_2194, %add3A_2195 : i32
      %jit3A_2197 = arith.constant 4 : i32
      %div3A_2198 = arith.divsi %add3A_2196, %jit3A_2197 : i32
      %sign3A_2199 = arith.constant 0 : i32
      %sign3A_2200 = arith.cmpi sgt, %add3A_2196, %sign3A_2199 : i32
      %sign3A_2201 = arith.extui %sign3A_2200 : i1 to i32
      %sign3A_2202 = arith.constant 0 : i32
      %sign3A_2203 = arith.cmpi slt, %add3A_2196, %sign3A_2202 : i32
      %sign3A_2204 = arith.extui %sign3A_2203 : i1 to i32
      %sign3A_2205 = arith.subi %sign3A_2201, %sign3A_2204 : i32
      %sign3A_2206 = arith.constant 0 : i32
      %sign3A_2207 = arith.cmpi sgt, %jit3A_2197, %sign3A_2206 : i32
      %sign3A_2208 = arith.extui %sign3A_2207 : i1 to i32
      %sign3A_2209 = arith.constant 0 : i32
      %sign3A_2210 = arith.cmpi slt, %jit3A_2197, %sign3A_2209 : i32
      %sign3A_2211 = arith.extui %sign3A_2210 : i1 to i32
      %sign3A_2212 = arith.subi %sign3A_2208, %sign3A_2211 : i32
      %ne3A_2213 = arith.cmpi ne, %sign3A_2205, %sign3A_2212 : i32
      %rem3A_2214 = arith.remsi %add3A_2196, %jit3A_2197 : i32
      %ne3A_2215 = arith.constant 0 : i32
      %ne3A_2216 = arith.cmpi ne, %rem3A_2214, %ne3A_2215 : i32
      %and3A_2217 = arith.andi %ne3A_2213, %ne3A_2216 : i1
      %sub3A_2218 = arith.constant 1 : i32
      %sub3A_2219 = arith.subi %div3A_2198, %sub3A_2218 : i32
      %select_n3A_2220 = arith.select %and3A_2217, %sub3A_2219, %div3A_2198 : i32
      %jit3A_2221 = arith.constant 4 : i32
      %eq3A_2222 = arith.constant 0 : i32
      %eq3A_2223 = arith.cmpi eq, %jit3A_2221, %eq3A_2222 : i32
      %jit3A_2224 = arith.constant 1 : i32
      %select_n3A_2225 = arith.select %eq3A_2223, %jit3A_2224, %jit3A_2221 : i32
      %rem3A_2226 = arith.remsi %add3A_2196, %select_n3A_2225 : i32
      %ne3A_2227 = arith.constant 0 : i32
      %ne3A_2228 = arith.cmpi ne, %rem3A_2226, %ne3A_2227 : i32
      %lt3A_2229 = arith.constant 0 : i32
      %lt3A_2230 = arith.cmpi slt, %rem3A_2226, %lt3A_2229 : i32
      %lt3A_2231 = arith.constant 0 : i32
      %lt3A_2232 = arith.cmpi slt, %select_n3A_2225, %lt3A_2231 : i32
      %ne3A_2233 = arith.xori %lt3A_2230, %lt3A_2232 : i1
      %and3A_2234 = arith.andi %ne3A_2233, %ne3A_2228 : i1
      %add3A_2235 = arith.addi %rem3A_2226, %select_n3A_2225 : i32
      %select_n3A_2236 = arith.select %and3A_2234, %add3A_2235, %rem3A_2226 : i32
      %mul3A_2237 = arith.constant 128 : i32
      %mul3A_2238 = arith.muli %select_n3A_2236, %mul3A_2237 : i32
      %dma_wait3A_2239 = tpu.memref_slice %arg12[%select_n3A_2220, %mul3A_2238] : memref<26x512xf32, #tpu.memory_space<vmem>> -> memref<1x128xf32, #tpu.memory_space<vmem>>
      %dma_wait3A_2240 = tpu.memref_squeeze %dma_wait3A_2239 : memref<1x128xf32, #tpu.memory_space<vmem>> -> memref<128xf32, #tpu.memory_space<vmem>>
      %dma_wait3A_2241 = tpu.memref_slice %arg9[%select_n3A_2220, %mul3A_2238] : memref<26x512xi32, #tpu.memory_space<vmem>> -> memref<1x128xi32, #tpu.memory_space<vmem>>
      %dma_wait3A_2242 = tpu.memref_squeeze %dma_wait3A_2241 : memref<1x128xi32, #tpu.memory_space<vmem>> -> memref<128xi32, #tpu.memory_space<vmem>>
      %dma_wait3A_2243 = arith.constant 0 : i32
      %dma_wait3A_2244 = tpu.memref_slice %arg16[%dma_wait3A_2243] : memref<1000064xf32, #tpu.memory_space<vmem_shared>> -> memref<1000064xf32, #tpu.memory_space<vmem_shared>>
      tpu.wait_indirect_dma semaphore(%arg17 : memref<!tpu.dma_semaphore, #tpu.memory_space<semaphore_mem>>) src(%dma_wait3A_2244 : memref<1000064xf32, #tpu.memory_space<vmem_shared>>) dst(%dma_wait3A_2240 : memref<128xf32, #tpu.memory_space<vmem>>)
      %mul3A_2245 = arith.constant 26 : i32
      %mul3A_2246 = arith.muli %scan3A_19, %mul3A_2245 : i32
      %add3A_2247 = arith.constant 17 : i32
      %add3A_2248 = arith.addi %mul3A_2246, %add3A_2247 : i32
      %jit3A_2249 = arith.constant 4 : i32
      %div3A_2250 = arith.divsi %add3A_2248, %jit3A_2249 : i32
      %sign3A_2251 = arith.constant 0 : i32
      %sign3A_2252 = arith.cmpi sgt, %add3A_2248, %sign3A_2251 : i32
      %sign3A_2253 = arith.extui %sign3A_2252 : i1 to i32
      %sign3A_2254 = arith.constant 0 : i32
      %sign3A_2255 = arith.cmpi slt, %add3A_2248, %sign3A_2254 : i32
      %sign3A_2256 = arith.extui %sign3A_2255 : i1 to i32
      %sign3A_2257 = arith.subi %sign3A_2253, %sign3A_2256 : i32
      %sign3A_2258 = arith.constant 0 : i32
      %sign3A_2259 = arith.cmpi sgt, %jit3A_2249, %sign3A_2258 : i32
      %sign3A_2260 = arith.extui %sign3A_2259 : i1 to i32
      %sign3A_2261 = arith.constant 0 : i32
      %sign3A_2262 = arith.cmpi slt, %jit3A_2249, %sign3A_2261 : i32
      %sign3A_2263 = arith.extui %sign3A_2262 : i1 to i32
      %sign3A_2264 = arith.subi %sign3A_2260, %sign3A_2263 : i32
      %ne3A_2265 = arith.cmpi ne, %sign3A_2257, %sign3A_2264 : i32
      %rem3A_2266 = arith.remsi %add3A_2248, %jit3A_2249 : i32
      %ne3A_2267 = arith.constant 0 : i32
      %ne3A_2268 = arith.cmpi ne, %rem3A_2266, %ne3A_2267 : i32
      %and3A_2269 = arith.andi %ne3A_2265, %ne3A_2268 : i1
      %sub3A_2270 = arith.constant 1 : i32
      %sub3A_2271 = arith.subi %div3A_2250, %sub3A_2270 : i32
      %select_n3A_2272 = arith.select %and3A_2269, %sub3A_2271, %div3A_2250 : i32
      %jit3A_2273 = arith.constant 4 : i32
      %eq3A_2274 = arith.constant 0 : i32
      %eq3A_2275 = arith.cmpi eq, %jit3A_2273, %eq3A_2274 : i32
      %jit3A_2276 = arith.constant 1 : i32
      %select_n3A_2277 = arith.select %eq3A_2275, %jit3A_2276, %jit3A_2273 : i32
      %rem3A_2278 = arith.remsi %add3A_2248, %select_n3A_2277 : i32
      %ne3A_2279 = arith.constant 0 : i32
      %ne3A_2280 = arith.cmpi ne, %rem3A_2278, %ne3A_2279 : i32
      %lt3A_2281 = arith.constant 0 : i32
      %lt3A_2282 = arith.cmpi slt, %rem3A_2278, %lt3A_2281 : i32
      %lt3A_2283 = arith.constant 0 : i32
      %lt3A_2284 = arith.cmpi slt, %select_n3A_2277, %lt3A_2283 : i32
      %ne3A_2285 = arith.xori %lt3A_2282, %lt3A_2284 : i1
      %and3A_2286 = arith.andi %ne3A_2285, %ne3A_2280 : i1
      %add3A_2287 = arith.addi %rem3A_2278, %select_n3A_2277 : i32
      %select_n3A_2288 = arith.select %and3A_2286, %add3A_2287, %rem3A_2278 : i32
      %mul3A_2289 = arith.constant 128 : i32
      %mul3A_2290 = arith.muli %select_n3A_2288, %mul3A_2289 : i32
      %dma_wait3A_2291 = tpu.memref_slice %arg12[%select_n3A_2272, %mul3A_2290] : memref<26x512xf32, #tpu.memory_space<vmem>> -> memref<1x128xf32, #tpu.memory_space<vmem>>
      %dma_wait3A_2292 = tpu.memref_squeeze %dma_wait3A_2291 : memref<1x128xf32, #tpu.memory_space<vmem>> -> memref<128xf32, #tpu.memory_space<vmem>>
      %dma_wait3A_2293 = tpu.memref_slice %arg9[%select_n3A_2272, %mul3A_2290] : memref<26x512xi32, #tpu.memory_space<vmem>> -> memref<1x128xi32, #tpu.memory_space<vmem>>
      %dma_wait3A_2294 = tpu.memref_squeeze %dma_wait3A_2293 : memref<1x128xi32, #tpu.memory_space<vmem>> -> memref<128xi32, #tpu.memory_space<vmem>>
      %dma_wait3A_2295 = arith.constant 0 : i32
      %dma_wait3A_2296 = tpu.memref_slice %arg16[%dma_wait3A_2295] : memref<1000064xf32, #tpu.memory_space<vmem_shared>> -> memref<1000064xf32, #tpu.memory_space<vmem_shared>>
      tpu.wait_indirect_dma semaphore(%arg17 : memref<!tpu.dma_semaphore, #tpu.memory_space<semaphore_mem>>) src(%dma_wait3A_2296 : memref<1000064xf32, #tpu.memory_space<vmem_shared>>) dst(%dma_wait3A_2292 : memref<128xf32, #tpu.memory_space<vmem>>)
      %mul3A_2297 = arith.constant 26 : i32
      %mul3A_2298 = arith.muli %scan3A_19, %mul3A_2297 : i32
      %add3A_2299 = arith.constant 18 : i32
      %add3A_2300 = arith.addi %mul3A_2298, %add3A_2299 : i32
      %jit3A_2301 = arith.constant 4 : i32
      %div3A_2302 = arith.divsi %add3A_2300, %jit3A_2301 : i32
      %sign3A_2303 = arith.constant 0 : i32
      %sign3A_2304 = arith.cmpi sgt, %add3A_2300, %sign3A_2303 : i32
      %sign3A_2305 = arith.extui %sign3A_2304 : i1 to i32
      %sign3A_2306 = arith.constant 0 : i32
      %sign3A_2307 = arith.cmpi slt, %add3A_2300, %sign3A_2306 : i32
      %sign3A_2308 = arith.extui %sign3A_2307 : i1 to i32
      %sign3A_2309 = arith.subi %sign3A_2305, %sign3A_2308 : i32
      %sign3A_2310 = arith.constant 0 : i32
      %sign3A_2311 = arith.cmpi sgt, %jit3A_2301, %sign3A_2310 : i32
      %sign3A_2312 = arith.extui %sign3A_2311 : i1 to i32
      %sign3A_2313 = arith.constant 0 : i32
      %sign3A_2314 = arith.cmpi slt, %jit3A_2301, %sign3A_2313 : i32
      %sign3A_2315 = arith.extui %sign3A_2314 : i1 to i32
      %sign3A_2316 = arith.subi %sign3A_2312, %sign3A_2315 : i32
      %ne3A_2317 = arith.cmpi ne, %sign3A_2309, %sign3A_2316 : i32
      %rem3A_2318 = arith.remsi %add3A_2300, %jit3A_2301 : i32
      %ne3A_2319 = arith.constant 0 : i32
      %ne3A_2320 = arith.cmpi ne, %rem3A_2318, %ne3A_2319 : i32
      %and3A_2321 = arith.andi %ne3A_2317, %ne3A_2320 : i1
      %sub3A_2322 = arith.constant 1 : i32
      %sub3A_2323 = arith.subi %div3A_2302, %sub3A_2322 : i32
      %select_n3A_2324 = arith.select %and3A_2321, %sub3A_2323, %div3A_2302 : i32
      %jit3A_2325 = arith.constant 4 : i32
      %eq3A_2326 = arith.constant 0 : i32
      %eq3A_2327 = arith.cmpi eq, %jit3A_2325, %eq3A_2326 : i32
      %jit3A_2328 = arith.constant 1 : i32
      %select_n3A_2329 = arith.select %eq3A_2327, %jit3A_2328, %jit3A_2325 : i32
      %rem3A_2330 = arith.remsi %add3A_2300, %select_n3A_2329 : i32
      %ne3A_2331 = arith.constant 0 : i32
      %ne3A_2332 = arith.cmpi ne, %rem3A_2330, %ne3A_2331 : i32
      %lt3A_2333 = arith.constant 0 : i32
      %lt3A_2334 = arith.cmpi slt, %rem3A_2330, %lt3A_2333 : i32
      %lt3A_2335 = arith.constant 0 : i32
      %lt3A_2336 = arith.cmpi slt, %select_n3A_2329, %lt3A_2335 : i32
      %ne3A_2337 = arith.xori %lt3A_2334, %lt3A_2336 : i1
      %and3A_2338 = arith.andi %ne3A_2337, %ne3A_2332 : i1
      %add3A_2339 = arith.addi %rem3A_2330, %select_n3A_2329 : i32
      %select_n3A_2340 = arith.select %and3A_2338, %add3A_2339, %rem3A_2330 : i32
      %mul3A_2341 = arith.constant 128 : i32
      %mul3A_2342 = arith.muli %select_n3A_2340, %mul3A_2341 : i32
      %dma_wait3A_2343 = tpu.memref_slice %arg12[%select_n3A_2324, %mul3A_2342] : memref<26x512xf32, #tpu.memory_space<vmem>> -> memref<1x128xf32, #tpu.memory_space<vmem>>
      %dma_wait3A_2344 = tpu.memref_squeeze %dma_wait3A_2343 : memref<1x128xf32, #tpu.memory_space<vmem>> -> memref<128xf32, #tpu.memory_space<vmem>>
      %dma_wait3A_2345 = tpu.memref_slice %arg9[%select_n3A_2324, %mul3A_2342] : memref<26x512xi32, #tpu.memory_space<vmem>> -> memref<1x128xi32, #tpu.memory_space<vmem>>
      %dma_wait3A_2346 = tpu.memref_squeeze %dma_wait3A_2345 : memref<1x128xi32, #tpu.memory_space<vmem>> -> memref<128xi32, #tpu.memory_space<vmem>>
      %dma_wait3A_2347 = arith.constant 0 : i32
      %dma_wait3A_2348 = tpu.memref_slice %arg16[%dma_wait3A_2347] : memref<1000064xf32, #tpu.memory_space<vmem_shared>> -> memref<1000064xf32, #tpu.memory_space<vmem_shared>>
      tpu.wait_indirect_dma semaphore(%arg17 : memref<!tpu.dma_semaphore, #tpu.memory_space<semaphore_mem>>) src(%dma_wait3A_2348 : memref<1000064xf32, #tpu.memory_space<vmem_shared>>) dst(%dma_wait3A_2344 : memref<128xf32, #tpu.memory_space<vmem>>)
      %mul3A_2349 = arith.constant 26 : i32
      %mul3A_2350 = arith.muli %scan3A_19, %mul3A_2349 : i32
      %add3A_2351 = arith.constant 19 : i32
      %add3A_2352 = arith.addi %mul3A_2350, %add3A_2351 : i32
      %jit3A_2353 = arith.constant 4 : i32
      %div3A_2354 = arith.divsi %add3A_2352, %jit3A_2353 : i32
      %sign3A_2355 = arith.constant 0 : i32
      %sign3A_2356 = arith.cmpi sgt, %add3A_2352, %sign3A_2355 : i32
      %sign3A_2357 = arith.extui %sign3A_2356 : i1 to i32
      %sign3A_2358 = arith.constant 0 : i32
      %sign3A_2359 = arith.cmpi slt, %add3A_2352, %sign3A_2358 : i32
      %sign3A_2360 = arith.extui %sign3A_2359 : i1 to i32
      %sign3A_2361 = arith.subi %sign3A_2357, %sign3A_2360 : i32
      %sign3A_2362 = arith.constant 0 : i32
      %sign3A_2363 = arith.cmpi sgt, %jit3A_2353, %sign3A_2362 : i32
      %sign3A_2364 = arith.extui %sign3A_2363 : i1 to i32
      %sign3A_2365 = arith.constant 0 : i32
      %sign3A_2366 = arith.cmpi slt, %jit3A_2353, %sign3A_2365 : i32
      %sign3A_2367 = arith.extui %sign3A_2366 : i1 to i32
      %sign3A_2368 = arith.subi %sign3A_2364, %sign3A_2367 : i32
      %ne3A_2369 = arith.cmpi ne, %sign3A_2361, %sign3A_2368 : i32
      %rem3A_2370 = arith.remsi %add3A_2352, %jit3A_2353 : i32
      %ne3A_2371 = arith.constant 0 : i32
      %ne3A_2372 = arith.cmpi ne, %rem3A_2370, %ne3A_2371 : i32
      %and3A_2373 = arith.andi %ne3A_2369, %ne3A_2372 : i1
      %sub3A_2374 = arith.constant 1 : i32
      %sub3A_2375 = arith.subi %div3A_2354, %sub3A_2374 : i32
      %select_n3A_2376 = arith.select %and3A_2373, %sub3A_2375, %div3A_2354 : i32
      %jit3A_2377 = arith.constant 4 : i32
      %eq3A_2378 = arith.constant 0 : i32
      %eq3A_2379 = arith.cmpi eq, %jit3A_2377, %eq3A_2378 : i32
      %jit3A_2380 = arith.constant 1 : i32
      %select_n3A_2381 = arith.select %eq3A_2379, %jit3A_2380, %jit3A_2377 : i32
      %rem3A_2382 = arith.remsi %add3A_2352, %select_n3A_2381 : i32
      %ne3A_2383 = arith.constant 0 : i32
      %ne3A_2384 = arith.cmpi ne, %rem3A_2382, %ne3A_2383 : i32
      %lt3A_2385 = arith.constant 0 : i32
      %lt3A_2386 = arith.cmpi slt, %rem3A_2382, %lt3A_2385 : i32
      %lt3A_2387 = arith.constant 0 : i32
      %lt3A_2388 = arith.cmpi slt, %select_n3A_2381, %lt3A_2387 : i32
      %ne3A_2389 = arith.xori %lt3A_2386, %lt3A_2388 : i1
      %and3A_2390 = arith.andi %ne3A_2389, %ne3A_2384 : i1
      %add3A_2391 = arith.addi %rem3A_2382, %select_n3A_2381 : i32
      %select_n3A_2392 = arith.select %and3A_2390, %add3A_2391, %rem3A_2382 : i32
      %mul3A_2393 = arith.constant 128 : i32
      %mul3A_2394 = arith.muli %select_n3A_2392, %mul3A_2393 : i32
      %dma_wait3A_2395 = tpu.memref_slice %arg12[%select_n3A_2376, %mul3A_2394] : memref<26x512xf32, #tpu.memory_space<vmem>> -> memref<1x128xf32, #tpu.memory_space<vmem>>
      %dma_wait3A_2396 = tpu.memref_squeeze %dma_wait3A_2395 : memref<1x128xf32, #tpu.memory_space<vmem>> -> memref<128xf32, #tpu.memory_space<vmem>>
      %dma_wait3A_2397 = tpu.memref_slice %arg9[%select_n3A_2376, %mul3A_2394] : memref<26x512xi32, #tpu.memory_space<vmem>> -> memref<1x128xi32, #tpu.memory_space<vmem>>
      %dma_wait3A_2398 = tpu.memref_squeeze %dma_wait3A_2397 : memref<1x128xi32, #tpu.memory_space<vmem>> -> memref<128xi32, #tpu.memory_space<vmem>>
      %dma_wait3A_2399 = arith.constant 0 : i32
      %dma_wait3A_2400 = tpu.memref_slice %arg16[%dma_wait3A_2399] : memref<1000064xf32, #tpu.memory_space<vmem_shared>> -> memref<1000064xf32, #tpu.memory_space<vmem_shared>>
      tpu.wait_indirect_dma semaphore(%arg17 : memref<!tpu.dma_semaphore, #tpu.memory_space<semaphore_mem>>) src(%dma_wait3A_2400 : memref<1000064xf32, #tpu.memory_space<vmem_shared>>) dst(%dma_wait3A_2396 : memref<128xf32, #tpu.memory_space<vmem>>)
      %mul3A_2401 = arith.constant 26 : i32
      %mul3A_2402 = arith.muli %scan3A_19, %mul3A_2401 : i32
      %add3A_2403 = arith.constant 20 : i32
      %add3A_2404 = arith.addi %mul3A_2402, %add3A_2403 : i32
      %jit3A_2405 = arith.constant 4 : i32
      %div3A_2406 = arith.divsi %add3A_2404, %jit3A_2405 : i32
      %sign3A_2407 = arith.constant 0 : i32
      %sign3A_2408 = arith.cmpi sgt, %add3A_2404, %sign3A_2407 : i32
      %sign3A_2409 = arith.extui %sign3A_2408 : i1 to i32
      %sign3A_2410 = arith.constant 0 : i32
      %sign3A_2411 = arith.cmpi slt, %add3A_2404, %sign3A_2410 : i32
      %sign3A_2412 = arith.extui %sign3A_2411 : i1 to i32
      %sign3A_2413 = arith.subi %sign3A_2409, %sign3A_2412 : i32
      %sign3A_2414 = arith.constant 0 : i32
      %sign3A_2415 = arith.cmpi sgt, %jit3A_2405, %sign3A_2414 : i32
      %sign3A_2416 = arith.extui %sign3A_2415 : i1 to i32
      %sign3A_2417 = arith.constant 0 : i32
      %sign3A_2418 = arith.cmpi slt, %jit3A_2405, %sign3A_2417 : i32
      %sign3A_2419 = arith.extui %sign3A_2418 : i1 to i32
      %sign3A_2420 = arith.subi %sign3A_2416, %sign3A_2419 : i32
      %ne3A_2421 = arith.cmpi ne, %sign3A_2413, %sign3A_2420 : i32
      %rem3A_2422 = arith.remsi %add3A_2404, %jit3A_2405 : i32
      %ne3A_2423 = arith.constant 0 : i32
      %ne3A_2424 = arith.cmpi ne, %rem3A_2422, %ne3A_2423 : i32
      %and3A_2425 = arith.andi %ne3A_2421, %ne3A_2424 : i1
      %sub3A_2426 = arith.constant 1 : i32
      %sub3A_2427 = arith.subi %div3A_2406, %sub3A_2426 : i32
      %select_n3A_2428 = arith.select %and3A_2425, %sub3A_2427, %div3A_2406 : i32
      %jit3A_2429 = arith.constant 4 : i32
      %eq3A_2430 = arith.constant 0 : i32
      %eq3A_2431 = arith.cmpi eq, %jit3A_2429, %eq3A_2430 : i32
      %jit3A_2432 = arith.constant 1 : i32
      %select_n3A_2433 = arith.select %eq3A_2431, %jit3A_2432, %jit3A_2429 : i32
      %rem3A_2434 = arith.remsi %add3A_2404, %select_n3A_2433 : i32
      %ne3A_2435 = arith.constant 0 : i32
      %ne3A_2436 = arith.cmpi ne, %rem3A_2434, %ne3A_2435 : i32
      %lt3A_2437 = arith.constant 0 : i32
      %lt3A_2438 = arith.cmpi slt, %rem3A_2434, %lt3A_2437 : i32
      %lt3A_2439 = arith.constant 0 : i32
      %lt3A_2440 = arith.cmpi slt, %select_n3A_2433, %lt3A_2439 : i32
      %ne3A_2441 = arith.xori %lt3A_2438, %lt3A_2440 : i1
      %and3A_2442 = arith.andi %ne3A_2441, %ne3A_2436 : i1
      %add3A_2443 = arith.addi %rem3A_2434, %select_n3A_2433 : i32
      %select_n3A_2444 = arith.select %and3A_2442, %add3A_2443, %rem3A_2434 : i32
      %mul3A_2445 = arith.constant 128 : i32
      %mul3A_2446 = arith.muli %select_n3A_2444, %mul3A_2445 : i32
      %dma_wait3A_2447 = tpu.memref_slice %arg12[%select_n3A_2428, %mul3A_2446] : memref<26x512xf32, #tpu.memory_space<vmem>> -> memref<1x128xf32, #tpu.memory_space<vmem>>
      %dma_wait3A_2448 = tpu.memref_squeeze %dma_wait3A_2447 : memref<1x128xf32, #tpu.memory_space<vmem>> -> memref<128xf32, #tpu.memory_space<vmem>>
      %dma_wait3A_2449 = tpu.memref_slice %arg9[%select_n3A_2428, %mul3A_2446] : memref<26x512xi32, #tpu.memory_space<vmem>> -> memref<1x128xi32, #tpu.memory_space<vmem>>
      %dma_wait3A_2450 = tpu.memref_squeeze %dma_wait3A_2449 : memref<1x128xi32, #tpu.memory_space<vmem>> -> memref<128xi32, #tpu.memory_space<vmem>>
      %dma_wait3A_2451 = arith.constant 0 : i32
      %dma_wait3A_2452 = tpu.memref_slice %arg16[%dma_wait3A_2451] : memref<1000064xf32, #tpu.memory_space<vmem_shared>> -> memref<1000064xf32, #tpu.memory_space<vmem_shared>>
      tpu.wait_indirect_dma semaphore(%arg17 : memref<!tpu.dma_semaphore, #tpu.memory_space<semaphore_mem>>) src(%dma_wait3A_2452 : memref<1000064xf32, #tpu.memory_space<vmem_shared>>) dst(%dma_wait3A_2448 : memref<128xf32, #tpu.memory_space<vmem>>)
      %mul3A_2453 = arith.constant 26 : i32
      %mul3A_2454 = arith.muli %scan3A_19, %mul3A_2453 : i32
      %add3A_2455 = arith.constant 21 : i32
      %add3A_2456 = arith.addi %mul3A_2454, %add3A_2455 : i32
      %jit3A_2457 = arith.constant 4 : i32
      %div3A_2458 = arith.divsi %add3A_2456, %jit3A_2457 : i32
      %sign3A_2459 = arith.constant 0 : i32
      %sign3A_2460 = arith.cmpi sgt, %add3A_2456, %sign3A_2459 : i32
      %sign3A_2461 = arith.extui %sign3A_2460 : i1 to i32
      %sign3A_2462 = arith.constant 0 : i32
      %sign3A_2463 = arith.cmpi slt, %add3A_2456, %sign3A_2462 : i32
      %sign3A_2464 = arith.extui %sign3A_2463 : i1 to i32
      %sign3A_2465 = arith.subi %sign3A_2461, %sign3A_2464 : i32
      %sign3A_2466 = arith.constant 0 : i32
      %sign3A_2467 = arith.cmpi sgt, %jit3A_2457, %sign3A_2466 : i32
      %sign3A_2468 = arith.extui %sign3A_2467 : i1 to i32
      %sign3A_2469 = arith.constant 0 : i32
      %sign3A_2470 = arith.cmpi slt, %jit3A_2457, %sign3A_2469 : i32
      %sign3A_2471 = arith.extui %sign3A_2470 : i1 to i32
      %sign3A_2472 = arith.subi %sign3A_2468, %sign3A_2471 : i32
      %ne3A_2473 = arith.cmpi ne, %sign3A_2465, %sign3A_2472 : i32
      %rem3A_2474 = arith.remsi %add3A_2456, %jit3A_2457 : i32
      %ne3A_2475 = arith.constant 0 : i32
      %ne3A_2476 = arith.cmpi ne, %rem3A_2474, %ne3A_2475 : i32
      %and3A_2477 = arith.andi %ne3A_2473, %ne3A_2476 : i1
      %sub3A_2478 = arith.constant 1 : i32
      %sub3A_2479 = arith.subi %div3A_2458, %sub3A_2478 : i32
      %select_n3A_2480 = arith.select %and3A_2477, %sub3A_2479, %div3A_2458 : i32
      %jit3A_2481 = arith.constant 4 : i32
      %eq3A_2482 = arith.constant 0 : i32
      %eq3A_2483 = arith.cmpi eq, %jit3A_2481, %eq3A_2482 : i32
      %jit3A_2484 = arith.constant 1 : i32
      %select_n3A_2485 = arith.select %eq3A_2483, %jit3A_2484, %jit3A_2481 : i32
      %rem3A_2486 = arith.remsi %add3A_2456, %select_n3A_2485 : i32
      %ne3A_2487 = arith.constant 0 : i32
      %ne3A_2488 = arith.cmpi ne, %rem3A_2486, %ne3A_2487 : i32
      %lt3A_2489 = arith.constant 0 : i32
      %lt3A_2490 = arith.cmpi slt, %rem3A_2486, %lt3A_2489 : i32
      %lt3A_2491 = arith.constant 0 : i32
      %lt3A_2492 = arith.cmpi slt, %select_n3A_2485, %lt3A_2491 : i32
      %ne3A_2493 = arith.xori %lt3A_2490, %lt3A_2492 : i1
      %and3A_2494 = arith.andi %ne3A_2493, %ne3A_2488 : i1
      %add3A_2495 = arith.addi %rem3A_2486, %select_n3A_2485 : i32
      %select_n3A_2496 = arith.select %and3A_2494, %add3A_2495, %rem3A_2486 : i32
      %mul3A_2497 = arith.constant 128 : i32
      %mul3A_2498 = arith.muli %select_n3A_2496, %mul3A_2497 : i32
      %dma_wait3A_2499 = tpu.memref_slice %arg12[%select_n3A_2480, %mul3A_2498] : memref<26x512xf32, #tpu.memory_space<vmem>> -> memref<1x128xf32, #tpu.memory_space<vmem>>
      %dma_wait3A_2500 = tpu.memref_squeeze %dma_wait3A_2499 : memref<1x128xf32, #tpu.memory_space<vmem>> -> memref<128xf32, #tpu.memory_space<vmem>>
      %dma_wait3A_2501 = tpu.memref_slice %arg9[%select_n3A_2480, %mul3A_2498] : memref<26x512xi32, #tpu.memory_space<vmem>> -> memref<1x128xi32, #tpu.memory_space<vmem>>
      %dma_wait3A_2502 = tpu.memref_squeeze %dma_wait3A_2501 : memref<1x128xi32, #tpu.memory_space<vmem>> -> memref<128xi32, #tpu.memory_space<vmem>>
      %dma_wait3A_2503 = arith.constant 0 : i32
      %dma_wait3A_2504 = tpu.memref_slice %arg16[%dma_wait3A_2503] : memref<1000064xf32, #tpu.memory_space<vmem_shared>> -> memref<1000064xf32, #tpu.memory_space<vmem_shared>>
      tpu.wait_indirect_dma semaphore(%arg17 : memref<!tpu.dma_semaphore, #tpu.memory_space<semaphore_mem>>) src(%dma_wait3A_2504 : memref<1000064xf32, #tpu.memory_space<vmem_shared>>) dst(%dma_wait3A_2500 : memref<128xf32, #tpu.memory_space<vmem>>)
      %mul3A_2505 = arith.constant 26 : i32
      %mul3A_2506 = arith.muli %scan3A_19, %mul3A_2505 : i32
      %add3A_2507 = arith.constant 22 : i32
      %add3A_2508 = arith.addi %mul3A_2506, %add3A_2507 : i32
      %jit3A_2509 = arith.constant 4 : i32
      %div3A_2510 = arith.divsi %add3A_2508, %jit3A_2509 : i32
      %sign3A_2511 = arith.constant 0 : i32
      %sign3A_2512 = arith.cmpi sgt, %add3A_2508, %sign3A_2511 : i32
      %sign3A_2513 = arith.extui %sign3A_2512 : i1 to i32
      %sign3A_2514 = arith.constant 0 : i32
      %sign3A_2515 = arith.cmpi slt, %add3A_2508, %sign3A_2514 : i32
      %sign3A_2516 = arith.extui %sign3A_2515 : i1 to i32
      %sign3A_2517 = arith.subi %sign3A_2513, %sign3A_2516 : i32
      %sign3A_2518 = arith.constant 0 : i32
      %sign3A_2519 = arith.cmpi sgt, %jit3A_2509, %sign3A_2518 : i32
      %sign3A_2520 = arith.extui %sign3A_2519 : i1 to i32
      %sign3A_2521 = arith.constant 0 : i32
      %sign3A_2522 = arith.cmpi slt, %jit3A_2509, %sign3A_2521 : i32
      %sign3A_2523 = arith.extui %sign3A_2522 : i1 to i32
      %sign3A_2524 = arith.subi %sign3A_2520, %sign3A_2523 : i32
      %ne3A_2525 = arith.cmpi ne, %sign3A_2517, %sign3A_2524 : i32
      %rem3A_2526 = arith.remsi %add3A_2508, %jit3A_2509 : i32
      %ne3A_2527 = arith.constant 0 : i32
      %ne3A_2528 = arith.cmpi ne, %rem3A_2526, %ne3A_2527 : i32
      %and3A_2529 = arith.andi %ne3A_2525, %ne3A_2528 : i1
      %sub3A_2530 = arith.constant 1 : i32
      %sub3A_2531 = arith.subi %div3A_2510, %sub3A_2530 : i32
      %select_n3A_2532 = arith.select %and3A_2529, %sub3A_2531, %div3A_2510 : i32
      %jit3A_2533 = arith.constant 4 : i32
      %eq3A_2534 = arith.constant 0 : i32
      %eq3A_2535 = arith.cmpi eq, %jit3A_2533, %eq3A_2534 : i32
      %jit3A_2536 = arith.constant 1 : i32
      %select_n3A_2537 = arith.select %eq3A_2535, %jit3A_2536, %jit3A_2533 : i32
      %rem3A_2538 = arith.remsi %add3A_2508, %select_n3A_2537 : i32
      %ne3A_2539 = arith.constant 0 : i32
      %ne3A_2540 = arith.cmpi ne, %rem3A_2538, %ne3A_2539 : i32
      %lt3A_2541 = arith.constant 0 : i32
      %lt3A_2542 = arith.cmpi slt, %rem3A_2538, %lt3A_2541 : i32
      %lt3A_2543 = arith.constant 0 : i32
      %lt3A_2544 = arith.cmpi slt, %select_n3A_2537, %lt3A_2543 : i32
      %ne3A_2545 = arith.xori %lt3A_2542, %lt3A_2544 : i1
      %and3A_2546 = arith.andi %ne3A_2545, %ne3A_2540 : i1
      %add3A_2547 = arith.addi %rem3A_2538, %select_n3A_2537 : i32
      %select_n3A_2548 = arith.select %and3A_2546, %add3A_2547, %rem3A_2538 : i32
      %mul3A_2549 = arith.constant 128 : i32
      %mul3A_2550 = arith.muli %select_n3A_2548, %mul3A_2549 : i32
      %dma_wait3A_2551 = tpu.memref_slice %arg12[%select_n3A_2532, %mul3A_2550] : memref<26x512xf32, #tpu.memory_space<vmem>> -> memref<1x128xf32, #tpu.memory_space<vmem>>
      %dma_wait3A_2552 = tpu.memref_squeeze %dma_wait3A_2551 : memref<1x128xf32, #tpu.memory_space<vmem>> -> memref<128xf32, #tpu.memory_space<vmem>>
      %dma_wait3A_2553 = tpu.memref_slice %arg9[%select_n3A_2532, %mul3A_2550] : memref<26x512xi32, #tpu.memory_space<vmem>> -> memref<1x128xi32, #tpu.memory_space<vmem>>
      %dma_wait3A_2554 = tpu.memref_squeeze %dma_wait3A_2553 : memref<1x128xi32, #tpu.memory_space<vmem>> -> memref<128xi32, #tpu.memory_space<vmem>>
      %dma_wait3A_2555 = arith.constant 0 : i32
      %dma_wait3A_2556 = tpu.memref_slice %arg16[%dma_wait3A_2555] : memref<1000064xf32, #tpu.memory_space<vmem_shared>> -> memref<1000064xf32, #tpu.memory_space<vmem_shared>>
      tpu.wait_indirect_dma semaphore(%arg17 : memref<!tpu.dma_semaphore, #tpu.memory_space<semaphore_mem>>) src(%dma_wait3A_2556 : memref<1000064xf32, #tpu.memory_space<vmem_shared>>) dst(%dma_wait3A_2552 : memref<128xf32, #tpu.memory_space<vmem>>)
      %mul3A_2557 = arith.constant 26 : i32
      %mul3A_2558 = arith.muli %scan3A_19, %mul3A_2557 : i32
      %add3A_2559 = arith.constant 23 : i32
      %add3A_2560 = arith.addi %mul3A_2558, %add3A_2559 : i32
      %jit3A_2561 = arith.constant 4 : i32
      %div3A_2562 = arith.divsi %add3A_2560, %jit3A_2561 : i32
      %sign3A_2563 = arith.constant 0 : i32
      %sign3A_2564 = arith.cmpi sgt, %add3A_2560, %sign3A_2563 : i32
      %sign3A_2565 = arith.extui %sign3A_2564 : i1 to i32
      %sign3A_2566 = arith.constant 0 : i32
      %sign3A_2567 = arith.cmpi slt, %add3A_2560, %sign3A_2566 : i32
      %sign3A_2568 = arith.extui %sign3A_2567 : i1 to i32
      %sign3A_2569 = arith.subi %sign3A_2565, %sign3A_2568 : i32
      %sign3A_2570 = arith.constant 0 : i32
      %sign3A_2571 = arith.cmpi sgt, %jit3A_2561, %sign3A_2570 : i32
      %sign3A_2572 = arith.extui %sign3A_2571 : i1 to i32
      %sign3A_2573 = arith.constant 0 : i32
      %sign3A_2574 = arith.cmpi slt, %jit3A_2561, %sign3A_2573 : i32
      %sign3A_2575 = arith.extui %sign3A_2574 : i1 to i32
      %sign3A_2576 = arith.subi %sign3A_2572, %sign3A_2575 : i32
      %ne3A_2577 = arith.cmpi ne, %sign3A_2569, %sign3A_2576 : i32
      %rem3A_2578 = arith.remsi %add3A_2560, %jit3A_2561 : i32
      %ne3A_2579 = arith.constant 0 : i32
      %ne3A_2580 = arith.cmpi ne, %rem3A_2578, %ne3A_2579 : i32
      %and3A_2581 = arith.andi %ne3A_2577, %ne3A_2580 : i1
      %sub3A_2582 = arith.constant 1 : i32
      %sub3A_2583 = arith.subi %div3A_2562, %sub3A_2582 : i32
      %select_n3A_2584 = arith.select %and3A_2581, %sub3A_2583, %div3A_2562 : i32
      %jit3A_2585 = arith.constant 4 : i32
      %eq3A_2586 = arith.constant 0 : i32
      %eq3A_2587 = arith.cmpi eq, %jit3A_2585, %eq3A_2586 : i32
      %jit3A_2588 = arith.constant 1 : i32
      %select_n3A_2589 = arith.select %eq3A_2587, %jit3A_2588, %jit3A_2585 : i32
      %rem3A_2590 = arith.remsi %add3A_2560, %select_n3A_2589 : i32
      %ne3A_2591 = arith.constant 0 : i32
      %ne3A_2592 = arith.cmpi ne, %rem3A_2590, %ne3A_2591 : i32
      %lt3A_2593 = arith.constant 0 : i32
      %lt3A_2594 = arith.cmpi slt, %rem3A_2590, %lt3A_2593 : i32
      %lt3A_2595 = arith.constant 0 : i32
      %lt3A_2596 = arith.cmpi slt, %select_n3A_2589, %lt3A_2595 : i32
      %ne3A_2597 = arith.xori %lt3A_2594, %lt3A_2596 : i1
      %and3A_2598 = arith.andi %ne3A_2597, %ne3A_2592 : i1
      %add3A_2599 = arith.addi %rem3A_2590, %select_n3A_2589 : i32
      %select_n3A_2600 = arith.select %and3A_2598, %add3A_2599, %rem3A_2590 : i32
      %mul3A_2601 = arith.constant 128 : i32
      %mul3A_2602 = arith.muli %select_n3A_2600, %mul3A_2601 : i32
      %dma_wait3A_2603 = tpu.memref_slice %arg12[%select_n3A_2584, %mul3A_2602] : memref<26x512xf32, #tpu.memory_space<vmem>> -> memref<1x128xf32, #tpu.memory_space<vmem>>
      %dma_wait3A_2604 = tpu.memref_squeeze %dma_wait3A_2603 : memref<1x128xf32, #tpu.memory_space<vmem>> -> memref<128xf32, #tpu.memory_space<vmem>>
      %dma_wait3A_2605 = tpu.memref_slice %arg9[%select_n3A_2584, %mul3A_2602] : memref<26x512xi32, #tpu.memory_space<vmem>> -> memref<1x128xi32, #tpu.memory_space<vmem>>
      %dma_wait3A_2606 = tpu.memref_squeeze %dma_wait3A_2605 : memref<1x128xi32, #tpu.memory_space<vmem>> -> memref<128xi32, #tpu.memory_space<vmem>>
      %dma_wait3A_2607 = arith.constant 0 : i32
      %dma_wait3A_2608 = tpu.memref_slice %arg16[%dma_wait3A_2607] : memref<1000064xf32, #tpu.memory_space<vmem_shared>> -> memref<1000064xf32, #tpu.memory_space<vmem_shared>>
      tpu.wait_indirect_dma semaphore(%arg17 : memref<!tpu.dma_semaphore, #tpu.memory_space<semaphore_mem>>) src(%dma_wait3A_2608 : memref<1000064xf32, #tpu.memory_space<vmem_shared>>) dst(%dma_wait3A_2604 : memref<128xf32, #tpu.memory_space<vmem>>)
      %mul3A_2609 = arith.constant 26 : i32
      %mul3A_2610 = arith.muli %scan3A_19, %mul3A_2609 : i32
      %add3A_2611 = arith.constant 24 : i32
      %add3A_2612 = arith.addi %mul3A_2610, %add3A_2611 : i32
      %jit3A_2613 = arith.constant 4 : i32
      %div3A_2614 = arith.divsi %add3A_2612, %jit3A_2613 : i32
      %sign3A_2615 = arith.constant 0 : i32
      %sign3A_2616 = arith.cmpi sgt, %add3A_2612, %sign3A_2615 : i32
      %sign3A_2617 = arith.extui %sign3A_2616 : i1 to i32
      %sign3A_2618 = arith.constant 0 : i32
      %sign3A_2619 = arith.cmpi slt, %add3A_2612, %sign3A_2618 : i32
      %sign3A_2620 = arith.extui %sign3A_2619 : i1 to i32
      %sign3A_2621 = arith.subi %sign3A_2617, %sign3A_2620 : i32
      %sign3A_2622 = arith.constant 0 : i32
      %sign3A_2623 = arith.cmpi sgt, %jit3A_2613, %sign3A_2622 : i32
      %sign3A_2624 = arith.extui %sign3A_2623 : i1 to i32
      %sign3A_2625 = arith.constant 0 : i32
      %sign3A_2626 = arith.cmpi slt, %jit3A_2613, %sign3A_2625 : i32
      %sign3A_2627 = arith.extui %sign3A_2626 : i1 to i32
      %sign3A_2628 = arith.subi %sign3A_2624, %sign3A_2627 : i32
      %ne3A_2629 = arith.cmpi ne, %sign3A_2621, %sign3A_2628 : i32
      %rem3A_2630 = arith.remsi %add3A_2612, %jit3A_2613 : i32
      %ne3A_2631 = arith.constant 0 : i32
      %ne3A_2632 = arith.cmpi ne, %rem3A_2630, %ne3A_2631 : i32
      %and3A_2633 = arith.andi %ne3A_2629, %ne3A_2632 : i1
      %sub3A_2634 = arith.constant 1 : i32
      %sub3A_2635 = arith.subi %div3A_2614, %sub3A_2634 : i32
      %select_n3A_2636 = arith.select %and3A_2633, %sub3A_2635, %div3A_2614 : i32
      %jit3A_2637 = arith.constant 4 : i32
      %eq3A_2638 = arith.constant 0 : i32
      %eq3A_2639 = arith.cmpi eq, %jit3A_2637, %eq3A_2638 : i32
      %jit3A_2640 = arith.constant 1 : i32
      %select_n3A_2641 = arith.select %eq3A_2639, %jit3A_2640, %jit3A_2637 : i32
      %rem3A_2642 = arith.remsi %add3A_2612, %select_n3A_2641 : i32
      %ne3A_2643 = arith.constant 0 : i32
      %ne3A_2644 = arith.cmpi ne, %rem3A_2642, %ne3A_2643 : i32
      %lt3A_2645 = arith.constant 0 : i32
      %lt3A_2646 = arith.cmpi slt, %rem3A_2642, %lt3A_2645 : i32
      %lt3A_2647 = arith.constant 0 : i32
      %lt3A_2648 = arith.cmpi slt, %select_n3A_2641, %lt3A_2647 : i32
      %ne3A_2649 = arith.xori %lt3A_2646, %lt3A_2648 : i1
      %and3A_2650 = arith.andi %ne3A_2649, %ne3A_2644 : i1
      %add3A_2651 = arith.addi %rem3A_2642, %select_n3A_2641 : i32
      %select_n3A_2652 = arith.select %and3A_2650, %add3A_2651, %rem3A_2642 : i32
      %mul3A_2653 = arith.constant 128 : i32
      %mul3A_2654 = arith.muli %select_n3A_2652, %mul3A_2653 : i32
      %dma_wait3A_2655 = tpu.memref_slice %arg12[%select_n3A_2636, %mul3A_2654] : memref<26x512xf32, #tpu.memory_space<vmem>> -> memref<1x128xf32, #tpu.memory_space<vmem>>
      %dma_wait3A_2656 = tpu.memref_squeeze %dma_wait3A_2655 : memref<1x128xf32, #tpu.memory_space<vmem>> -> memref<128xf32, #tpu.memory_space<vmem>>
      %dma_wait3A_2657 = tpu.memref_slice %arg9[%select_n3A_2636, %mul3A_2654] : memref<26x512xi32, #tpu.memory_space<vmem>> -> memref<1x128xi32, #tpu.memory_space<vmem>>
      %dma_wait3A_2658 = tpu.memref_squeeze %dma_wait3A_2657 : memref<1x128xi32, #tpu.memory_space<vmem>> -> memref<128xi32, #tpu.memory_space<vmem>>
      %dma_wait3A_2659 = arith.constant 0 : i32
      %dma_wait3A_2660 = tpu.memref_slice %arg16[%dma_wait3A_2659] : memref<1000064xf32, #tpu.memory_space<vmem_shared>> -> memref<1000064xf32, #tpu.memory_space<vmem_shared>>
      tpu.wait_indirect_dma semaphore(%arg17 : memref<!tpu.dma_semaphore, #tpu.memory_space<semaphore_mem>>) src(%dma_wait3A_2660 : memref<1000064xf32, #tpu.memory_space<vmem_shared>>) dst(%dma_wait3A_2656 : memref<128xf32, #tpu.memory_space<vmem>>)
      %mul3A_2661 = arith.constant 26 : i32
      %mul3A_2662 = arith.muli %scan3A_19, %mul3A_2661 : i32
      %add3A_2663 = arith.constant 25 : i32
      %add3A_2664 = arith.addi %mul3A_2662, %add3A_2663 : i32
      %jit3A_2665 = arith.constant 4 : i32
      %div3A_2666 = arith.divsi %add3A_2664, %jit3A_2665 : i32
      %sign3A_2667 = arith.constant 0 : i32
      %sign3A_2668 = arith.cmpi sgt, %add3A_2664, %sign3A_2667 : i32
      %sign3A_2669 = arith.extui %sign3A_2668 : i1 to i32
      %sign3A_2670 = arith.constant 0 : i32
      %sign3A_2671 = arith.cmpi slt, %add3A_2664, %sign3A_2670 : i32
      %sign3A_2672 = arith.extui %sign3A_2671 : i1 to i32
      %sign3A_2673 = arith.subi %sign3A_2669, %sign3A_2672 : i32
      %sign3A_2674 = arith.constant 0 : i32
      %sign3A_2675 = arith.cmpi sgt, %jit3A_2665, %sign3A_2674 : i32
      %sign3A_2676 = arith.extui %sign3A_2675 : i1 to i32
      %sign3A_2677 = arith.constant 0 : i32
      %sign3A_2678 = arith.cmpi slt, %jit3A_2665, %sign3A_2677 : i32
      %sign3A_2679 = arith.extui %sign3A_2678 : i1 to i32
      %sign3A_2680 = arith.subi %sign3A_2676, %sign3A_2679 : i32
      %ne3A_2681 = arith.cmpi ne, %sign3A_2673, %sign3A_2680 : i32
      %rem3A_2682 = arith.remsi %add3A_2664, %jit3A_2665 : i32
      %ne3A_2683 = arith.constant 0 : i32
      %ne3A_2684 = arith.cmpi ne, %rem3A_2682, %ne3A_2683 : i32
      %and3A_2685 = arith.andi %ne3A_2681, %ne3A_2684 : i1
      %sub3A_2686 = arith.constant 1 : i32
      %sub3A_2687 = arith.subi %div3A_2666, %sub3A_2686 : i32
      %select_n3A_2688 = arith.select %and3A_2685, %sub3A_2687, %div3A_2666 : i32
      %jit3A_2689 = arith.constant 4 : i32
      %eq3A_2690 = arith.constant 0 : i32
      %eq3A_2691 = arith.cmpi eq, %jit3A_2689, %eq3A_2690 : i32
      %jit3A_2692 = arith.constant 1 : i32
      %select_n3A_2693 = arith.select %eq3A_2691, %jit3A_2692, %jit3A_2689 : i32
      %rem3A_2694 = arith.remsi %add3A_2664, %select_n3A_2693 : i32
      %ne3A_2695 = arith.constant 0 : i32
      %ne3A_2696 = arith.cmpi ne, %rem3A_2694, %ne3A_2695 : i32
      %lt3A_2697 = arith.constant 0 : i32
      %lt3A_2698 = arith.cmpi slt, %rem3A_2694, %lt3A_2697 : i32
      %lt3A_2699 = arith.constant 0 : i32
      %lt3A_2700 = arith.cmpi slt, %select_n3A_2693, %lt3A_2699 : i32
      %ne3A_2701 = arith.xori %lt3A_2698, %lt3A_2700 : i1
      %and3A_2702 = arith.andi %ne3A_2701, %ne3A_2696 : i1
      %add3A_2703 = arith.addi %rem3A_2694, %select_n3A_2693 : i32
      %select_n3A_2704 = arith.select %and3A_2702, %add3A_2703, %rem3A_2694 : i32
      %mul3A_2705 = arith.constant 128 : i32
      %mul3A_2706 = arith.muli %select_n3A_2704, %mul3A_2705 : i32
      %dma_wait3A_2707 = tpu.memref_slice %arg12[%select_n3A_2688, %mul3A_2706] : memref<26x512xf32, #tpu.memory_space<vmem>> -> memref<1x128xf32, #tpu.memory_space<vmem>>
      %dma_wait3A_2708 = tpu.memref_squeeze %dma_wait3A_2707 : memref<1x128xf32, #tpu.memory_space<vmem>> -> memref<128xf32, #tpu.memory_space<vmem>>
      %dma_wait3A_2709 = tpu.memref_slice %arg9[%select_n3A_2688, %mul3A_2706] : memref<26x512xi32, #tpu.memory_space<vmem>> -> memref<1x128xi32, #tpu.memory_space<vmem>>
      %dma_wait3A_2710 = tpu.memref_squeeze %dma_wait3A_2709 : memref<1x128xi32, #tpu.memory_space<vmem>> -> memref<128xi32, #tpu.memory_space<vmem>>
      %dma_wait3A_2711 = arith.constant 0 : i32
      %dma_wait3A_2712 = tpu.memref_slice %arg16[%dma_wait3A_2711] : memref<1000064xf32, #tpu.memory_space<vmem_shared>> -> memref<1000064xf32, #tpu.memory_space<vmem_shared>>
      tpu.wait_indirect_dma semaphore(%arg17 : memref<!tpu.dma_semaphore, #tpu.memory_space<semaphore_mem>>) src(%dma_wait3A_2712 : memref<1000064xf32, #tpu.memory_space<vmem_shared>>) dst(%dma_wait3A_2708 : memref<128xf32, #tpu.memory_space<vmem>>)
    }
    %scan3A_9 = arith.constant 4 : i32
    %get3A = arith.constant 0 : index
    %get3A_10 = tpu.vector_load %arg14[%get3A] {strides = array<i32>} : memref<16xf32, #tpu.memory_space<vmem>>, vector<16xf32>,
    %scan3A_11 = arith.constant 0 : i32
    %scan3A_12 = arith.constant 0 : i32
    %scan3A_13 = arith.constant 32 : i32
    %scan3A_14 = arith.addi %scan3A_12, %scan3A_13 : i32
    %scan3A_15 = arith.constant 1 : i32
    scf.for %scan3A_19 = %scan3A_12 to %scan3A_14 step %scan3A_15  : i32 {
      %mul3A_20 = arith.constant 16 : i32
      %mul3A_21 = arith.muli %scan3A_19, %mul3A_20 : i32
      %broadcast_in_dim3A = arith.constant 0.000000e+00 : f32
      %broadcast_in_dim3A_22 = vector.broadcast %broadcast_in_dim3A : f32 to vector<16xf32>
      %add3A_23 = arith.addf %broadcast_in_dim3A_22, %get3A_10 : vector<16xf32>
      %get3A_24 = arith.constant 0 : i32
      %get3A_25 = arith.index_cast %get3A_24 : i32 to index
      %get3A_26 = arith.index_cast %mul3A_21 : i32 to index
      %get3A_27 = tpu.vector_load %arg12[%get3A_25, %get3A_26] {strides = array<i32>} : memref<26x512xf32, #tpu.memory_space<vmem>>, vector<16xf32>,
      %get3A_28 = arith.constant 0 : i32
      %get3A_29 = arith.index_cast %get3A_28 : i32 to index
      %get3A_30 = arith.index_cast %mul3A_21 : i32 to index
      %get3A_31 = tpu.vector_load %arg11[%get3A_29, %get3A_30] {strides = array<i32>} : memref<26x512xf32, #tpu.memory_space<vmem>>, vector<16xf32>,
      %get3A_32 = arith.constant 0 : i32
      %get3A_33 = arith.index_cast %get3A_32 : i32 to index
      %get3A_34 = arith.index_cast %mul3A_21 : i32 to index
      %get3A_35 = tpu.vector_load %arg10[%get3A_33, %get3A_34] {strides = array<i32>} : memref<26x512xi32, #tpu.memory_space<vmem>>, vector<16xi32>,
      %gather3A = tpu.vector_load_idx %arg13[%get3A_35] : memref<128xf32, #tpu.memory_space<vmem>>[vector<16xi32>], vector<16xf32>,
      %add3A_36 = arith.addf %get3A_27, %gather3A : vector<16xf32>
      %mul3A_37 = arith.mulf %get3A_31, %add3A_36 : vector<16xf32>
      %add3A_38 = arith.addf %add3A_23, %mul3A_37 : vector<16xf32>
      %get3A_39 = arith.constant 1 : i32
      %get3A_40 = arith.index_cast %get3A_39 : i32 to index
      %get3A_41 = arith.index_cast %mul3A_21 : i32 to index
      %get3A_42 = tpu.vector_load %arg12[%get3A_40, %get3A_41] {strides = array<i32>} : memref<26x512xf32, #tpu.memory_space<vmem>>, vector<16xf32>,
      %get3A_43 = arith.constant 1 : i32
      %get3A_44 = arith.index_cast %get3A_43 : i32 to index
      %get3A_45 = arith.index_cast %mul3A_21 : i32 to index
      %get3A_46 = tpu.vector_load %arg11[%get3A_44, %get3A_45] {strides = array<i32>} : memref<26x512xf32, #tpu.memory_space<vmem>>, vector<16xf32>,
      %get3A_47 = arith.constant 1 : i32
      %get3A_48 = arith.index_cast %get3A_47 : i32 to index
      %get3A_49 = arith.index_cast %mul3A_21 : i32 to index
      %get3A_50 = tpu.vector_load %arg10[%get3A_48, %get3A_49] {strides = array<i32>} : memref<26x512xi32, #tpu.memory_space<vmem>>, vector<16xi32>,
      %gather3A_51 = tpu.vector_load_idx %arg13[%get3A_50] : memref<128xf32, #tpu.memory_space<vmem>>[vector<16xi32>], vector<16xf32>,
      %add3A_52 = arith.addf %get3A_42, %gather3A_51 : vector<16xf32>
      %mul3A_53 = arith.mulf %get3A_46, %add3A_52 : vector<16xf32>
      %add3A_54 = arith.addf %add3A_38, %mul3A_53 : vector<16xf32>
      %get3A_55 = arith.constant 2 : i32
      %get3A_56 = arith.index_cast %get3A_55 : i32 to index
      %get3A_57 = arith.index_cast %mul3A_21 : i32 to index
      %get3A_58 = tpu.vector_load %arg12[%get3A_56, %get3A_57] {strides = array<i32>} : memref<26x512xf32, #tpu.memory_space<vmem>>, vector<16xf32>,
      %get3A_59 = arith.constant 2 : i32
      %get3A_60 = arith.index_cast %get3A_59 : i32 to index
      %get3A_61 = arith.index_cast %mul3A_21 : i32 to index
      %get3A_62 = tpu.vector_load %arg11[%get3A_60, %get3A_61] {strides = array<i32>} : memref<26x512xf32, #tpu.memory_space<vmem>>, vector<16xf32>,
      %get3A_63 = arith.constant 2 : i32
      %get3A_64 = arith.index_cast %get3A_63 : i32 to index
      %get3A_65 = arith.index_cast %mul3A_21 : i32 to index
      %get3A_66 = tpu.vector_load %arg10[%get3A_64, %get3A_65] {strides = array<i32>} : memref<26x512xi32, #tpu.memory_space<vmem>>, vector<16xi32>,
      %gather3A_67 = tpu.vector_load_idx %arg13[%get3A_66] : memref<128xf32, #tpu.memory_space<vmem>>[vector<16xi32>], vector<16xf32>,
      %add3A_68 = arith.addf %get3A_58, %gather3A_67 : vector<16xf32>
      %mul3A_69 = arith.mulf %get3A_62, %add3A_68 : vector<16xf32>
      %add3A_70 = arith.addf %add3A_54, %mul3A_69 : vector<16xf32>
      %get3A_71 = arith.constant 3 : i32
      %get3A_72 = arith.index_cast %get3A_71 : i32 to index
      %get3A_73 = arith.index_cast %mul3A_21 : i32 to index
      %get3A_74 = tpu.vector_load %arg12[%get3A_72, %get3A_73] {strides = array<i32>} : memref<26x512xf32, #tpu.memory_space<vmem>>, vector<16xf32>,
      %get3A_75 = arith.constant 3 : i32
      %get3A_76 = arith.index_cast %get3A_75 : i32 to index
      %get3A_77 = arith.index_cast %mul3A_21 : i32 to index
      %get3A_78 = tpu.vector_load %arg11[%get3A_76, %get3A_77] {strides = array<i32>} : memref<26x512xf32, #tpu.memory_space<vmem>>, vector<16xf32>,
      %get3A_79 = arith.constant 3 : i32
      %get3A_80 = arith.index_cast %get3A_79 : i32 to index
      %get3A_81 = arith.index_cast %mul3A_21 : i32 to index
      %get3A_82 = tpu.vector_load %arg10[%get3A_80, %get3A_81] {strides = array<i32>} : memref<26x512xi32, #tpu.memory_space<vmem>>, vector<16xi32>,
      %gather3A_83 = tpu.vector_load_idx %arg13[%get3A_82] : memref<128xf32, #tpu.memory_space<vmem>>[vector<16xi32>], vector<16xf32>,
      %add3A_84 = arith.addf %get3A_74, %gather3A_83 : vector<16xf32>
      %mul3A_85 = arith.mulf %get3A_78, %add3A_84 : vector<16xf32>
      %add3A_86 = arith.addf %add3A_70, %mul3A_85 : vector<16xf32>
      %get3A_87 = arith.constant 4 : i32
      %get3A_88 = arith.index_cast %get3A_87 : i32 to index
      %get3A_89 = arith.index_cast %mul3A_21 : i32 to index
      %get3A_90 = tpu.vector_load %arg12[%get3A_88, %get3A_89] {strides = array<i32>} : memref<26x512xf32, #tpu.memory_space<vmem>>, vector<16xf32>,
      %get3A_91 = arith.constant 4 : i32
      %get3A_92 = arith.index_cast %get3A_91 : i32 to index
      %get3A_93 = arith.index_cast %mul3A_21 : i32 to index
      %get3A_94 = tpu.vector_load %arg11[%get3A_92, %get3A_93] {strides = array<i32>} : memref<26x512xf32, #tpu.memory_space<vmem>>, vector<16xf32>,
      %get3A_95 = arith.constant 4 : i32
      %get3A_96 = arith.index_cast %get3A_95 : i32 to index
      %get3A_97 = arith.index_cast %mul3A_21 : i32 to index
      %get3A_98 = tpu.vector_load %arg10[%get3A_96, %get3A_97] {strides = array<i32>} : memref<26x512xi32, #tpu.memory_space<vmem>>, vector<16xi32>,
      %gather3A_99 = tpu.vector_load_idx %arg13[%get3A_98] : memref<128xf32, #tpu.memory_space<vmem>>[vector<16xi32>], vector<16xf32>,
      %add3A_100 = arith.addf %get3A_90, %gather3A_99 : vector<16xf32>
      %mul3A_101 = arith.mulf %get3A_94, %add3A_100 : vector<16xf32>
      %add3A_102 = arith.addf %add3A_86, %mul3A_101 : vector<16xf32>
      %get3A_103 = arith.constant 5 : i32
      %get3A_104 = arith.index_cast %get3A_103 : i32 to index
      %get3A_105 = arith.index_cast %mul3A_21 : i32 to index
      %get3A_106 = tpu.vector_load %arg12[%get3A_104, %get3A_105] {strides = array<i32>} : memref<26x512xf32, #tpu.memory_space<vmem>>, vector<16xf32>,
      %get3A_107 = arith.constant 5 : i32
      %get3A_108 = arith.index_cast %get3A_107 : i32 to index
      %get3A_109 = arith.index_cast %mul3A_21 : i32 to index
      %get3A_110 = tpu.vector_load %arg11[%get3A_108, %get3A_109] {strides = array<i32>} : memref<26x512xf32, #tpu.memory_space<vmem>>, vector<16xf32>,
      %get3A_111 = arith.constant 5 : i32
      %get3A_112 = arith.index_cast %get3A_111 : i32 to index
      %get3A_113 = arith.index_cast %mul3A_21 : i32 to index
      %get3A_114 = tpu.vector_load %arg10[%get3A_112, %get3A_113] {strides = array<i32>} : memref<26x512xi32, #tpu.memory_space<vmem>>, vector<16xi32>,
      %gather3A_115 = tpu.vector_load_idx %arg13[%get3A_114] : memref<128xf32, #tpu.memory_space<vmem>>[vector<16xi32>], vector<16xf32>,
      %add3A_116 = arith.addf %get3A_106, %gather3A_115 : vector<16xf32>
      %mul3A_117 = arith.mulf %get3A_110, %add3A_116 : vector<16xf32>
      %add3A_118 = arith.addf %add3A_102, %mul3A_117 : vector<16xf32>
      %get3A_119 = arith.constant 6 : i32
      %get3A_120 = arith.index_cast %get3A_119 : i32 to index
      %get3A_121 = arith.index_cast %mul3A_21 : i32 to index
      %get3A_122 = tpu.vector_load %arg12[%get3A_120, %get3A_121] {strides = array<i32>} : memref<26x512xf32, #tpu.memory_space<vmem>>, vector<16xf32>,
      %get3A_123 = arith.constant 6 : i32
      %get3A_124 = arith.index_cast %get3A_123 : i32 to index
      %get3A_125 = arith.index_cast %mul3A_21 : i32 to index
      %get3A_126 = tpu.vector_load %arg11[%get3A_124, %get3A_125] {strides = array<i32>} : memref<26x512xf32, #tpu.memory_space<vmem>>, vector<16xf32>,
      %get3A_127 = arith.constant 6 : i32
      %get3A_128 = arith.index_cast %get3A_127 : i32 to index
      %get3A_129 = arith.index_cast %mul3A_21 : i32 to index
      %get3A_130 = tpu.vector_load %arg10[%get3A_128, %get3A_129] {strides = array<i32>} : memref<26x512xi32, #tpu.memory_space<vmem>>, vector<16xi32>,
      %gather3A_131 = tpu.vector_load_idx %arg13[%get3A_130] : memref<128xf32, #tpu.memory_space<vmem>>[vector<16xi32>], vector<16xf32>,
      %add3A_132 = arith.addf %get3A_122, %gather3A_131 : vector<16xf32>
      %mul3A_133 = arith.mulf %get3A_126, %add3A_132 : vector<16xf32>
      %add3A_134 = arith.addf %add3A_118, %mul3A_133 : vector<16xf32>
      %get3A_135 = arith.constant 7 : i32
      %get3A_136 = arith.index_cast %get3A_135 : i32 to index
      %get3A_137 = arith.index_cast %mul3A_21 : i32 to index
      %get3A_138 = tpu.vector_load %arg12[%get3A_136, %get3A_137] {strides = array<i32>} : memref<26x512xf32, #tpu.memory_space<vmem>>, vector<16xf32>,
      %get3A_139 = arith.constant 7 : i32
      %get3A_140 = arith.index_cast %get3A_139 : i32 to index
      %get3A_141 = arith.index_cast %mul3A_21 : i32 to index
      %get3A_142 = tpu.vector_load %arg11[%get3A_140, %get3A_141] {strides = array<i32>} : memref<26x512xf32, #tpu.memory_space<vmem>>, vector<16xf32>,
      %get3A_143 = arith.constant 7 : i32
      %get3A_144 = arith.index_cast %get3A_143 : i32 to index
      %get3A_145 = arith.index_cast %mul3A_21 : i32 to index
      %get3A_146 = tpu.vector_load %arg10[%get3A_144, %get3A_145] {strides = array<i32>} : memref<26x512xi32, #tpu.memory_space<vmem>>, vector<16xi32>,
      %gather3A_147 = tpu.vector_load_idx %arg13[%get3A_146] : memref<128xf32, #tpu.memory_space<vmem>>[vector<16xi32>], vector<16xf32>,
      %add3A_148 = arith.addf %get3A_138, %gather3A_147 : vector<16xf32>
      %mul3A_149 = arith.mulf %get3A_142, %add3A_148 : vector<16xf32>
      %add3A_150 = arith.addf %add3A_134, %mul3A_149 : vector<16xf32>
      %get3A_151 = arith.constant 8 : i32
      %get3A_152 = arith.index_cast %get3A_151 : i32 to index
      %get3A_153 = arith.index_cast %mul3A_21 : i32 to index
      %get3A_154 = tpu.vector_load %arg12[%get3A_152, %get3A_153] {strides = array<i32>} : memref<26x512xf32, #tpu.memory_space<vmem>>, vector<16xf32>,
      %get3A_155 = arith.constant 8 : i32
      %get3A_156 = arith.index_cast %get3A_155 : i32 to index
      %get3A_157 = arith.index_cast %mul3A_21 : i32 to index
      %get3A_158 = tpu.vector_load %arg11[%get3A_156, %get3A_157] {strides = array<i32>} : memref<26x512xf32, #tpu.memory_space<vmem>>, vector<16xf32>,
      %get3A_159 = arith.constant 8 : i32
      %get3A_160 = arith.index_cast %get3A_159 : i32 to index
      %get3A_161 = arith.index_cast %mul3A_21 : i32 to index
      %get3A_162 = tpu.vector_load %arg10[%get3A_160, %get3A_161] {strides = array<i32>} : memref<26x512xi32, #tpu.memory_space<vmem>>, vector<16xi32>,
      %gather3A_163 = tpu.vector_load_idx %arg13[%get3A_162] : memref<128xf32, #tpu.memory_space<vmem>>[vector<16xi32>], vector<16xf32>,
      %add3A_164 = arith.addf %get3A_154, %gather3A_163 : vector<16xf32>
      %mul3A_165 = arith.mulf %get3A_158, %add3A_164 : vector<16xf32>
      %add3A_166 = arith.addf %add3A_150, %mul3A_165 : vector<16xf32>
      %get3A_167 = arith.constant 9 : i32
      %get3A_168 = arith.index_cast %get3A_167 : i32 to index
      %get3A_169 = arith.index_cast %mul3A_21 : i32 to index
      %get3A_170 = tpu.vector_load %arg12[%get3A_168, %get3A_169] {strides = array<i32>} : memref<26x512xf32, #tpu.memory_space<vmem>>, vector<16xf32>,
      %get3A_171 = arith.constant 9 : i32
      %get3A_172 = arith.index_cast %get3A_171 : i32 to index
      %get3A_173 = arith.index_cast %mul3A_21 : i32 to index
      %get3A_174 = tpu.vector_load %arg11[%get3A_172, %get3A_173] {strides = array<i32>} : memref<26x512xf32, #tpu.memory_space<vmem>>, vector<16xf32>,
      %get3A_175 = arith.constant 9 : i32
      %get3A_176 = arith.index_cast %get3A_175 : i32 to index
      %get3A_177 = arith.index_cast %mul3A_21 : i32 to index
      %get3A_178 = tpu.vector_load %arg10[%get3A_176, %get3A_177] {strides = array<i32>} : memref<26x512xi32, #tpu.memory_space<vmem>>, vector<16xi32>,
      %gather3A_179 = tpu.vector_load_idx %arg13[%get3A_178] : memref<128xf32, #tpu.memory_space<vmem>>[vector<16xi32>], vector<16xf32>,
      %add3A_180 = arith.addf %get3A_170, %gather3A_179 : vector<16xf32>
      %mul3A_181 = arith.mulf %get3A_174, %add3A_180 : vector<16xf32>
      %add3A_182 = arith.addf %add3A_166, %mul3A_181 : vector<16xf32>
      %get3A_183 = arith.constant 10 : i32
      %get3A_184 = arith.index_cast %get3A_183 : i32 to index
      %get3A_185 = arith.index_cast %mul3A_21 : i32 to index
      %get3A_186 = tpu.vector_load %arg12[%get3A_184, %get3A_185] {strides = array<i32>} : memref<26x512xf32, #tpu.memory_space<vmem>>, vector<16xf32>,
      %get3A_187 = arith.constant 10 : i32
      %get3A_188 = arith.index_cast %get3A_187 : i32 to index
      %get3A_189 = arith.index_cast %mul3A_21 : i32 to index
      %get3A_190 = tpu.vector_load %arg11[%get3A_188, %get3A_189] {strides = array<i32>} : memref<26x512xf32, #tpu.memory_space<vmem>>, vector<16xf32>,
      %get3A_191 = arith.constant 10 : i32
      %get3A_192 = arith.index_cast %get3A_191 : i32 to index
      %get3A_193 = arith.index_cast %mul3A_21 : i32 to index
      %get3A_194 = tpu.vector_load %arg10[%get3A_192, %get3A_193] {strides = array<i32>} : memref<26x512xi32, #tpu.memory_space<vmem>>, vector<16xi32>,
      %gather3A_195 = tpu.vector_load_idx %arg13[%get3A_194] : memref<128xf32, #tpu.memory_space<vmem>>[vector<16xi32>], vector<16xf32>,
      %add3A_196 = arith.addf %get3A_186, %gather3A_195 : vector<16xf32>
      %mul3A_197 = arith.mulf %get3A_190, %add3A_196 : vector<16xf32>
      %add3A_198 = arith.addf %add3A_182, %mul3A_197 : vector<16xf32>
      %get3A_199 = arith.constant 11 : i32
      %get3A_200 = arith.index_cast %get3A_199 : i32 to index
      %get3A_201 = arith.index_cast %mul3A_21 : i32 to index
      %get3A_202 = tpu.vector_load %arg12[%get3A_200, %get3A_201] {strides = array<i32>} : memref<26x512xf32, #tpu.memory_space<vmem>>, vector<16xf32>,
      %get3A_203 = arith.constant 11 : i32
      %get3A_204 = arith.index_cast %get3A_203 : i32 to index
      %get3A_205 = arith.index_cast %mul3A_21 : i32 to index
      %get3A_206 = tpu.vector_load %arg11[%get3A_204, %get3A_205] {strides = array<i32>} : memref<26x512xf32, #tpu.memory_space<vmem>>, vector<16xf32>,
      %get3A_207 = arith.constant 11 : i32
      %get3A_208 = arith.index_cast %get3A_207 : i32 to index
      %get3A_209 = arith.index_cast %mul3A_21 : i32 to index
      %get3A_210 = tpu.vector_load %arg10[%get3A_208, %get3A_209] {strides = array<i32>} : memref<26x512xi32, #tpu.memory_space<vmem>>, vector<16xi32>,
      %gather3A_211 = tpu.vector_load_idx %arg13[%get3A_210] : memref<128xf32, #tpu.memory_space<vmem>>[vector<16xi32>], vector<16xf32>,
      %add3A_212 = arith.addf %get3A_202, %gather3A_211 : vector<16xf32>
      %mul3A_213 = arith.mulf %get3A_206, %add3A_212 : vector<16xf32>
      %add3A_214 = arith.addf %add3A_198, %mul3A_213 : vector<16xf32>
      %get3A_215 = arith.constant 12 : i32
      %get3A_216 = arith.index_cast %get3A_215 : i32 to index
      %get3A_217 = arith.index_cast %mul3A_21 : i32 to index
      %get3A_218 = tpu.vector_load %arg12[%get3A_216, %get3A_217] {strides = array<i32>} : memref<26x512xf32, #tpu.memory_space<vmem>>, vector<16xf32>,
      %get3A_219 = arith.constant 12 : i32
      %get3A_220 = arith.index_cast %get3A_219 : i32 to index
      %get3A_221 = arith.index_cast %mul3A_21 : i32 to index
      %get3A_222 = tpu.vector_load %arg11[%get3A_220, %get3A_221] {strides = array<i32>} : memref<26x512xf32, #tpu.memory_space<vmem>>, vector<16xf32>,
      %get3A_223 = arith.constant 12 : i32
      %get3A_224 = arith.index_cast %get3A_223 : i32 to index
      %get3A_225 = arith.index_cast %mul3A_21 : i32 to index
      %get3A_226 = tpu.vector_load %arg10[%get3A_224, %get3A_225] {strides = array<i32>} : memref<26x512xi32, #tpu.memory_space<vmem>>, vector<16xi32>,
      %gather3A_227 = tpu.vector_load_idx %arg13[%get3A_226] : memref<128xf32, #tpu.memory_space<vmem>>[vector<16xi32>], vector<16xf32>,
      %add3A_228 = arith.addf %get3A_218, %gather3A_227 : vector<16xf32>
      %mul3A_229 = arith.mulf %get3A_222, %add3A_228 : vector<16xf32>
      %add3A_230 = arith.addf %add3A_214, %mul3A_229 : vector<16xf32>
      %get3A_231 = arith.constant 13 : i32
      %get3A_232 = arith.index_cast %get3A_231 : i32 to index
      %get3A_233 = arith.index_cast %mul3A_21 : i32 to index
      %get3A_234 = tpu.vector_load %arg12[%get3A_232, %get3A_233] {strides = array<i32>} : memref<26x512xf32, #tpu.memory_space<vmem>>, vector<16xf32>,
      %get3A_235 = arith.constant 13 : i32
      %get3A_236 = arith.index_cast %get3A_235 : i32 to index
      %get3A_237 = arith.index_cast %mul3A_21 : i32 to index
      %get3A_238 = tpu.vector_load %arg11[%get3A_236, %get3A_237] {strides = array<i32>} : memref<26x512xf32, #tpu.memory_space<vmem>>, vector<16xf32>,
      %get3A_239 = arith.constant 13 : i32
      %get3A_240 = arith.index_cast %get3A_239 : i32 to index
      %get3A_241 = arith.index_cast %mul3A_21 : i32 to index
      %get3A_242 = tpu.vector_load %arg10[%get3A_240, %get3A_241] {strides = array<i32>} : memref<26x512xi32, #tpu.memory_space<vmem>>, vector<16xi32>,
      %gather3A_243 = tpu.vector_load_idx %arg13[%get3A_242] : memref<128xf32, #tpu.memory_space<vmem>>[vector<16xi32>], vector<16xf32>,
      %add3A_244 = arith.addf %get3A_234, %gather3A_243 : vector<16xf32>
      %mul3A_245 = arith.mulf %get3A_238, %add3A_244 : vector<16xf32>
      %add3A_246 = arith.addf %add3A_230, %mul3A_245 : vector<16xf32>
      %get3A_247 = arith.constant 14 : i32
      %get3A_248 = arith.index_cast %get3A_247 : i32 to index
      %get3A_249 = arith.index_cast %mul3A_21 : i32 to index
      %get3A_250 = tpu.vector_load %arg12[%get3A_248, %get3A_249] {strides = array<i32>} : memref<26x512xf32, #tpu.memory_space<vmem>>, vector<16xf32>,
      %get3A_251 = arith.constant 14 : i32
      %get3A_252 = arith.index_cast %get3A_251 : i32 to index
      %get3A_253 = arith.index_cast %mul3A_21 : i32 to index
      %get3A_254 = tpu.vector_load %arg11[%get3A_252, %get3A_253] {strides = array<i32>} : memref<26x512xf32, #tpu.memory_space<vmem>>, vector<16xf32>,
      %get3A_255 = arith.constant 14 : i32
      %get3A_256 = arith.index_cast %get3A_255 : i32 to index
      %get3A_257 = arith.index_cast %mul3A_21 : i32 to index
      %get3A_258 = tpu.vector_load %arg10[%get3A_256, %get3A_257] {strides = array<i32>} : memref<26x512xi32, #tpu.memory_space<vmem>>, vector<16xi32>,
      %gather3A_259 = tpu.vector_load_idx %arg13[%get3A_258] : memref<128xf32, #tpu.memory_space<vmem>>[vector<16xi32>], vector<16xf32>,
      %add3A_260 = arith.addf %get3A_250, %gather3A_259 : vector<16xf32>
      %mul3A_261 = arith.mulf %get3A_254, %add3A_260 : vector<16xf32>
      %add3A_262 = arith.addf %add3A_246, %mul3A_261 : vector<16xf32>
      %get3A_263 = arith.constant 15 : i32
      %get3A_264 = arith.index_cast %get3A_263 : i32 to index
      %get3A_265 = arith.index_cast %mul3A_21 : i32 to index
      %get3A_266 = tpu.vector_load %arg12[%get3A_264, %get3A_265] {strides = array<i32>} : memref<26x512xf32, #tpu.memory_space<vmem>>, vector<16xf32>,
      %get3A_267 = arith.constant 15 : i32
      %get3A_268 = arith.index_cast %get3A_267 : i32 to index
      %get3A_269 = arith.index_cast %mul3A_21 : i32 to index
      %get3A_270 = tpu.vector_load %arg11[%get3A_268, %get3A_269] {strides = array<i32>} : memref<26x512xf32, #tpu.memory_space<vmem>>, vector<16xf32>,
      %get3A_271 = arith.constant 15 : i32
      %get3A_272 = arith.index_cast %get3A_271 : i32 to index
      %get3A_273 = arith.index_cast %mul3A_21 : i32 to index
      %get3A_274 = tpu.vector_load %arg10[%get3A_272, %get3A_273] {strides = array<i32>} : memref<26x512xi32, #tpu.memory_space<vmem>>, vector<16xi32>,
      %gather3A_275 = tpu.vector_load_idx %arg13[%get3A_274] : memref<128xf32, #tpu.memory_space<vmem>>[vector<16xi32>], vector<16xf32>,
      %add3A_276 = arith.addf %get3A_266, %gather3A_275 : vector<16xf32>
      %mul3A_277 = arith.mulf %get3A_270, %add3A_276 : vector<16xf32>
      %add3A_278 = arith.addf %add3A_262, %mul3A_277 : vector<16xf32>
      %get3A_279 = arith.constant 16 : i32
      %get3A_280 = arith.index_cast %get3A_279 : i32 to index
      %get3A_281 = arith.index_cast %mul3A_21 : i32 to index
      %get3A_282 = tpu.vector_load %arg12[%get3A_280, %get3A_281] {strides = array<i32>} : memref<26x512xf32, #tpu.memory_space<vmem>>, vector<16xf32>,
      %get3A_283 = arith.constant 16 : i32
      %get3A_284 = arith.index_cast %get3A_283 : i32 to index
      %get3A_285 = arith.index_cast %mul3A_21 : i32 to index
      %get3A_286 = tpu.vector_load %arg11[%get3A_284, %get3A_285] {strides = array<i32>} : memref<26x512xf32, #tpu.memory_space<vmem>>, vector<16xf32>,
      %get3A_287 = arith.constant 16 : i32
      %get3A_288 = arith.index_cast %get3A_287 : i32 to index
      %get3A_289 = arith.index_cast %mul3A_21 : i32 to index
      %get3A_290 = tpu.vector_load %arg10[%get3A_288, %get3A_289] {strides = array<i32>} : memref<26x512xi32, #tpu.memory_space<vmem>>, vector<16xi32>,
      %gather3A_291 = tpu.vector_load_idx %arg13[%get3A_290] : memref<128xf32, #tpu.memory_space<vmem>>[vector<16xi32>], vector<16xf32>,
      %add3A_292 = arith.addf %get3A_282, %gather3A_291 : vector<16xf32>
      %mul3A_293 = arith.mulf %get3A_286, %add3A_292 : vector<16xf32>
      %add3A_294 = arith.addf %add3A_278, %mul3A_293 : vector<16xf32>
      %get3A_295 = arith.constant 17 : i32
      %get3A_296 = arith.index_cast %get3A_295 : i32 to index
      %get3A_297 = arith.index_cast %mul3A_21 : i32 to index
      %get3A_298 = tpu.vector_load %arg12[%get3A_296, %get3A_297] {strides = array<i32>} : memref<26x512xf32, #tpu.memory_space<vmem>>, vector<16xf32>,
      %get3A_299 = arith.constant 17 : i32
      %get3A_300 = arith.index_cast %get3A_299 : i32 to index
      %get3A_301 = arith.index_cast %mul3A_21 : i32 to index
      %get3A_302 = tpu.vector_load %arg11[%get3A_300, %get3A_301] {strides = array<i32>} : memref<26x512xf32, #tpu.memory_space<vmem>>, vector<16xf32>,
      %get3A_303 = arith.constant 17 : i32
      %get3A_304 = arith.index_cast %get3A_303 : i32 to index
      %get3A_305 = arith.index_cast %mul3A_21 : i32 to index
      %get3A_306 = tpu.vector_load %arg10[%get3A_304, %get3A_305] {strides = array<i32>} : memref<26x512xi32, #tpu.memory_space<vmem>>, vector<16xi32>,
      %gather3A_307 = tpu.vector_load_idx %arg13[%get3A_306] : memref<128xf32, #tpu.memory_space<vmem>>[vector<16xi32>], vector<16xf32>,
      %add3A_308 = arith.addf %get3A_298, %gather3A_307 : vector<16xf32>
      %mul3A_309 = arith.mulf %get3A_302, %add3A_308 : vector<16xf32>
      %add3A_310 = arith.addf %add3A_294, %mul3A_309 : vector<16xf32>
      %get3A_311 = arith.constant 18 : i32
      %get3A_312 = arith.index_cast %get3A_311 : i32 to index
      %get3A_313 = arith.index_cast %mul3A_21 : i32 to index
      %get3A_314 = tpu.vector_load %arg12[%get3A_312, %get3A_313] {strides = array<i32>} : memref<26x512xf32, #tpu.memory_space<vmem>>, vector<16xf32>,
      %get3A_315 = arith.constant 18 : i32
      %get3A_316 = arith.index_cast %get3A_315 : i32 to index
      %get3A_317 = arith.index_cast %mul3A_21 : i32 to index
      %get3A_318 = tpu.vector_load %arg11[%get3A_316, %get3A_317] {strides = array<i32>} : memref<26x512xf32, #tpu.memory_space<vmem>>, vector<16xf32>,
      %get3A_319 = arith.constant 18 : i32
      %get3A_320 = arith.index_cast %get3A_319 : i32 to index
      %get3A_321 = arith.index_cast %mul3A_21 : i32 to index
      %get3A_322 = tpu.vector_load %arg10[%get3A_320, %get3A_321] {strides = array<i32>} : memref<26x512xi32, #tpu.memory_space<vmem>>, vector<16xi32>,
      %gather3A_323 = tpu.vector_load_idx %arg13[%get3A_322] : memref<128xf32, #tpu.memory_space<vmem>>[vector<16xi32>], vector<16xf32>,
      %add3A_324 = arith.addf %get3A_314, %gather3A_323 : vector<16xf32>
      %mul3A_325 = arith.mulf %get3A_318, %add3A_324 : vector<16xf32>
      %add3A_326 = arith.addf %add3A_310, %mul3A_325 : vector<16xf32>
      %get3A_327 = arith.constant 19 : i32
      %get3A_328 = arith.index_cast %get3A_327 : i32 to index
      %get3A_329 = arith.index_cast %mul3A_21 : i32 to index
      %get3A_330 = tpu.vector_load %arg12[%get3A_328, %get3A_329] {strides = array<i32>} : memref<26x512xf32, #tpu.memory_space<vmem>>, vector<16xf32>,
      %get3A_331 = arith.constant 19 : i32
      %get3A_332 = arith.index_cast %get3A_331 : i32 to index
      %get3A_333 = arith.index_cast %mul3A_21 : i32 to index
      %get3A_334 = tpu.vector_load %arg11[%get3A_332, %get3A_333] {strides = array<i32>} : memref<26x512xf32, #tpu.memory_space<vmem>>, vector<16xf32>,
      %get3A_335 = arith.constant 19 : i32
      %get3A_336 = arith.index_cast %get3A_335 : i32 to index
      %get3A_337 = arith.index_cast %mul3A_21 : i32 to index
      %get3A_338 = tpu.vector_load %arg10[%get3A_336, %get3A_337] {strides = array<i32>} : memref<26x512xi32, #tpu.memory_space<vmem>>, vector<16xi32>,
      %gather3A_339 = tpu.vector_load_idx %arg13[%get3A_338] : memref<128xf32, #tpu.memory_space<vmem>>[vector<16xi32>], vector<16xf32>,
      %add3A_340 = arith.addf %get3A_330, %gather3A_339 : vector<16xf32>
      %mul3A_341 = arith.mulf %get3A_334, %add3A_340 : vector<16xf32>
      %add3A_342 = arith.addf %add3A_326, %mul3A_341 : vector<16xf32>
      %get3A_343 = arith.constant 20 : i32
      %get3A_344 = arith.index_cast %get3A_343 : i32 to index
      %get3A_345 = arith.index_cast %mul3A_21 : i32 to index
      %get3A_346 = tpu.vector_load %arg12[%get3A_344, %get3A_345] {strides = array<i32>} : memref<26x512xf32, #tpu.memory_space<vmem>>, vector<16xf32>,
      %get3A_347 = arith.constant 20 : i32
      %get3A_348 = arith.index_cast %get3A_347 : i32 to index
      %get3A_349 = arith.index_cast %mul3A_21 : i32 to index
      %get3A_350 = tpu.vector_load %arg11[%get3A_348, %get3A_349] {strides = array<i32>} : memref<26x512xf32, #tpu.memory_space<vmem>>, vector<16xf32>,
      %get3A_351 = arith.constant 20 : i32
      %get3A_352 = arith.index_cast %get3A_351 : i32 to index
      %get3A_353 = arith.index_cast %mul3A_21 : i32 to index
      %get3A_354 = tpu.vector_load %arg10[%get3A_352, %get3A_353] {strides = array<i32>} : memref<26x512xi32, #tpu.memory_space<vmem>>, vector<16xi32>,
      %gather3A_355 = tpu.vector_load_idx %arg13[%get3A_354] : memref<128xf32, #tpu.memory_space<vmem>>[vector<16xi32>], vector<16xf32>,
      %add3A_356 = arith.addf %get3A_346, %gather3A_355 : vector<16xf32>
      %mul3A_357 = arith.mulf %get3A_350, %add3A_356 : vector<16xf32>
      %add3A_358 = arith.addf %add3A_342, %mul3A_357 : vector<16xf32>
      %get3A_359 = arith.constant 21 : i32
      %get3A_360 = arith.index_cast %get3A_359 : i32 to index
      %get3A_361 = arith.index_cast %mul3A_21 : i32 to index
      %get3A_362 = tpu.vector_load %arg12[%get3A_360, %get3A_361] {strides = array<i32>} : memref<26x512xf32, #tpu.memory_space<vmem>>, vector<16xf32>,
      %get3A_363 = arith.constant 21 : i32
      %get3A_364 = arith.index_cast %get3A_363 : i32 to index
      %get3A_365 = arith.index_cast %mul3A_21 : i32 to index
      %get3A_366 = tpu.vector_load %arg11[%get3A_364, %get3A_365] {strides = array<i32>} : memref<26x512xf32, #tpu.memory_space<vmem>>, vector<16xf32>,
      %get3A_367 = arith.constant 21 : i32
      %get3A_368 = arith.index_cast %get3A_367 : i32 to index
      %get3A_369 = arith.index_cast %mul3A_21 : i32 to index
      %get3A_370 = tpu.vector_load %arg10[%get3A_368, %get3A_369] {strides = array<i32>} : memref<26x512xi32, #tpu.memory_space<vmem>>, vector<16xi32>,
      %gather3A_371 = tpu.vector_load_idx %arg13[%get3A_370] : memref<128xf32, #tpu.memory_space<vmem>>[vector<16xi32>], vector<16xf32>,
      %add3A_372 = arith.addf %get3A_362, %gather3A_371 : vector<16xf32>
      %mul3A_373 = arith.mulf %get3A_366, %add3A_372 : vector<16xf32>
      %add3A_374 = arith.addf %add3A_358, %mul3A_373 : vector<16xf32>
      %get3A_375 = arith.constant 22 : i32
      %get3A_376 = arith.index_cast %get3A_375 : i32 to index
      %get3A_377 = arith.index_cast %mul3A_21 : i32 to index
      %get3A_378 = tpu.vector_load %arg12[%get3A_376, %get3A_377] {strides = array<i32>} : memref<26x512xf32, #tpu.memory_space<vmem>>, vector<16xf32>,
      %get3A_379 = arith.constant 22 : i32
      %get3A_380 = arith.index_cast %get3A_379 : i32 to index
      %get3A_381 = arith.index_cast %mul3A_21 : i32 to index
      %get3A_382 = tpu.vector_load %arg11[%get3A_380, %get3A_381] {strides = array<i32>} : memref<26x512xf32, #tpu.memory_space<vmem>>, vector<16xf32>,
      %get3A_383 = arith.constant 22 : i32
      %get3A_384 = arith.index_cast %get3A_383 : i32 to index
      %get3A_385 = arith.index_cast %mul3A_21 : i32 to index
      %get3A_386 = tpu.vector_load %arg10[%get3A_384, %get3A_385] {strides = array<i32>} : memref<26x512xi32, #tpu.memory_space<vmem>>, vector<16xi32>,
      %gather3A_387 = tpu.vector_load_idx %arg13[%get3A_386] : memref<128xf32, #tpu.memory_space<vmem>>[vector<16xi32>], vector<16xf32>,
      %add3A_388 = arith.addf %get3A_378, %gather3A_387 : vector<16xf32>
      %mul3A_389 = arith.mulf %get3A_382, %add3A_388 : vector<16xf32>
      %add3A_390 = arith.addf %add3A_374, %mul3A_389 : vector<16xf32>
      %get3A_391 = arith.constant 23 : i32
      %get3A_392 = arith.index_cast %get3A_391 : i32 to index
      %get3A_393 = arith.index_cast %mul3A_21 : i32 to index
      %get3A_394 = tpu.vector_load %arg12[%get3A_392, %get3A_393] {strides = array<i32>} : memref<26x512xf32, #tpu.memory_space<vmem>>, vector<16xf32>,
      %get3A_395 = arith.constant 23 : i32
      %get3A_396 = arith.index_cast %get3A_395 : i32 to index
      %get3A_397 = arith.index_cast %mul3A_21 : i32 to index
      %get3A_398 = tpu.vector_load %arg11[%get3A_396, %get3A_397] {strides = array<i32>} : memref<26x512xf32, #tpu.memory_space<vmem>>, vector<16xf32>,
      %get3A_399 = arith.constant 23 : i32
      %get3A_400 = arith.index_cast %get3A_399 : i32 to index
      %get3A_401 = arith.index_cast %mul3A_21 : i32 to index
      %get3A_402 = tpu.vector_load %arg10[%get3A_400, %get3A_401] {strides = array<i32>} : memref<26x512xi32, #tpu.memory_space<vmem>>, vector<16xi32>,
      %gather3A_403 = tpu.vector_load_idx %arg13[%get3A_402] : memref<128xf32, #tpu.memory_space<vmem>>[vector<16xi32>], vector<16xf32>,
      %add3A_404 = arith.addf %get3A_394, %gather3A_403 : vector<16xf32>
      %mul3A_405 = arith.mulf %get3A_398, %add3A_404 : vector<16xf32>
      %add3A_406 = arith.addf %add3A_390, %mul3A_405 : vector<16xf32>
      %get3A_407 = arith.constant 24 : i32
      %get3A_408 = arith.index_cast %get3A_407 : i32 to index
      %get3A_409 = arith.index_cast %mul3A_21 : i32 to index
      %get3A_410 = tpu.vector_load %arg12[%get3A_408, %get3A_409] {strides = array<i32>} : memref<26x512xf32, #tpu.memory_space<vmem>>, vector<16xf32>,
      %get3A_411 = arith.constant 24 : i32
      %get3A_412 = arith.index_cast %get3A_411 : i32 to index
      %get3A_413 = arith.index_cast %mul3A_21 : i32 to index
      %get3A_414 = tpu.vector_load %arg11[%get3A_412, %get3A_413] {strides = array<i32>} : memref<26x512xf32, #tpu.memory_space<vmem>>, vector<16xf32>,
      %get3A_415 = arith.constant 24 : i32
      %get3A_416 = arith.index_cast %get3A_415 : i32 to index
      %get3A_417 = arith.index_cast %mul3A_21 : i32 to index
      %get3A_418 = tpu.vector_load %arg10[%get3A_416, %get3A_417] {strides = array<i32>} : memref<26x512xi32, #tpu.memory_space<vmem>>, vector<16xi32>,
      %gather3A_419 = tpu.vector_load_idx %arg13[%get3A_418] : memref<128xf32, #tpu.memory_space<vmem>>[vector<16xi32>], vector<16xf32>,
      %add3A_420 = arith.addf %get3A_410, %gather3A_419 : vector<16xf32>
      %mul3A_421 = arith.mulf %get3A_414, %add3A_420 : vector<16xf32>
      %add3A_422 = arith.addf %add3A_406, %mul3A_421 : vector<16xf32>
      %get3A_423 = arith.constant 25 : i32
      %get3A_424 = arith.index_cast %get3A_423 : i32 to index
      %get3A_425 = arith.index_cast %mul3A_21 : i32 to index
      %get3A_426 = tpu.vector_load %arg12[%get3A_424, %get3A_425] {strides = array<i32>} : memref<26x512xf32, #tpu.memory_space<vmem>>, vector<16xf32>,
      %get3A_427 = arith.constant 25 : i32
      %get3A_428 = arith.index_cast %get3A_427 : i32 to index
      %get3A_429 = arith.index_cast %mul3A_21 : i32 to index
      %get3A_430 = tpu.vector_load %arg11[%get3A_428, %get3A_429] {strides = array<i32>} : memref<26x512xf32, #tpu.memory_space<vmem>>, vector<16xf32>,
      %get3A_431 = arith.constant 25 : i32
      %get3A_432 = arith.index_cast %get3A_431 : i32 to index
      %get3A_433 = arith.index_cast %mul3A_21 : i32 to index
      %get3A_434 = tpu.vector_load %arg10[%get3A_432, %get3A_433] {strides = array<i32>} : memref<26x512xi32, #tpu.memory_space<vmem>>, vector<16xi32>,
      %gather3A_435 = tpu.vector_load_idx %arg13[%get3A_434] : memref<128xf32, #tpu.memory_space<vmem>>[vector<16xi32>], vector<16xf32>,
      %add3A_436 = arith.addf %get3A_426, %gather3A_435 : vector<16xf32>
      %mul3A_437 = arith.mulf %get3A_430, %add3A_436 : vector<16xf32>
      %add3A_438 = arith.addf %add3A_422, %mul3A_437 : vector<16xf32>
      %swap3A = arith.index_cast %mul3A_21 : i32 to index
      %swap3A_439 = tpu.vector_load %arg15[%swap3A] {strides = array<i32>} : memref<512xf32, #tpu.memory_space<vmem>>, vector<16xf32>,
      tpu.vector_store %arg15[%swap3A], %add3A_438 {strides = array<i32>} : memref<512xf32, #tpu.memory_space<vmem>>, vector<16xf32>,
    }
    %scan3A_16 = arith.constant 32 : i32
    %mul3A_17 = arith.constant 512 : i32
    %mul3A_18 = arith.muli %add3A, %mul3A_17 : i32
    "tpu.region"() ({
      %run_scoped3A = tpu.sem_alloc : memref<!tpu.dma_semaphore, #tpu.memory_space<semaphore_mem>>
      %dma_start3A = tpu.memref_slice %arg8[%mul3A_18] : memref<16384xf32, #tpu.memory_space<hbm>> -> memref<512xf32, #tpu.memory_space<hbm>>
      %dma_start3A_19 = tpu.memref_slice %arg8[%mul3A_18] : memref<16384xf32, #tpu.memory_space<hbm>> -> memref<512xf32, #tpu.memory_space<hbm>>
      tpu.enqueue_dma source(%arg15 : memref<512xf32, #tpu.memory_space<vmem>>) target(%dma_start3A_19 : memref<512xf32, #tpu.memory_space<hbm>>) target_semaphore(%run_scoped3A : memref<!tpu.dma_semaphore, #tpu.memory_space<semaphore_mem>>)
      %dma_wait3A = tpu.memref_slice %arg8[%mul3A_18] : memref<16384xf32, #tpu.memory_space<hbm>> -> memref<512xf32, #tpu.memory_space<hbm>>
      %dma_wait3A_20 = tpu.memref_slice %arg8[%mul3A_18] : memref<16384xf32, #tpu.memory_space<hbm>> -> memref<512xf32, #tpu.memory_space<hbm>>
      tpu.wait_dma2 semaphore(%run_scoped3A : memref<!tpu.dma_semaphore, #tpu.memory_space<semaphore_mem>>) src(%arg15 : memref<512xf32, #tpu.memory_space<vmem>>) dst(%dma_wait3A_20 : memref<512xf32, #tpu.memory_space<hbm>>)
      tpu.yield
    }) : () -> ()
    return
  }
}

module attributes {stable_mosaic.version = 14 : i64} {
  func.func @_fold_t_body(%arg0: i32, %arg1: memref<1x32xf32, #tpu.memory_space<vmem>>, %arg2: memref<32x65536xf32, #tpu.memory_space<vmem>>, %arg3: memref<32x65536xf32, #tpu.memory_space<vmem>>, %arg4: memref<1x32xf32, #tpu.memory_space<vmem>>, %arg5: memref<32x128xf32, #tpu.memory_space<vmem>>, %arg6: memref<131072xf32, #tpu.memory_space<vmem>>, %arg7: memref<1x128xf32, #tpu.memory_space<vmem>>) attributes {dimension_semantics = [#tpu.dimension_semantics<arbitrary>], iteration_bounds = array<i64: 8>, scalar_prefetch = 0 : i64, scratch_operands = 0 : i64, tpu.core_type = #tpu.core_type<tc>, window_params = [{pipeline_mode = #tpu.pipeline_mode<synchronous>, transform_indices = @transform_0, window_bounds = array<i64: 1, 32>}, {transform_indices = @transform_1, window_bounds = array<i64: 32, 65536>}, {transform_indices = @transform_2, window_bounds = array<i64: 32, 65536>}, {pipeline_mode = #tpu.pipeline_mode<synchronous>, transform_indices = @transform_3, window_bounds = array<i64: 1, 32>}, {transform_indices = @transform_4, window_bounds = array<i64: 32, 128>}, {transform_indices = @transform_5, window_bounds = array<i64: 131072>}, {pipeline_mode = #tpu.pipeline_mode<synchronous>, transform_indices = @transform_6, window_bounds = array<i64: 1, 128>}]} {
    %get3A = arith.constant 0 : index
    %get3A_0 = arith.constant 0 : index
    %get3A_1 = vector.load %arg1[%get3A, %get3A_0] : memref<1x32xf32, #tpu.memory_space<vmem>>, vector<1x32xf32>
    %get3A_2 = arith.constant 0 : index
    %get3A_3 = arith.constant 0 : index
    %get3A_4 = vector.load %arg2[%get3A_2, %get3A_3] : memref<32x65536xf32, #tpu.memory_space<vmem>>, vector<32x65536xf32>
    %dot_general3A = arith.constant dense<0.000000e+00> : vector<1x65536xf32>
    %dot_general3A_5 = tpu.matmul %get3A_1, %get3A_4, %dot_general3A {dimension_numbers = #tpu.dot_dimension_numbers<[1], [0], [0], [1], [0, 0, 1, 1], [], []>, transpose_lhs_hint = false} : vector<1x32xf32>, vector<32x65536xf32>, vector<1x65536xf32> -> vector<1x65536xf32>
    %reshape3A = vector.shape_cast %dot_general3A_5 : vector<1x65536xf32> to vector<65536xf32>
    %swap3A = arith.constant 0 : index
    %swap3A_6 = vector.load %arg6[%swap3A] : memref<131072xf32, #tpu.memory_space<vmem>>, vector<65536xf32>
    tpu.vector_store %arg6[%swap3A], %reshape3A {strides = array<i32>} : memref<131072xf32, #tpu.memory_space<vmem>>, vector<65536xf32>,
    %get3A_7 = arith.constant 0 : index
    %get3A_8 = arith.constant 0 : index
    %get3A_9 = vector.load %arg1[%get3A_7, %get3A_8] : memref<1x32xf32, #tpu.memory_space<vmem>>, vector<1x32xf32>
    %get3A_10 = arith.constant 0 : index
    %get3A_11 = arith.constant 0 : index
    %get3A_12 = vector.load %arg3[%get3A_10, %get3A_11] : memref<32x65536xf32, #tpu.memory_space<vmem>>, vector<32x65536xf32>
    %dot_general3A_13 = arith.constant dense<0.000000e+00> : vector<1x65536xf32>
    %dot_general3A_14 = tpu.matmul %get3A_9, %get3A_12, %dot_general3A_13 {dimension_numbers = #tpu.dot_dimension_numbers<[1], [0], [0], [1], [0, 0, 1, 1], [], []>, transpose_lhs_hint = false} : vector<1x32xf32>, vector<32x65536xf32>, vector<1x65536xf32> -> vector<1x65536xf32>
    %reshape3A_15 = vector.shape_cast %dot_general3A_14 : vector<1x65536xf32> to vector<65536xf32>
    %swap3A_16 = arith.constant 65536 : index
    %swap3A_17 = vector.load %arg6[%swap3A_16] : memref<131072xf32, #tpu.memory_space<vmem>>, vector<65536xf32>
    tpu.vector_store %arg6[%swap3A_16], %reshape3A_15 {strides = array<i32>} : memref<131072xf32, #tpu.memory_space<vmem>>, vector<65536xf32>,
    %eq3A = arith.constant 0 : i32
    %eq3A_18 = arith.cmpi eq, %arg0, %eq3A : i32
    %convert_element_type3A = arith.extui %eq3A_18 : i1 to i32
    %cond3A = arith.constant 0 : i32
    %cond3A_19 = arith.cmpi ne, %convert_element_type3A, %cond3A : i32
    scf.if %cond3A_19 {
      %get3A_20 = arith.constant 0 : index
      %get3A_21 = arith.constant 0 : index
      %get3A_22 = vector.load %arg4[%get3A_20, %get3A_21] : memref<1x32xf32, #tpu.memory_space<vmem>>, vector<1x32xf32>
      %get3A_23 = arith.constant 0 : index
      %get3A_24 = arith.constant 0 : index
      %get3A_25 = vector.load %arg5[%get3A_23, %get3A_24] : memref<32x128xf32, #tpu.memory_space<vmem>>, vector<32x128xf32>
      %dot_general3A_26 = arith.constant dense<0.000000e+00> : vector<1x128xf32>
      %dot_general3A_27 = tpu.matmul %get3A_22, %get3A_25, %dot_general3A_26 {dimension_numbers = #tpu.dot_dimension_numbers<[1], [0], [0], [1], [0, 0, 1, 1], [], []>, transpose_lhs_hint = false} : vector<1x32xf32>, vector<32x128xf32>, vector<1x128xf32> -> vector<1x128xf32>
      %swap3A_28 = arith.constant 0 : index
      %swap3A_29 = arith.constant 0 : index
      %swap3A_30 = vector.load %arg7[%swap3A_28, %swap3A_29] : memref<1x128xf32, #tpu.memory_space<vmem>>, vector<1x128xf32>
      tpu.vector_store %arg7[%swap3A_28, %swap3A_29], %dot_general3A_27 {strides = array<i32>} : memref<1x128xf32, #tpu.memory_space<vmem>>, vector<1x128xf32>,
    } else {
    }
    return
  }
  func.func @transform_0(%arg0: i32) -> (i32, i32) {
    %c0_i32 = arith.constant 0 : i32
    %c0_i32_0 = arith.constant 0 : i32
    %c0_i32_1 = arith.constant 0 : i32
    return %c0_i32, %c0_i32_0 : i32, i32
  }
  func.func @transform_1(%arg0: i32) -> (i32, i32) {
    %mul3A = arith.constant 2 : i32
    %mul3A_0 = arith.muli %mul3A, %arg0 : i32
    %c0_i32 = arith.constant 0 : i32
    %c0_i32_1 = arith.constant 0 : i32
    return %c0_i32, %mul3A_0 : i32, i32
  }
  func.func @transform_2(%arg0: i32) -> (i32, i32) {
    %mul3A = arith.constant 2 : i32
    %mul3A_0 = arith.muli %mul3A, %arg0 : i32
    %add3A = arith.constant 1 : i32
    %add3A_1 = arith.addi %mul3A_0, %add3A : i32
    %c0_i32 = arith.constant 0 : i32
    %c0_i32_2 = arith.constant 0 : i32
    return %c0_i32, %add3A_1 : i32, i32
  }
  func.func @transform_3(%arg0: i32) -> (i32, i32) {
    %c0_i32 = arith.constant 0 : i32
    %c0_i32_0 = arith.constant 0 : i32
    %c0_i32_1 = arith.constant 0 : i32
    return %c0_i32, %c0_i32_0 : i32, i32
  }
  func.func @transform_4(%arg0: i32) -> (i32, i32) {
    %c0_i32 = arith.constant 0 : i32
    %c0_i32_0 = arith.constant 0 : i32
    %c0_i32_1 = arith.constant 0 : i32
    return %c0_i32, %c0_i32_0 : i32, i32
  }
  func.func @transform_5(%arg0: i32) -> i32 {
    %c0_i32 = arith.constant 0 : i32
    return %arg0 : i32
  }
  func.func @transform_6(%arg0: i32) -> (i32, i32) {
    %c0_i32 = arith.constant 0 : i32
    %c0_i32_0 = arith.constant 0 : i32
    %c0_i32_1 = arith.constant 0 : i32
    return %c0_i32, %c0_i32_0 : i32, i32
  }
}

</mosaic_0001>

<sc_bundles>
// kernel: kernel.4.cloned.1.call-start
scs
__scs_entry_jumppad:
0x0: {  	(pc) =	sbr.rel $0x88, $3  }
0x1: {  	(tag) =	ssettag $0x0;
	lr =	simm.s32 $0x1  }
0x2: {  	[smem:$0x3F9A] =	sst lr;
	_ =	strace $0xD0000000  }
0x3: {  	_ = 	snop  }
0x4: {  	_ = 	snop  }
0x5: {  	_ = 	snop  }
0x6: {  	_ = 	snop  }
0x7: {  	_ = 	snop  }
__scs_overlays_trampoline_lowered:
0x8: {  	[smem:$0x3FA9] =	sst s0  }
0x9: {  	[smem:$0x3FAA] =	sst s1  }
0xa: {  	[smem:$0x3FAB] =	sst s2  }
0xb: {  	[smem:$0x3FAC] =	sst s3  }
0xc: {  	[smem:$0x3FAD] =	sst s4  }
0xd: {  	[smem:$0x3FAE] =	sst s5  }
0xe: {  	[smem:$0x3FAF] =	sst s6  }
0xf: {  	[smem:$0x3FB0] =	sst s7  }
0x10: {  	[smem:$0x3FB1] =	sst s8  }
0x11: {  	[smem:$0x3FB2] =	sst s9;
	s0 =	simm.s32 @!p0 $0x0  }
0x12: {  	s1 =	sld [smem:$0x3F98];
	s0 =	simm.s32 @p0 $0x1  }
0x13: {  	[smem:$0x3FB3] =	sst s0;
	s0 =	simm.s32 @!p1 $0x0  }
0x14: {  	s2 =	sld [smem:$0x3F97];
	s0 =	simm.s32 @p1 $0x1  }
0x15: {  	[smem:$0x3FB4] =	sst s0;
	s0 =	simm.s32 @!p2 $0x0  }
0x16: {  	s3 =	sld [smem:$0x3FDB];
	s0 =	simm.s32 @p2 $0x1  }
0x17: {  	s4 =	simm.s32 $0x1BF5;
	[smem:$0x3FB6] =	sst s0  }
0x18: {  	s0 =	sld [smem:$0x3F99];
	_ =	swait.ge [sflag:s4], $0x0  }
0x19: {  	s7 =	sld [smem:$0x3F9A]  }
0x1a: {  	s8 =	sadd.s32 $0xFFFFE003, lr  }
0x1b: {  	s9 =	sadd.s32 $0xFFFFFEF7, lr;
	s5 =	simm.s32 $0xFFFFFFFF;
	p2 =	slt.u32 s8, $0xFFFFF086  }
0x1c: {  	p1 =	slt.u32 s9, $0xF7A;
	s5 =	simm.s32 @!p2 $0x0  }
0x1d: {  	s5 =	simm.s32 @p1 $0x1;
	p0 =	seq.s32 s7, s2  }
0x1e: {  	s7 =	smul.u32 @!p0 $0xF7A, s2;
	p2 =	seq.s32 @!p0 s5, $0x0  }
0x1f: {  	s9 =	smul.u32 $0xF7A, s1;
	s8 =	simm.s32 @!p0 $0x1BF5;
	p2 =	por !p2, p0  }
0x20: {  	[sflag:s8] =	ssyncset.s32 @!p0 $0xFFFFF086;
	s6 =	sadd.s32 @!p0 s3, s7;
	s7 =	simm.s32 @!p0 $0x108  }
0x21: {  	s3 =	sadd.s32 s3, s9;
	s6 =	sadd.s32 @!p0 $0x88, s6;
	s7 =	simm.s32 @p2 $0x1082  }
0x22: {  	[simem:s7], [sflag:s8] =	dma.local @!p0 [hbm:s6], $0xF7A  }
0x23: {  	s9 =	sor.u32 $0xD0000000, s2;
	s6 =	simm.s32 $0x108;
	_ =	swait.ge @!p0 [sflag:s8], $0x0  }
0x24: {  	s3 =	sadd.s32 $0x88, s3;
	s6 =	simm.s32 @!p1 $0x1082;
	[sflag:s4] =	ssyncset.s32 $0xFFFFF086  }
0x25: {  	[simem:s6], [sflag:s4] =	dma.local [hbm:s3], $0xF7A  }
0x26: {  	[smem:$0x3F9A] =	sst s1;
	(tag) =	ssettag s2;
	_ =	strace s9  }
0x27: {  	s1 =	sld [smem:$0x3FAA]  }
0x28: {  	s2 =	sld [smem:$0x3FAB]  }
0x29: {  	s4 =	sld [smem:$0x3FAD]  }
0x2a: {  	p0 =	seq.s32 s5, $0x0;
	s5 =	sld [smem:$0x3FAE]  }
0x2b: {  	s6 =	sld [smem:$0x3FAF]  }
0x2c: {  	s7 =	sld [smem:$0x3FB0]  }
0x2d: {  	s3 =	simm.s32 $0x108;
	s8 =	sld [smem:$0x3FB1]  }
0x2e: {  	s3 =	simm.s32 @!p0 $0x1082;
	s9 =	sld [smem:$0x3FB2]  }
0x2f: {  	lr =	sadd.s32 s0, s3;
	s0 =	sld [smem:$0x3FA9]  }
0x30: {  	s3 =	sld [smem:$0x3FAC]  }
0x31: {  	[smem:$0x3FB5] =	sst s10  }
0x32: {  	s10 =	sld [smem:$0x3FB3];
	_ =	sdelay $0x3  }
0x33: {  	p0 =	seq.s32 s10, $0x1;
	s10 =	sld [smem:$0x3FB5];
	_ =	sdelay $0x3  }
0x34: {  	[smem:$0x3FB5] =	sst s10  }
0x35: {  	s10 =	sld [smem:$0x3FB4];
	_ =	sdelay $0x3  }
0x36: {  	p1 =	seq.s32 s10, $0x1;
	s10 =	sld [smem:$0x3FB5];
	_ =	sdelay $0x3  }
0x37: {  	[smem:$0x3FB5] =	sst s10  }
0x38: {  	s10 =	sld [smem:$0x3FB6]  }
0x39: {  	_ = 	snop;
	(pc) =	sbr.ind lr, $3  }
0x3a: {  	_ = 	snop  }
0x3b: {  	_ = 	snop  }
0x3c: {  	p2 =	seq.s32 s10, $0x1;
	s10 =	sld [smem:$0x3FB5]  }
0x3d: {  	_ =	shalt  }
0x3e: {  	_ =	shalt  }
0x3f: {  	_ =	shalt  }
0x40: {  	_ =	shalt  }
0x41: {  	_ =	shalt  }
0x42: {  	_ =	shalt  }
0x43: {  	_ =	shalt  }
0x44: {  	_ =	shalt  }
0x45: {  	_ =	shalt  }
0x46: {  	_ =	shalt  }
0x47: {  	_ =	shalt  }
0x48: {  	_ =	shalt  }
0x49: {  	_ =	shalt  }
0x4a: {  	_ =	shalt  }
0x4b: {  	_ =	shalt  }
0x4c: {  	_ =	shalt  }
0x4d: {  	_ =	shalt  }
0x4e: {  	_ =	shalt  }
0x4f: {  	_ =	shalt  }
0x50: {  	_ =	shalt  }
0x51: {  	_ =	shalt  }
0x52: {  	_ =	shalt  }
0x53: {  	_ =	shalt  }
0x54: {  	_ =	shalt  }
0x55: {  	_ =	shalt  }
0x56: {  	_ =	shalt  }
0x57: {  	_ =	shalt  }
0x58: {  	_ =	shalt  }
0x59: {  	_ =	shalt  }
0x5a: {  	_ =	shalt  }
0x5b: {  	_ =	shalt  }
0x5c: {  	_ =	shalt  }
0x5d: {  	_ =	shalt  }
0x5e: {  	_ =	shalt  }
0x5f: {  	_ =	shalt  }
0x60: {  	_ =	shalt  }
0x61: {  	_ =	shalt  }
0x62: {  	_ =	shalt  }
0x63: {  	_ =	shalt  }
0x64: {  	_ =	shalt  }
0x65: {  	_ =	shalt  }
0x66: {  	_ =	shalt  }
0x67: {  	_ =	shalt  }
0x68: {  	_ =	shalt  }
0x69: {  	_ =	shalt  }
0x6a: {  	_ =	shalt  }
0x6b: {  	_ =	shalt  }
0x6c: {  	_ =	shalt  }
0x6d: {  	_ =	shalt  }
0x6e: {  	_ =	shalt  }
0x6f: {  	_ =	shalt  }
0x70: {  	_ =	shalt  }
0x71: {  	_ =	shalt  }
0x72: {  	_ =	shalt  }
0x73: {  	_ =	shalt  }
0x74: {  	_ =	shalt  }
0x75: {  	_ =	shalt  }
0x76: {  	_ =	shalt  }
0x77: {  	_ =	shalt  }
0x78: {  	_ =	shalt  }
0x79: {  	_ =	shalt  }
0x7a: {  	_ =	shalt  }
0x7b: {  	_ =	shalt  }
0x7c: {  	_ =	shalt  }
0x7d: {  	_ =	shalt  }
0x7e: {  	_ =	shalt  }
0x7f: {  	_ =	shalt  }
0x80: {  	_ =	shalt  }
0x81: {  	_ =	shalt  }
0x82: {  	_ =	shalt  }
0x83: {  	_ =	shalt  }
0x84: {  	_ =	shalt  }
0x85: {  	_ =	shalt  }
0x86: {  	_ =	shalt  }
0x87: {  	_ =	shalt  }
.Lfunc_end0:
.L_simem_size_0:
called_computation_lowered:
.L_overlay_start_0:
0x88: {  	s2 =	sld [smem:$0x3FD9]  }
0x89: {  	s3 =	sld [smem:$0x3FFE];
	_ =	sdelay $0x1  }
0x8a: {  	s1 =	srdreg.scid  }
0x8b: {  	s0 =	sand.u32 $0x1, s1  }
0x8c: {  	s17 =	sshll.u32 s0, $0xA;
	s2 =	sadd.s32 s3, s2  }
0x8d: {  	s2 =	sadd.s32 s2, s17  }
0x8e: {  	[smem:$0x3FC1] =	sst s2  }
0x8f: {  	_ = 	snop  }
0x90: {  	s2 =	sld [smem:$0x3FC9]  }
0x91: {  	s18 =	sld [smem:$0x3FC8]  }
0x92: {  	s4 =	sld [smem:$0x3FC7]  }
0x93: {  	s5 =	sld [smem:$0x3FD0];
	(tm) =	ssettm $0x1  }
0x94: {  	s6 =	sld [smem:$0x3FFB];
	_ =	sdelay $0x3  }
0x95: {  	_ =	strace s6  }
0x96: {  	s6 =	sld [smem:$0x3FFC];
	_ =	sdelay $0x3  }
0x97: {  	_ =	strace s6  }
0x98: {  	s6 =	sld [smem:$0x3FFD];
	_ =	sdelay $0x3  }
0x99: {  	_ =	strace s6  }
0x9a: {  	_ =	strace $0x8FFFFFFF  }
0x9b: {  	s19 =	sld [smem:$0x3FDB];
	_ =	sdelay $0x1  }
0x9c: {  	s7 =	simm.s32 $_scs_section_size  }
0x9d: {  	s8 =	simm.s32 $_size__tile_overlayer_lowered;
	s9 =	simm.s32 $_tile_overlayer_lowered  }
0x9e: {  	s22 =	simm.s32 $0x1BFF;
	s21 =	sshll.u32 s9, $0x1;
	s6 =	sadd.s32 s7, s19  }
0x9f: {  	s10 =	simm.s32 $0x0;
	s20 =	sshll.u32 s8, $0x1;
	s8 =	sadd.s32 s21, s6  }
0xa0: {  	[timem:s10], [sflag:s22] =	dma.local [hbm:s8], s20  }
0xa1: {  	_ =	swait.ge [sflag:s22], s20  }
0xa2: {  	s7 =	ssub.s32 $0x0, s20;
	[sflag:s22] =	ssyncset.done $0x0  }
0xa3: {  	[sflag:s22] =	ssyncadd.s32 s7;
	_ =	sdelay $0x1  }
0xa4: {  	s23 =	simm.s32 $0x1B8B  }
0xa5: {  	_ =	swait.ge [sflag:s23], $0x1  }
0xa6: {  	[sflag:s23] =	ssyncset.done $0x0  }
0xa7: {  	s25 =	simm.s32 $0x1B8E;
	s24 =	sld [smem:$0x3FFE];
	[sflag:s23] =	ssyncadd.s32 $0xFFFFFFFF  }
0xa8: {  	s26 =	simm.s32 $execute0_lowered;
	[smem:$0x3FD2] =	sst s25  }
0xa9: {  	s8 =	sshll.u32 s26, $0x1;
	_ =	strace $0x80000046;
	[dreg:$0x1] =	wrdreg $0xFFFFFFFF  }
0xaa: {  	s28 =	simm.s32 $_size_execute0_lowered;
	s6 =	sadd.s32 s6, s8;
	[dreg:$0x0] =	wrdreg $0x0  }
0xab: {  	s8 =	sshll.u32 s28, $0x1;
	[dreg:$0x2] =	wrdreg s6  }
0xac: {  	[dreg:$0x3] =	wrdreg s8  }
0xad: {  	[dreg:$0x4] =	wrdreg $0xC0  }
0xae: {  	_ =	task [dreg:s10], $0x5FFFF  }
0xaf: {  	[dreg:$0x1] =	wrdreg $0xFFFFFFFF  }
0xb0: {  	[dreg:$0x0] =	wrdreg $0x60  }
0xb1: {  	[dreg:$0x2] =	wrdreg s24  }
0xb2: {  	[dreg:$0x3] =	wrdreg s2  }
0xb3: {  	[dreg:$0x4] =	wrdreg s4  }
0xb4: {  	[dreg:$0x5] =	wrdreg s18  }
0xb5: {  	[dreg:$0x6] =	wrdreg s5  }
0xb6: {  	[dreg:$0x7] =	wrdreg $0x103000  }
0xb7: {  	[dreg:$0x8] =	wrdreg $0x9  }
0xb8: {  	_ =	task.clear_ibuf [dreg:s10], $0x9FFFF;
	_ =	strace $0x90000046  }
0xb9: {  	s29 =	simm.s32 $0x9;
	_ =	strace $0x80000048  }
0xba: {  	_ =	swait.ge [sflag:s29], $0x1  }
0xbb: {  	[sflag:s29] =	ssyncadd.s32 $0xFFFFFFFF  }
0xbc: {  	_ =	strace $0x90000048  }
0xbd: {  	_ =	sfence  }
0xbe: {  	s30 =	sld [smem:$0x0];
	_ =	sdelay $0x2  }
0xbf: {  	s31 =	sshll.u32 s1, $0xD;
	s1 =	sshrl.u32 s1, $0x2  }
0xc0: {  	s3 =	sand.u32 $0x4000, s31;
	s1 =	sadd.s32 s1, s30  }
0xc1: {  	s0 =	sor.u32 s3, s0;
	s1 =	sshll.u32 s1, $0x11  }
0xc2: {  	s0 =	sor.u32 s1, s0  }
0xc3: {  	s0 =	sadd.s32 $0x8F2B, s0  }
0xc4: {  	[sflag:s0] =	ssyncadd.remote.s32 $0x1  }
0xc5: {  	_ =	sfence.sel $0xFFFF  }
0xc6: {  	[dreg:$0x0] =	wrdreg $0xFFFFFFFF;
	(pc) =	sbr.abs _section_cstart, $3  }
0xc7: {  	[dreg:$0x1] =	wrdreg $0xFFFFFFFF  }
0xc8: {  	_ =	task.clear_ibuf [dreg:s10], $0x2FFFF;
	_ =	strace $0x9FFFFFFF  }
0xc9: {  	(tm) =	ssettm $0x7FFFFFFF  }
tec
execute0_lowered:
.L_overlay_start_1:
0x0: {  	(tag) =	ssettag $0x1  }
0x1: {  	s0 =	rddreg [dreg:$0x0]  }
0x2: {  	s6 =	rddreg [dreg:$0x1]  }
0x3: {  	s7 =	rddreg [dreg:$0x2]  }
0x4: {  	s8 =	rddreg [dreg:$0x3]  }
0x5: {  	s9 =	rddreg [dreg:$0x4]  }
0x6: {  	s1 =	rddreg [dreg:$0x5]  }
0x7: {  	s2 =	simm.s32 $0x0;
	s5 =	srdreg.scid;
	s10 =	stileid.u32  }
0x8: {  	s14 =	simm.s32 $0x2;
	s17 =	simm.s32 $0x10000;
	s19 =	simm.s32 $0x80  }
0x9: {  	s25 =	simm.s32 $0x1;
	s24 =	simm.s32 $0x3C80;
	s26 =	simm.s32 $0xFC80  }
0xa: {  	s28 =	simm.s32 $0x10100;
	s29 =	simm.s32 $0x0;
	[smem:$0x7FF] =	sst s2  }
0xb: {  	s3 =	sadd.s32 $0xE00, s0;
	s4 =	sadd.s32 $0x20E00, s0;
	s5 =	sand.u32 $0x1, s5  }
0xc: {  	s13 =	sshll.u32 s10, $0x9;
	p0 =	sne.s32 s10, $0x0;
	_ =	strace $0x80000047  }
0xd: {  	s11 =	ssub.s32 $0x2, s5;
	s12 =	sshll.u32 s5, $0xD;
	s5 =	sadd.s32 $0x21000, s0  }
0xe: {  	s30 =	sshrl.u32 s11, $0x1;
	s12 =	sor.u32 s13, s12;
	s13 =	simm.s32 $0x20000  }
0xf: {  	s0 =	ssub.s32 s11, s30;
	s6 =	sadd.s32 s6, s12;
	s7 =	sadd.s32 s7, s12  }
0x10: {  	s8 =	sadd.s32 s8, s12;
	s31 =	sshrl.u32 s12, $0x3;
	s11 =	sshrl.u32 @!p0 s1, $0x3  }
0x11: {  	s12 =	simm.s32 $0x1000;
	s9 =	sadd.s32 s9, s31;
	s10 =	smax.u32 s0, $0x1  }
.LBB2_1:
0x12: {  	s0 =	simm.s32 @!p0 $0x1C02  }
0x13: {  	[spmem:s11], [sflag:s0] =	dma.local @!p0 [hbm:s3], $0x1E850  }
0x14: {  	s0 =	simm.s32 @!p0 $0x2  }
0x15: {  	_ =	swait.ge @!p0 [sflag:s0], $0x1E850  }
0x16: {  	[sflag:s0] =	ssyncset.done @!p0 $0x0  }
0x17: {  	[sflag:s0] =	ssyncadd.s32 @!p0 $0xFFFE17B0  }
0x18: {  	[tilespmem:s2], [sflag:$0x2] =	stream.strided.gather [hbm4b:s6+s12], $0x4000, s13, s12, $0x38;
	[tilespmem:$0x1F728] =	vst v63  }
0x19: {  	_ =	swait.ge [sflag:s14], $0x4000  }
0x1a: {  	[sflag:s14] =	ssyncset.done $0x0  }
0x1b: {  	s15 =	simm.s32 $0x4000;
	[sflag:s14] =	ssyncadd.s32 $0xFFFFC000  }
0x1c: {  	[tilespmem:s15], [sflag:$0x2] =	stream.strided.gather [hbm4b:s7+s12], $0x4000, s13, s12, $0x38;
	[tilespmem:$0x1F728] =	vst v63  }
0x1d: {  	_ =	swait.ge [sflag:s14], $0x4000  }
0x1e: {  	[sflag:s14] =	ssyncset.done $0x0  }
0x1f: {  	s16 =	simm.s32 $0x8000;
	[sflag:s14] =	ssyncadd.s32 $0xFFFFC000  }
0x20: {  	[tilespmem:s16], [sflag:$0x2] =	stream.strided.gather [hbm4b:s8+s12], $0x4000, s13, s12, $0x38;
	[tilespmem:$0x1F728] =	vst v63  }
0x21: {  	_ =	swait.ge [sflag:s14], $0x4000  }
0x22: {  	[sflag:s14] =	ssyncset.done $0x0  }
0x23: {  	[sflag:s14] =	ssyncadd.s32 $0xFFFFC000  }
0x24: {  	[tilespmem:s17], [sflag:$0x2] =	stream.linear.gather [hbm4b:s4+s2], $0x80, $0x38;
	[tilespmem:$0x1F728] =	vst v63  }
0x25: {  	_ =	swait.ge [sflag:s14], $0x80  }
0x26: {  	[sflag:s14] =	ssyncset.done $0x0  }
0x27: {  	s18 =	simm.s32 $0x10080;
	[sflag:s14] =	ssyncadd.s32 $0xFFFFFF80  }
0x28: {  	[tilespmem:s18], [sflag:$0x2] =	stream.linear.gather [hbm4b:s5+s2], $0x80, $0x38;
	[tilespmem:$0x1F728] =	vst v63  }
0x29: {  	_ =	swait.ge [sflag:s14], $0x80  }
0x2a: {  	[sflag:s14] =	ssyncset.done $0x0  }
0x2b: {  	[sflag:s14] =	ssyncadd.s32 $0xFFFFFF80  }
0x2c: {  	s20 =	simm.s32 $0xC000;
	[bflag:$0x0] =	sbarrier.arrive $0xFFFF  }
0x2d: {  	[tilespmem:s20], [sflag:$0x1] =	stream.indirect.gather [spmem:s1], $0x1, s2, s19, $0xb8;
	[tilespmem:$0x1F728] =	vst v63  }
0x2e: {  	s21 =	simm.s32 $0x400;
	s15 =	simm.s32 $0xC400  }
0x2f: {  	[tilespmem:s15], [sflag:$0x1] =	stream.indirect.gather [spmem:s1], $0x1, s21, s19, $0xb8;
	[tilespmem:$0x1F728] =	vst v63  }
0x30: {  	s22 =	simm.s32 $0x800;
	s23 =	simm.s32 $0xC800  }
0x31: {  	[tilespmem:s23], [sflag:$0x1] =	stream.indirect.gather [spmem:s1], $0x1, s22, s19, $0xb8;
	[tilespmem:$0x1F728] =	vst v63  }
0x32: {  	s16 =	simm.s32 $0xCC00;
	s15 =	simm.s32 $0xC00  }
0x33: {  	[tilespmem:s16], [sflag:$0x1] =	stream.indirect.gather [spmem:s1], $0x1, s15, s19, $0xb8;
	[tilespmem:$0x1F728] =	vst v63  }
0x34: {  	s18 =	simm.s32 $0xC080  }
0x35: {  	[tilespmem:s18], [sflag:$0x1] =	stream.indirect.gather [spmem:s1], $0x1, s19, s19, $0xb8;
	[tilespmem:$0x1F728] =	vst v63  }
0x36: {  	s20 =	simm.s32 $0x480;
	s21 =	simm.s32 $0xC480  }
0x37: {  	[tilespmem:s21], [sflag:$0x1] =	stream.indirect.gather [spmem:s1], $0x1, s20, s19, $0xb8;
	[tilespmem:$0x1F728] =	vst v63  }
0x38: {  	s22 =	simm.s32 $0x880;
	s23 =	simm.s32 $0xC880  }
0x39: {  	[tilespmem:s23], [sflag:$0x1] =	stream.indirect.gather [spmem:s1], $0x1, s22, s19, $0xb8;
	[tilespmem:$0x1F728] =	vst v63  }
0x3a: {  	s16 =	simm.s32 $0xC80;
	s18 =	simm.s32 $0xCC80  }
0x3b: {  	[tilespmem:s18], [sflag:$0x1] =	stream.indirect.gather [spmem:s1], $0x1, s16, s19, $0xb8;
	[tilespmem:$0x1F728] =	vst v63  }
0x3c: {  	s20 =	simm.s32 $0x100;
	s21 =	simm.s32 $0xC100  }
0x3d: {  	[tilespmem:s21], [sflag:$0x1] =	stream.indirect.gather [spmem:s1], $0x1, s20, s19, $0xb8;
	[tilespmem:$0x1F728] =	vst v63  }
0x3e: {  	s22 =	simm.s32 $0x500;
	s23 =	simm.s32 $0xC500  }
0x3f: {  	[tilespmem:s23], [sflag:$0x1] =	stream.indirect.gather [spmem:s1], $0x1, s22, s19, $0xb8;
	[tilespmem:$0x1F728] =	vst v63  }
0x40: {  	s16 =	simm.s32 $0x900;
	s18 =	simm.s32 $0xC900  }
0x41: {  	[tilespmem:s18], [sflag:$0x1] =	stream.indirect.gather [spmem:s1], $0x1, s16, s19, $0xb8;
	[tilespmem:$0x1F728] =	vst v63  }
0x42: {  	s20 =	simm.s32 $0xD00;
	s21 =	simm.s32 $0xCD00  }
0x43: {  	[tilespmem:s21], [sflag:$0x1] =	stream.indirect.gather [spmem:s1], $0x1, s20, s19, $0xb8;
	[tilespmem:$0x1F728] =	vst v63  }
0x44: {  	s22 =	simm.s32 $0x180;
	s23 =	simm.s32 $0xC180  }
0x45: {  	[tilespmem:s23], [sflag:$0x1] =	stream.indirect.gather [spmem:s1], $0x1, s22, s19, $0xb8;
	[tilespmem:$0x1F728] =	vst v63  }
0x46: {  	s16 =	simm.s32 $0x580;
	s18 =	simm.s32 $0xC580  }
0x47: {  	[tilespmem:s18], [sflag:$0x1] =	stream.indirect.gather [spmem:s1], $0x1, s16, s19, $0xb8;
	[tilespmem:$0x1F728] =	vst v63  }
0x48: {  	s20 =	simm.s32 $0x980;
	s21 =	simm.s32 $0xC980  }
0x49: {  	[tilespmem:s21], [sflag:$0x1] =	stream.indirect.gather [spmem:s1], $0x1, s20, s19, $0xb8;
	[tilespmem:$0x1F728] =	vst v63  }
0x4a: {  	s22 =	simm.s32 $0xD80;
	s23 =	simm.s32 $0xCD80  }
0x4b: {  	[tilespmem:s23], [sflag:$0x1] =	stream.indirect.gather [spmem:s1], $0x1, s22, s19, $0xb8;
	[tilespmem:$0x1F728] =	vst v63  }
0x4c: {  	s16 =	simm.s32 $0x200;
	s18 =	simm.s32 $0xC200  }
0x4d: {  	[tilespmem:s18], [sflag:$0x1] =	stream.indirect.gather [spmem:s1], $0x1, s16, s19, $0xb8;
	[tilespmem:$0x1F728] =	vst v63  }
0x4e: {  	s20 =	simm.s32 $0x600;
	s21 =	simm.s32 $0xC600  }
0x4f: {  	[tilespmem:s21], [sflag:$0x1] =	stream.indirect.gather [spmem:s1], $0x1, s20, s19, $0xb8;
	[tilespmem:$0x1F728] =	vst v63  }
0x50: {  	s22 =	simm.s32 $0xA00;
	s23 =	simm.s32 $0xCA00  }
0x51: {  	[tilespmem:s23], [sflag:$0x1] =	stream.indirect.gather [spmem:s1], $0x1, s22, s19, $0xb8;
	[tilespmem:$0x1F728] =	vst v63  }
0x52: {  	s16 =	simm.s32 $0xE00;
	s18 =	simm.s32 $0xCE00  }
0x53: {  	[tilespmem:s18], [sflag:$0x1] =	stream.indirect.gather [spmem:s1], $0x1, s16, s19, $0xb8;
	[tilespmem:$0x1F728] =	vst v63  }
0x54: {  	s20 =	simm.s32 $0x280;
	s21 =	simm.s32 $0xC280  }
0x55: {  	[tilespmem:s21], [sflag:$0x1] =	stream.indirect.gather [spmem:s1], $0x1, s20, s19, $0xb8;
	[tilespmem:$0x1F728] =	vst v63  }
0x56: {  	s22 =	simm.s32 $0x680;
	s23 =	simm.s32 $0xC680  }
0x57: {  	[tilespmem:s23], [sflag:$0x1] =	stream.indirect.gather [spmem:s1], $0x1, s22, s19, $0xb8;
	[tilespmem:$0x1F728] =	vst v63  }
0x58: {  	s16 =	simm.s32 $0xA80;
	s18 =	simm.s32 $0xCA80  }
0x59: {  	[tilespmem:s18], [sflag:$0x1] =	stream.indirect.gather [spmem:s1], $0x1, s16, s19, $0xb8;
	[tilespmem:$0x1F728] =	vst v63  }
0x5a: {  	s20 =	simm.s32 $0xE80;
	s21 =	simm.s32 $0xCE80  }
0x5b: {  	[tilespmem:s21], [sflag:$0x1] =	stream.indirect.gather [spmem:s1], $0x1, s20, s19, $0xb8;
	[tilespmem:$0x1F728] =	vst v63  }
0x5c: {  	s22 =	simm.s32 $0x300;
	s23 =	simm.s32 $0xC300  }
0x5d: {  	[tilespmem:s23], [sflag:$0x1] =	stream.indirect.gather [spmem:s1], $0x1, s22, s19, $0xb8;
	[tilespmem:$0x1F728] =	vst v63  }
0x5e: {  	s16 =	simm.s32 $0x700;
	s18 =	simm.s32 $0xC700  }
0x5f: {  	[tilespmem:s18], [sflag:$0x1] =	stream.indirect.gather [spmem:s1], $0x1, s16, s19, $0xb8;
	[tilespmem:$0x1F728] =	vst v63  }
0x60: {  	_ =	swait.ge [sflag:s25], $0x80  }
0x61: {  	[sflag:s25] =	ssyncset.done $0x0  }
0x62: {  	[sflag:s25] =	ssyncadd.s32 $0xFFFFFF80  }
0x63: {  	_ =	swait.ge [sflag:s25], $0x80  }
0x64: {  	[sflag:s25] =	ssyncset.done $0x0  }
0x65: {  	[sflag:s25] =	ssyncadd.s32 $0xFFFFFF80  }
0x66: {  	_ =	swait.ge [sflag:s25], $0x80  }
0x67: {  	[sflag:s25] =	ssyncset.done $0x0  }
0x68: {  	[sflag:s25] =	ssyncadd.s32 $0xFFFFFF80  }
0x69: {  	_ =	swait.ge [sflag:s25], $0x80  }
0x6a: {  	[sflag:s25] =	ssyncset.done $0x0  }
0x6b: {  	[sflag:s25] =	ssyncadd.s32 $0xFFFFFF80  }
0x6c: {  	_ =	swait.ge [sflag:s25], $0x80  }
0x6d: {  	[sflag:s25] =	ssyncset.done $0x0  }
0x6e: {  	[sflag:s25] =	ssyncadd.s32 $0xFFFFFF80  }
0x6f: {  	_ =	swait.ge [sflag:s25], $0x80  }
0x70: {  	[sflag:s25] =	ssyncset.done $0x0  }
0x71: {  	[sflag:s25] =	ssyncadd.s32 $0xFFFFFF80  }
0x72: {  	_ =	swait.ge [sflag:s25], $0x80  }
0x73: {  	[sflag:s25] =	ssyncset.done $0x0  }
0x74: {  	[sflag:s25] =	ssyncadd.s32 $0xFFFFFF80  }
0x75: {  	_ =	swait.ge [sflag:s25], $0x80  }
0x76: {  	[sflag:s25] =	ssyncset.done $0x0  }
0x77: {  	[sflag:s25] =	ssyncadd.s32 $0xFFFFFF80  }
0x78: {  	_ =	swait.ge [sflag:s25], $0x80  }
0x79: {  	[sflag:s25] =	ssyncset.done $0x0  }
0x7a: {  	[sflag:s25] =	ssyncadd.s32 $0xFFFFFF80  }
0x7b: {  	_ =	swait.ge [sflag:s25], $0x80  }
0x7c: {  	[sflag:s25] =	ssyncset.done $0x0  }
0x7d: {  	[sflag:s25] =	ssyncadd.s32 $0xFFFFFF80  }
0x7e: {  	_ =	swait.ge [sflag:s25], $0x80  }
0x7f: {  	[sflag:s25] =	ssyncset.done $0x0  }
0x80: {  	[sflag:s25] =	ssyncadd.s32 $0xFFFFFF80  }
0x81: {  	_ =	swait.ge [sflag:s25], $0x80  }
0x82: {  	[sflag:s25] =	ssyncset.done $0x0  }
0x83: {  	[sflag:s25] =	ssyncadd.s32 $0xFFFFFF80  }
0x84: {  	_ =	swait.ge [sflag:s25], $0x80  }
0x85: {  	[sflag:s25] =	ssyncset.done $0x0  }
0x86: {  	[sflag:s25] =	ssyncadd.s32 $0xFFFFFF80  }
0x87: {  	_ =	swait.ge [sflag:s25], $0x80  }
0x88: {  	[sflag:s25] =	ssyncset.done $0x0  }
0x89: {  	[sflag:s25] =	ssyncadd.s32 $0xFFFFFF80  }
0x8a: {  	_ =	swait.ge [sflag:s25], $0x80  }
0x8b: {  	[sflag:s25] =	ssyncset.done $0x0  }
0x8c: {  	[sflag:s25] =	ssyncadd.s32 $0xFFFFFF80  }
0x8d: {  	_ =	swait.ge [sflag:s25], $0x80  }
0x8e: {  	[sflag:s25] =	ssyncset.done $0x0  }
0x8f: {  	[sflag:s25] =	ssyncadd.s32 $0xFFFFFF80  }
0x90: {  	_ =	swait.ge [sflag:s25], $0x80  }
0x91: {  	[sflag:s25] =	ssyncset.done $0x0  }
0x92: {  	[sflag:s25] =	ssyncadd.s32 $0xFFFFFF80  }
0x93: {  	_ =	swait.ge [sflag:s25], $0x80  }
0x94: {  	[sflag:s25] =	ssyncset.done $0x0  }
0x95: {  	[sflag:s25] =	ssyncadd.s32 $0xFFFFFF80  }
0x96: {  	_ =	swait.ge [sflag:s25], $0x80  }
0x97: {  	[sflag:s25] =	ssyncset.done $0x0  }
0x98: {  	[sflag:s25] =	ssyncadd.s32 $0xFFFFFF80  }
0x99: {  	_ =	swait.ge [sflag:s25], $0x80  }
0x9a: {  	[sflag:s25] =	ssyncset.done $0x0  }
0x9b: {  	[sflag:s25] =	ssyncadd.s32 $0xFFFFFF80  }
0x9c: {  	_ =	swait.ge [sflag:s25], $0x80  }
0x9d: {  	[sflag:s25] =	ssyncset.done $0x0  }
0x9e: {  	[sflag:s25] =	ssyncadd.s32 $0xFFFFFF80  }
0x9f: {  	_ =	swait.ge [sflag:s25], $0x80  }
0xa0: {  	[sflag:s25] =	ssyncset.done $0x0  }
0xa1: {  	[sflag:s25] =	ssyncadd.s32 $0xFFFFFF80  }
0xa2: {  	_ =	swait.ge [sflag:s25], $0x80  }
0xa3: {  	[sflag:s25] =	ssyncset.done $0x0  }
0xa4: {  	[sflag:s25] =	ssyncadd.s32 $0xFFFFFF80  }
0xa5: {  	_ =	swait.ge [sflag:s25], $0x80  }
0xa6: {  	[sflag:s25] =	ssyncset.done $0x0  }
0xa7: {  	[sflag:s25] =	ssyncadd.s32 $0xFFFFFF80  }
0xa8: {  	_ =	swait.ge [sflag:s25], $0x80  }
0xa9: {  	[sflag:s25] =	ssyncset.done $0x0  }
0xaa: {  	[sflag:s25] =	ssyncadd.s32 $0xFFFFFF80  }
0xab: {  	_ =	swait.ge [sflag:s25], $0x80  }
0xac: {  	[sflag:s25] =	ssyncset.done $0x0  }
0xad: {  	s20 =	simm.s32 $0xB00;
	s21 =	simm.s32 $0xCB00;
	[sflag:s25] =	ssyncadd.s32 $0xFFFFFF80  }
0xae: {  	[tilespmem:s21], [sflag:$0x1] =	stream.indirect.gather [spmem:s1], $0x1, s20, s19, $0xb8;
	[tilespmem:$0x1F728] =	vst v63  }
0xaf: {  	s22 =	simm.s32 $0xF00;
	s23 =	simm.s32 $0xCF00  }
0xb0: {  	[tilespmem:s23], [sflag:$0x1] =	stream.indirect.gather [spmem:s1], $0x1, s22, s19, $0xb8;
	[tilespmem:$0x1F728] =	vst v63  }
0xb1: {  	s16 =	simm.s32 $0x380;
	s18 =	simm.s32 $0xC380  }
0xb2: {  	[tilespmem:s18], [sflag:$0x1] =	stream.indirect.gather [spmem:s1], $0x1, s16, s19, $0xb8;
	[tilespmem:$0x1F728] =	vst v63  }
0xb3: {  	s20 =	simm.s32 $0x780;
	s21 =	simm.s32 $0xC780  }
0xb4: {  	[tilespmem:s21], [sflag:$0x1] =	stream.indirect.gather [spmem:s1], $0x1, s20, s19, $0xb8;
	[tilespmem:$0x1F728] =	vst v63  }
0xb5: {  	s22 =	simm.s32 $0xB80;
	s23 =	simm.s32 $0xCB80  }
0xb6: {  	[tilespmem:s23], [sflag:$0x1] =	stream.indirect.gather [spmem:s1], $0x1, s22, s19, $0xb8;
	[tilespmem:$0x1F728] =	vst v63  }
0xb7: {  	s15 =	simm.s32 $0xF80;
	s16 =	simm.s32 $0xCF80  }
0xb8: {  	[tilespmem:s16], [sflag:$0x1] =	stream.indirect.gather [spmem:s1], $0x1, s15, s19, $0xb8;
	[tilespmem:$0x1F728] =	vst v63  }
0xb9: {  	s18 =	simm.s32 $0xD000  }
0xba: {  	[tilespmem:s18], [sflag:$0x1] =	stream.indirect.gather [spmem:s1], $0x1, s12, s19, $0xb8;
	[tilespmem:$0x1F728] =	vst v63  }
0xbb: {  	s20 =	simm.s32 $0x1400;
	s21 =	simm.s32 $0xD400  }
0xbc: {  	[tilespmem:s21], [sflag:$0x1] =	stream.indirect.gather [spmem:s1], $0x1, s20, s19, $0xb8;
	[tilespmem:$0x1F728] =	vst v63  }
0xbd: {  	s22 =	simm.s32 $0x1800;
	s23 =	simm.s32 $0xD800  }
0xbe: {  	[tilespmem:s23], [sflag:$0x1] =	stream.indirect.gather [spmem:s1], $0x1, s22, s19, $0xb8;
	[tilespmem:$0x1F728] =	vst v63  }
0xbf: {  	s16 =	simm.s32 $0x1C00;
	s18 =	simm.s32 $0xDC00  }
0xc0: {  	[tilespmem:s18], [sflag:$0x1] =	stream.indirect.gather [spmem:s1], $0x1, s16, s19, $0xb8;
	[tilespmem:$0x1F728] =	vst v63  }
0xc1: {  	s20 =	simm.s32 $0x1080;
	s21 =	simm.s32 $0xD080  }
0xc2: {  	[tilespmem:s21], [sflag:$0x1] =	stream.indirect.gather [spmem:s1], $0x1, s20, s19, $0xb8;
	[tilespmem:$0x1F728] =	vst v63  }
0xc3: {  	s22 =	simm.s32 $0x1480;
	s23 =	simm.s32 $0xD480  }
0xc4: {  	[tilespmem:s23], [sflag:$0x1] =	stream.indirect.gather [spmem:s1], $0x1, s22, s19, $0xb8;
	[tilespmem:$0x1F728] =	vst v63  }
0xc5: {  	s16 =	simm.s32 $0x1880;
	s18 =	simm.s32 $0xD880  }
0xc6: {  	[tilespmem:s18], [sflag:$0x1] =	stream.indirect.gather [spmem:s1], $0x1, s16, s19, $0xb8;
	[tilespmem:$0x1F728] =	vst v63  }
0xc7: {  	s20 =	simm.s32 $0x1C80;
	s21 =	simm.s32 $0xDC80  }
0xc8: {  	[tilespmem:s21], [sflag:$0x1] =	stream.indirect.gather [spmem:s1], $0x1, s20, s19, $0xb8;
	[tilespmem:$0x1F728] =	vst v63  }
0xc9: {  	s22 =	simm.s32 $0x1100;
	s23 =	simm.s32 $0xD100  }
0xca: {  	[tilespmem:s23], [sflag:$0x1] =	stream.indirect.gather [spmem:s1], $0x1, s22, s19, $0xb8;
	[tilespmem:$0x1F728] =	vst v63  }
0xcb: {  	s16 =	simm.s32 $0x1500;
	s18 =	simm.s32 $0xD500  }
0xcc: {  	[tilespmem:s18], [sflag:$0x1] =	stream.indirect.gather [spmem:s1], $0x1, s16, s19, $0xb8;
	[tilespmem:$0x1F728] =	vst v63  }
0xcd: {  	s20 =	simm.s32 $0x1900;
	s21 =	simm.s32 $0xD900  }
0xce: {  	[tilespmem:s21], [sflag:$0x1] =	stream.indirect.gather [spmem:s1], $0x1, s20, s19, $0xb8;
	[tilespmem:$0x1F728] =	vst v63  }
0xcf: {  	s22 =	simm.s32 $0x1D00;
	s23 =	simm.s32 $0xDD00  }
0xd0: {  	[tilespmem:s23], [sflag:$0x1] =	stream.indirect.gather [spmem:s1], $0x1, s22, s19, $0xb8;
	[tilespmem:$0x1F728] =	vst v63  }
0xd1: {  	s16 =	simm.s32 $0x1180;
	s18 =	simm.s32 $0xD180  }
0xd2: {  	[tilespmem:s18], [sflag:$0x1] =	stream.indirect.gather [spmem:s1], $0x1, s16, s19, $0xb8;
	[tilespmem:$0x1F728] =	vst v63  }
0xd3: {  	s20 =	simm.s32 $0x1580;
	s21 =	simm.s32 $0xD580  }
0xd4: {  	[tilespmem:s21], [sflag:$0x1] =	stream.indirect.gather [spmem:s1], $0x1, s20, s19, $0xb8;
	[tilespmem:$0x1F728] =	vst v63  }
0xd5: {  	s22 =	simm.s32 $0x1980;
	s23 =	simm.s32 $0xD980  }
0xd6: {  	[tilespmem:s23], [sflag:$0x1] =	stream.indirect.gather [spmem:s1], $0x1, s22, s19, $0xb8;
	[tilespmem:$0x1F728] =	vst v63  }
0xd7: {  	s16 =	simm.s32 $0x1D80;
	s18 =	simm.s32 $0xDD80  }
0xd8: {  	[tilespmem:s18], [sflag:$0x1] =	stream.indirect.gather [spmem:s1], $0x1, s16, s19, $0xb8;
	[tilespmem:$0x1F728] =	vst v63  }
0xd9: {  	s20 =	simm.s32 $0x1200;
	s21 =	simm.s32 $0xD200  }
0xda: {  	[tilespmem:s21], [sflag:$0x1] =	stream.indirect.gather [spmem:s1], $0x1, s20, s19, $0xb8;
	[tilespmem:$0x1F728] =	vst v63  }
0xdb: {  	s22 =	simm.s32 $0x1600;
	s23 =	simm.s32 $0xD600  }
0xdc: {  	[tilespmem:s23], [sflag:$0x1] =	stream.indirect.gather [spmem:s1], $0x1, s22, s19, $0xb8;
	[tilespmem:$0x1F728] =	vst v63  }
0xdd: {  	s16 =	simm.s32 $0x1A00;
	s18 =	simm.s32 $0xDA00  }
0xde: {  	[tilespmem:s18], [sflag:$0x1] =	stream.indirect.gather [spmem:s1], $0x1, s16, s19, $0xb8;
	[tilespmem:$0x1F728] =	vst v63  }
0xdf: {  	s20 =	simm.s32 $0x1E00;
	s21 =	simm.s32 $0xDE00  }
0xe0: {  	[tilespmem:s21], [sflag:$0x1] =	stream.indirect.gather [spmem:s1], $0x1, s20, s19, $0xb8;
	[tilespmem:$0x1F728] =	vst v63  }
0xe1: {  	_ =	swait.ge [sflag:s25], $0x80  }
0xe2: {  	[sflag:s25] =	ssyncset.done $0x0  }
0xe3: {  	[sflag:s25] =	ssyncadd.s32 $0xFFFFFF80  }
0xe4: {  	_ =	swait.ge [sflag:s25], $0x80  }
0xe5: {  	[sflag:s25] =	ssyncset.done $0x0  }
0xe6: {  	[sflag:s25] =	ssyncadd.s32 $0xFFFFFF80  }
0xe7: {  	_ =	swait.ge [sflag:s25], $0x80  }
0xe8: {  	[sflag:s25] =	ssyncset.done $0x0  }
0xe9: {  	[sflag:s25] =	ssyncadd.s32 $0xFFFFFF80  }
0xea: {  	_ =	swait.ge [sflag:s25], $0x80  }
0xeb: {  	[sflag:s25] =	ssyncset.done $0x0  }
0xec: {  	[sflag:s25] =	ssyncadd.s32 $0xFFFFFF80  }
0xed: {  	_ =	swait.ge [sflag:s25], $0x80  }
0xee: {  	[sflag:s25] =	ssyncset.done $0x0  }
0xef: {  	[sflag:s25] =	ssyncadd.s32 $0xFFFFFF80  }
0xf0: {  	_ =	swait.ge [sflag:s25], $0x80  }
0xf1: {  	[sflag:s25] =	ssyncset.done $0x0  }
0xf2: {  	[sflag:s25] =	ssyncadd.s32 $0xFFFFFF80  }
0xf3: {  	_ =	swait.ge [sflag:s25], $0x80  }
0xf4: {  	[sflag:s25] =	ssyncset.done $0x0  }
0xf5: {  	[sflag:s25] =	ssyncadd.s32 $0xFFFFFF80  }
0xf6: {  	_ =	swait.ge [sflag:s25], $0x80  }
0xf7: {  	[sflag:s25] =	ssyncset.done $0x0  }
0xf8: {  	[sflag:s25] =	ssyncadd.s32 $0xFFFFFF80  }
0xf9: {  	_ =	swait.ge [sflag:s25], $0x80  }
0xfa: {  	[sflag:s25] =	ssyncset.done $0x0  }
0xfb: {  	[sflag:s25] =	ssyncadd.s32 $0xFFFFFF80  }
0xfc: {  	_ =	swait.ge [sflag:s25], $0x80  }
0xfd: {  	[sflag:s25] =	ssyncset.done $0x0  }
0xfe: {  	[sflag:s25] =	ssyncadd.s32 $0xFFFFFF80  }
0xff: {  	_ =	swait.ge [sflag:s25], $0x80  }
0x100: {  	[sflag:s25] =	ssyncset.done $0x0  }
0x101: {  	[sflag:s25] =	ssyncadd.s32 $0xFFFFFF80  }
0x102: {  	_ =	swait.ge [sflag:s25], $0x80  }
0x103: {  	[sflag:s25] =	ssyncset.done $0x0  }
0x104: {  	[sflag:s25] =	ssyncadd.s32 $0xFFFFFF80  }
0x105: {  	_ =	swait.ge [sflag:s25], $0x80  }
0x106: {  	[sflag:s25] =	ssyncset.done $0x0  }
0x107: {  	[sflag:s25] =	ssyncadd.s32 $0xFFFFFF80  }
0x108: {  	_ =	swait.ge [sflag:s25], $0x80  }
0x109: {  	[sflag:s25] =	ssyncset.done $0x0  }
0x10a: {  	[sflag:s25] =	ssyncadd.s32 $0xFFFFFF80  }
0x10b: {  	_ =	swait.ge [sflag:s25], $0x80  }
0x10c: {  	[sflag:s25] =	ssyncset.done $0x0  }
0x10d: {  	[sflag:s25] =	ssyncadd.s32 $0xFFFFFF80  }
0x10e: {  	_ =	swait.ge [sflag:s25], $0x80  }
0x10f: {  	[sflag:s25] =	ssyncset.done $0x0  }
0x110: {  	[sflag:s25] =	ssyncadd.s32 $0xFFFFFF80  }
0x111: {  	_ =	swait.ge [sflag:s25], $0x80  }
0x112: {  	[sflag:s25] =	ssyncset.done $0x0  }
0x113: {  	[sflag:s25] =	ssyncadd.s32 $0xFFFFFF80  }
0x114: {  	_ =	swait.ge [sflag:s25], $0x80  }
0x115: {  	[sflag:s25] =	ssyncset.done $0x0  }
0x116: {  	[sflag:s25] =	ssyncadd.s32 $0xFFFFFF80  }
0x117: {  	_ =	swait.ge [sflag:s25], $0x80  }
0x118: {  	[sflag:s25] =	ssyncset.done $0x0  }
0x119: {  	[sflag:s25] =	ssyncadd.s32 $0xFFFFFF80  }
0x11a: {  	_ =	swait.ge [sflag:s25], $0x80  }
0x11b: {  	[sflag:s25] =	ssyncset.done $0x0  }
0x11c: {  	[sflag:s25] =	ssyncadd.s32 $0xFFFFFF80  }
0x11d: {  	_ =	swait.ge [sflag:s25], $0x80  }
0x11e: {  	[sflag:s25] =	ssyncset.done $0x0  }
0x11f: {  	[sflag:s25] =	ssyncadd.s32 $0xFFFFFF80  }
0x120: {  	_ =	swait.ge [sflag:s25], $0x80  }
0x121: {  	[sflag:s25] =	ssyncset.done $0x0  }
0x122: {  	[sflag:s25] =	ssyncadd.s32 $0xFFFFFF80  }
0x123: {  	_ =	swait.ge [sflag:s25], $0x80  }
0x124: {  	[sflag:s25] =	ssyncset.done $0x0  }
0x125: {  	[sflag:s25] =	ssyncadd.s32 $0xFFFFFF80  }
0x126: {  	_ =	swait.ge [sflag:s25], $0x80  }
0x127: {  	[sflag:s25] =	ssyncset.done $0x0  }
0x128: {  	[sflag:s25] =	ssyncadd.s32 $0xFFFFFF80  }
0x129: {  	_ =	swait.ge [sflag:s25], $0x80  }
0x12a: {  	[sflag:s25] =	ssyncset.done $0x0  }
0x12b: {  	[sflag:s25] =	ssyncadd.s32 $0xFFFFFF80  }
0x12c: {  	_ =	swait.ge [sflag:s25], $0x80  }
0x12d: {  	[sflag:s25] =	ssyncset.done $0x0  }
0x12e: {  	s22 =	simm.s32 $0x1280;
	s23 =	simm.s32 $0xD280;
	[sflag:s25] =	ssyncadd.s32 $0xFFFFFF80  }
0x12f: {  	[tilespmem:s23], [sflag:$0x1] =	stream.indirect.gather [spmem:s1], $0x1, s22, s19, $0xb8;
	[tilespmem:$0x1F728] =	vst v63  }
0x130: {  	s16 =	simm.s32 $0x1680;
	s18 =	simm.s32 $0xD680  }
0x131: {  	[tilespmem:s18], [sflag:$0x1] =	stream.indirect.gather [spmem:s1], $0x1, s16, s19, $0xb8;
	[tilespmem:$0x1F728] =	vst v63  }
0x132: {  	s20 =	simm.s32 $0x1A80;
	s21 =	simm.s32 $0xDA80  }
0x133: {  	[tilespmem:s21], [sflag:$0x1] =	stream.indirect.gather [spmem:s1], $0x1, s20, s19, $0xb8;
	[tilespmem:$0x1F728] =	vst v63  }
0x134: {  	s22 =	simm.s32 $0x1E80;
	s23 =	simm.s32 $0xDE80  }
0x135: {  	[tilespmem:s23], [sflag:$0x1] =	stream.indirect.gather [spmem:s1], $0x1, s22, s19, $0xb8;
	[tilespmem:$0x1F728] =	vst v63  }
0x136: {  	s16 =	simm.s32 $0x1300;
	s18 =	simm.s32 $0xD300  }
0x137: {  	[tilespmem:s18], [sflag:$0x1] =	stream.indirect.gather [spmem:s1], $0x1, s16, s19, $0xb8;
	[tilespmem:$0x1F728] =	vst v63  }
0x138: {  	s20 =	simm.s32 $0x1700;
	s21 =	simm.s32 $0xD700  }
0x139: {  	[tilespmem:s21], [sflag:$0x1] =	stream.indirect.gather [spmem:s1], $0x1, s20, s19, $0xb8;
	[tilespmem:$0x1F728] =	vst v63  }
0x13a: {  	s22 =	simm.s32 $0x1B00;
	s23 =	simm.s32 $0xDB00  }
0x13b: {  	[tilespmem:s23], [sflag:$0x1] =	stream.indirect.gather [spmem:s1], $0x1, s22, s19, $0xb8;
	[tilespmem:$0x1F728] =	vst v63  }
0x13c: {  	s16 =	simm.s32 $0x1F00;
	s18 =	simm.s32 $0xDF00  }
0x13d: {  	[tilespmem:s18], [sflag:$0x1] =	stream.indirect.gather [spmem:s1], $0x1, s16, s19, $0xb8;
	[tilespmem:$0x1F728] =	vst v63  }
0x13e: {  	s20 =	simm.s32 $0x1380;
	s21 =	simm.s32 $0xD380  }
0x13f: {  	[tilespmem:s21], [sflag:$0x1] =	stream.indirect.gather [spmem:s1], $0x1, s20, s19, $0xb8;
	[tilespmem:$0x1F728] =	vst v63  }
0x140: {  	s22 =	simm.s32 $0x1780;
	s23 =	simm.s32 $0xD780  }
0x141: {  	[tilespmem:s23], [sflag:$0x1] =	stream.indirect.gather [spmem:s1], $0x1, s22, s19, $0xb8;
	[tilespmem:$0x1F728] =	vst v63  }
0x142: {  	s16 =	simm.s32 $0x1B80;
	s18 =	simm.s32 $0xDB80  }
0x143: {  	[tilespmem:s18], [sflag:$0x1] =	stream.indirect.gather [spmem:s1], $0x1, s16, s19, $0xb8;
	[tilespmem:$0x1F728] =	vst v63  }
0x144: {  	s20 =	simm.s32 $0x1F80;
	s21 =	simm.s32 $0xDF80  }
0x145: {  	[tilespmem:s21], [sflag:$0x1] =	stream.indirect.gather [spmem:s1], $0x1, s20, s19, $0xb8;
	[tilespmem:$0x1F728] =	vst v63  }
0x146: {  	s22 =	simm.s32 $0x2000;
	s23 =	simm.s32 $0xE000  }
0x147: {  	[tilespmem:s23], [sflag:$0x1] =	stream.indirect.gather [spmem:s1], $0x1, s22, s19, $0xb8;
	[tilespmem:$0x1F728] =	vst v63  }
0x148: {  	s16 =	simm.s32 $0x2400;
	s18 =	simm.s32 $0xE400  }
0x149: {  	[tilespmem:s18], [sflag:$0x1] =	stream.indirect.gather [spmem:s1], $0x1, s16, s19, $0xb8;
	[tilespmem:$0x1F728] =	vst v63  }
0x14a: {  	s20 =	simm.s32 $0x2800;
	s21 =	simm.s32 $0xE800  }
0x14b: {  	[tilespmem:s21], [sflag:$0x1] =	stream.indirect.gather [spmem:s1], $0x1, s20, s19, $0xb8;
	[tilespmem:$0x1F728] =	vst v63  }
0x14c: {  	s22 =	simm.s32 $0x2C00;
	s23 =	simm.s32 $0xEC00  }
0x14d: {  	[tilespmem:s23], [sflag:$0x1] =	stream.indirect.gather [spmem:s1], $0x1, s22, s19, $0xb8;
	[tilespmem:$0x1F728] =	vst v63  }
0x14e: {  	s16 =	simm.s32 $0x2080;
	s18 =	simm.s32 $0xE080  }
0x14f: {  	[tilespmem:s18], [sflag:$0x1] =	stream.indirect.gather [spmem:s1], $0x1, s16, s19, $0xb8;
	[tilespmem:$0x1F728] =	vst v63  }
0x150: {  	s20 =	simm.s32 $0x2480;
	s21 =	simm.s32 $0xE480  }
0x151: {  	[tilespmem:s21], [sflag:$0x1] =	stream.indirect.gather [spmem:s1], $0x1, s20, s19, $0xb8;
	[tilespmem:$0x1F728] =	vst v63  }
0x152: {  	s22 =	simm.s32 $0x2880;
	s23 =	simm.s32 $0xE880  }
0x153: {  	[tilespmem:s23], [sflag:$0x1] =	stream.indirect.gather [spmem:s1], $0x1, s22, s19, $0xb8;
	[tilespmem:$0x1F728] =	vst v63  }
0x154: {  	s16 =	simm.s32 $0x2C80;
	s18 =	simm.s32 $0xEC80  }
0x155: {  	[tilespmem:s18], [sflag:$0x1] =	stream.indirect.gather [spmem:s1], $0x1, s16, s19, $0xb8;
	[tilespmem:$0x1F728] =	vst v63  }
0x156: {  	s20 =	simm.s32 $0x2100;
	s21 =	simm.s32 $0xE100  }
0x157: {  	[tilespmem:s21], [sflag:$0x1] =	stream.indirect.gather [spmem:s1], $0x1, s20, s19, $0xb8;
	[tilespmem:$0x1F728] =	vst v63  }
0x158: {  	s22 =	simm.s32 $0x2500;
	s23 =	simm.s32 $0xE500  }
0x159: {  	[tilespmem:s23], [sflag:$0x1] =	stream.indirect.gather [spmem:s1], $0x1, s22, s19, $0xb8;
	[tilespmem:$0x1F728] =	vst v63  }
0x15a: {  	s16 =	simm.s32 $0x2900;
	s18 =	simm.s32 $0xE900  }
0x15b: {  	[tilespmem:s18], [sflag:$0x1] =	stream.indirect.gather [spmem:s1], $0x1, s16, s19, $0xb8;
	[tilespmem:$0x1F728] =	vst v63  }
0x15c: {  	s20 =	simm.s32 $0x2D00;
	s21 =	simm.s32 $0xED00  }
0x15d: {  	[tilespmem:s21], [sflag:$0x1] =	stream.indirect.gather [spmem:s1], $0x1, s20, s19, $0xb8;
	[tilespmem:$0x1F728] =	vst v63  }
0x15e: {  	s22 =	simm.s32 $0x2180;
	s23 =	simm.s32 $0xE180  }
0x15f: {  	[tilespmem:s23], [sflag:$0x1] =	stream.indirect.gather [spmem:s1], $0x1, s22, s19, $0xb8;
	[tilespmem:$0x1F728] =	vst v63  }
0x160: {  	s16 =	simm.s32 $0x2580;
	s18 =	simm.s32 $0xE580  }
0x161: {  	[tilespmem:s18], [sflag:$0x1] =	stream.indirect.gather [spmem:s1], $0x1, s16, s19, $0xb8;
	[tilespmem:$0x1F728] =	vst v63  }
0x162: {  	_ =	swait.ge [sflag:s25], $0x80  }
0x163: {  	[sflag:s25] =	ssyncset.done $0x0  }
0x164: {  	[sflag:s25] =	ssyncadd.s32 $0xFFFFFF80  }
0x165: {  	_ =	swait.ge [sflag:s25], $0x80  }
0x166: {  	[sflag:s25] =	ssyncset.done $0x0  }
0x167: {  	[sflag:s25] =	ssyncadd.s32 $0xFFFFFF80  }
0x168: {  	_ =	swait.ge [sflag:s25], $0x80  }
0x169: {  	[sflag:s25] =	ssyncset.done $0x0  }
0x16a: {  	[sflag:s25] =	ssyncadd.s32 $0xFFFFFF80  }
0x16b: {  	_ =	swait.ge [sflag:s25], $0x80  }
0x16c: {  	[sflag:s25] =	ssyncset.done $0x0  }
0x16d: {  	[sflag:s25] =	ssyncadd.s32 $0xFFFFFF80  }
0x16e: {  	_ =	swait.ge [sflag:s25], $0x80  }
0x16f: {  	[sflag:s25] =	ssyncset.done $0x0  }
0x170: {  	[sflag:s25] =	ssyncadd.s32 $0xFFFFFF80  }
0x171: {  	_ =	swait.ge [sflag:s25], $0x80  }
0x172: {  	[sflag:s25] =	ssyncset.done $0x0  }
0x173: {  	[sflag:s25] =	ssyncadd.s32 $0xFFFFFF80  }
0x174: {  	_ =	swait.ge [sflag:s25], $0x80  }
0x175: {  	[sflag:s25] =	ssyncset.done $0x0  }
0x176: {  	[sflag:s25] =	ssyncadd.s32 $0xFFFFFF80  }
0x177: {  	_ =	swait.ge [sflag:s25], $0x80  }
0x178: {  	[sflag:s25] =	ssyncset.done $0x0  }
0x179: {  	[sflag:s25] =	ssyncadd.s32 $0xFFFFFF80  }
0x17a: {  	_ =	swait.ge [sflag:s25], $0x80  }
0x17b: {  	[sflag:s25] =	ssyncset.done $0x0  }
0x17c: {  	[sflag:s25] =	ssyncadd.s32 $0xFFFFFF80  }
0x17d: {  	_ =	swait.ge [sflag:s25], $0x80  }
0x17e: {  	[sflag:s25] =	ssyncset.done $0x0  }
0x17f: {  	[sflag:s25] =	ssyncadd.s32 $0xFFFFFF80  }
0x180: {  	_ =	swait.ge [sflag:s25], $0x80  }
0x181: {  	[sflag:s25] =	ssyncset.done $0x0  }
0x182: {  	[sflag:s25] =	ssyncadd.s32 $0xFFFFFF80  }
0x183: {  	_ =	swait.ge [sflag:s25], $0x80  }
0x184: {  	[sflag:s25] =	ssyncset.done $0x0  }
0x185: {  	[sflag:s25] =	ssyncadd.s32 $0xFFFFFF80  }
0x186: {  	_ =	swait.ge [sflag:s25], $0x80  }
0x187: {  	[sflag:s25] =	ssyncset.done $0x0  }
0x188: {  	[sflag:s25] =	ssyncadd.s32 $0xFFFFFF80  }
0x189: {  	_ =	swait.ge [sflag:s25], $0x80  }
0x18a: {  	[sflag:s25] =	ssyncset.done $0x0  }
0x18b: {  	[sflag:s25] =	ssyncadd.s32 $0xFFFFFF80  }
0x18c: {  	_ =	swait.ge [sflag:s25], $0x80  }
0x18d: {  	[sflag:s25] =	ssyncset.done $0x0  }
0x18e: {  	[sflag:s25] =	ssyncadd.s32 $0xFFFFFF80  }
0x18f: {  	_ =	swait.ge [sflag:s25], $0x80  }
0x190: {  	[sflag:s25] =	ssyncset.done $0x0  }
0x191: {  	[sflag:s25] =	ssyncadd.s32 $0xFFFFFF80  }
0x192: {  	_ =	swait.ge [sflag:s25], $0x80  }
0x193: {  	[sflag:s25] =	ssyncset.done $0x0  }
0x194: {  	[sflag:s25] =	ssyncadd.s32 $0xFFFFFF80  }
0x195: {  	_ =	swait.ge [sflag:s25], $0x80  }
0x196: {  	[sflag:s25] =	ssyncset.done $0x0  }
0x197: {  	[sflag:s25] =	ssyncadd.s32 $0xFFFFFF80  }
0x198: {  	_ =	swait.ge [sflag:s25], $0x80  }
0x199: {  	[sflag:s25] =	ssyncset.done $0x0  }
0x19a: {  	[sflag:s25] =	ssyncadd.s32 $0xFFFFFF80  }
0x19b: {  	_ =	swait.ge [sflag:s25], $0x80  }
0x19c: {  	[sflag:s25] =	ssyncset.done $0x0  }
0x19d: {  	[sflag:s25] =	ssyncadd.s32 $0xFFFFFF80  }
0x19e: {  	_ =	swait.ge [sflag:s25], $0x80  }
0x19f: {  	[sflag:s25] =	ssyncset.done $0x0  }
0x1a0: {  	[sflag:s25] =	ssyncadd.s32 $0xFFFFFF80  }
0x1a1: {  	_ =	swait.ge [sflag:s25], $0x80  }
0x1a2: {  	[sflag:s25] =	ssyncset.done $0x0  }
0x1a3: {  	[sflag:s25] =	ssyncadd.s32 $0xFFFFFF80  }
0x1a4: {  	_ =	swait.ge [sflag:s25], $0x80  }
0x1a5: {  	[sflag:s25] =	ssyncset.done $0x0  }
0x1a6: {  	[sflag:s25] =	ssyncadd.s32 $0xFFFFFF80  }
0x1a7: {  	_ =	swait.ge [sflag:s25], $0x80  }
0x1a8: {  	[sflag:s25] =	ssyncset.done $0x0  }
0x1a9: {  	[sflag:s25] =	ssyncadd.s32 $0xFFFFFF80  }
0x1aa: {  	_ =	swait.ge [sflag:s25], $0x80  }
0x1ab: {  	[sflag:s25] =	ssyncset.done $0x0  }
0x1ac: {  	[sflag:s25] =	ssyncadd.s32 $0xFFFFFF80  }
0x1ad: {  	_ =	swait.ge [sflag:s25], $0x80  }
0x1ae: {  	[sflag:s25] =	ssyncset.done $0x0  }
0x1af: {  	s20 =	simm.s32 $0x2980;
	s21 =	simm.s32 $0xE980;
	[sflag:s25] =	ssyncadd.s32 $0xFFFFFF80  }
0x1b0: {  	[tilespmem:s21], [sflag:$0x1] =	stream.indirect.gather [spmem:s1], $0x1, s20, s19, $0xb8;
	[tilespmem:$0x1F728] =	vst v63  }
0x1b1: {  	s22 =	simm.s32 $0x2D80;
	s23 =	simm.s32 $0xED80  }
0x1b2: {  	[tilespmem:s23], [sflag:$0x1] =	stream.indirect.gather [spmem:s1], $0x1, s22, s19, $0xb8;
	[tilespmem:$0x1F728] =	vst v63  }
0x1b3: {  	s16 =	simm.s32 $0x2200;
	s18 =	simm.s32 $0xE200  }
0x1b4: {  	[tilespmem:s18], [sflag:$0x1] =	stream.indirect.gather [spmem:s1], $0x1, s16, s19, $0xb8;
	[tilespmem:$0x1F728] =	vst v63  }
0x1b5: {  	s20 =	simm.s32 $0x2600;
	s21 =	simm.s32 $0xE600  }
0x1b6: {  	[tilespmem:s21], [sflag:$0x1] =	stream.indirect.gather [spmem:s1], $0x1, s20, s19, $0xb8;
	[tilespmem:$0x1F728] =	vst v63  }
0x1b7: {  	s22 =	simm.s32 $0x2A00;
	s23 =	simm.s32 $0xEA00  }
0x1b8: {  	[tilespmem:s23], [sflag:$0x1] =	stream.indirect.gather [spmem:s1], $0x1, s22, s19, $0xb8;
	[tilespmem:$0x1F728] =	vst v63  }
0x1b9: {  	s16 =	simm.s32 $0x2E00;
	s18 =	simm.s32 $0xEE00  }
0x1ba: {  	[tilespmem:s18], [sflag:$0x1] =	stream.indirect.gather [spmem:s1], $0x1, s16, s19, $0xb8;
	[tilespmem:$0x1F728] =	vst v63  }
0x1bb: {  	s20 =	simm.s32 $0x2280;
	s21 =	simm.s32 $0xE280  }
0x1bc: {  	[tilespmem:s21], [sflag:$0x1] =	stream.indirect.gather [spmem:s1], $0x1, s20, s19, $0xb8;
	[tilespmem:$0x1F728] =	vst v63  }
0x1bd: {  	s22 =	simm.s32 $0x2680;
	s23 =	simm.s32 $0xE680  }
0x1be: {  	[tilespmem:s23], [sflag:$0x1] =	stream.indirect.gather [spmem:s1], $0x1, s22, s19, $0xb8;
	[tilespmem:$0x1F728] =	vst v63  }
0x1bf: {  	s16 =	simm.s32 $0x2A80;
	s18 =	simm.s32 $0xEA80  }
0x1c0: {  	[tilespmem:s18], [sflag:$0x1] =	stream.indirect.gather [spmem:s1], $0x1, s16, s19, $0xb8;
	[tilespmem:$0x1F728] =	vst v63  }
0x1c1: {  	s20 =	simm.s32 $0x2E80;
	s21 =	simm.s32 $0xEE80  }
0x1c2: {  	[tilespmem:s21], [sflag:$0x1] =	stream.indirect.gather [spmem:s1], $0x1, s20, s19, $0xb8;
	[tilespmem:$0x1F728] =	vst v63  }
0x1c3: {  	s22 =	simm.s32 $0x2300;
	s23 =	simm.s32 $0xE300  }
0x1c4: {  	[tilespmem:s23], [sflag:$0x1] =	stream.indirect.gather [spmem:s1], $0x1, s22, s19, $0xb8;
	[tilespmem:$0x1F728] =	vst v63  }
0x1c5: {  	s16 =	simm.s32 $0x2700;
	s18 =	simm.s32 $0xE700  }
0x1c6: {  	[tilespmem:s18], [sflag:$0x1] =	stream.indirect.gather [spmem:s1], $0x1, s16, s19, $0xb8;
	[tilespmem:$0x1F728] =	vst v63  }
0x1c7: {  	s20 =	simm.s32 $0x2B00;
	s21 =	simm.s32 $0xEB00  }
0x1c8: {  	[tilespmem:s21], [sflag:$0x1] =	stream.indirect.gather [spmem:s1], $0x1, s20, s19, $0xb8;
	[tilespmem:$0x1F728] =	vst v63  }
0x1c9: {  	s22 =	simm.s32 $0x2F00;
	s23 =	simm.s32 $0xEF00  }
0x1ca: {  	[tilespmem:s23], [sflag:$0x1] =	stream.indirect.gather [spmem:s1], $0x1, s22, s19, $0xb8;
	[tilespmem:$0x1F728] =	vst v63  }
0x1cb: {  	s16 =	simm.s32 $0x2380;
	s18 =	simm.s32 $0xE380  }
0x1cc: {  	[tilespmem:s18], [sflag:$0x1] =	stream.indirect.gather [spmem:s1], $0x1, s16, s19, $0xb8;
	[tilespmem:$0x1F728] =	vst v63  }
0x1cd: {  	s20 =	simm.s32 $0x2780;
	s21 =	simm.s32 $0xE780  }
0x1ce: {  	[tilespmem:s21], [sflag:$0x1] =	stream.indirect.gather [spmem:s1], $0x1, s20, s19, $0xb8;
	[tilespmem:$0x1F728] =	vst v63  }
0x1cf: {  	s22 =	simm.s32 $0x2B80;
	s23 =	simm.s32 $0xEB80  }
0x1d0: {  	[tilespmem:s23], [sflag:$0x1] =	stream.indirect.gather [spmem:s1], $0x1, s22, s19, $0xb8;
	[tilespmem:$0x1F728] =	vst v63  }
0x1d1: {  	s16 =	simm.s32 $0x2F80;
	s18 =	simm.s32 $0xEF80  }
0x1d2: {  	[tilespmem:s18], [sflag:$0x1] =	stream.indirect.gather [spmem:s1], $0x1, s16, s19, $0xb8;
	[tilespmem:$0x1F728] =	vst v63  }
0x1d3: {  	s20 =	simm.s32 $0x3000;
	s21 =	simm.s32 $0xF000  }
0x1d4: {  	[tilespmem:s21], [sflag:$0x1] =	stream.indirect.gather [spmem:s1], $0x1, s20, s19, $0xb8;
	[tilespmem:$0x1F728] =	vst v63  }
0x1d5: {  	s22 =	simm.s32 $0x3400;
	s23 =	simm.s32 $0xF400  }
0x1d6: {  	[tilespmem:s23], [sflag:$0x1] =	stream.indirect.gather [spmem:s1], $0x1, s22, s19, $0xb8;
	[tilespmem:$0x1F728] =	vst v63  }
0x1d7: {  	s16 =	simm.s32 $0x3800;
	s18 =	simm.s32 $0xF800  }
0x1d8: {  	[tilespmem:s18], [sflag:$0x1] =	stream.indirect.gather [spmem:s1], $0x1, s16, s19, $0xb8;
	[tilespmem:$0x1F728] =	vst v63  }
0x1d9: {  	s20 =	simm.s32 $0x3C00;
	s21 =	simm.s32 $0xFC00  }
0x1da: {  	[tilespmem:s21], [sflag:$0x1] =	stream.indirect.gather [spmem:s1], $0x1, s20, s19, $0xb8;
	[tilespmem:$0x1F728] =	vst v63  }
0x1db: {  	s22 =	simm.s32 $0x3080;
	s23 =	simm.s32 $0xF080  }
0x1dc: {  	[tilespmem:s23], [sflag:$0x1] =	stream.indirect.gather [spmem:s1], $0x1, s22, s19, $0xb8;
	[tilespmem:$0x1F728] =	vst v63  }
0x1dd: {  	s15 =	simm.s32 $0x3480;
	s16 =	simm.s32 $0xF480  }
0x1de: {  	[tilespmem:s16], [sflag:$0x1] =	stream.indirect.gather [spmem:s1], $0x1, s15, s19, $0xb8;
	[tilespmem:$0x1F728] =	vst v63  }
0x1df: {  	s18 =	simm.s32 $0x3880;
	s20 =	simm.s32 $0xF880  }
0x1e0: {  	[tilespmem:s20], [sflag:$0x1] =	stream.indirect.gather [spmem:s1], $0x1, s18, s19, $0xb8;
	[tilespmem:$0x1F728] =	vst v63  }
0x1e1: {  	_ = 	snop  }
0x1e2: {  	[tilespmem:s26], [sflag:$0x1] =	stream.indirect.gather [spmem:s1], $0x1, s24, s19, $0xb8;
	[tilespmem:$0x1F728] =	vst v63  }
0x1e3: {  	_ =	swait.ge [sflag:s25], $0x80  }
0x1e4: {  	[sflag:s25] =	ssyncset.done $0x0  }
0x1e5: {  	[sflag:s25] =	ssyncadd.s32 $0xFFFFFF80  }
0x1e6: {  	_ =	swait.ge [sflag:s25], $0x80  }
0x1e7: {  	[sflag:s25] =	ssyncset.done $0x0  }
0x1e8: {  	[sflag:s25] =	ssyncadd.s32 $0xFFFFFF80  }
0x1e9: {  	_ =	swait.ge [sflag:s25], $0x80  }
0x1ea: {  	[sflag:s25] =	ssyncset.done $0x0  }
0x1eb: {  	[sflag:s25] =	ssyncadd.s32 $0xFFFFFF80  }
0x1ec: {  	_ =	swait.ge [sflag:s25], $0x80  }
0x1ed: {  	[sflag:s25] =	ssyncset.done $0x0  }
0x1ee: {  	[sflag:s25] =	ssyncadd.s32 $0xFFFFFF80  }
0x1ef: {  	_ =	swait.ge [sflag:s25], $0x80  }
0x1f0: {  	[sflag:s25] =	ssyncset.done $0x0  }
0x1f1: {  	[sflag:s25] =	ssyncadd.s32 $0xFFFFFF80  }
0x1f2: {  	_ =	swait.ge [sflag:s25], $0x80  }
0x1f3: {  	[sflag:s25] =	ssyncset.done $0x0  }
0x1f4: {  	[sflag:s25] =	ssyncadd.s32 $0xFFFFFF80  }
0x1f5: {  	_ =	swait.ge [sflag:s25], $0x80  }
0x1f6: {  	[sflag:s25] =	ssyncset.done $0x0  }
0x1f7: {  	[sflag:s25] =	ssyncadd.s32 $0xFFFFFF80  }
0x1f8: {  	_ =	swait.ge [sflag:s25], $0x80  }
0x1f9: {  	[sflag:s25] =	ssyncset.done $0x0  }
0x1fa: {  	[sflag:s25] =	ssyncadd.s32 $0xFFFFFF80  }
0x1fb: {  	_ =	swait.ge [sflag:s25], $0x80  }
0x1fc: {  	[sflag:s25] =	ssyncset.done $0x0  }
0x1fd: {  	[sflag:s25] =	ssyncadd.s32 $0xFFFFFF80  }
0x1fe: {  	_ =	swait.ge [sflag:s25], $0x80  }
0x1ff: {  	[sflag:s25] =	ssyncset.done $0x0  }
0x200: {  	[sflag:s25] =	ssyncadd.s32 $0xFFFFFF80  }
0x201: {  	_ =	swait.ge [sflag:s25], $0x80  }
0x202: {  	[sflag:s25] =	ssyncset.done $0x0  }
0x203: {  	[sflag:s25] =	ssyncadd.s32 $0xFFFFFF80  }
0x204: {  	_ =	swait.ge [sflag:s25], $0x80  }
0x205: {  	[sflag:s25] =	ssyncset.done $0x0  }
0x206: {  	[sflag:s25] =	ssyncadd.s32 $0xFFFFFF80  }
0x207: {  	_ =	swait.ge [sflag:s25], $0x80  }
0x208: {  	[sflag:s25] =	ssyncset.done $0x0  }
0x209: {  	[sflag:s25] =	ssyncadd.s32 $0xFFFFFF80  }
0x20a: {  	_ =	swait.ge [sflag:s25], $0x80  }
0x20b: {  	[sflag:s25] =	ssyncset.done $0x0  }
0x20c: {  	[sflag:s25] =	ssyncadd.s32 $0xFFFFFF80  }
0x20d: {  	_ =	swait.ge [sflag:s25], $0x80  }
0x20e: {  	[sflag:s25] =	ssyncset.done $0x0  }
0x20f: {  	[sflag:s25] =	ssyncadd.s32 $0xFFFFFF80  }
0x210: {  	_ =	swait.ge [sflag:s25], $0x80  }
0x211: {  	[sflag:s25] =	ssyncset.done $0x0  }
0x212: {  	[sflag:s25] =	ssyncadd.s32 $0xFFFFFF80  }
0x213: {  	_ =	swait.ge [sflag:s25], $0x80  }
0x214: {  	[sflag:s25] =	ssyncset.done $0x0  }
0x215: {  	[sflag:s25] =	ssyncadd.s32 $0xFFFFFF80  }
0x216: {  	_ =	swait.ge [sflag:s25], $0x80  }
0x217: {  	[sflag:s25] =	ssyncset.done $0x0  }
0x218: {  	[sflag:s25] =	ssyncadd.s32 $0xFFFFFF80  }
0x219: {  	_ =	swait.ge [sflag:s25], $0x80  }
0x21a: {  	[sflag:s25] =	ssyncset.done $0x0  }
0x21b: {  	[sflag:s25] =	ssyncadd.s32 $0xFFFFFF80  }
0x21c: {  	_ =	swait.ge [sflag:s25], $0x80  }
0x21d: {  	[sflag:s25] =	ssyncset.done $0x0  }
0x21e: {  	[sflag:s25] =	ssyncadd.s32 $0xFFFFFF80  }
0x21f: {  	_ =	swait.ge [sflag:s25], $0x80  }
0x220: {  	[sflag:s25] =	ssyncset.done $0x0  }
0x221: {  	[sflag:s25] =	ssyncadd.s32 $0xFFFFFF80  }
0x222: {  	_ =	swait.ge [sflag:s25], $0x80  }
0x223: {  	[sflag:s25] =	ssyncset.done $0x0  }
0x224: {  	[sflag:s25] =	ssyncadd.s32 $0xFFFFFF80  }
0x225: {  	_ =	swait.ge [sflag:s25], $0x80  }
0x226: {  	[sflag:s25] =	ssyncset.done $0x0  }
0x227: {  	[sflag:s25] =	ssyncadd.s32 $0xFFFFFF80  }
0x228: {  	_ =	swait.ge [sflag:s25], $0x80  }
0x229: {  	[sflag:s25] =	ssyncset.done $0x0  }
0x22a: {  	[sflag:s25] =	ssyncadd.s32 $0xFFFFFF80  }
0x22b: {  	_ =	swait.ge [sflag:s25], $0x80  }
0x22c: {  	[sflag:s25] =	ssyncset.done $0x0  }
0x22d: {  	[sflag:s25] =	ssyncadd.s32 $0xFFFFFF80  }
0x22e: {  	_ =	swait.ge [sflag:s25], $0x80  }
0x22f: {  	[sflag:s25] =	ssyncset.done $0x0  }
0x230: {  	s21 =	sand.u32 $0x70, s2;
	s22 =	sand.u32 $0xC00, s2;
	[sflag:s25] =	ssyncadd.s32 $0xFFFFFF80  }
0x231: {  	s0 =	sor.u32 s21, s22;
	s21 =	sor.u32 s2, s2;
	v0 =	vld [tilespmem:$0x10080]  }
0x232: {  	s23 =	sor.u32 $0x2380, s21;
	v1 =	vld [tilespmem:s0+$0xB000]  }
0x233: {  	v2 =	vld [tilespmem:s23+$0x8000]  }
0x234: {  	v4 =	vld [tilespmem:s0+$0x7080]  }
0x235: {  	v3 =	vld [tilespmem:s0+$0xA300]  }
0x236: {  	v6 =	vld [tilespmem:s0+$0x7000]  }
0x237: {  	v5 =	vld [tilespmem:s0+$0xA280]  }
0x238: {  	s16 =	sand.u32 $0xFFFFFC00, s2;
	v8 =	vld [tilespmem:s23+$0x4000]  }
0x239: {  	s22 =	sadd.s32 $0x0, s16;
	v7 =	vld [tilespmem:s0+$0xA200]  }
0x23a: {  	s16 =	sor.u32 $0x2180, s22;
	v10 =	vld [tilespmem:s0+$0x6300]  }
0x23b: {  	v9 =	vld [tilespmem:s16+$0x8000]  }
0x23c: {  	v12 =	vld [tilespmem:s0+$0x6280]  }
0x23d: {  	v11 =	vld [tilespmem:s0+$0xA100]  }
0x23e: {  	v14 =	vld [tilespmem:s0+$0x6200]  }
0x23f: {  	v13 =	vld [tilespmem:s0+$0xA080]  }
0x240: {  	v16 =	vld [tilespmem:s16+$0x4000]  }
0x241: {  	v15 =	vld [tilespmem:s0+$0xA000]  }
0x242: {  	s18 =	sor.u32 $0x1380, s21;
	v17 =	vld [tilespmem:s0+$0x6100]  }
0x243: {  	v18 =	vld [tilespmem:s18+$0x8000]  }
0x244: {  	v19 =	vld [tilespmem:s0+$0x6080]  }
0x245: {  	v20 =	vld [tilespmem:s0+$0x9300]  }
0x246: {  	v21 =	vld [tilespmem:s0+$0x6000]  }
0x247: {  	v22 =	vld [tilespmem:s0+$0x9280]  }
0x248: {  	v23 =	vld [tilespmem:s18+$0x4000]  }
0x249: {  	v24 =	vld [tilespmem:s0+$0x9200]  }
0x24a: {  	s20 =	sor.u32 $0x1180, s22;
	v25 =	vld [tilespmem:s0+$0x5300]  }
0x24b: {  	v26 =	vld [tilespmem:s20+$0x8000]  }
0x24c: {  	v27 =	vld [tilespmem:s0+$0x5280]  }
0x24d: {  	v28 =	vld [tilespmem:s0+$0x9100]  }
0x24e: {  	v29 =	vld [tilespmem:s0+$0x5200]  }
0x24f: {  	v30 =	vld [tilespmem:s0+$0x9080]  }
0x250: {  	v31 =	vld [tilespmem:s20+$0x4000]  }
0x251: {  	v32 =	vld [tilespmem:s0+$0x9000]  }
0x252: {  	s21 =	sor.u32 $0x380, s21;
	v33 =	vld [tilespmem:s0+$0x5100]  }
0x253: {  	v34 =	vld [tilespmem:s21+$0x8000]  }
0x254: {  	v35 =	vld [tilespmem:s0+$0x5080]  }
0x255: {  	v36 =	vld [tilespmem:s0+$0x8300]  }
0x256: {  	v37 =	vld [tilespmem:s0+$0x5000]  }
0x257: {  	v38 =	vld [tilespmem:s0+$0x8280]  }
0x258: {  	v39 =	vld [tilespmem:s21+$0x4000]  }
0x259: {  	v40 =	vld [tilespmem:s0+$0x8200]  }
0x25a: {  	s22 =	sor.u32 $0x180, s22;
	v41 =	vld [tilespmem:s0+$0x4300]  }
0x25b: {  	v42 =	vld [tilespmem:s22+$0x8000]  }
0x25c: {  	v43 =	vld [tilespmem:s0+$0x4280]  }
0x25d: {  	v44 =	vld [tilespmem:s0+$0x4000]  }
0x25e: {  	v45 =	vld [tilespmem:s0+$0x8100]  }
0x25f: {  	v46 =	vld [tilespmem:s0+$0x4080]  }
0x260: {  	v47 =	vld [tilespmem:s0+$0x4200]  }
0x261: {  	v48 =	vld [tilespmem:s0+$0x4100]  }
0x262: {  	v49 =	vld [tilespmem:s0+$0x8080]  }
0x263: {  	v50 =	vld [tilespmem:s22+$0x4000]  }
0x264: {  	v51 =	vld [tilespmem:s0+$0x8000]  }
0x265: {  	v52 =	vld [tilespmem:s0+$0xC000]  }
0x266: {  	v44 =	vld.idx.msk [tilespmem:v44+s17+$0x0], $0xffff  }
0x267: {  	v53 =	vld [tilespmem:s0+$0xC080]  }
0x268: {  	v46 =	vld.idx.msk [tilespmem:v46+s17+$0x0], $0xffff  }
0x269: {  	v54 =	vld [tilespmem:s0+$0xC100]  }
0x26a: {  	v48 =	vld.idx.msk [tilespmem:v48+s17+$0x0], $0xffff  }
0x26b: {  	v61 =	vld [tilespmem:s22+$0xC000];
	v44 =	vadd.f32 v44, v52  }
0x26c: {  	v50 =	vld.idx.msk [tilespmem:v50+s17+$0x0], $0xffff  }
0x26d: {  	v62 =	vld [tilespmem:s0+$0xC200];
	v0 =	vadd.f32 $0.0e+00, v0;
	v46 =	vadd.f32 v46, v53;
	v44 =	vmul.f32 v44, v51  }
0x26e: {  	v47 =	vld.idx.msk [tilespmem:v47+s17+$0x0], $0xffff  }
0x26f: {  	v63 =	vld [tilespmem:s0+$0xC280];
	v48 =	vadd.f32 v48, v54;
	v46 =	vmul.f32 v46, v49;
	v44 =	vadd.f32 v44, v0  }
0x270: {  	v43 =	vld.idx.msk [tilespmem:v43+s17+$0x0], $0xffff  }
0x271: {  	v41 =	vld.idx.msk [tilespmem:v41+s17+$0x0], $0xffff;
	v53 =	vadd.f32 v50, v61;
	v45 =	vmul.f32 v48, v45;
	v44 =	vadd.f32 v46, v44  }
0x272: {  	v54 =	vld [tilespmem:s0+$0xC300]  }
0x273: {  	v56 =	vld [tilespmem:s21+$0xC000];
	v55 =	vadd.f32 v47, v62;
	v42 =	vmul.f32 v53, v42;
	v44 =	vadd.f32 v45, v44  }
0x274: {  	v39 =	vld.idx.msk [tilespmem:v39+s17+$0x0], $0xffff  }
0x275: {  	v57 =	vld [tilespmem:s0+$0xD000];
	v43 =	vadd.f32 v43, v63;
	v40 =	vmul.f32 v55, v40;
	v42 =	vadd.f32 v42, v44  }
0x276: {  	v37 =	vld.idx.msk [tilespmem:v37+s17+$0x0], $0xffff  }
0x277: {  	v58 =	vld [tilespmem:s0+$0xD080];
	v38 =	vmul.f32 v43, v38;
	v41 =	vadd.f32 v41, v54;
	v40 =	vadd.f32 v40, v42  }
0x278: {  	v35 =	vld.idx.msk [tilespmem:v35+s17+$0x0], $0xffff  }
0x279: {  	v59 =	vld [tilespmem:s0+$0xD100];
	v39 =	vadd.f32 v39, v56;
	v36 =	vmul.f32 v41, v36;
	v38 =	vadd.f32 v38, v40  }
0x27a: {  	v33 =	vld.idx.msk [tilespmem:v33+s17+$0x0], $0xffff  }
0x27b: {  	v60 =	vld [tilespmem:s20+$0xC000];
	v37 =	vadd.f32 v37, v57;
	v34 =	vmul.f32 v39, v34;
	v36 =	vadd.f32 v36, v38  }
0x27c: {  	v31 =	vld.idx.msk [tilespmem:v31+s17+$0x0], $0xffff  }
0x27d: {  	v29 =	vld.idx.msk [tilespmem:v29+s17+$0x0], $0xffff;
	v35 =	vadd.f32 v35, v58;
	v32 =	vmul.f32 v37, v32;
	v34 =	vadd.f32 v34, v36  }
0x27e: {  	v61 =	vld [tilespmem:s0+$0xD200]  }
0x27f: {  	v27 =	vld.idx.msk [tilespmem:v27+s17+$0x0], $0xffff;
	v33 =	vadd.f32 v33, v59;
	v30 =	vmul.f32 v35, v30;
	v32 =	vadd.f32 v32, v34  }
0x280: {  	v62 =	vld [tilespmem:s0+$0xD280]  }
0x281: {  	v25 =	vld.idx.msk [tilespmem:v25+s17+$0x0], $0xffff;
	v31 =	vadd.f32 v31, v60;
	v28 =	vmul.f32 v33, v28;
	v30 =	vadd.f32 v30, v32  }
0x282: {  	v63 =	vld [tilespmem:s0+$0xD300]  }
0x283: {  	v23 =	vld.idx.msk [tilespmem:v23+s17+$0x0], $0xffff;
	v26 =	vmul.f32 v31, v26;
	v29 =	vadd.f32 v29, v61;
	v28 =	vadd.f32 v28, v30  }
0x284: {  	v30 =	vld [tilespmem:s18+$0xC000]  }
0x285: {  	v21 =	vld.idx.msk [tilespmem:v21+s17+$0x0], $0xffff;
	v27 =	vadd.f32 v27, v62;
	v24 =	vmul.f32 v29, v24;
	v26 =	vadd.f32 v26, v28  }
0x286: {  	v28 =	vld [tilespmem:s0+$0xE000]  }
0x287: {  	v19 =	vld.idx.msk [tilespmem:v19+s17+$0x0], $0xffff;
	v25 =	vadd.f32 v25, v63;
	v22 =	vmul.f32 v27, v22;
	v24 =	vadd.f32 v24, v26  }
0x288: {  	v26 =	vld [tilespmem:s0+$0xE080]  }
0x289: {  	v17 =	vld.idx.msk [tilespmem:v17+s17+$0x0], $0xffff;
	v20 =	vmul.f32 v25, v20;
	v23 =	vadd.f32 v23, v30;
	v22 =	vadd.f32 v22, v24  }
0x28a: {  	v24 =	vld [tilespmem:s0+$0xE100]  }
0x28b: {  	v16 =	vld.idx.msk [tilespmem:v16+s17+$0x0], $0xffff;
	v18 =	vmul.f32 v23, v18;
	v21 =	vadd.f32 v21, v28;
	v20 =	vadd.f32 v20, v22  }
0x28c: {  	v22 =	vld [tilespmem:s16+$0xC000]  }
0x28d: {  	v14 =	vld.idx.msk [tilespmem:v14+s17+$0x0], $0xffff;
	v15 =	vmul.f32 v21, v15;
	v19 =	vadd.f32 v19, v26;
	v18 =	vadd.f32 v18, v20  }
0x28e: {  	v20 =	vld [tilespmem:s0+$0xE200]  }
0x28f: {  	v12 =	vld.idx.msk [tilespmem:v12+s17+$0x0], $0xffff;
	v13 =	vmul.f32 v19, v13;
	v17 =	vadd.f32 v17, v24;
	v15 =	vadd.f32 v15, v18  }
0x290: {  	v18 =	vld [tilespmem:s0+$0xE280]  }
0x291: {  	v10 =	vld.idx.msk [tilespmem:v10+s17+$0x0], $0xffff;
	v11 =	vmul.f32 v17, v11;
	v13 =	vadd.f32 v13, v15;
	v15 =	vadd.f32 v16, v22  }
0x292: {  	v16 =	vld [tilespmem:s0+$0xE300]  }
0x293: {  	v8 =	vld.idx.msk [tilespmem:v8+s17+$0x0], $0xffff;
	v11 =	vadd.f32 v11, v13;
	v9 =	vmul.f32 v15, v9;
	v13 =	vadd.f32 v14, v20  }
0x294: {  	v14 =	vld [tilespmem:s23+$0xC000]  }
0x295: {  	v6 =	vld.idx.msk [tilespmem:v6+s17+$0x0], $0xffff;
	v9 =	vadd.f32 v9, v11;
	v7 =	vmul.f32 v13, v7;
	v11 =	vadd.f32 v12, v18  }
0x296: {  	v12 =	vld [tilespmem:s0+$0xF000]  }
0x297: {  	v4 =	vld.idx.msk [tilespmem:v4+s17+$0x0], $0xffff;
	v7 =	vadd.f32 v7, v9;
	v5 =	vmul.f32 v11, v5;
	v9 =	vadd.f32 v10, v16  }
0x298: {  	v10 =	vld [tilespmem:s0+$0xF080]  }
0x299: {  	v5 =	vadd.f32 v5, v7;
	v3 =	vmul.f32 v9, v3;
	v7 =	vadd.f32 v8, v14  }
0x29a: {  	v8 =	vld [tilespmem:s0+$0xB080]  }
0x29b: {  	v3 =	vadd.f32 v3, v5;
	v2 =	vmul.f32 v7, v2;
	v5 =	vadd.f32 v6, v12;
	_ =	sdelay $0x1  }
0x29c: {  	v2 =	vadd.f32 v2, v3;
	v1 =	vmul.f32 v5, v1;
	v3 =	vadd.f32 v4, v10;
	_ =	sdelay $0x1  }
0x29d: {  	v1 =	vadd.f32 v1, v2;
	v2 =	vmul.f32 v3, v8;
	_ =	sdelay $0x1  }
0x29e: {  	s15 =	simm.s32 $0x80;
	s23 =	simm.s32 $0x10;
	v1 =	vadd.f32 v2, v1  }
0x29f: {  	s21 =	sand.u32 $0xC00, s15;
	s20 =	sand.u32 $0x70, s23  }
0x2a0: {  	s22 =	sor.u32 s23, s15;
	s30 =	sor.u32 s20, s21;
	[tilespmem:s28+$0x0] =	vst v1  }
0x2a1: {  	s0 =	sor.u32 $0x2380, s22;
	v1 =	vld [tilespmem:s30+$0xB000]  }
0x2a2: {  	v2 =	vld [tilespmem:s0+$0x8000]  }
0x2a3: {  	v4 =	vld [tilespmem:s30+$0x7080]  }
0x2a4: {  	v3 =	vld [tilespmem:s30+$0xA300]  }
0x2a5: {  	v6 =	vld [tilespmem:s30+$0x7000]  }
0x2a6: {  	v5 =	vld [tilespmem:s30+$0xA280]  }
0x2a7: {  	s23 =	sand.u32 $0xFFFFFC00, s15;
	v8 =	vld [tilespmem:s0+$0x4000]  }
0x2a8: {  	s23 =	sadd.s32 $0x10, s23;
	v7 =	vld [tilespmem:s30+$0xA200]  }
0x2a9: {  	s16 =	sor.u32 $0x2180, s23;
	v10 =	vld [tilespmem:s30+$0x6300]  }
0x2aa: {  	v9 =	vld [tilespmem:s16+$0x8000]  }
0x2ab: {  	v12 =	vld [tilespmem:s30+$0x6280]  }
0x2ac: {  	v11 =	vld [tilespmem:s30+$0xA100]  }
0x2ad: {  	v14 =	vld [tilespmem:s30+$0x6200]  }
0x2ae: {  	v13 =	vld [tilespmem:s30+$0xA080]  }
0x2af: {  	v16 =	vld [tilespmem:s16+$0x4000]  }
0x2b0: {  	v15 =	vld [tilespmem:s30+$0xA000]  }
0x2b1: {  	s20 =	sor.u32 $0x1380, s22;
	v18 =	vld [tilespmem:s30+$0x6100]  }
0x2b2: {  	v17 =	vld [tilespmem:s20+$0x8000]  }
0x2b3: {  	v20 =	vld [tilespmem:s30+$0x6080]  }
0x2b4: {  	v19 =	vld [tilespmem:s30+$0x9300]  }
0x2b5: {  	v22 =	vld [tilespmem:s30+$0x6000]  }
0x2b6: {  	v21 =	vld [tilespmem:s30+$0x9280]  }
0x2b7: {  	v24 =	vld [tilespmem:s20+$0x4000]  }
0x2b8: {  	v23 =	vld [tilespmem:s30+$0x9200]  }
0x2b9: {  	s21 =	sor.u32 $0x1180, s23;
	v26 =	vld [tilespmem:s30+$0x5300]  }
0x2ba: {  	v25 =	vld [tilespmem:s21+$0x8000]  }
0x2bb: {  	v28 =	vld [tilespmem:s30+$0x5280]  }
0x2bc: {  	v27 =	vld [tilespmem:s30+$0x9100]  }
0x2bd: {  	v30 =	vld [tilespmem:s30+$0x5200]  }
0x2be: {  	v29 =	vld [tilespmem:s30+$0x9080]  }
0x2bf: {  	v32 =	vld [tilespmem:s21+$0x4000]  }
0x2c0: {  	v31 =	vld [tilespmem:s30+$0x9000]  }
0x2c1: {  	s22 =	sor.u32 $0x380, s22;
	v34 =	vld [tilespmem:s30+$0x5100]  }
0x2c2: {  	v33 =	vld [tilespmem:s22+$0x8000]  }
0x2c3: {  	v36 =	vld [tilespmem:s30+$0x5080]  }
0x2c4: {  	v35 =	vld [tilespmem:s30+$0x8300]  }
0x2c5: {  	v38 =	vld [tilespmem:s30+$0x5000]  }
0x2c6: {  	v37 =	vld [tilespmem:s30+$0x8280]  }
0x2c7: {  	v40 =	vld [tilespmem:s22+$0x4000]  }
0x2c8: {  	v39 =	vld [tilespmem:s30+$0x8200]  }
0x2c9: {  	s23 =	sor.u32 $0x180, s23;
	v42 =	vld [tilespmem:s30+$0x4300]  }
0x2ca: {  	s31 =	simm.s32 $0x10100;
	s18 =	simm.s32 $0x20;
	v41 =	vld [tilespmem:s23+$0x8000]  }
.LBB2_2:
0x2cb: {  	p1 =	sne.s32 s18, $0x1F0;
	v43 =	vld [tilespmem:s30+$0x4280]  }
0x2cc: {  	v44 =	vld [tilespmem:s30+$0x4000]  }
0x2cd: {  	v45 =	vld [tilespmem:s30+$0x8100]  }
0x2ce: {  	v46 =	vld [tilespmem:s30+$0x4080]  }
0x2cf: {  	v47 =	vld [tilespmem:s30+$0x4200]  }
0x2d0: {  	v48 =	vld [tilespmem:s30+$0x4100]  }
0x2d1: {  	v49 =	vld [tilespmem:s30+$0x8080]  }
0x2d2: {  	v50 =	vld [tilespmem:s23+$0x4000]  }
0x2d3: {  	v51 =	vld [tilespmem:s30+$0x8000]  }
0x2d4: {  	v44 =	vld.idx.msk [tilespmem:v44+s17+$0x0], $0xffff  }
0x2d5: {  	v52 =	vld [tilespmem:s30+$0xC000]  }
0x2d6: {  	v46 =	vld.idx.msk [tilespmem:v46+s17+$0x0], $0xffff  }
0x2d7: {  	v53 =	vld [tilespmem:s30+$0xC080]  }
0x2d8: {  	v48 =	vld.idx.msk [tilespmem:v48+s17+$0x0], $0xffff  }
0x2d9: {  	v54 =	vld [tilespmem:s30+$0xC100]  }
0x2da: {  	v44 =	vadd.f32 v44, v52;
	v50 =	vld.idx.msk [tilespmem:v50+s17+$0x0], $0xffff  }
0x2db: {  	v52 =	vld [tilespmem:s23+$0xC000]  }
0x2dc: {  	v44 =	vmul.f32 v44, v51;
	v46 =	vadd.f32 v46, v53;
	v47 =	vld.idx.msk [tilespmem:v47+s17+$0x0], $0xffff  }
0x2dd: {  	v51 =	vld [tilespmem:s30+$0xC200]  }
0x2de: {  	v44 =	vadd.f32 v44, v0;
	v46 =	vmul.f32 v46, v49;
	v48 =	vadd.f32 v48, v54;
	v43 =	vld.idx.msk [tilespmem:v43+s17+$0x0], $0xffff  }
0x2df: {  	v49 =	vld [tilespmem:s30+$0xC280]  }
0x2e0: {  	v44 =	vadd.f32 v46, v44;
	v45 =	vmul.f32 v48, v45;
	v46 =	vadd.f32 v50, v52;
	v42 =	vld.idx.msk [tilespmem:v42+s17+$0x0], $0xffff  }
0x2e1: {  	v48 =	vld [tilespmem:s30+$0xC300]  }
0x2e2: {  	v44 =	vadd.f32 v45, v44;
	v41 =	vmul.f32 v46, v41;
	v45 =	vadd.f32 v47, v51;
	v40 =	vld.idx.msk [tilespmem:v40+s17+$0x0], $0xffff  }
0x2e3: {  	v46 =	vld [tilespmem:s22+$0xC000]  }
0x2e4: {  	v41 =	vadd.f32 v41, v44;
	v39 =	vmul.f32 v45, v39;
	v43 =	vadd.f32 v43, v49;
	v38 =	vld.idx.msk [tilespmem:v38+s17+$0x0], $0xffff  }
0x2e5: {  	v44 =	vld [tilespmem:s30+$0xD000]  }
0x2e6: {  	v39 =	vadd.f32 v39, v41;
	v37 =	vmul.f32 v43, v37;
	v41 =	vadd.f32 v42, v48;
	v36 =	vld.idx.msk [tilespmem:v36+s17+$0x0], $0xffff  }
0x2e7: {  	v42 =	vld [tilespmem:s30+$0xD080]  }
0x2e8: {  	v37 =	vadd.f32 v37, v39;
	v35 =	vmul.f32 v41, v35;
	v39 =	vadd.f32 v40, v46;
	v34 =	vld.idx.msk [tilespmem:v34+s17+$0x0], $0xffff  }
0x2e9: {  	v40 =	vld [tilespmem:s30+$0xD100]  }
0x2ea: {  	v35 =	vadd.f32 v35, v37;
	v33 =	vmul.f32 v39, v33;
	v37 =	vadd.f32 v38, v44;
	v32 =	vld.idx.msk [tilespmem:v32+s17+$0x0], $0xffff  }
0x2eb: {  	v38 =	vld [tilespmem:s21+$0xC000]  }
0x2ec: {  	v33 =	vadd.f32 v33, v35;
	v31 =	vmul.f32 v37, v31;
	v35 =	vadd.f32 v36, v42;
	v30 =	vld.idx.msk [tilespmem:v30+s17+$0x0], $0xffff  }
0x2ed: {  	v36 =	vld [tilespmem:s30+$0xD200]  }
0x2ee: {  	v31 =	vadd.f32 v31, v33;
	v29 =	vmul.f32 v35, v29;
	v33 =	vadd.f32 v34, v40;
	v28 =	vld.idx.msk [tilespmem:v28+s17+$0x0], $0xffff  }
0x2ef: {  	v34 =	vld [tilespmem:s30+$0xD280]  }
0x2f0: {  	v29 =	vadd.f32 v29, v31;
	v27 =	vmul.f32 v33, v27;
	v31 =	vadd.f32 v32, v38;
	v26 =	vld.idx.msk [tilespmem:v26+s17+$0x0], $0xffff  }
0x2f1: {  	v32 =	vld [tilespmem:s30+$0xD300]  }
0x2f2: {  	v27 =	vadd.f32 v27, v29;
	v25 =	vmul.f32 v31, v25;
	v29 =	vadd.f32 v30, v36;
	v24 =	vld.idx.msk [tilespmem:v24+s17+$0x0], $0xffff  }
0x2f3: {  	v30 =	vld [tilespmem:s20+$0xC000]  }
0x2f4: {  	v25 =	vadd.f32 v25, v27;
	v23 =	vmul.f32 v29, v23;
	v27 =	vadd.f32 v28, v34;
	v22 =	vld.idx.msk [tilespmem:v22+s17+$0x0], $0xffff  }
0x2f5: {  	v28 =	vld [tilespmem:s30+$0xE000]  }
0x2f6: {  	v23 =	vadd.f32 v23, v25;
	v21 =	vmul.f32 v27, v21;
	v25 =	vadd.f32 v26, v32;
	v20 =	vld.idx.msk [tilespmem:v20+s17+$0x0], $0xffff  }
0x2f7: {  	v26 =	vld [tilespmem:s30+$0xE080]  }
0x2f8: {  	v21 =	vadd.f32 v21, v23;
	v19 =	vmul.f32 v25, v19;
	v23 =	vadd.f32 v24, v30;
	v18 =	vld.idx.msk [tilespmem:v18+s17+$0x0], $0xffff  }
0x2f9: {  	v24 =	vld [tilespmem:s30+$0xE100]  }
0x2fa: {  	v19 =	vadd.f32 v19, v21;
	v17 =	vmul.f32 v23, v17;
	v21 =	vadd.f32 v22, v28;
	v16 =	vld.idx.msk [tilespmem:v16+s17+$0x0], $0xffff  }
0x2fb: {  	v22 =	vld [tilespmem:s16+$0xC000]  }
0x2fc: {  	v17 =	vadd.f32 v17, v19;
	v15 =	vmul.f32 v21, v15;
	v19 =	vadd.f32 v20, v26;
	v14 =	vld.idx.msk [tilespmem:v14+s17+$0x0], $0xffff  }
0x2fd: {  	v20 =	vld [tilespmem:s30+$0xE200]  }
0x2fe: {  	v15 =	vadd.f32 v15, v17;
	v13 =	vmul.f32 v19, v13;
	v17 =	vadd.f32 v18, v24;
	v12 =	vld.idx.msk [tilespmem:v12+s17+$0x0], $0xffff  }
0x2ff: {  	v18 =	vld [tilespmem:s30+$0xE280]  }
0x300: {  	v13 =	vadd.f32 v13, v15;
	v11 =	vmul.f32 v17, v11;
	v15 =	vadd.f32 v16, v22;
	v10 =	vld.idx.msk [tilespmem:v10+s17+$0x0], $0xffff  }
0x301: {  	v16 =	vld [tilespmem:s30+$0xE300]  }
0x302: {  	v11 =	vadd.f32 v11, v13;
	v9 =	vmul.f32 v15, v9;
	v13 =	vadd.f32 v14, v20;
	v8 =	vld.idx.msk [tilespmem:v8+s17+$0x0], $0xffff  }
0x303: {  	v14 =	vld [tilespmem:s0+$0xC000]  }
0x304: {  	v9 =	vadd.f32 v9, v11;
	v7 =	vmul.f32 v13, v7;
	v11 =	vadd.f32 v12, v18;
	v6 =	vld.idx.msk [tilespmem:v6+s17+$0x0], $0xffff  }
0x305: {  	v12 =	vld [tilespmem:s30+$0xF000]  }
0x306: {  	v7 =	vadd.f32 v7, v9;
	v5 =	vmul.f32 v11, v5;
	v9 =	vadd.f32 v10, v16;
	v4 =	vld.idx.msk [tilespmem:v4+s17+$0x0], $0xffff  }
0x307: {  	v10 =	vld [tilespmem:s30+$0xF080]  }
0x308: {  	v5 =	vadd.f32 v5, v7;
	v3 =	vmul.f32 v9, v3;
	v7 =	vadd.f32 v8, v14  }
0x309: {  	v8 =	vld [tilespmem:s30+$0xB080]  }
0x30a: {  	v3 =	vadd.f32 v3, v5;
	v2 =	vmul.f32 v7, v2;
	v5 =	vadd.f32 v6, v12;
	_ =	sdelay $0x1  }
0x30b: {  	v2 =	vadd.f32 v2, v3;
	v1 =	vmul.f32 v5, v1;
	v3 =	vadd.f32 v4, v10;
	_ =	sdelay $0x1  }
0x30c: {  	v1 =	vadd.f32 v1, v2;
	v2 =	vmul.f32 v3, v8;
	_ =	sdelay $0x1  }
0x30d: {  	s15 =	sadd.s32 $0x80, s15;
	v1 =	vadd.f32 v2, v1  }
0x30e: {  	s31 =	sadd.s32 $0x10, s31;
	s16 =	sand.u32 $0xC00, s15;
	s0 =	sand.u32 $0x70, s18  }
0x30f: {  	s22 =	sor.u32 s18, s15;
	s30 =	sor.u32 s0, s16;
	[tilespmem:s31+$0x0] =	vst v1  }
0x310: {  	s0 =	sor.u32 $0x2380, s22;
	v1 =	vld [tilespmem:s30+$0xB000]  }
0x311: {  	v2 =	vld [tilespmem:s0+$0x8000]  }
0x312: {  	v4 =	vld [tilespmem:s30+$0x7080]  }
0x313: {  	v3 =	vld [tilespmem:s30+$0xA300]  }
0x314: {  	v6 =	vld [tilespmem:s30+$0x7000]  }
0x315: {  	v5 =	vld [tilespmem:s30+$0xA280]  }
0x316: {  	s16 =	sand.u32 $0xFFFFFC00, s15;
	v8 =	vld [tilespmem:s0+$0x4000]  }
0x317: {  	s23 =	sadd.s32 s16, s18;
	v7 =	vld [tilespmem:s30+$0xA200]  }
0x318: {  	s16 =	sor.u32 $0x2180, s23;
	v10 =	vld [tilespmem:s30+$0x6300]  }
0x319: {  	v9 =	vld [tilespmem:s16+$0x8000]  }
0x31a: {  	v12 =	vld [tilespmem:s30+$0x6280]  }
0x31b: {  	v11 =	vld [tilespmem:s30+$0xA100]  }
0x31c: {  	v14 =	vld [tilespmem:s30+$0x6200]  }
0x31d: {  	v13 =	vld [tilespmem:s30+$0xA080]  }
0x31e: {  	v16 =	vld [tilespmem:s16+$0x4000]  }
0x31f: {  	v15 =	vld [tilespmem:s30+$0xA000]  }
0x320: {  	s20 =	sor.u32 $0x1380, s22;
	v18 =	vld [tilespmem:s30+$0x6100]  }
0x321: {  	v17 =	vld [tilespmem:s20+$0x8000]  }
0x322: {  	v20 =	vld [tilespmem:s30+$0x6080]  }
0x323: {  	v19 =	vld [tilespmem:s30+$0x9300]  }
0x324: {  	v22 =	vld [tilespmem:s30+$0x6000]  }
0x325: {  	v21 =	vld [tilespmem:s30+$0x9280]  }
0x326: {  	v24 =	vld [tilespmem:s20+$0x4000]  }
0x327: {  	v23 =	vld [tilespmem:s30+$0x9200]  }
0x328: {  	s21 =	sor.u32 $0x1180, s23;
	v26 =	vld [tilespmem:s30+$0x5300]  }
0x329: {  	v25 =	vld [tilespmem:s21+$0x8000]  }
0x32a: {  	v28 =	vld [tilespmem:s30+$0x5280]  }
0x32b: {  	v27 =	vld [tilespmem:s30+$0x9100]  }
0x32c: {  	v30 =	vld [tilespmem:s30+$0x5200]  }
0x32d: {  	v29 =	vld [tilespmem:s30+$0x9080]  }
0x32e: {  	v32 =	vld [tilespmem:s21+$0x4000]  }
0x32f: {  	v31 =	vld [tilespmem:s30+$0x9000]  }
0x330: {  	s22 =	sor.u32 $0x380, s22;
	v34 =	vld [tilespmem:s30+$0x5100]  }
0x331: {  	v33 =	vld [tilespmem:s22+$0x8000]  }
0x332: {  	v36 =	vld [tilespmem:s30+$0x5080]  }
0x333: {  	v35 =	vld [tilespmem:s30+$0x8300]  }
0x334: {  	v38 =	vld [tilespmem:s30+$0x5000]  }
.Ltmp0:
0x335: {  	v37 =	vld [tilespmem:s30+$0x8280];
	(pc) =	sbr.rel @p1 .LBB2_2-.Ltmp0, $4  }
0x336: {  	v40 =	vld [tilespmem:s22+$0x4000]  }
0x337: {  	v39 =	vld [tilespmem:s30+$0x8200]  }
0x338: {  	s23 =	sor.u32 $0x180, s23;
	v42 =	vld [tilespmem:s30+$0x4300]  }
0x339: {  	s18 =	sadd.s32 $0x10, s18;
	v41 =	vld [tilespmem:s23+$0x8000]  }
0x33a: {  	v43 =	vld [tilespmem:s30+$0x4280]  }
0x33b: {  	v44 =	vld [tilespmem:s30+$0x4000]  }
0x33c: {  	v45 =	vld [tilespmem:s30+$0x8100]  }
0x33d: {  	v46 =	vld [tilespmem:s30+$0x4080]  }
0x33e: {  	v47 =	vld [tilespmem:s30+$0x4200]  }
0x33f: {  	v48 =	vld [tilespmem:s30+$0x4100]  }
0x340: {  	v49 =	vld [tilespmem:s30+$0x8080]  }
0x341: {  	v50 =	vld [tilespmem:s23+$0x4000]  }
0x342: {  	v51 =	vld [tilespmem:s30+$0x8000]  }
0x343: {  	v52 =	vld [tilespmem:s30+$0xC000]  }
0x344: {  	v44 =	vld.idx.msk [tilespmem:v44+s17+$0x0], $0xffff  }
0x345: {  	v53 =	vld [tilespmem:s30+$0xC080]  }
0x346: {  	v46 =	vld.idx.msk [tilespmem:v46+s17+$0x0], $0xffff  }
0x347: {  	v54 =	vld [tilespmem:s30+$0xC100]  }
0x348: {  	v48 =	vld.idx.msk [tilespmem:v48+s17+$0x0], $0xffff  }
0x349: {  	v57 =	vld [tilespmem:s23+$0xC000];
	v44 =	vadd.f32 v44, v52  }
0x34a: {  	v50 =	vld.idx.msk [tilespmem:v50+s17+$0x0], $0xffff  }
0x34b: {  	v58 =	vld [tilespmem:s30+$0xC200];
	v46 =	vadd.f32 v46, v53;
	v44 =	vmul.f32 v44, v51  }
0x34c: {  	v47 =	vld.idx.msk [tilespmem:v47+s17+$0x0], $0xffff  }
0x34d: {  	v61 =	vld [tilespmem:s30+$0xC280];
	v60 =	vadd.f32 v48, v54;
	v59 =	vmul.f32 v46, v49;
	v0 =	vadd.f32 v44, v0  }
0x34e: {  	v43 =	vld.idx.msk [tilespmem:v43+s17+$0x0], $0xffff  }
0x34f: {  	v42 =	vld.idx.msk [tilespmem:v42+s17+$0x0], $0xffff;
	v63 =	vadd.f32 v50, v57;
	v62 =	vmul.f32 v60, v45;
	v0 =	vadd.f32 v59, v0  }
0x350: {  	v49 =	vld [tilespmem:s30+$0xC300]  }
0x351: {  	v40 =	vld.idx.msk [tilespmem:v40+s17+$0x0], $0xffff;
	v50 =	vadd.f32 v47, v58;
	v41 =	vmul.f32 v63, v41;
	v0 =	vadd.f32 v62, v0  }
0x352: {  	v51 =	vld [tilespmem:s22+$0xC000]  }
0x353: {  	v38 =	vld.idx.msk [tilespmem:v38+s17+$0x0], $0xffff;
	v52 =	vadd.f32 v43, v61;
	v39 =	vmul.f32 v50, v39;
	v0 =	vadd.f32 v41, v0  }
0x354: {  	v53 =	vld [tilespmem:s30+$0xD000]  }
0x355: {  	v36 =	vld.idx.msk [tilespmem:v36+s17+$0x0], $0xffff;
	v37 =	vmul.f32 v52, v37;
	v54 =	vadd.f32 v42, v49;
	v0 =	vadd.f32 v39, v0  }
0x356: {  	v55 =	vld [tilespmem:s30+$0xD080]  }
0x357: {  	v34 =	vld.idx.msk [tilespmem:v34+s17+$0x0], $0xffff;
	v56 =	vadd.f32 v40, v51;
	v35 =	vmul.f32 v54, v35;
	v0 =	vadd.f32 v37, v0  }
0x358: {  	v57 =	vld [tilespmem:s30+$0xD100]  }
0x359: {  	v32 =	vld.idx.msk [tilespmem:v32+s17+$0x0], $0xffff;
	v58 =	vadd.f32 v38, v53;
	v33 =	vmul.f32 v56, v33;
	v0 =	vadd.f32 v35, v0  }
0x35a: {  	v59 =	vld [tilespmem:s21+$0xC000]  }
0x35b: {  	v30 =	vld.idx.msk [tilespmem:v30+s17+$0x0], $0xffff;
	v60 =	vadd.f32 v36, v55;
	v31 =	vmul.f32 v58, v31;
	v0 =	vadd.f32 v33, v0  }
0x35c: {  	v61 =	vld [tilespmem:s30+$0xD200]  }
0x35d: {  	v28 =	vld.idx.msk [tilespmem:v28+s17+$0x0], $0xffff;
	v29 =	vmul.f32 v60, v29;
	v62 =	vadd.f32 v34, v57;
	v0 =	vadd.f32 v31, v0  }
0x35e: {  	v63 =	vld [tilespmem:s30+$0xD280]  }
0x35f: {  	v26 =	vld.idx.msk [tilespmem:v26+s17+$0x0], $0xffff;
	v27 =	vmul.f32 v62, v27;
	v34 =	vadd.f32 v32, v59;
	v0 =	vadd.f32 v29, v0  }
0x360: {  	v36 =	vld [tilespmem:s30+$0xD300]  }
0x361: {  	v24 =	vld.idx.msk [tilespmem:v24+s17+$0x0], $0xffff;
	v25 =	vmul.f32 v34, v25;
	v37 =	vadd.f32 v30, v61;
	v0 =	vadd.f32 v27, v0  }
0x362: {  	v38 =	vld [tilespmem:s20+$0xC000]  }
0x363: {  	v22 =	vld.idx.msk [tilespmem:v22+s17+$0x0], $0xffff;
	v39 =	vadd.f32 v28, v63;
	v23 =	vmul.f32 v37, v23;
	v0 =	vadd.f32 v25, v0  }
0x364: {  	v40 =	vld [tilespmem:s30+$0xE000]  }
0x365: {  	v20 =	vld.idx.msk [tilespmem:v20+s17+$0x0], $0xffff;
	v41 =	vadd.f32 v26, v36;
	v21 =	vmul.f32 v39, v21;
	v0 =	vadd.f32 v23, v0  }
0x366: {  	v42 =	vld [tilespmem:s30+$0xE080]  }
0x367: {  	v18 =	vld.idx.msk [tilespmem:v18+s17+$0x0], $0xffff;
	v43 =	vadd.f32 v24, v38;
	v19 =	vmul.f32 v41, v19;
	v0 =	vadd.f32 v21, v0  }
0x368: {  	v44 =	vld [tilespmem:s30+$0xE100]  }
0x369: {  	v16 =	vld.idx.msk [tilespmem:v16+s17+$0x0], $0xffff;
	v17 =	vmul.f32 v43, v17;
	v45 =	vadd.f32 v22, v40;
	v0 =	vadd.f32 v19, v0  }
0x36a: {  	v46 =	vld [tilespmem:s16+$0xC000]  }
0x36b: {  	v14 =	vld.idx.msk [tilespmem:v14+s17+$0x0], $0xffff;
	v47 =	vadd.f32 v20, v42;
	v15 =	vmul.f32 v45, v15;
	v0 =	vadd.f32 v17, v0  }
0x36c: {  	v48 =	vld [tilespmem:s30+$0xE200]  }
0x36d: {  	v12 =	vld.idx.msk [tilespmem:v12+s17+$0x0], $0xffff;
	v49 =	vadd.f32 v18, v44;
	v13 =	vmul.f32 v47, v13;
	v0 =	vadd.f32 v15, v0  }
0x36e: {  	v50 =	vld [tilespmem:s30+$0xE280]  }
0x36f: {  	v10 =	vld.idx.msk [tilespmem:v10+s17+$0x0], $0xffff;
	v51 =	vadd.f32 v16, v46;
	v11 =	vmul.f32 v49, v11;
	v0 =	vadd.f32 v13, v0  }
0x370: {  	v52 =	vld [tilespmem:s30+$0xE300]  }
0x371: {  	v8 =	vld.idx.msk [tilespmem:v8+s17+$0x0], $0xffff;
	v53 =	vadd.f32 v14, v48;
	v9 =	vmul.f32 v51, v9;
	v0 =	vadd.f32 v11, v0  }
0x372: {  	v54 =	vld [tilespmem:s0+$0xC000]  }
0x373: {  	v6 =	vld.idx.msk [tilespmem:v6+s17+$0x0], $0xffff;
	v7 =	vmul.f32 v53, v7;
	v55 =	vadd.f32 v12, v50;
	v0 =	vadd.f32 v9, v0  }
0x374: {  	v56 =	vld [tilespmem:s30+$0xF000]  }
0x375: {  	v4 =	vld.idx.msk [tilespmem:v4+s17+$0x0], $0xffff;
	v57 =	vadd.f32 v10, v52;
	v5 =	vmul.f32 v55, v5;
	v0 =	vadd.f32 v7, v0  }
0x376: {  	v58 =	vld [tilespmem:s30+$0xF080]  }
0x377: {  	v3 =	vmul.f32 v57, v3;
	v59 =	vadd.f32 v8, v54;
	v0 =	vadd.f32 v5, v0  }
0x378: {  	v60 =	vld [tilespmem:s30+$0xB080]  }
0x379: {  	v61 =	vadd.f32 v6, v56;
	v2 =	vmul.f32 v59, v2;
	v0 =	vadd.f32 v3, v0;
	_ =	sdelay $0x1  }
0x37a: {  	v62 =	vadd.f32 v4, v58;
	v1 =	vmul.f32 v61, v1;
	v0 =	vadd.f32 v2, v0;
	_ =	sdelay $0x1  }
0x37b: {  	v63 =	vmul.f32 v62, v60;
	v0 =	vadd.f32 v1, v0;
	_ =	sdelay $0x1  }
0x37c: {  	s29 =	sadd.s32 $0x1, s29;
	v0 =	vadd.f32 v63, v0  }
0x37d: {  	s31 =	sadd.s32 $0x10, s31;
	p1 =	sne.s32 s29, s10  }
.Ltmp1:
0x37e: {  	[tilespmem:s31+$0x0] =	vst v0;
	(pc) =	sbr.rel @p1 .LBB2_1-.Ltmp1, $4  }
0x37f: {  	[hbm4b:s9+s2] =	stream.linear.scatter [tilespmem:s28], [sflag:$0x2], $0x200, $0x38;
	[tilespmem:$0x1F728] =	vst v63  }
0x380: {  	_ =	swait.ge [sflag:s14], $0x200  }
0x381: {  	[sflag:s14] =	ssyncset.done $0x0  }
0x382: {  	[sflag:s14] =	ssyncadd.s32 $0xFFFFFE00  }
0x383: {  	_ =	sfence.sel $0x180000  }
0x384: {  	[bflag:$0x0] =	sbarrier.arrive $0xFFFF  }
0x385: {  	_ =	strace $0x90000047  }
0x386: {  	[bflag:$0x2] =	sbarrier.arrive $0xFFFF  }
0x387: {  	s0 =	rddreg [dreg:$0x6]  }
0x388: {  	s0 =	sadd.s32 @!p0 $0x100000, s0  }
0x389: {  	[sflag:s0] =	ssyncadd.tile.s32 @!p0 $0x1;
	_ =	shalt  }
.Lfunc_end2:
_tile_overlayer_lowered:
.L_overlay_start_2:
0x38a: {  	(tag) =	ssettag $0x2  }
0x38b: {  	s0 =	rddreg [dreg:$0x0];
	s2 =	stileid.u32  }
0x38c: {  	s1 =	rddreg [dreg:$0x1];
	p0 =	sne.s32 s2, $0x0  }
0x38d: {  	s3 =	rddreg [dreg:$0x2];
	[bflag:$0x3] =	sbarrier.arrive $0xFFFF;
	s2 =	simm.s32 @!p0 $0x1C02  }
0x38e: {  	[timem:s3], [sflag:s2] =	dma.local @!p0 [hbm:s0], s1  }
0x38f: {  	s0 =	simm.s32 @!p0 $0x2  }
0x390: {  	_ =	swait.ge @!p0 [sflag:s0], s1  }
0x391: {  	s1 =	ssub.s32 @!p0 $0x0, s1;
	[sflag:s0] =	ssyncset.done @!p0 $0x0  }
0x392: {  	[sflag:s0] =	ssyncadd.s32 @!p0 s1  }
0x393: {  	[bflag:$0x3] =	sbarrier.arrive $0xFFFF  }
0x394: {  	_ =	shalt  }

</sc_bundles>
